<compile_context>
chip_gen: v7x
topology: tpu7x:2x2x1
jax: 0.10.2.dev20260603
libtpu: 0.0.44.dev20260713+nightly
codegen_flags: <defaults>
</compile_context>

<pallas_src>
import functools

import jax
import jax.numpy as jnp
from jax import lax
from jax.experimental import pallas as pl
from jax.experimental.pallas import tpu as pltpu
from jax.experimental.pallas import tpu_sc as plsc

B = 4096
D = 64
Z = 10
N_DOC = 1000000
NC = 2
NS = 16
NW = NC * NS
BPW = B // NW
EPW = BPW * (1 + Z)
CHUNK = 32
CHUNKS = EPW // CHUNK
POS_CHUNKS = BPW // CHUNK
SUBG = CHUNK // 16
PAIRS = CHUNKS // 2
DU = 16


def _sc_dots_build():
    mesh = plsc.VectorSubcoreMesh(core_axis_name="c", subcore_axis_name="s")

    @functools.partial(
        pl.kernel,
        out_type=jax.ShapeDtypeStruct((NW, EPW), jnp.float32),
        mesh=mesh,
        compiler_params=pltpu.CompilerParams(needs_layout_passes=False),
        scratch_types=[
            pltpu.VMEM((CHUNKS + 2, CHUNK), jnp.int32),
            pltpu.VMEM((CHUNKS + 2, CHUNK), jnp.int32),
            pltpu.VMEM((BPW, D), jnp.float32),
            pltpu.VMEM((CHUNK, 8, D), jnp.float32),
            pltpu.VMEM((CHUNK, 8, D), jnp.float32),
            pltpu.VMEM((EPW,), jnp.float32),
            pltpu.SemaphoreType.DMA,
            pltpu.SemaphoreType.DMA,
        ],
    )
    def sc_dots(ig_hbm, jsel_hbm, q_hbm, table_hbm, out_hbm,
                ig_v, jsel_v, q_v, gbuf0, gbuf1, dots_v, sem0, sem1):
        w = lax.axis_index("s") * NC + lax.axis_index("c")
        pltpu.sync_copy(ig_hbm.at[w], ig_v)
        pltpu.sync_copy(jsel_hbm.at[w], jsel_v)
        pltpu.sync_copy(q_hbm.at[pl.ds(w * BPW, BPW)], q_v)

        lane = lax.broadcasted_iota(jnp.int32, (16,), 0)

        def fire(c, gbuf, sem):
            for s in range(SUBG):
                gvec = ig_v[c, pl.ds(s * 16, 16)]
                for t in range(16):
                    pltpu.async_copy(table_hbm.at[gvec[t]],
                                     gbuf.at[s * 16 + t], sem)

        def drain(gbuf, sem):
            pltpu.make_async_copy(table_hbm.at[pl.ds(0, CHUNK)], gbuf,
                                  sem).wait()

        def compute(c, gbuf):
            def subgroup(s, _):
                jsel = jsel_v[c, pl.ds(s * 16, 16)]
                r_vec = lane + s * 16
                base = c * CHUNK + s * 16 + lane
                neg_b = (base - POS_CHUNKS * CHUNK) // Z
                b_vec = jnp.where(jnp.full((16,), c < POS_CHUNKS), base,
                                  neg_b)
                j8 = jsel >> 6

                def dblock(k, acc):
                    d0 = k * DU
                    for dd in range(DU):
                        d_vec = jnp.full((16,), dd, dtype=jnp.int32) + d0
                        doc = plsc.load_gather(gbuf, [r_vec, j8, d_vec])
                        qv = plsc.load_gather(q_v, [b_vec, d_vec])
                        acc = acc + doc * qv
                    return acc

                acc = lax.fori_loop(0, D // DU, dblock,
                                    jnp.zeros((16,), jnp.float32))
                dots_v[pl.ds(c * CHUNK + s * 16, 16)] = acc
                return 0

            lax.fori_loop(0, SUBG, subgroup, 0)

        fire(0, gbuf0, sem0)
        fire(1, gbuf1, sem1)

        def pair(i, _):
            c0 = 2 * i
            drain(gbuf0, sem0)
            compute(c0, gbuf0)
            fire(c0 + 2, gbuf0, sem0)
            drain(gbuf1, sem1)
            compute(c0 + 1, gbuf1)
            fire(c0 + 3, gbuf1, sem1)
            return 0

        lax.fori_loop(0, PAIRS, pair, 0)
        drain(gbuf0, sem0)
        drain(gbuf1, sem1)

        pltpu.sync_copy(dots_v, out_hbm.at[w])

    return sc_dots


_sc_dots = _sc_dots_build()


def _tc_score_body(pos_ref, neg_ref, o_ref):
    pos_dot = pos_ref[...]
    neg_dot = neg_ref[...]
    pos_repr = 1.0 / (1.0 + jnp.exp(-pos_dot))
    neg_repr = 1.0 / (1.0 + jnp.exp(-neg_dot))
    positive_term = jnp.log(pos_repr)
    negative_term = jnp.sum(jnp.log(1.0 - neg_repr + 1e-40), axis=1,
                            keepdims=True)
    zf = float(Z)
    o_ref[...] = (zf + 1.0) / (2.0 * zf) * (zf * positive_term + negative_term)


def kernel(query, document, doc_emb, neg_sample):
    doc_i = document.astype(jnp.int32).reshape(NW, BPW)
    neg_i = neg_sample.astype(jnp.int32).reshape(NW, BPW * Z)
    pad = jnp.zeros((NW, 2 * CHUNK), jnp.int32)
    idx_all = jnp.concatenate([doc_i, neg_i, pad], axis=1).reshape(
        NW, CHUNKS + 2, CHUNK)
    idx_g = idx_all >> 3
    jsel = (idx_all & 7) * D
    table3 = doc_emb.reshape(N_DOC // 8, 8, D)
    dots = _sc_dots(idx_g, jsel, query, table3)
    pos_dot = dots[:, :BPW].reshape(B, 1)
    neg_dot = dots[:, BPW:].reshape(B, Z)
    out = pl.pallas_call(
        _tc_score_body,
        out_shape=jax.ShapeDtypeStruct((B, 1), jnp.float32),
    )(pos_dot, neg_dot)
    return out.reshape(B)

# --- scband reference (transcript-rebuilt; emitter-appended) ---
"""Pipeline reference for scband-nvsm-90168543412873 (READ-ONLY COPY).

The authoritative reference and input builder live on the scoring server;
editing this copy changes nothing except your own understanding.
"""

import jax, jax.numpy as jnp
import numpy as np

N_DOC = 1000000
DIM = 64
NEG_RATE = 10
BATCH = 4096

def setup_inputs(seed: int = 0) -> dict:
    key = jax.random.key(seed)
    k1, k2, k3, k4 = jax.random.split(key, 4)
    query = jax.random.normal(k1, (BATCH, DIM), dtype=jnp.float32)
    document = jax.random.randint(k2, (BATCH,), 0, N_DOC, dtype=jnp.int64) if jax.config.read('jax_enable_x64') else jax.random.randint(k2, (BATCH,), 0, N_DOC, dtype=jnp.int32)
    doc_emb = jax.random.normal(k3, (N_DOC, DIM), dtype=jnp.float32) * 0.02
    neg_sample = jax.random.randint(k4, (BATCH, NEG_RATE), 0, N_DOC, dtype=document.dtype)
    return {"query": query, "document": document, "doc_emb": doc_emb, "neg_sample": neg_sample}

def reference(query, document, doc_emb, neg_sample):
    # NVSM with identity query_embedding (abstract in original class).
    # positive: representation_similarity(query, document)
    pos_doc = jnp.take(doc_emb, document, axis=0)          # [B, d] gather
    pos_dot = jnp.sum(pos_doc * query, axis=-1)            # bmm([B,1,d],[B,d,1]) -> [B]
    pos_repr = jax.nn.sigmoid(pos_dot)
    # negative: representation_similarity(query, neg_sample)
    neg_doc = jnp.take(doc_emb, neg_sample, axis=0)        # [B, z, d] gather
    neg_dot = jnp.einsum('bzd,bd->bz', neg_doc, query)     # bmm([B,z,d],[B,d,1]) -> [B,z]
    neg_repr = jax.nn.sigmoid(neg_dot)
    z = float(neg_sample.shape[1])
    positive_term = jnp.log(pos_repr)
    negative_term = jnp.sum(jnp.log(1.0 - neg_repr + 1e-40), axis=1)
    proba = (z + 1.0) / (2.0 * z) * (z * positive_term + negative_term)
    return proba

if __name__ == "__main__":
    import jax
    _d = setup_inputs()
    print(jax.jit(kernel)(*tuple(_d.values())))

</pallas_src>

<mosaic_0001>
#map = affine_map<(d0, d1) -> (0, 0, 0)>
#map1 = affine_map<(d0, d1) -> (0, 0)>
module attributes {stable_mosaic.version = 14 : i64} {
  func.func @sc_dots(%arg0: i32, %arg1: i32, %arg2: memref<32x46x32xi32, #tpu.memory_space<hbm>>, %arg3: memref<32x46x32xi32, #tpu.memory_space<hbm>>, %arg4: memref<4096x64xf32, #tpu.memory_space<hbm>>, %arg5: memref<125000x8x64xf32, #tpu.memory_space<hbm>>, %arg6: memref<32x1408xf32, #tpu.memory_space<hbm>>, %arg7: memref<46x32xi32, #tpu.memory_space<vmem>>, %arg8: memref<46x32xi32, #tpu.memory_space<vmem>>, %arg9: memref<128x64xf32, #tpu.memory_space<vmem>>, %arg10: memref<32x8x64xf32, #tpu.memory_space<vmem>>, %arg11: memref<32x8x64xf32, #tpu.memory_space<vmem>>, %arg12: memref<1408xf32, #tpu.memory_space<vmem>>, %arg13: memref<!tpu.dma_semaphore, #tpu.memory_space<semaphore_mem>>, %arg14: memref<!tpu.dma_semaphore, #tpu.memory_space<semaphore_mem>>) attributes {dimension_semantics = [#tpu.dimension_semantics<core_parallel>, #tpu.dimension_semantics<subcore_parallel>], iteration_bounds = array<i64: 2, 16>, scalar_prefetch = 0 : i64, scratch_operands = 8 : i64, tpu.core_type = #tpu.core_type<sc_vector_subcore>, window_params = [{transform_indices = #map}, {transform_indices = #map}, {transform_indices = #map1}, {transform_indices = #map}, {transform_indices = #map1}]} {
    %mul3A = arith.constant 2 : i32
    %mul3A_0 = arith.muli %arg1, %mul3A : i32
    %add3A = arith.addi %mul3A_0, %arg0 : i32
    "tpu.region"() ({
      %run_scoped3A = tpu.sem_alloc : memref<!tpu.dma_semaphore, #tpu.memory_space<semaphore_mem>>
      %dma_start3A_1252 = arith.constant 0 : i32
      %dma_start3A_1253 = arith.constant 0 : i32
      %dma_start3A_1254 = tpu.memref_slice %arg2[%add3A, %dma_start3A_1252, %dma_start3A_1253] : memref<32x46x32xi32, #tpu.memory_space<hbm>> -> memref<1x46x32xi32, #tpu.memory_space<hbm>>
      %dma_start3A_1255 = tpu.memref_squeeze %dma_start3A_1254 : memref<1x46x32xi32, #tpu.memory_space<hbm>> -> memref<46x32xi32, #tpu.memory_space<hbm>>
      %dma_start3A_1256 = arith.constant 0 : i32
      %dma_start3A_1257 = arith.constant 0 : i32
      %dma_start3A_1258 = tpu.memref_slice %arg2[%add3A, %dma_start3A_1256, %dma_start3A_1257] : memref<32x46x32xi32, #tpu.memory_space<hbm>> -> memref<1x46x32xi32, #tpu.memory_space<hbm>>
      %dma_start3A_1259 = tpu.memref_squeeze %dma_start3A_1258 : memref<1x46x32xi32, #tpu.memory_space<hbm>> -> memref<46x32xi32, #tpu.memory_space<hbm>>
      tpu.enqueue_dma source(%dma_start3A_1259 : memref<46x32xi32, #tpu.memory_space<hbm>>) target(%arg7 : memref<46x32xi32, #tpu.memory_space<vmem>>) target_semaphore(%run_scoped3A : memref<!tpu.dma_semaphore, #tpu.memory_space<semaphore_mem>>)
      %dma_wait3A_1260 = arith.constant 0 : i32
      %dma_wait3A_1261 = arith.constant 0 : i32
      %dma_wait3A_1262 = tpu.memref_slice %arg2[%add3A, %dma_wait3A_1260, %dma_wait3A_1261] : memref<32x46x32xi32, #tpu.memory_space<hbm>> -> memref<1x46x32xi32, #tpu.memory_space<hbm>>
      %dma_wait3A_1263 = tpu.memref_squeeze %dma_wait3A_1262 : memref<1x46x32xi32, #tpu.memory_space<hbm>> -> memref<46x32xi32, #tpu.memory_space<hbm>>
      %dma_wait3A_1264 = arith.constant 0 : i32
      %dma_wait3A_1265 = arith.constant 0 : i32
      %dma_wait3A_1266 = tpu.memref_slice %arg2[%add3A, %dma_wait3A_1264, %dma_wait3A_1265] : memref<32x46x32xi32, #tpu.memory_space<hbm>> -> memref<1x46x32xi32, #tpu.memory_space<hbm>>
      %dma_wait3A_1267 = tpu.memref_squeeze %dma_wait3A_1266 : memref<1x46x32xi32, #tpu.memory_space<hbm>> -> memref<46x32xi32, #tpu.memory_space<hbm>>
      tpu.wait_dma2 semaphore(%run_scoped3A : memref<!tpu.dma_semaphore, #tpu.memory_space<semaphore_mem>>) src(%dma_wait3A_1267 : memref<46x32xi32, #tpu.memory_space<hbm>>) dst(%arg7 : memref<46x32xi32, #tpu.memory_space<vmem>>)
      tpu.yield
    }) : () -> ()
    "tpu.region"() ({
      %run_scoped3A = tpu.sem_alloc : memref<!tpu.dma_semaphore, #tpu.memory_space<semaphore_mem>>
      %dma_start3A_1252 = arith.constant 0 : i32
      %dma_start3A_1253 = arith.constant 0 : i32
      %dma_start3A_1254 = tpu.memref_slice %arg3[%add3A, %dma_start3A_1252, %dma_start3A_1253] : memref<32x46x32xi32, #tpu.memory_space<hbm>> -> memref<1x46x32xi32, #tpu.memory_space<hbm>>
      %dma_start3A_1255 = tpu.memref_squeeze %dma_start3A_1254 : memref<1x46x32xi32, #tpu.memory_space<hbm>> -> memref<46x32xi32, #tpu.memory_space<hbm>>
      %dma_start3A_1256 = arith.constant 0 : i32
      %dma_start3A_1257 = arith.constant 0 : i32
      %dma_start3A_1258 = tpu.memref_slice %arg3[%add3A, %dma_start3A_1256, %dma_start3A_1257] : memref<32x46x32xi32, #tpu.memory_space<hbm>> -> memref<1x46x32xi32, #tpu.memory_space<hbm>>
      %dma_start3A_1259 = tpu.memref_squeeze %dma_start3A_1258 : memref<1x46x32xi32, #tpu.memory_space<hbm>> -> memref<46x32xi32, #tpu.memory_space<hbm>>
      tpu.enqueue_dma source(%dma_start3A_1259 : memref<46x32xi32, #tpu.memory_space<hbm>>) target(%arg8 : memref<46x32xi32, #tpu.memory_space<vmem>>) target_semaphore(%run_scoped3A : memref<!tpu.dma_semaphore, #tpu.memory_space<semaphore_mem>>)
      %dma_wait3A_1260 = arith.constant 0 : i32
      %dma_wait3A_1261 = arith.constant 0 : i32
      %dma_wait3A_1262 = tpu.memref_slice %arg3[%add3A, %dma_wait3A_1260, %dma_wait3A_1261] : memref<32x46x32xi32, #tpu.memory_space<hbm>> -> memref<1x46x32xi32, #tpu.memory_space<hbm>>
      %dma_wait3A_1263 = tpu.memref_squeeze %dma_wait3A_1262 : memref<1x46x32xi32, #tpu.memory_space<hbm>> -> memref<46x32xi32, #tpu.memory_space<hbm>>
      %dma_wait3A_1264 = arith.constant 0 : i32
      %dma_wait3A_1265 = arith.constant 0 : i32
      %dma_wait3A_1266 = tpu.memref_slice %arg3[%add3A, %dma_wait3A_1264, %dma_wait3A_1265] : memref<32x46x32xi32, #tpu.memory_space<hbm>> -> memref<1x46x32xi32, #tpu.memory_space<hbm>>
      %dma_wait3A_1267 = tpu.memref_squeeze %dma_wait3A_1266 : memref<1x46x32xi32, #tpu.memory_space<hbm>> -> memref<46x32xi32, #tpu.memory_space<hbm>>
      tpu.wait_dma2 semaphore(%run_scoped3A : memref<!tpu.dma_semaphore, #tpu.memory_space<semaphore_mem>>) src(%dma_wait3A_1267 : memref<46x32xi32, #tpu.memory_space<hbm>>) dst(%arg8 : memref<46x32xi32, #tpu.memory_space<vmem>>)
      tpu.yield
    }) : () -> ()
    %mul3A_1 = arith.constant 128 : i32
    %mul3A_2 = arith.muli %add3A, %mul3A_1 : i32
    "tpu.region"() ({
      %run_scoped3A = tpu.sem_alloc : memref<!tpu.dma_semaphore, #tpu.memory_space<semaphore_mem>>
      %dma_start3A_1252 = arith.constant 0 : i32
      %dma_start3A_1253 = tpu.memref_slice %arg4[%mul3A_2, %dma_start3A_1252] : memref<4096x64xf32, #tpu.memory_space<hbm>> -> memref<128x64xf32, #tpu.memory_space<hbm>>
      %dma_start3A_1254 = arith.constant 0 : i32
      %dma_start3A_1255 = tpu.memref_slice %arg4[%mul3A_2, %dma_start3A_1254] : memref<4096x64xf32, #tpu.memory_space<hbm>> -> memref<128x64xf32, #tpu.memory_space<hbm>>
      tpu.enqueue_dma source(%dma_start3A_1255 : memref<128x64xf32, #tpu.memory_space<hbm>>) target(%arg9 : memref<128x64xf32, #tpu.memory_space<vmem>>) target_semaphore(%run_scoped3A : memref<!tpu.dma_semaphore, #tpu.memory_space<semaphore_mem>>)
      %dma_wait3A_1256 = arith.constant 0 : i32
      %dma_wait3A_1257 = tpu.memref_slice %arg4[%mul3A_2, %dma_wait3A_1256] : memref<4096x64xf32, #tpu.memory_space<hbm>> -> memref<128x64xf32, #tpu.memory_space<hbm>>
      %dma_wait3A_1258 = arith.constant 0 : i32
      %dma_wait3A_1259 = tpu.memref_slice %arg4[%mul3A_2, %dma_wait3A_1258] : memref<4096x64xf32, #tpu.memory_space<hbm>> -> memref<128x64xf32, #tpu.memory_space<hbm>>
      tpu.wait_dma2 semaphore(%run_scoped3A : memref<!tpu.dma_semaphore, #tpu.memory_space<semaphore_mem>>) src(%dma_wait3A_1259 : memref<128x64xf32, #tpu.memory_space<hbm>>) dst(%arg9 : memref<128x64xf32, #tpu.memory_space<vmem>>)
      tpu.yield
    }) : () -> ()
    %iota3A = tpu.iota {dimensions = array<i32: 0>} : vector<16xi32>
    %get3A = arith.constant 0 : i32
    %get3A_3 = arith.index_cast %get3A : i32 to index
    %get3A_4 = arith.constant 0 : index
    %get3A_5 = tpu.vector_load %arg7[%get3A_3, %get3A_4] {strides = array<i32>} : memref<46x32xi32, #tpu.memory_space<vmem>>, vector<16xi32>,
    %slice3A = vector.extract_strided_slice %get3A_5 {offsets = [0], sizes = [1], strides = [1]} : vector<16xi32> to vector<1xi32>
    %squeeze3A = vector.extract %slice3A[0] : i32 from vector<1xi32>
    %dma_start3A = arith.constant 0 : i32
    %dma_start3A_6 = arith.constant 0 : i32
    %dma_start3A_7 = arith.constant 0 : i32
    %dma_start3A_8 = tpu.memref_slice %arg10[%dma_start3A, %dma_start3A_6, %dma_start3A_7] : memref<32x8x64xf32, #tpu.memory_space<vmem>> -> memref<1x8x64xf32, #tpu.memory_space<vmem>>
    %dma_start3A_9 = tpu.memref_squeeze %dma_start3A_8 : memref<1x8x64xf32, #tpu.memory_space<vmem>> -> memref<8x64xf32, #tpu.memory_space<vmem>>
    %dma_start3A_10 = arith.constant 0 : i32
    %dma_start3A_11 = arith.constant 0 : i32
    %dma_start3A_12 = tpu.memref_slice %arg5[%squeeze3A, %dma_start3A_10, %dma_start3A_11] : memref<125000x8x64xf32, #tpu.memory_space<hbm>> -> memref<1x8x64xf32, #tpu.memory_space<hbm>>
    %dma_start3A_13 = tpu.memref_squeeze %dma_start3A_12 : memref<1x8x64xf32, #tpu.memory_space<hbm>> -> memref<8x64xf32, #tpu.memory_space<hbm>>
    %dma_start3A_14 = arith.constant 0 : i32
    %dma_start3A_15 = arith.constant 0 : i32
    %dma_start3A_16 = tpu.memref_slice %arg10[%dma_start3A, %dma_start3A_14, %dma_start3A_15] : memref<32x8x64xf32, #tpu.memory_space<vmem>> -> memref<1x8x64xf32, #tpu.memory_space<vmem>>
    %dma_start3A_17 = tpu.memref_squeeze %dma_start3A_16 : memref<1x8x64xf32, #tpu.memory_space<vmem>> -> memref<8x64xf32, #tpu.memory_space<vmem>>
    %dma_start3A_18 = arith.constant 0 : i32
    %dma_start3A_19 = arith.constant 0 : i32
    %dma_start3A_20 = tpu.memref_slice %arg5[%squeeze3A, %dma_start3A_18, %dma_start3A_19] : memref<125000x8x64xf32, #tpu.memory_space<hbm>> -> memref<1x8x64xf32, #tpu.memory_space<hbm>>
    %dma_start3A_21 = tpu.memref_squeeze %dma_start3A_20 : memref<1x8x64xf32, #tpu.memory_space<hbm>> -> memref<8x64xf32, #tpu.memory_space<hbm>>
    tpu.enqueue_dma source(%dma_start3A_21 : memref<8x64xf32, #tpu.memory_space<hbm>>) target(%dma_start3A_17 : memref<8x64xf32, #tpu.memory_space<vmem>>) target_semaphore(%arg13 : memref<!tpu.dma_semaphore, #tpu.memory_space<semaphore_mem>>)
    %slice3A_22 = vector.extract_strided_slice %get3A_5 {offsets = [1], sizes = [1], strides = [1]} : vector<16xi32> to vector<1xi32>
    %squeeze3A_23 = vector.extract %slice3A_22[0] : i32 from vector<1xi32>
    %dma_start3A_24 = arith.constant 1 : i32
    %dma_start3A_25 = arith.constant 0 : i32
    %dma_start3A_26 = arith.constant 0 : i32
    %dma_start3A_27 = tpu.memref_slice %arg10[%dma_start3A_24, %dma_start3A_25, %dma_start3A_26] : memref<32x8x64xf32, #tpu.memory_space<vmem>> -> memref<1x8x64xf32, #tpu.memory_space<vmem>>
    %dma_start3A_28 = tpu.memref_squeeze %dma_start3A_27 : memref<1x8x64xf32, #tpu.memory_space<vmem>> -> memref<8x64xf32, #tpu.memory_space<vmem>>
    %dma_start3A_29 = arith.constant 0 : i32
    %dma_start3A_30 = arith.constant 0 : i32
    %dma_start3A_31 = tpu.memref_slice %arg5[%squeeze3A_23, %dma_start3A_29, %dma_start3A_30] : memref<125000x8x64xf32, #tpu.memory_space<hbm>> -> memref<1x8x64xf32, #tpu.memory_space<hbm>>
    %dma_start3A_32 = tpu.memref_squeeze %dma_start3A_31 : memref<1x8x64xf32, #tpu.memory_space<hbm>> -> memref<8x64xf32, #tpu.memory_space<hbm>>
    %dma_start3A_33 = arith.constant 0 : i32
    %dma_start3A_34 = arith.constant 0 : i32
    %dma_start3A_35 = tpu.memref_slice %arg10[%dma_start3A_24, %dma_start3A_33, %dma_start3A_34] : memref<32x8x64xf32, #tpu.memory_space<vmem>> -> memref<1x8x64xf32, #tpu.memory_space<vmem>>
    %dma_start3A_36 = tpu.memref_squeeze %dma_start3A_35 : memref<1x8x64xf32, #tpu.memory_space<vmem>> -> memref<8x64xf32, #tpu.memory_space<vmem>>
    %dma_start3A_37 = arith.constant 0 : i32
    %dma_start3A_38 = arith.constant 0 : i32
    %dma_start3A_39 = tpu.memref_slice %arg5[%squeeze3A_23, %dma_start3A_37, %dma_start3A_38] : memref<125000x8x64xf32, #tpu.memory_space<hbm>> -> memref<1x8x64xf32, #tpu.memory_space<hbm>>
    %dma_start3A_40 = tpu.memref_squeeze %dma_start3A_39 : memref<1x8x64xf32, #tpu.memory_space<hbm>> -> memref<8x64xf32, #tpu.memory_space<hbm>>
    tpu.enqueue_dma source(%dma_start3A_40 : memref<8x64xf32, #tpu.memory_space<hbm>>) target(%dma_start3A_36 : memref<8x64xf32, #tpu.memory_space<vmem>>) target_semaphore(%arg13 : memref<!tpu.dma_semaphore, #tpu.memory_space<semaphore_mem>>)
    %slice3A_41 = vector.extract_strided_slice %get3A_5 {offsets = [2], sizes = [1], strides = [1]} : vector<16xi32> to vector<1xi32>
    %squeeze3A_42 = vector.extract %slice3A_41[0] : i32 from vector<1xi32>
    %dma_start3A_43 = arith.constant 2 : i32
    %dma_start3A_44 = arith.constant 0 : i32
    %dma_start3A_45 = arith.constant 0 : i32
    %dma_start3A_46 = tpu.memref_slice %arg10[%dma_start3A_43, %dma_start3A_44, %dma_start3A_45] : memref<32x8x64xf32, #tpu.memory_space<vmem>> -> memref<1x8x64xf32, #tpu.memory_space<vmem>>
    %dma_start3A_47 = tpu.memref_squeeze %dma_start3A_46 : memref<1x8x64xf32, #tpu.memory_space<vmem>> -> memref<8x64xf32, #tpu.memory_space<vmem>>
    %dma_start3A_48 = arith.constant 0 : i32
    %dma_start3A_49 = arith.constant 0 : i32
    %dma_start3A_50 = tpu.memref_slice %arg5[%squeeze3A_42, %dma_start3A_48, %dma_start3A_49] : memref<125000x8x64xf32, #tpu.memory_space<hbm>> -> memref<1x8x64xf32, #tpu.memory_space<hbm>>
    %dma_start3A_51 = tpu.memref_squeeze %dma_start3A_50 : memref<1x8x64xf32, #tpu.memory_space<hbm>> -> memref<8x64xf32, #tpu.memory_space<hbm>>
    %dma_start3A_52 = arith.constant 0 : i32
    %dma_start3A_53 = arith.constant 0 : i32
    %dma_start3A_54 = tpu.memref_slice %arg10[%dma_start3A_43, %dma_start3A_52, %dma_start3A_53] : memref<32x8x64xf32, #tpu.memory_space<vmem>> -> memref<1x8x64xf32, #tpu.memory_space<vmem>>
    %dma_start3A_55 = tpu.memref_squeeze %dma_start3A_54 : memref<1x8x64xf32, #tpu.memory_space<vmem>> -> memref<8x64xf32, #tpu.memory_space<vmem>>
    %dma_start3A_56 = arith.constant 0 : i32
    %dma_start3A_57 = arith.constant 0 : i32
    %dma_start3A_58 = tpu.memref_slice %arg5[%squeeze3A_42, %dma_start3A_56, %dma_start3A_57] : memref<125000x8x64xf32, #tpu.memory_space<hbm>> -> memref<1x8x64xf32, #tpu.memory_space<hbm>>
    %dma_start3A_59 = tpu.memref_squeeze %dma_start3A_58 : memref<1x8x64xf32, #tpu.memory_space<hbm>> -> memref<8x64xf32, #tpu.memory_space<hbm>>
    tpu.enqueue_dma source(%dma_start3A_59 : memref<8x64xf32, #tpu.memory_space<hbm>>) target(%dma_start3A_55 : memref<8x64xf32, #tpu.memory_space<vmem>>) target_semaphore(%arg13 : memref<!tpu.dma_semaphore, #tpu.memory_space<semaphore_mem>>)
    %slice3A_60 = vector.extract_strided_slice %get3A_5 {offsets = [3], sizes = [1], strides = [1]} : vector<16xi32> to vector<1xi32>
    %squeeze3A_61 = vector.extract %slice3A_60[0] : i32 from vector<1xi32>
    %dma_start3A_62 = arith.constant 3 : i32
    %dma_start3A_63 = arith.constant 0 : i32
    %dma_start3A_64 = arith.constant 0 : i32
    %dma_start3A_65 = tpu.memref_slice %arg10[%dma_start3A_62, %dma_start3A_63, %dma_start3A_64] : memref<32x8x64xf32, #tpu.memory_space<vmem>> -> memref<1x8x64xf32, #tpu.memory_space<vmem>>
    %dma_start3A_66 = tpu.memref_squeeze %dma_start3A_65 : memref<1x8x64xf32, #tpu.memory_space<vmem>> -> memref<8x64xf32, #tpu.memory_space<vmem>>
    %dma_start3A_67 = arith.constant 0 : i32
    %dma_start3A_68 = arith.constant 0 : i32
    %dma_start3A_69 = tpu.memref_slice %arg5[%squeeze3A_61, %dma_start3A_67, %dma_start3A_68] : memref<125000x8x64xf32, #tpu.memory_space<hbm>> -> memref<1x8x64xf32, #tpu.memory_space<hbm>>
    %dma_start3A_70 = tpu.memref_squeeze %dma_start3A_69 : memref<1x8x64xf32, #tpu.memory_space<hbm>> -> memref<8x64xf32, #tpu.memory_space<hbm>>
    %dma_start3A_71 = arith.constant 0 : i32
    %dma_start3A_72 = arith.constant 0 : i32
    %dma_start3A_73 = tpu.memref_slice %arg10[%dma_start3A_62, %dma_start3A_71, %dma_start3A_72] : memref<32x8x64xf32, #tpu.memory_space<vmem>> -> memref<1x8x64xf32, #tpu.memory_space<vmem>>
    %dma_start3A_74 = tpu.memref_squeeze %dma_start3A_73 : memref<1x8x64xf32, #tpu.memory_space<vmem>> -> memref<8x64xf32, #tpu.memory_space<vmem>>
    %dma_start3A_75 = arith.constant 0 : i32
    %dma_start3A_76 = arith.constant 0 : i32
    %dma_start3A_77 = tpu.memref_slice %arg5[%squeeze3A_61, %dma_start3A_75, %dma_start3A_76] : memref<125000x8x64xf32, #tpu.memory_space<hbm>> -> memref<1x8x64xf32, #tpu.memory_space<hbm>>
    %dma_start3A_78 = tpu.memref_squeeze %dma_start3A_77 : memref<1x8x64xf32, #tpu.memory_space<hbm>> -> memref<8x64xf32, #tpu.memory_space<hbm>>
    tpu.enqueue_dma source(%dma_start3A_78 : memref<8x64xf32, #tpu.memory_space<hbm>>) target(%dma_start3A_74 : memref<8x64xf32, #tpu.memory_space<vmem>>) target_semaphore(%arg13 : memref<!tpu.dma_semaphore, #tpu.memory_space<semaphore_mem>>)
    %slice3A_79 = vector.extract_strided_slice %get3A_5 {offsets = [4], sizes = [1], strides = [1]} : vector<16xi32> to vector<1xi32>
    %squeeze3A_80 = vector.extract %slice3A_79[0] : i32 from vector<1xi32>
    %dma_start3A_81 = arith.constant 4 : i32
    %dma_start3A_82 = arith.constant 0 : i32
    %dma_start3A_83 = arith.constant 0 : i32
    %dma_start3A_84 = tpu.memref_slice %arg10[%dma_start3A_81, %dma_start3A_82, %dma_start3A_83] : memref<32x8x64xf32, #tpu.memory_space<vmem>> -> memref<1x8x64xf32, #tpu.memory_space<vmem>>
    %dma_start3A_85 = tpu.memref_squeeze %dma_start3A_84 : memref<1x8x64xf32, #tpu.memory_space<vmem>> -> memref<8x64xf32, #tpu.memory_space<vmem>>
    %dma_start3A_86 = arith.constant 0 : i32
    %dma_start3A_87 = arith.constant 0 : i32
    %dma_start3A_88 = tpu.memref_slice %arg5[%squeeze3A_80, %dma_start3A_86, %dma_start3A_87] : memref<125000x8x64xf32, #tpu.memory_space<hbm>> -> memref<1x8x64xf32, #tpu.memory_space<hbm>>
    %dma_start3A_89 = tpu.memref_squeeze %dma_start3A_88 : memref<1x8x64xf32, #tpu.memory_space<hbm>> -> memref<8x64xf32, #tpu.memory_space<hbm>>
    %dma_start3A_90 = arith.constant 0 : i32
    %dma_start3A_91 = arith.constant 0 : i32
    %dma_start3A_92 = tpu.memref_slice %arg10[%dma_start3A_81, %dma_start3A_90, %dma_start3A_91] : memref<32x8x64xf32, #tpu.memory_space<vmem>> -> memref<1x8x64xf32, #tpu.memory_space<vmem>>
    %dma_start3A_93 = tpu.memref_squeeze %dma_start3A_92 : memref<1x8x64xf32, #tpu.memory_space<vmem>> -> memref<8x64xf32, #tpu.memory_space<vmem>>
    %dma_start3A_94 = arith.constant 0 : i32
    %dma_start3A_95 = arith.constant 0 : i32
    %dma_start3A_96 = tpu.memref_slice %arg5[%squeeze3A_80, %dma_start3A_94, %dma_start3A_95] : memref<125000x8x64xf32, #tpu.memory_space<hbm>> -> memref<1x8x64xf32, #tpu.memory_space<hbm>>
    %dma_start3A_97 = tpu.memref_squeeze %dma_start3A_96 : memref<1x8x64xf32, #tpu.memory_space<hbm>> -> memref<8x64xf32, #tpu.memory_space<hbm>>
    tpu.enqueue_dma source(%dma_start3A_97 : memref<8x64xf32, #tpu.memory_space<hbm>>) target(%dma_start3A_93 : memref<8x64xf32, #tpu.memory_space<vmem>>) target_semaphore(%arg13 : memref<!tpu.dma_semaphore, #tpu.memory_space<semaphore_mem>>)
    %slice3A_98 = vector.extract_strided_slice %get3A_5 {offsets = [5], sizes = [1], strides = [1]} : vector<16xi32> to vector<1xi32>
    %squeeze3A_99 = vector.extract %slice3A_98[0] : i32 from vector<1xi32>
    %dma_start3A_100 = arith.constant 5 : i32
    %dma_start3A_101 = arith.constant 0 : i32
    %dma_start3A_102 = arith.constant 0 : i32
    %dma_start3A_103 = tpu.memref_slice %arg10[%dma_start3A_100, %dma_start3A_101, %dma_start3A_102] : memref<32x8x64xf32, #tpu.memory_space<vmem>> -> memref<1x8x64xf32, #tpu.memory_space<vmem>>
    %dma_start3A_104 = tpu.memref_squeeze %dma_start3A_103 : memref<1x8x64xf32, #tpu.memory_space<vmem>> -> memref<8x64xf32, #tpu.memory_space<vmem>>
    %dma_start3A_105 = arith.constant 0 : i32
    %dma_start3A_106 = arith.constant 0 : i32
    %dma_start3A_107 = tpu.memref_slice %arg5[%squeeze3A_99, %dma_start3A_105, %dma_start3A_106] : memref<125000x8x64xf32, #tpu.memory_space<hbm>> -> memref<1x8x64xf32, #tpu.memory_space<hbm>>
    %dma_start3A_108 = tpu.memref_squeeze %dma_start3A_107 : memref<1x8x64xf32, #tpu.memory_space<hbm>> -> memref<8x64xf32, #tpu.memory_space<hbm>>
    %dma_start3A_109 = arith.constant 0 : i32
    %dma_start3A_110 = arith.constant 0 : i32
    %dma_start3A_111 = tpu.memref_slice %arg10[%dma_start3A_100, %dma_start3A_109, %dma_start3A_110] : memref<32x8x64xf32, #tpu.memory_space<vmem>> -> memref<1x8x64xf32, #tpu.memory_space<vmem>>
    %dma_start3A_112 = tpu.memref_squeeze %dma_start3A_111 : memref<1x8x64xf32, #tpu.memory_space<vmem>> -> memref<8x64xf32, #tpu.memory_space<vmem>>
    %dma_start3A_113 = arith.constant 0 : i32
    %dma_start3A_114 = arith.constant 0 : i32
    %dma_start3A_115 = tpu.memref_slice %arg5[%squeeze3A_99, %dma_start3A_113, %dma_start3A_114] : memref<125000x8x64xf32, #tpu.memory_space<hbm>> -> memref<1x8x64xf32, #tpu.memory_space<hbm>>
    %dma_start3A_116 = tpu.memref_squeeze %dma_start3A_115 : memref<1x8x64xf32, #tpu.memory_space<hbm>> -> memref<8x64xf32, #tpu.memory_space<hbm>>
    tpu.enqueue_dma source(%dma_start3A_116 : memref<8x64xf32, #tpu.memory_space<hbm>>) target(%dma_start3A_112 : memref<8x64xf32, #tpu.memory_space<vmem>>) target_semaphore(%arg13 : memref<!tpu.dma_semaphore, #tpu.memory_space<semaphore_mem>>)
    %slice3A_117 = vector.extract_strided_slice %get3A_5 {offsets = [6], sizes = [1], strides = [1]} : vector<16xi32> to vector<1xi32>
    %squeeze3A_118 = vector.extract %slice3A_117[0] : i32 from vector<1xi32>
    %dma_start3A_119 = arith.constant 6 : i32
    %dma_start3A_120 = arith.constant 0 : i32
    %dma_start3A_121 = arith.constant 0 : i32
    %dma_start3A_122 = tpu.memref_slice %arg10[%dma_start3A_119, %dma_start3A_120, %dma_start3A_121] : memref<32x8x64xf32, #tpu.memory_space<vmem>> -> memref<1x8x64xf32, #tpu.memory_space<vmem>>
    %dma_start3A_123 = tpu.memref_squeeze %dma_start3A_122 : memref<1x8x64xf32, #tpu.memory_space<vmem>> -> memref<8x64xf32, #tpu.memory_space<vmem>>
    %dma_start3A_124 = arith.constant 0 : i32
    %dma_start3A_125 = arith.constant 0 : i32
    %dma_start3A_126 = tpu.memref_slice %arg5[%squeeze3A_118, %dma_start3A_124, %dma_start3A_125] : memref<125000x8x64xf32, #tpu.memory_space<hbm>> -> memref<1x8x64xf32, #tpu.memory_space<hbm>>
    %dma_start3A_127 = tpu.memref_squeeze %dma_start3A_126 : memref<1x8x64xf32, #tpu.memory_space<hbm>> -> memref<8x64xf32, #tpu.memory_space<hbm>>
    %dma_start3A_128 = arith.constant 0 : i32
    %dma_start3A_129 = arith.constant 0 : i32
    %dma_start3A_130 = tpu.memref_slice %arg10[%dma_start3A_119, %dma_start3A_128, %dma_start3A_129] : memref<32x8x64xf32, #tpu.memory_space<vmem>> -> memref<1x8x64xf32, #tpu.memory_space<vmem>>
    %dma_start3A_131 = tpu.memref_squeeze %dma_start3A_130 : memref<1x8x64xf32, #tpu.memory_space<vmem>> -> memref<8x64xf32, #tpu.memory_space<vmem>>
    %dma_start3A_132 = arith.constant 0 : i32
    %dma_start3A_133 = arith.constant 0 : i32
    %dma_start3A_134 = tpu.memref_slice %arg5[%squeeze3A_118, %dma_start3A_132, %dma_start3A_133] : memref<125000x8x64xf32, #tpu.memory_space<hbm>> -> memref<1x8x64xf32, #tpu.memory_space<hbm>>
    %dma_start3A_135 = tpu.memref_squeeze %dma_start3A_134 : memref<1x8x64xf32, #tpu.memory_space<hbm>> -> memref<8x64xf32, #tpu.memory_space<hbm>>
    tpu.enqueue_dma source(%dma_start3A_135 : memref<8x64xf32, #tpu.memory_space<hbm>>) target(%dma_start3A_131 : memref<8x64xf32, #tpu.memory_space<vmem>>) target_semaphore(%arg13 : memref<!tpu.dma_semaphore, #tpu.memory_space<semaphore_mem>>)
    %slice3A_136 = vector.extract_strided_slice %get3A_5 {offsets = [7], sizes = [1], strides = [1]} : vector<16xi32> to vector<1xi32>
    %squeeze3A_137 = vector.extract %slice3A_136[0] : i32 from vector<1xi32>
    %dma_start3A_138 = arith.constant 7 : i32
    %dma_start3A_139 = arith.constant 0 : i32
    %dma_start3A_140 = arith.constant 0 : i32
    %dma_start3A_141 = tpu.memref_slice %arg10[%dma_start3A_138, %dma_start3A_139, %dma_start3A_140] : memref<32x8x64xf32, #tpu.memory_space<vmem>> -> memref<1x8x64xf32, #tpu.memory_space<vmem>>
    %dma_start3A_142 = tpu.memref_squeeze %dma_start3A_141 : memref<1x8x64xf32, #tpu.memory_space<vmem>> -> memref<8x64xf32, #tpu.memory_space<vmem>>
    %dma_start3A_143 = arith.constant 0 : i32
    %dma_start3A_144 = arith.constant 0 : i32
    %dma_start3A_145 = tpu.memref_slice %arg5[%squeeze3A_137, %dma_start3A_143, %dma_start3A_144] : memref<125000x8x64xf32, #tpu.memory_space<hbm>> -> memref<1x8x64xf32, #tpu.memory_space<hbm>>
    %dma_start3A_146 = tpu.memref_squeeze %dma_start3A_145 : memref<1x8x64xf32, #tpu.memory_space<hbm>> -> memref<8x64xf32, #tpu.memory_space<hbm>>
    %dma_start3A_147 = arith.constant 0 : i32
    %dma_start3A_148 = arith.constant 0 : i32
    %dma_start3A_149 = tpu.memref_slice %arg10[%dma_start3A_138, %dma_start3A_147, %dma_start3A_148] : memref<32x8x64xf32, #tpu.memory_space<vmem>> -> memref<1x8x64xf32, #tpu.memory_space<vmem>>
    %dma_start3A_150 = tpu.memref_squeeze %dma_start3A_149 : memref<1x8x64xf32, #tpu.memory_space<vmem>> -> memref<8x64xf32, #tpu.memory_space<vmem>>
    %dma_start3A_151 = arith.constant 0 : i32
    %dma_start3A_152 = arith.constant 0 : i32
    %dma_start3A_153 = tpu.memref_slice %arg5[%squeeze3A_137, %dma_start3A_151, %dma_start3A_152] : memref<125000x8x64xf32, #tpu.memory_space<hbm>> -> memref<1x8x64xf32, #tpu.memory_space<hbm>>
    %dma_start3A_154 = tpu.memref_squeeze %dma_start3A_153 : memref<1x8x64xf32, #tpu.memory_space<hbm>> -> memref<8x64xf32, #tpu.memory_space<hbm>>
    tpu.enqueue_dma source(%dma_start3A_154 : memref<8x64xf32, #tpu.memory_space<hbm>>) target(%dma_start3A_150 : memref<8x64xf32, #tpu.memory_space<vmem>>) target_semaphore(%arg13 : memref<!tpu.dma_semaphore, #tpu.memory_space<semaphore_mem>>)
    %slice3A_155 = vector.extract_strided_slice %get3A_5 {offsets = [8], sizes = [1], strides = [1]} : vector<16xi32> to vector<1xi32>
    %squeeze3A_156 = vector.extract %slice3A_155[0] : i32 from vector<1xi32>
    %dma_start3A_157 = arith.constant 8 : i32
    %dma_start3A_158 = arith.constant 0 : i32
    %dma_start3A_159 = arith.constant 0 : i32
    %dma_start3A_160 = tpu.memref_slice %arg10[%dma_start3A_157, %dma_start3A_158, %dma_start3A_159] : memref<32x8x64xf32, #tpu.memory_space<vmem>> -> memref<1x8x64xf32, #tpu.memory_space<vmem>>
    %dma_start3A_161 = tpu.memref_squeeze %dma_start3A_160 : memref<1x8x64xf32, #tpu.memory_space<vmem>> -> memref<8x64xf32, #tpu.memory_space<vmem>>
    %dma_start3A_162 = arith.constant 0 : i32
    %dma_start3A_163 = arith.constant 0 : i32
    %dma_start3A_164 = tpu.memref_slice %arg5[%squeeze3A_156, %dma_start3A_162, %dma_start3A_163] : memref<125000x8x64xf32, #tpu.memory_space<hbm>> -> memref<1x8x64xf32, #tpu.memory_space<hbm>>
    %dma_start3A_165 = tpu.memref_squeeze %dma_start3A_164 : memref<1x8x64xf32, #tpu.memory_space<hbm>> -> memref<8x64xf32, #tpu.memory_space<hbm>>
    %dma_start3A_166 = arith.constant 0 : i32
    %dma_start3A_167 = arith.constant 0 : i32
    %dma_start3A_168 = tpu.memref_slice %arg10[%dma_start3A_157, %dma_start3A_166, %dma_start3A_167] : memref<32x8x64xf32, #tpu.memory_space<vmem>> -> memref<1x8x64xf32, #tpu.memory_space<vmem>>
    %dma_start3A_169 = tpu.memref_squeeze %dma_start3A_168 : memref<1x8x64xf32, #tpu.memory_space<vmem>> -> memref<8x64xf32, #tpu.memory_space<vmem>>
    %dma_start3A_170 = arith.constant 0 : i32
    %dma_start3A_171 = arith.constant 0 : i32
    %dma_start3A_172 = tpu.memref_slice %arg5[%squeeze3A_156, %dma_start3A_170, %dma_start3A_171] : memref<125000x8x64xf32, #tpu.memory_space<hbm>> -> memref<1x8x64xf32, #tpu.memory_space<hbm>>
    %dma_start3A_173 = tpu.memref_squeeze %dma_start3A_172 : memref<1x8x64xf32, #tpu.memory_space<hbm>> -> memref<8x64xf32, #tpu.memory_space<hbm>>
    tpu.enqueue_dma source(%dma_start3A_173 : memref<8x64xf32, #tpu.memory_space<hbm>>) target(%dma_start3A_169 : memref<8x64xf32, #tpu.memory_space<vmem>>) target_semaphore(%arg13 : memref<!tpu.dma_semaphore, #tpu.memory_space<semaphore_mem>>)
    %slice3A_174 = vector.extract_strided_slice %get3A_5 {offsets = [9], sizes = [1], strides = [1]} : vector<16xi32> to vector<1xi32>
    %squeeze3A_175 = vector.extract %slice3A_174[0] : i32 from vector<1xi32>
    %dma_start3A_176 = arith.constant 9 : i32
    %dma_start3A_177 = arith.constant 0 : i32
    %dma_start3A_178 = arith.constant 0 : i32
    %dma_start3A_179 = tpu.memref_slice %arg10[%dma_start3A_176, %dma_start3A_177, %dma_start3A_178] : memref<32x8x64xf32, #tpu.memory_space<vmem>> -> memref<1x8x64xf32, #tpu.memory_space<vmem>>
    %dma_start3A_180 = tpu.memref_squeeze %dma_start3A_179 : memref<1x8x64xf32, #tpu.memory_space<vmem>> -> memref<8x64xf32, #tpu.memory_space<vmem>>
    %dma_start3A_181 = arith.constant 0 : i32
    %dma_start3A_182 = arith.constant 0 : i32
    %dma_start3A_183 = tpu.memref_slice %arg5[%squeeze3A_175, %dma_start3A_181, %dma_start3A_182] : memref<125000x8x64xf32, #tpu.memory_space<hbm>> -> memref<1x8x64xf32, #tpu.memory_space<hbm>>
    %dma_start3A_184 = tpu.memref_squeeze %dma_start3A_183 : memref<1x8x64xf32, #tpu.memory_space<hbm>> -> memref<8x64xf32, #tpu.memory_space<hbm>>
    %dma_start3A_185 = arith.constant 0 : i32
    %dma_start3A_186 = arith.constant 0 : i32
    %dma_start3A_187 = tpu.memref_slice %arg10[%dma_start3A_176, %dma_start3A_185, %dma_start3A_186] : memref<32x8x64xf32, #tpu.memory_space<vmem>> -> memref<1x8x64xf32, #tpu.memory_space<vmem>>
    %dma_start3A_188 = tpu.memref_squeeze %dma_start3A_187 : memref<1x8x64xf32, #tpu.memory_space<vmem>> -> memref<8x64xf32, #tpu.memory_space<vmem>>
    %dma_start3A_189 = arith.constant 0 : i32
    %dma_start3A_190 = arith.constant 0 : i32
    %dma_start3A_191 = tpu.memref_slice %arg5[%squeeze3A_175, %dma_start3A_189, %dma_start3A_190] : memref<125000x8x64xf32, #tpu.memory_space<hbm>> -> memref<1x8x64xf32, #tpu.memory_space<hbm>>
    %dma_start3A_192 = tpu.memref_squeeze %dma_start3A_191 : memref<1x8x64xf32, #tpu.memory_space<hbm>> -> memref<8x64xf32, #tpu.memory_space<hbm>>
    tpu.enqueue_dma source(%dma_start3A_192 : memref<8x64xf32, #tpu.memory_space<hbm>>) target(%dma_start3A_188 : memref<8x64xf32, #tpu.memory_space<vmem>>) target_semaphore(%arg13 : memref<!tpu.dma_semaphore, #tpu.memory_space<semaphore_mem>>)
    %slice3A_193 = vector.extract_strided_slice %get3A_5 {offsets = [10], sizes = [1], strides = [1]} : vector<16xi32> to vector<1xi32>
    %squeeze3A_194 = vector.extract %slice3A_193[0] : i32 from vector<1xi32>
    %dma_start3A_195 = arith.constant 10 : i32
    %dma_start3A_196 = arith.constant 0 : i32
    %dma_start3A_197 = arith.constant 0 : i32
    %dma_start3A_198 = tpu.memref_slice %arg10[%dma_start3A_195, %dma_start3A_196, %dma_start3A_197] : memref<32x8x64xf32, #tpu.memory_space<vmem>> -> memref<1x8x64xf32, #tpu.memory_space<vmem>>
    %dma_start3A_199 = tpu.memref_squeeze %dma_start3A_198 : memref<1x8x64xf32, #tpu.memory_space<vmem>> -> memref<8x64xf32, #tpu.memory_space<vmem>>
    %dma_start3A_200 = arith.constant 0 : i32
    %dma_start3A_201 = arith.constant 0 : i32
    %dma_start3A_202 = tpu.memref_slice %arg5[%squeeze3A_194, %dma_start3A_200, %dma_start3A_201] : memref<125000x8x64xf32, #tpu.memory_space<hbm>> -> memref<1x8x64xf32, #tpu.memory_space<hbm>>
    %dma_start3A_203 = tpu.memref_squeeze %dma_start3A_202 : memref<1x8x64xf32, #tpu.memory_space<hbm>> -> memref<8x64xf32, #tpu.memory_space<hbm>>
    %dma_start3A_204 = arith.constant 0 : i32
    %dma_start3A_205 = arith.constant 0 : i32
    %dma_start3A_206 = tpu.memref_slice %arg10[%dma_start3A_195, %dma_start3A_204, %dma_start3A_205] : memref<32x8x64xf32, #tpu.memory_space<vmem>> -> memref<1x8x64xf32, #tpu.memory_space<vmem>>
    %dma_start3A_207 = tpu.memref_squeeze %dma_start3A_206 : memref<1x8x64xf32, #tpu.memory_space<vmem>> -> memref<8x64xf32, #tpu.memory_space<vmem>>
    %dma_start3A_208 = arith.constant 0 : i32
    %dma_start3A_209 = arith.constant 0 : i32
    %dma_start3A_210 = tpu.memref_slice %arg5[%squeeze3A_194, %dma_start3A_208, %dma_start3A_209] : memref<125000x8x64xf32, #tpu.memory_space<hbm>> -> memref<1x8x64xf32, #tpu.memory_space<hbm>>
    %dma_start3A_211 = tpu.memref_squeeze %dma_start3A_210 : memref<1x8x64xf32, #tpu.memory_space<hbm>> -> memref<8x64xf32, #tpu.memory_space<hbm>>
    tpu.enqueue_dma source(%dma_start3A_211 : memref<8x64xf32, #tpu.memory_space<hbm>>) target(%dma_start3A_207 : memref<8x64xf32, #tpu.memory_space<vmem>>) target_semaphore(%arg13 : memref<!tpu.dma_semaphore, #tpu.memory_space<semaphore_mem>>)
    %slice3A_212 = vector.extract_strided_slice %get3A_5 {offsets = [11], sizes = [1], strides = [1]} : vector<16xi32> to vector<1xi32>
    %squeeze3A_213 = vector.extract %slice3A_212[0] : i32 from vector<1xi32>
    %dma_start3A_214 = arith.constant 11 : i32
    %dma_start3A_215 = arith.constant 0 : i32
    %dma_start3A_216 = arith.constant 0 : i32
    %dma_start3A_217 = tpu.memref_slice %arg10[%dma_start3A_214, %dma_start3A_215, %dma_start3A_216] : memref<32x8x64xf32, #tpu.memory_space<vmem>> -> memref<1x8x64xf32, #tpu.memory_space<vmem>>
    %dma_start3A_218 = tpu.memref_squeeze %dma_start3A_217 : memref<1x8x64xf32, #tpu.memory_space<vmem>> -> memref<8x64xf32, #tpu.memory_space<vmem>>
    %dma_start3A_219 = arith.constant 0 : i32
    %dma_start3A_220 = arith.constant 0 : i32
    %dma_start3A_221 = tpu.memref_slice %arg5[%squeeze3A_213, %dma_start3A_219, %dma_start3A_220] : memref<125000x8x64xf32, #tpu.memory_space<hbm>> -> memref<1x8x64xf32, #tpu.memory_space<hbm>>
    %dma_start3A_222 = tpu.memref_squeeze %dma_start3A_221 : memref<1x8x64xf32, #tpu.memory_space<hbm>> -> memref<8x64xf32, #tpu.memory_space<hbm>>
    %dma_start3A_223 = arith.constant 0 : i32
    %dma_start3A_224 = arith.constant 0 : i32
    %dma_start3A_225 = tpu.memref_slice %arg10[%dma_start3A_214, %dma_start3A_223, %dma_start3A_224] : memref<32x8x64xf32, #tpu.memory_space<vmem>> -> memref<1x8x64xf32, #tpu.memory_space<vmem>>
    %dma_start3A_226 = tpu.memref_squeeze %dma_start3A_225 : memref<1x8x64xf32, #tpu.memory_space<vmem>> -> memref<8x64xf32, #tpu.memory_space<vmem>>
    %dma_start3A_227 = arith.constant 0 : i32
    %dma_start3A_228 = arith.constant 0 : i32
    %dma_start3A_229 = tpu.memref_slice %arg5[%squeeze3A_213, %dma_start3A_227, %dma_start3A_228] : memref<125000x8x64xf32, #tpu.memory_space<hbm>> -> memref<1x8x64xf32, #tpu.memory_space<hbm>>
    %dma_start3A_230 = tpu.memref_squeeze %dma_start3A_229 : memref<1x8x64xf32, #tpu.memory_space<hbm>> -> memref<8x64xf32, #tpu.memory_space<hbm>>
    tpu.enqueue_dma source(%dma_start3A_230 : memref<8x64xf32, #tpu.memory_space<hbm>>) target(%dma_start3A_226 : memref<8x64xf32, #tpu.memory_space<vmem>>) target_semaphore(%arg13 : memref<!tpu.dma_semaphore, #tpu.memory_space<semaphore_mem>>)
    %slice3A_231 = vector.extract_strided_slice %get3A_5 {offsets = [12], sizes = [1], strides = [1]} : vector<16xi32> to vector<1xi32>
    %squeeze3A_232 = vector.extract %slice3A_231[0] : i32 from vector<1xi32>
    %dma_start3A_233 = arith.constant 12 : i32
    %dma_start3A_234 = arith.constant 0 : i32
    %dma_start3A_235 = arith.constant 0 : i32
    %dma_start3A_236 = tpu.memref_slice %arg10[%dma_start3A_233, %dma_start3A_234, %dma_start3A_235] : memref<32x8x64xf32, #tpu.memory_space<vmem>> -> memref<1x8x64xf32, #tpu.memory_space<vmem>>
    %dma_start3A_237 = tpu.memref_squeeze %dma_start3A_236 : memref<1x8x64xf32, #tpu.memory_space<vmem>> -> memref<8x64xf32, #tpu.memory_space<vmem>>
    %dma_start3A_238 = arith.constant 0 : i32
    %dma_start3A_239 = arith.constant 0 : i32
    %dma_start3A_240 = tpu.memref_slice %arg5[%squeeze3A_232, %dma_start3A_238, %dma_start3A_239] : memref<125000x8x64xf32, #tpu.memory_space<hbm>> -> memref<1x8x64xf32, #tpu.memory_space<hbm>>
    %dma_start3A_241 = tpu.memref_squeeze %dma_start3A_240 : memref<1x8x64xf32, #tpu.memory_space<hbm>> -> memref<8x64xf32, #tpu.memory_space<hbm>>
    %dma_start3A_242 = arith.constant 0 : i32
    %dma_start3A_243 = arith.constant 0 : i32
    %dma_start3A_244 = tpu.memref_slice %arg10[%dma_start3A_233, %dma_start3A_242, %dma_start3A_243] : memref<32x8x64xf32, #tpu.memory_space<vmem>> -> memref<1x8x64xf32, #tpu.memory_space<vmem>>
    %dma_start3A_245 = tpu.memref_squeeze %dma_start3A_244 : memref<1x8x64xf32, #tpu.memory_space<vmem>> -> memref<8x64xf32, #tpu.memory_space<vmem>>
    %dma_start3A_246 = arith.constant 0 : i32
    %dma_start3A_247 = arith.constant 0 : i32
    %dma_start3A_248 = tpu.memref_slice %arg5[%squeeze3A_232, %dma_start3A_246, %dma_start3A_247] : memref<125000x8x64xf32, #tpu.memory_space<hbm>> -> memref<1x8x64xf32, #tpu.memory_space<hbm>>
    %dma_start3A_249 = tpu.memref_squeeze %dma_start3A_248 : memref<1x8x64xf32, #tpu.memory_space<hbm>> -> memref<8x64xf32, #tpu.memory_space<hbm>>
    tpu.enqueue_dma source(%dma_start3A_249 : memref<8x64xf32, #tpu.memory_space<hbm>>) target(%dma_start3A_245 : memref<8x64xf32, #tpu.memory_space<vmem>>) target_semaphore(%arg13 : memref<!tpu.dma_semaphore, #tpu.memory_space<semaphore_mem>>)
    %slice3A_250 = vector.extract_strided_slice %get3A_5 {offsets = [13], sizes = [1], strides = [1]} : vector<16xi32> to vector<1xi32>
    %squeeze3A_251 = vector.extract %slice3A_250[0] : i32 from vector<1xi32>
    %dma_start3A_252 = arith.constant 13 : i32
    %dma_start3A_253 = arith.constant 0 : i32
    %dma_start3A_254 = arith.constant 0 : i32
    %dma_start3A_255 = tpu.memref_slice %arg10[%dma_start3A_252, %dma_start3A_253, %dma_start3A_254] : memref<32x8x64xf32, #tpu.memory_space<vmem>> -> memref<1x8x64xf32, #tpu.memory_space<vmem>>
    %dma_start3A_256 = tpu.memref_squeeze %dma_start3A_255 : memref<1x8x64xf32, #tpu.memory_space<vmem>> -> memref<8x64xf32, #tpu.memory_space<vmem>>
    %dma_start3A_257 = arith.constant 0 : i32
    %dma_start3A_258 = arith.constant 0 : i32
    %dma_start3A_259 = tpu.memref_slice %arg5[%squeeze3A_251, %dma_start3A_257, %dma_start3A_258] : memref<125000x8x64xf32, #tpu.memory_space<hbm>> -> memref<1x8x64xf32, #tpu.memory_space<hbm>>
    %dma_start3A_260 = tpu.memref_squeeze %dma_start3A_259 : memref<1x8x64xf32, #tpu.memory_space<hbm>> -> memref<8x64xf32, #tpu.memory_space<hbm>>
    %dma_start3A_261 = arith.constant 0 : i32
    %dma_start3A_262 = arith.constant 0 : i32
    %dma_start3A_263 = tpu.memref_slice %arg10[%dma_start3A_252, %dma_start3A_261, %dma_start3A_262] : memref<32x8x64xf32, #tpu.memory_space<vmem>> -> memref<1x8x64xf32, #tpu.memory_space<vmem>>
    %dma_start3A_264 = tpu.memref_squeeze %dma_start3A_263 : memref<1x8x64xf32, #tpu.memory_space<vmem>> -> memref<8x64xf32, #tpu.memory_space<vmem>>
    %dma_start3A_265 = arith.constant 0 : i32
    %dma_start3A_266 = arith.constant 0 : i32
    %dma_start3A_267 = tpu.memref_slice %arg5[%squeeze3A_251, %dma_start3A_265, %dma_start3A_266] : memref<125000x8x64xf32, #tpu.memory_space<hbm>> -> memref<1x8x64xf32, #tpu.memory_space<hbm>>
    %dma_start3A_268 = tpu.memref_squeeze %dma_start3A_267 : memref<1x8x64xf32, #tpu.memory_space<hbm>> -> memref<8x64xf32, #tpu.memory_space<hbm>>
    tpu.enqueue_dma source(%dma_start3A_268 : memref<8x64xf32, #tpu.memory_space<hbm>>) target(%dma_start3A_264 : memref<8x64xf32, #tpu.memory_space<vmem>>) target_semaphore(%arg13 : memref<!tpu.dma_semaphore, #tpu.memory_space<semaphore_mem>>)
    %slice3A_269 = vector.extract_strided_slice %get3A_5 {offsets = [14], sizes = [1], strides = [1]} : vector<16xi32> to vector<1xi32>
    %squeeze3A_270 = vector.extract %slice3A_269[0] : i32 from vector<1xi32>
    %dma_start3A_271 = arith.constant 14 : i32
    %dma_start3A_272 = arith.constant 0 : i32
    %dma_start3A_273 = arith.constant 0 : i32
    %dma_start3A_274 = tpu.memref_slice %arg10[%dma_start3A_271, %dma_start3A_272, %dma_start3A_273] : memref<32x8x64xf32, #tpu.memory_space<vmem>> -> memref<1x8x64xf32, #tpu.memory_space<vmem>>
    %dma_start3A_275 = tpu.memref_squeeze %dma_start3A_274 : memref<1x8x64xf32, #tpu.memory_space<vmem>> -> memref<8x64xf32, #tpu.memory_space<vmem>>
    %dma_start3A_276 = arith.constant 0 : i32
    %dma_start3A_277 = arith.constant 0 : i32
    %dma_start3A_278 = tpu.memref_slice %arg5[%squeeze3A_270, %dma_start3A_276, %dma_start3A_277] : memref<125000x8x64xf32, #tpu.memory_space<hbm>> -> memref<1x8x64xf32, #tpu.memory_space<hbm>>
    %dma_start3A_279 = tpu.memref_squeeze %dma_start3A_278 : memref<1x8x64xf32, #tpu.memory_space<hbm>> -> memref<8x64xf32, #tpu.memory_space<hbm>>
    %dma_start3A_280 = arith.constant 0 : i32
    %dma_start3A_281 = arith.constant 0 : i32
    %dma_start3A_282 = tpu.memref_slice %arg10[%dma_start3A_271, %dma_start3A_280, %dma_start3A_281] : memref<32x8x64xf32, #tpu.memory_space<vmem>> -> memref<1x8x64xf32, #tpu.memory_space<vmem>>
    %dma_start3A_283 = tpu.memref_squeeze %dma_start3A_282 : memref<1x8x64xf32, #tpu.memory_space<vmem>> -> memref<8x64xf32, #tpu.memory_space<vmem>>
    %dma_start3A_284 = arith.constant 0 : i32
    %dma_start3A_285 = arith.constant 0 : i32
    %dma_start3A_286 = tpu.memref_slice %arg5[%squeeze3A_270, %dma_start3A_284, %dma_start3A_285] : memref<125000x8x64xf32, #tpu.memory_space<hbm>> -> memref<1x8x64xf32, #tpu.memory_space<hbm>>
    %dma_start3A_287 = tpu.memref_squeeze %dma_start3A_286 : memref<1x8x64xf32, #tpu.memory_space<hbm>> -> memref<8x64xf32, #tpu.memory_space<hbm>>
    tpu.enqueue_dma source(%dma_start3A_287 : memref<8x64xf32, #tpu.memory_space<hbm>>) target(%dma_start3A_283 : memref<8x64xf32, #tpu.memory_space<vmem>>) target_semaphore(%arg13 : memref<!tpu.dma_semaphore, #tpu.memory_space<semaphore_mem>>)
    %slice3A_288 = vector.extract_strided_slice %get3A_5 {offsets = [15], sizes = [1], strides = [1]} : vector<16xi32> to vector<1xi32>
    %squeeze3A_289 = vector.extract %slice3A_288[0] : i32 from vector<1xi32>
    %dma_start3A_290 = arith.constant 15 : i32
    %dma_start3A_291 = arith.constant 0 : i32
    %dma_start3A_292 = arith.constant 0 : i32
    %dma_start3A_293 = tpu.memref_slice %arg10[%dma_start3A_290, %dma_start3A_291, %dma_start3A_292] : memref<32x8x64xf32, #tpu.memory_space<vmem>> -> memref<1x8x64xf32, #tpu.memory_space<vmem>>
    %dma_start3A_294 = tpu.memref_squeeze %dma_start3A_293 : memref<1x8x64xf32, #tpu.memory_space<vmem>> -> memref<8x64xf32, #tpu.memory_space<vmem>>
    %dma_start3A_295 = arith.constant 0 : i32
    %dma_start3A_296 = arith.constant 0 : i32
    %dma_start3A_297 = tpu.memref_slice %arg5[%squeeze3A_289, %dma_start3A_295, %dma_start3A_296] : memref<125000x8x64xf32, #tpu.memory_space<hbm>> -> memref<1x8x64xf32, #tpu.memory_space<hbm>>
    %dma_start3A_298 = tpu.memref_squeeze %dma_start3A_297 : memref<1x8x64xf32, #tpu.memory_space<hbm>> -> memref<8x64xf32, #tpu.memory_space<hbm>>
    %dma_start3A_299 = arith.constant 0 : i32
    %dma_start3A_300 = arith.constant 0 : i32
    %dma_start3A_301 = tpu.memref_slice %arg10[%dma_start3A_290, %dma_start3A_299, %dma_start3A_300] : memref<32x8x64xf32, #tpu.memory_space<vmem>> -> memref<1x8x64xf32, #tpu.memory_space<vmem>>
    %dma_start3A_302 = tpu.memref_squeeze %dma_start3A_301 : memref<1x8x64xf32, #tpu.memory_space<vmem>> -> memref<8x64xf32, #tpu.memory_space<vmem>>
    %dma_start3A_303 = arith.constant 0 : i32
    %dma_start3A_304 = arith.constant 0 : i32
    %dma_start3A_305 = tpu.memref_slice %arg5[%squeeze3A_289, %dma_start3A_303, %dma_start3A_304] : memref<125000x8x64xf32, #tpu.memory_space<hbm>> -> memref<1x8x64xf32, #tpu.memory_space<hbm>>
    %dma_start3A_306 = tpu.memref_squeeze %dma_start3A_305 : memref<1x8x64xf32, #tpu.memory_space<hbm>> -> memref<8x64xf32, #tpu.memory_space<hbm>>
    tpu.enqueue_dma source(%dma_start3A_306 : memref<8x64xf32, #tpu.memory_space<hbm>>) target(%dma_start3A_302 : memref<8x64xf32, #tpu.memory_space<vmem>>) target_semaphore(%arg13 : memref<!tpu.dma_semaphore, #tpu.memory_space<semaphore_mem>>)
    %get3A_307 = arith.constant 0 : i32
    %get3A_308 = arith.index_cast %get3A_307 : i32 to index
    %get3A_309 = arith.constant 16 : index
    %get3A_310 = tpu.vector_load %arg7[%get3A_308, %get3A_309] {strides = array<i32>} : memref<46x32xi32, #tpu.memory_space<vmem>>, vector<16xi32>,
    %slice3A_311 = vector.extract_strided_slice %get3A_310 {offsets = [0], sizes = [1], strides = [1]} : vector<16xi32> to vector<1xi32>
    %squeeze3A_312 = vector.extract %slice3A_311[0] : i32 from vector<1xi32>
    %dma_start3A_313 = arith.constant 16 : i32
    %dma_start3A_314 = arith.constant 0 : i32
    %dma_start3A_315 = arith.constant 0 : i32
    %dma_start3A_316 = tpu.memref_slice %arg10[%dma_start3A_313, %dma_start3A_314, %dma_start3A_315] : memref<32x8x64xf32, #tpu.memory_space<vmem>> -> memref<1x8x64xf32, #tpu.memory_space<vmem>>
    %dma_start3A_317 = tpu.memref_squeeze %dma_start3A_316 : memref<1x8x64xf32, #tpu.memory_space<vmem>> -> memref<8x64xf32, #tpu.memory_space<vmem>>
    %dma_start3A_318 = arith.constant 0 : i32
    %dma_start3A_319 = arith.constant 0 : i32
    %dma_start3A_320 = tpu.memref_slice %arg5[%squeeze3A_312, %dma_start3A_318, %dma_start3A_319] : memref<125000x8x64xf32, #tpu.memory_space<hbm>> -> memref<1x8x64xf32, #tpu.memory_space<hbm>>
    %dma_start3A_321 = tpu.memref_squeeze %dma_start3A_320 : memref<1x8x64xf32, #tpu.memory_space<hbm>> -> memref<8x64xf32, #tpu.memory_space<hbm>>
    %dma_start3A_322 = arith.constant 0 : i32
    %dma_start3A_323 = arith.constant 0 : i32
    %dma_start3A_324 = tpu.memref_slice %arg10[%dma_start3A_313, %dma_start3A_322, %dma_start3A_323] : memref<32x8x64xf32, #tpu.memory_space<vmem>> -> memref<1x8x64xf32, #tpu.memory_space<vmem>>
    %dma_start3A_325 = tpu.memref_squeeze %dma_start3A_324 : memref<1x8x64xf32, #tpu.memory_space<vmem>> -> memref<8x64xf32, #tpu.memory_space<vmem>>
    %dma_start3A_326 = arith.constant 0 : i32
    %dma_start3A_327 = arith.constant 0 : i32
    %dma_start3A_328 = tpu.memref_slice %arg5[%squeeze3A_312, %dma_start3A_326, %dma_start3A_327] : memref<125000x8x64xf32, #tpu.memory_space<hbm>> -> memref<1x8x64xf32, #tpu.memory_space<hbm>>
    %dma_start3A_329 = tpu.memref_squeeze %dma_start3A_328 : memref<1x8x64xf32, #tpu.memory_space<hbm>> -> memref<8x64xf32, #tpu.memory_space<hbm>>
    tpu.enqueue_dma source(%dma_start3A_329 : memref<8x64xf32, #tpu.memory_space<hbm>>) target(%dma_start3A_325 : memref<8x64xf32, #tpu.memory_space<vmem>>) target_semaphore(%arg13 : memref<!tpu.dma_semaphore, #tpu.memory_space<semaphore_mem>>)
    %slice3A_330 = vector.extract_strided_slice %get3A_310 {offsets = [1], sizes = [1], strides = [1]} : vector<16xi32> to vector<1xi32>
    %squeeze3A_331 = vector.extract %slice3A_330[0] : i32 from vector<1xi32>
    %dma_start3A_332 = arith.constant 17 : i32
    %dma_start3A_333 = arith.constant 0 : i32
    %dma_start3A_334 = arith.constant 0 : i32
    %dma_start3A_335 = tpu.memref_slice %arg10[%dma_start3A_332, %dma_start3A_333, %dma_start3A_334] : memref<32x8x64xf32, #tpu.memory_space<vmem>> -> memref<1x8x64xf32, #tpu.memory_space<vmem>>
    %dma_start3A_336 = tpu.memref_squeeze %dma_start3A_335 : memref<1x8x64xf32, #tpu.memory_space<vmem>> -> memref<8x64xf32, #tpu.memory_space<vmem>>
    %dma_start3A_337 = arith.constant 0 : i32
    %dma_start3A_338 = arith.constant 0 : i32
    %dma_start3A_339 = tpu.memref_slice %arg5[%squeeze3A_331, %dma_start3A_337, %dma_start3A_338] : memref<125000x8x64xf32, #tpu.memory_space<hbm>> -> memref<1x8x64xf32, #tpu.memory_space<hbm>>
    %dma_start3A_340 = tpu.memref_squeeze %dma_start3A_339 : memref<1x8x64xf32, #tpu.memory_space<hbm>> -> memref<8x64xf32, #tpu.memory_space<hbm>>
    %dma_start3A_341 = arith.constant 0 : i32
    %dma_start3A_342 = arith.constant 0 : i32
    %dma_start3A_343 = tpu.memref_slice %arg10[%dma_start3A_332, %dma_start3A_341, %dma_start3A_342] : memref<32x8x64xf32, #tpu.memory_space<vmem>> -> memref<1x8x64xf32, #tpu.memory_space<vmem>>
    %dma_start3A_344 = tpu.memref_squeeze %dma_start3A_343 : memref<1x8x64xf32, #tpu.memory_space<vmem>> -> memref<8x64xf32, #tpu.memory_space<vmem>>
    %dma_start3A_345 = arith.constant 0 : i32
    %dma_start3A_346 = arith.constant 0 : i32
    %dma_start3A_347 = tpu.memref_slice %arg5[%squeeze3A_331, %dma_start3A_345, %dma_start3A_346] : memref<125000x8x64xf32, #tpu.memory_space<hbm>> -> memref<1x8x64xf32, #tpu.memory_space<hbm>>
    %dma_start3A_348 = tpu.memref_squeeze %dma_start3A_347 : memref<1x8x64xf32, #tpu.memory_space<hbm>> -> memref<8x64xf32, #tpu.memory_space<hbm>>
    tpu.enqueue_dma source(%dma_start3A_348 : memref<8x64xf32, #tpu.memory_space<hbm>>) target(%dma_start3A_344 : memref<8x64xf32, #tpu.memory_space<vmem>>) target_semaphore(%arg13 : memref<!tpu.dma_semaphore, #tpu.memory_space<semaphore_mem>>)
    %slice3A_349 = vector.extract_strided_slice %get3A_310 {offsets = [2], sizes = [1], strides = [1]} : vector<16xi32> to vector<1xi32>
    %squeeze3A_350 = vector.extract %slice3A_349[0] : i32 from vector<1xi32>
    %dma_start3A_351 = arith.constant 18 : i32
    %dma_start3A_352 = arith.constant 0 : i32
    %dma_start3A_353 = arith.constant 0 : i32
    %dma_start3A_354 = tpu.memref_slice %arg10[%dma_start3A_351, %dma_start3A_352, %dma_start3A_353] : memref<32x8x64xf32, #tpu.memory_space<vmem>> -> memref<1x8x64xf32, #tpu.memory_space<vmem>>
    %dma_start3A_355 = tpu.memref_squeeze %dma_start3A_354 : memref<1x8x64xf32, #tpu.memory_space<vmem>> -> memref<8x64xf32, #tpu.memory_space<vmem>>
    %dma_start3A_356 = arith.constant 0 : i32
    %dma_start3A_357 = arith.constant 0 : i32
    %dma_start3A_358 = tpu.memref_slice %arg5[%squeeze3A_350, %dma_start3A_356, %dma_start3A_357] : memref<125000x8x64xf32, #tpu.memory_space<hbm>> -> memref<1x8x64xf32, #tpu.memory_space<hbm>>
    %dma_start3A_359 = tpu.memref_squeeze %dma_start3A_358 : memref<1x8x64xf32, #tpu.memory_space<hbm>> -> memref<8x64xf32, #tpu.memory_space<hbm>>
    %dma_start3A_360 = arith.constant 0 : i32
    %dma_start3A_361 = arith.constant 0 : i32
    %dma_start3A_362 = tpu.memref_slice %arg10[%dma_start3A_351, %dma_start3A_360, %dma_start3A_361] : memref<32x8x64xf32, #tpu.memory_space<vmem>> -> memref<1x8x64xf32, #tpu.memory_space<vmem>>
    %dma_start3A_363 = tpu.memref_squeeze %dma_start3A_362 : memref<1x8x64xf32, #tpu.memory_space<vmem>> -> memref<8x64xf32, #tpu.memory_space<vmem>>
    %dma_start3A_364 = arith.constant 0 : i32
    %dma_start3A_365 = arith.constant 0 : i32
    %dma_start3A_366 = tpu.memref_slice %arg5[%squeeze3A_350, %dma_start3A_364, %dma_start3A_365] : memref<125000x8x64xf32, #tpu.memory_space<hbm>> -> memref<1x8x64xf32, #tpu.memory_space<hbm>>
    %dma_start3A_367 = tpu.memref_squeeze %dma_start3A_366 : memref<1x8x64xf32, #tpu.memory_space<hbm>> -> memref<8x64xf32, #tpu.memory_space<hbm>>
    tpu.enqueue_dma source(%dma_start3A_367 : memref<8x64xf32, #tpu.memory_space<hbm>>) target(%dma_start3A_363 : memref<8x64xf32, #tpu.memory_space<vmem>>) target_semaphore(%arg13 : memref<!tpu.dma_semaphore, #tpu.memory_space<semaphore_mem>>)
    %slice3A_368 = vector.extract_strided_slice %get3A_310 {offsets = [3], sizes = [1], strides = [1]} : vector<16xi32> to vector<1xi32>
    %squeeze3A_369 = vector.extract %slice3A_368[0] : i32 from vector<1xi32>
    %dma_start3A_370 = arith.constant 19 : i32
    %dma_start3A_371 = arith.constant 0 : i32
    %dma_start3A_372 = arith.constant 0 : i32
    %dma_start3A_373 = tpu.memref_slice %arg10[%dma_start3A_370, %dma_start3A_371, %dma_start3A_372] : memref<32x8x64xf32, #tpu.memory_space<vmem>> -> memref<1x8x64xf32, #tpu.memory_space<vmem>>
    %dma_start3A_374 = tpu.memref_squeeze %dma_start3A_373 : memref<1x8x64xf32, #tpu.memory_space<vmem>> -> memref<8x64xf32, #tpu.memory_space<vmem>>
    %dma_start3A_375 = arith.constant 0 : i32
    %dma_start3A_376 = arith.constant 0 : i32
    %dma_start3A_377 = tpu.memref_slice %arg5[%squeeze3A_369, %dma_start3A_375, %dma_start3A_376] : memref<125000x8x64xf32, #tpu.memory_space<hbm>> -> memref<1x8x64xf32, #tpu.memory_space<hbm>>
    %dma_start3A_378 = tpu.memref_squeeze %dma_start3A_377 : memref<1x8x64xf32, #tpu.memory_space<hbm>> -> memref<8x64xf32, #tpu.memory_space<hbm>>
    %dma_start3A_379 = arith.constant 0 : i32
    %dma_start3A_380 = arith.constant 0 : i32
    %dma_start3A_381 = tpu.memref_slice %arg10[%dma_start3A_370, %dma_start3A_379, %dma_start3A_380] : memref<32x8x64xf32, #tpu.memory_space<vmem>> -> memref<1x8x64xf32, #tpu.memory_space<vmem>>
    %dma_start3A_382 = tpu.memref_squeeze %dma_start3A_381 : memref<1x8x64xf32, #tpu.memory_space<vmem>> -> memref<8x64xf32, #tpu.memory_space<vmem>>
    %dma_start3A_383 = arith.constant 0 : i32
    %dma_start3A_384 = arith.constant 0 : i32
    %dma_start3A_385 = tpu.memref_slice %arg5[%squeeze3A_369, %dma_start3A_383, %dma_start3A_384] : memref<125000x8x64xf32, #tpu.memory_space<hbm>> -> memref<1x8x64xf32, #tpu.memory_space<hbm>>
    %dma_start3A_386 = tpu.memref_squeeze %dma_start3A_385 : memref<1x8x64xf32, #tpu.memory_space<hbm>> -> memref<8x64xf32, #tpu.memory_space<hbm>>
    tpu.enqueue_dma source(%dma_start3A_386 : memref<8x64xf32, #tpu.memory_space<hbm>>) target(%dma_start3A_382 : memref<8x64xf32, #tpu.memory_space<vmem>>) target_semaphore(%arg13 : memref<!tpu.dma_semaphore, #tpu.memory_space<semaphore_mem>>)
    %slice3A_387 = vector.extract_strided_slice %get3A_310 {offsets = [4], sizes = [1], strides = [1]} : vector<16xi32> to vector<1xi32>
    %squeeze3A_388 = vector.extract %slice3A_387[0] : i32 from vector<1xi32>
    %dma_start3A_389 = arith.constant 20 : i32
    %dma_start3A_390 = arith.constant 0 : i32
    %dma_start3A_391 = arith.constant 0 : i32
    %dma_start3A_392 = tpu.memref_slice %arg10[%dma_start3A_389, %dma_start3A_390, %dma_start3A_391] : memref<32x8x64xf32, #tpu.memory_space<vmem>> -> memref<1x8x64xf32, #tpu.memory_space<vmem>>
    %dma_start3A_393 = tpu.memref_squeeze %dma_start3A_392 : memref<1x8x64xf32, #tpu.memory_space<vmem>> -> memref<8x64xf32, #tpu.memory_space<vmem>>
    %dma_start3A_394 = arith.constant 0 : i32
    %dma_start3A_395 = arith.constant 0 : i32
    %dma_start3A_396 = tpu.memref_slice %arg5[%squeeze3A_388, %dma_start3A_394, %dma_start3A_395] : memref<125000x8x64xf32, #tpu.memory_space<hbm>> -> memref<1x8x64xf32, #tpu.memory_space<hbm>>
    %dma_start3A_397 = tpu.memref_squeeze %dma_start3A_396 : memref<1x8x64xf32, #tpu.memory_space<hbm>> -> memref<8x64xf32, #tpu.memory_space<hbm>>
    %dma_start3A_398 = arith.constant 0 : i32
    %dma_start3A_399 = arith.constant 0 : i32
    %dma_start3A_400 = tpu.memref_slice %arg10[%dma_start3A_389, %dma_start3A_398, %dma_start3A_399] : memref<32x8x64xf32, #tpu.memory_space<vmem>> -> memref<1x8x64xf32, #tpu.memory_space<vmem>>
    %dma_start3A_401 = tpu.memref_squeeze %dma_start3A_400 : memref<1x8x64xf32, #tpu.memory_space<vmem>> -> memref<8x64xf32, #tpu.memory_space<vmem>>
    %dma_start3A_402 = arith.constant 0 : i32
    %dma_start3A_403 = arith.constant 0 : i32
    %dma_start3A_404 = tpu.memref_slice %arg5[%squeeze3A_388, %dma_start3A_402, %dma_start3A_403] : memref<125000x8x64xf32, #tpu.memory_space<hbm>> -> memref<1x8x64xf32, #tpu.memory_space<hbm>>
    %dma_start3A_405 = tpu.memref_squeeze %dma_start3A_404 : memref<1x8x64xf32, #tpu.memory_space<hbm>> -> memref<8x64xf32, #tpu.memory_space<hbm>>
    tpu.enqueue_dma source(%dma_start3A_405 : memref<8x64xf32, #tpu.memory_space<hbm>>) target(%dma_start3A_401 : memref<8x64xf32, #tpu.memory_space<vmem>>) target_semaphore(%arg13 : memref<!tpu.dma_semaphore, #tpu.memory_space<semaphore_mem>>)
    %slice3A_406 = vector.extract_strided_slice %get3A_310 {offsets = [5], sizes = [1], strides = [1]} : vector<16xi32> to vector<1xi32>
    %squeeze3A_407 = vector.extract %slice3A_406[0] : i32 from vector<1xi32>
    %dma_start3A_408 = arith.constant 21 : i32
    %dma_start3A_409 = arith.constant 0 : i32
    %dma_start3A_410 = arith.constant 0 : i32
    %dma_start3A_411 = tpu.memref_slice %arg10[%dma_start3A_408, %dma_start3A_409, %dma_start3A_410] : memref<32x8x64xf32, #tpu.memory_space<vmem>> -> memref<1x8x64xf32, #tpu.memory_space<vmem>>
    %dma_start3A_412 = tpu.memref_squeeze %dma_start3A_411 : memref<1x8x64xf32, #tpu.memory_space<vmem>> -> memref<8x64xf32, #tpu.memory_space<vmem>>
    %dma_start3A_413 = arith.constant 0 : i32
    %dma_start3A_414 = arith.constant 0 : i32
    %dma_start3A_415 = tpu.memref_slice %arg5[%squeeze3A_407, %dma_start3A_413, %dma_start3A_414] : memref<125000x8x64xf32, #tpu.memory_space<hbm>> -> memref<1x8x64xf32, #tpu.memory_space<hbm>>
    %dma_start3A_416 = tpu.memref_squeeze %dma_start3A_415 : memref<1x8x64xf32, #tpu.memory_space<hbm>> -> memref<8x64xf32, #tpu.memory_space<hbm>>
    %dma_start3A_417 = arith.constant 0 : i32
    %dma_start3A_418 = arith.constant 0 : i32
    %dma_start3A_419 = tpu.memref_slice %arg10[%dma_start3A_408, %dma_start3A_417, %dma_start3A_418] : memref<32x8x64xf32, #tpu.memory_space<vmem>> -> memref<1x8x64xf32, #tpu.memory_space<vmem>>
    %dma_start3A_420 = tpu.memref_squeeze %dma_start3A_419 : memref<1x8x64xf32, #tpu.memory_space<vmem>> -> memref<8x64xf32, #tpu.memory_space<vmem>>
    %dma_start3A_421 = arith.constant 0 : i32
    %dma_start3A_422 = arith.constant 0 : i32
    %dma_start3A_423 = tpu.memref_slice %arg5[%squeeze3A_407, %dma_start3A_421, %dma_start3A_422] : memref<125000x8x64xf32, #tpu.memory_space<hbm>> -> memref<1x8x64xf32, #tpu.memory_space<hbm>>
    %dma_start3A_424 = tpu.memref_squeeze %dma_start3A_423 : memref<1x8x64xf32, #tpu.memory_space<hbm>> -> memref<8x64xf32, #tpu.memory_space<hbm>>
    tpu.enqueue_dma source(%dma_start3A_424 : memref<8x64xf32, #tpu.memory_space<hbm>>) target(%dma_start3A_420 : memref<8x64xf32, #tpu.memory_space<vmem>>) target_semaphore(%arg13 : memref<!tpu.dma_semaphore, #tpu.memory_space<semaphore_mem>>)
    %slice3A_425 = vector.extract_strided_slice %get3A_310 {offsets = [6], sizes = [1], strides = [1]} : vector<16xi32> to vector<1xi32>
    %squeeze3A_426 = vector.extract %slice3A_425[0] : i32 from vector<1xi32>
    %dma_start3A_427 = arith.constant 22 : i32
    %dma_start3A_428 = arith.constant 0 : i32
    %dma_start3A_429 = arith.constant 0 : i32
    %dma_start3A_430 = tpu.memref_slice %arg10[%dma_start3A_427, %dma_start3A_428, %dma_start3A_429] : memref<32x8x64xf32, #tpu.memory_space<vmem>> -> memref<1x8x64xf32, #tpu.memory_space<vmem>>
    %dma_start3A_431 = tpu.memref_squeeze %dma_start3A_430 : memref<1x8x64xf32, #tpu.memory_space<vmem>> -> memref<8x64xf32, #tpu.memory_space<vmem>>
    %dma_start3A_432 = arith.constant 0 : i32
    %dma_start3A_433 = arith.constant 0 : i32
    %dma_start3A_434 = tpu.memref_slice %arg5[%squeeze3A_426, %dma_start3A_432, %dma_start3A_433] : memref<125000x8x64xf32, #tpu.memory_space<hbm>> -> memref<1x8x64xf32, #tpu.memory_space<hbm>>
    %dma_start3A_435 = tpu.memref_squeeze %dma_start3A_434 : memref<1x8x64xf32, #tpu.memory_space<hbm>> -> memref<8x64xf32, #tpu.memory_space<hbm>>
    %dma_start3A_436 = arith.constant 0 : i32
    %dma_start3A_437 = arith.constant 0 : i32
    %dma_start3A_438 = tpu.memref_slice %arg10[%dma_start3A_427, %dma_start3A_436, %dma_start3A_437] : memref<32x8x64xf32, #tpu.memory_space<vmem>> -> memref<1x8x64xf32, #tpu.memory_space<vmem>>
    %dma_start3A_439 = tpu.memref_squeeze %dma_start3A_438 : memref<1x8x64xf32, #tpu.memory_space<vmem>> -> memref<8x64xf32, #tpu.memory_space<vmem>>
    %dma_start3A_440 = arith.constant 0 : i32
    %dma_start3A_441 = arith.constant 0 : i32
    %dma_start3A_442 = tpu.memref_slice %arg5[%squeeze3A_426, %dma_start3A_440, %dma_start3A_441] : memref<125000x8x64xf32, #tpu.memory_space<hbm>> -> memref<1x8x64xf32, #tpu.memory_space<hbm>>
    %dma_start3A_443 = tpu.memref_squeeze %dma_start3A_442 : memref<1x8x64xf32, #tpu.memory_space<hbm>> -> memref<8x64xf32, #tpu.memory_space<hbm>>
    tpu.enqueue_dma source(%dma_start3A_443 : memref<8x64xf32, #tpu.memory_space<hbm>>) target(%dma_start3A_439 : memref<8x64xf32, #tpu.memory_space<vmem>>) target_semaphore(%arg13 : memref<!tpu.dma_semaphore, #tpu.memory_space<semaphore_mem>>)
    %slice3A_444 = vector.extract_strided_slice %get3A_310 {offsets = [7], sizes = [1], strides = [1]} : vector<16xi32> to vector<1xi32>
    %squeeze3A_445 = vector.extract %slice3A_444[0] : i32 from vector<1xi32>
    %dma_start3A_446 = arith.constant 23 : i32
    %dma_start3A_447 = arith.constant 0 : i32
    %dma_start3A_448 = arith.constant 0 : i32
    %dma_start3A_449 = tpu.memref_slice %arg10[%dma_start3A_446, %dma_start3A_447, %dma_start3A_448] : memref<32x8x64xf32, #tpu.memory_space<vmem>> -> memref<1x8x64xf32, #tpu.memory_space<vmem>>
    %dma_start3A_450 = tpu.memref_squeeze %dma_start3A_449 : memref<1x8x64xf32, #tpu.memory_space<vmem>> -> memref<8x64xf32, #tpu.memory_space<vmem>>
    %dma_start3A_451 = arith.constant 0 : i32
    %dma_start3A_452 = arith.constant 0 : i32
    %dma_start3A_453 = tpu.memref_slice %arg5[%squeeze3A_445, %dma_start3A_451, %dma_start3A_452] : memref<125000x8x64xf32, #tpu.memory_space<hbm>> -> memref<1x8x64xf32, #tpu.memory_space<hbm>>
    %dma_start3A_454 = tpu.memref_squeeze %dma_start3A_453 : memref<1x8x64xf32, #tpu.memory_space<hbm>> -> memref<8x64xf32, #tpu.memory_space<hbm>>
    %dma_start3A_455 = arith.constant 0 : i32
    %dma_start3A_456 = arith.constant 0 : i32
    %dma_start3A_457 = tpu.memref_slice %arg10[%dma_start3A_446, %dma_start3A_455, %dma_start3A_456] : memref<32x8x64xf32, #tpu.memory_space<vmem>> -> memref<1x8x64xf32, #tpu.memory_space<vmem>>
    %dma_start3A_458 = tpu.memref_squeeze %dma_start3A_457 : memref<1x8x64xf32, #tpu.memory_space<vmem>> -> memref<8x64xf32, #tpu.memory_space<vmem>>
    %dma_start3A_459 = arith.constant 0 : i32
    %dma_start3A_460 = arith.constant 0 : i32
    %dma_start3A_461 = tpu.memref_slice %arg5[%squeeze3A_445, %dma_start3A_459, %dma_start3A_460] : memref<125000x8x64xf32, #tpu.memory_space<hbm>> -> memref<1x8x64xf32, #tpu.memory_space<hbm>>
    %dma_start3A_462 = tpu.memref_squeeze %dma_start3A_461 : memref<1x8x64xf32, #tpu.memory_space<hbm>> -> memref<8x64xf32, #tpu.memory_space<hbm>>
    tpu.enqueue_dma source(%dma_start3A_462 : memref<8x64xf32, #tpu.memory_space<hbm>>) target(%dma_start3A_458 : memref<8x64xf32, #tpu.memory_space<vmem>>) target_semaphore(%arg13 : memref<!tpu.dma_semaphore, #tpu.memory_space<semaphore_mem>>)
    %slice3A_463 = vector.extract_strided_slice %get3A_310 {offsets = [8], sizes = [1], strides = [1]} : vector<16xi32> to vector<1xi32>
    %squeeze3A_464 = vector.extract %slice3A_463[0] : i32 from vector<1xi32>
    %dma_start3A_465 = arith.constant 24 : i32
    %dma_start3A_466 = arith.constant 0 : i32
    %dma_start3A_467 = arith.constant 0 : i32
    %dma_start3A_468 = tpu.memref_slice %arg10[%dma_start3A_465, %dma_start3A_466, %dma_start3A_467] : memref<32x8x64xf32, #tpu.memory_space<vmem>> -> memref<1x8x64xf32, #tpu.memory_space<vmem>>
    %dma_start3A_469 = tpu.memref_squeeze %dma_start3A_468 : memref<1x8x64xf32, #tpu.memory_space<vmem>> -> memref<8x64xf32, #tpu.memory_space<vmem>>
    %dma_start3A_470 = arith.constant 0 : i32
    %dma_start3A_471 = arith.constant 0 : i32
    %dma_start3A_472 = tpu.memref_slice %arg5[%squeeze3A_464, %dma_start3A_470, %dma_start3A_471] : memref<125000x8x64xf32, #tpu.memory_space<hbm>> -> memref<1x8x64xf32, #tpu.memory_space<hbm>>
    %dma_start3A_473 = tpu.memref_squeeze %dma_start3A_472 : memref<1x8x64xf32, #tpu.memory_space<hbm>> -> memref<8x64xf32, #tpu.memory_space<hbm>>
    %dma_start3A_474 = arith.constant 0 : i32
    %dma_start3A_475 = arith.constant 0 : i32
    %dma_start3A_476 = tpu.memref_slice %arg10[%dma_start3A_465, %dma_start3A_474, %dma_start3A_475] : memref<32x8x64xf32, #tpu.memory_space<vmem>> -> memref<1x8x64xf32, #tpu.memory_space<vmem>>
    %dma_start3A_477 = tpu.memref_squeeze %dma_start3A_476 : memref<1x8x64xf32, #tpu.memory_space<vmem>> -> memref<8x64xf32, #tpu.memory_space<vmem>>
    %dma_start3A_478 = arith.constant 0 : i32
    %dma_start3A_479 = arith.constant 0 : i32
    %dma_start3A_480 = tpu.memref_slice %arg5[%squeeze3A_464, %dma_start3A_478, %dma_start3A_479] : memref<125000x8x64xf32, #tpu.memory_space<hbm>> -> memref<1x8x64xf32, #tpu.memory_space<hbm>>
    %dma_start3A_481 = tpu.memref_squeeze %dma_start3A_480 : memref<1x8x64xf32, #tpu.memory_space<hbm>> -> memref<8x64xf32, #tpu.memory_space<hbm>>
    tpu.enqueue_dma source(%dma_start3A_481 : memref<8x64xf32, #tpu.memory_space<hbm>>) target(%dma_start3A_477 : memref<8x64xf32, #tpu.memory_space<vmem>>) target_semaphore(%arg13 : memref<!tpu.dma_semaphore, #tpu.memory_space<semaphore_mem>>)
    %slice3A_482 = vector.extract_strided_slice %get3A_310 {offsets = [9], sizes = [1], strides = [1]} : vector<16xi32> to vector<1xi32>
    %squeeze3A_483 = vector.extract %slice3A_482[0] : i32 from vector<1xi32>
    %dma_start3A_484 = arith.constant 25 : i32
    %dma_start3A_485 = arith.constant 0 : i32
    %dma_start3A_486 = arith.constant 0 : i32
    %dma_start3A_487 = tpu.memref_slice %arg10[%dma_start3A_484, %dma_start3A_485, %dma_start3A_486] : memref<32x8x64xf32, #tpu.memory_space<vmem>> -> memref<1x8x64xf32, #tpu.memory_space<vmem>>
    %dma_start3A_488 = tpu.memref_squeeze %dma_start3A_487 : memref<1x8x64xf32, #tpu.memory_space<vmem>> -> memref<8x64xf32, #tpu.memory_space<vmem>>
    %dma_start3A_489 = arith.constant 0 : i32
    %dma_start3A_490 = arith.constant 0 : i32
    %dma_start3A_491 = tpu.memref_slice %arg5[%squeeze3A_483, %dma_start3A_489, %dma_start3A_490] : memref<125000x8x64xf32, #tpu.memory_space<hbm>> -> memref<1x8x64xf32, #tpu.memory_space<hbm>>
    %dma_start3A_492 = tpu.memref_squeeze %dma_start3A_491 : memref<1x8x64xf32, #tpu.memory_space<hbm>> -> memref<8x64xf32, #tpu.memory_space<hbm>>
    %dma_start3A_493 = arith.constant 0 : i32
    %dma_start3A_494 = arith.constant 0 : i32
    %dma_start3A_495 = tpu.memref_slice %arg10[%dma_start3A_484, %dma_start3A_493, %dma_start3A_494] : memref<32x8x64xf32, #tpu.memory_space<vmem>> -> memref<1x8x64xf32, #tpu.memory_space<vmem>>
    %dma_start3A_496 = tpu.memref_squeeze %dma_start3A_495 : memref<1x8x64xf32, #tpu.memory_space<vmem>> -> memref<8x64xf32, #tpu.memory_space<vmem>>
    %dma_start3A_497 = arith.constant 0 : i32
    %dma_start3A_498 = arith.constant 0 : i32
    %dma_start3A_499 = tpu.memref_slice %arg5[%squeeze3A_483, %dma_start3A_497, %dma_start3A_498] : memref<125000x8x64xf32, #tpu.memory_space<hbm>> -> memref<1x8x64xf32, #tpu.memory_space<hbm>>
    %dma_start3A_500 = tpu.memref_squeeze %dma_start3A_499 : memref<1x8x64xf32, #tpu.memory_space<hbm>> -> memref<8x64xf32, #tpu.memory_space<hbm>>
    tpu.enqueue_dma source(%dma_start3A_500 : memref<8x64xf32, #tpu.memory_space<hbm>>) target(%dma_start3A_496 : memref<8x64xf32, #tpu.memory_space<vmem>>) target_semaphore(%arg13 : memref<!tpu.dma_semaphore, #tpu.memory_space<semaphore_mem>>)
    %slice3A_501 = vector.extract_strided_slice %get3A_310 {offsets = [10], sizes = [1], strides = [1]} : vector<16xi32> to vector<1xi32>
    %squeeze3A_502 = vector.extract %slice3A_501[0] : i32 from vector<1xi32>
    %dma_start3A_503 = arith.constant 26 : i32
    %dma_start3A_504 = arith.constant 0 : i32
    %dma_start3A_505 = arith.constant 0 : i32
    %dma_start3A_506 = tpu.memref_slice %arg10[%dma_start3A_503, %dma_start3A_504, %dma_start3A_505] : memref<32x8x64xf32, #tpu.memory_space<vmem>> -> memref<1x8x64xf32, #tpu.memory_space<vmem>>
    %dma_start3A_507 = tpu.memref_squeeze %dma_start3A_506 : memref<1x8x64xf32, #tpu.memory_space<vmem>> -> memref<8x64xf32, #tpu.memory_space<vmem>>
    %dma_start3A_508 = arith.constant 0 : i32
    %dma_start3A_509 = arith.constant 0 : i32
    %dma_start3A_510 = tpu.memref_slice %arg5[%squeeze3A_502, %dma_start3A_508, %dma_start3A_509] : memref<125000x8x64xf32, #tpu.memory_space<hbm>> -> memref<1x8x64xf32, #tpu.memory_space<hbm>>
    %dma_start3A_511 = tpu.memref_squeeze %dma_start3A_510 : memref<1x8x64xf32, #tpu.memory_space<hbm>> -> memref<8x64xf32, #tpu.memory_space<hbm>>
    %dma_start3A_512 = arith.constant 0 : i32
    %dma_start3A_513 = arith.constant 0 : i32
    %dma_start3A_514 = tpu.memref_slice %arg10[%dma_start3A_503, %dma_start3A_512, %dma_start3A_513] : memref<32x8x64xf32, #tpu.memory_space<vmem>> -> memref<1x8x64xf32, #tpu.memory_space<vmem>>
    %dma_start3A_515 = tpu.memref_squeeze %dma_start3A_514 : memref<1x8x64xf32, #tpu.memory_space<vmem>> -> memref<8x64xf32, #tpu.memory_space<vmem>>
    %dma_start3A_516 = arith.constant 0 : i32
    %dma_start3A_517 = arith.constant 0 : i32
    %dma_start3A_518 = tpu.memref_slice %arg5[%squeeze3A_502, %dma_start3A_516, %dma_start3A_517] : memref<125000x8x64xf32, #tpu.memory_space<hbm>> -> memref<1x8x64xf32, #tpu.memory_space<hbm>>
    %dma_start3A_519 = tpu.memref_squeeze %dma_start3A_518 : memref<1x8x64xf32, #tpu.memory_space<hbm>> -> memref<8x64xf32, #tpu.memory_space<hbm>>
    tpu.enqueue_dma source(%dma_start3A_519 : memref<8x64xf32, #tpu.memory_space<hbm>>) target(%dma_start3A_515 : memref<8x64xf32, #tpu.memory_space<vmem>>) target_semaphore(%arg13 : memref<!tpu.dma_semaphore, #tpu.memory_space<semaphore_mem>>)
    %slice3A_520 = vector.extract_strided_slice %get3A_310 {offsets = [11], sizes = [1], strides = [1]} : vector<16xi32> to vector<1xi32>
    %squeeze3A_521 = vector.extract %slice3A_520[0] : i32 from vector<1xi32>
    %dma_start3A_522 = arith.constant 27 : i32
    %dma_start3A_523 = arith.constant 0 : i32
    %dma_start3A_524 = arith.constant 0 : i32
    %dma_start3A_525 = tpu.memref_slice %arg10[%dma_start3A_522, %dma_start3A_523, %dma_start3A_524] : memref<32x8x64xf32, #tpu.memory_space<vmem>> -> memref<1x8x64xf32, #tpu.memory_space<vmem>>
    %dma_start3A_526 = tpu.memref_squeeze %dma_start3A_525 : memref<1x8x64xf32, #tpu.memory_space<vmem>> -> memref<8x64xf32, #tpu.memory_space<vmem>>
    %dma_start3A_527 = arith.constant 0 : i32
    %dma_start3A_528 = arith.constant 0 : i32
    %dma_start3A_529 = tpu.memref_slice %arg5[%squeeze3A_521, %dma_start3A_527, %dma_start3A_528] : memref<125000x8x64xf32, #tpu.memory_space<hbm>> -> memref<1x8x64xf32, #tpu.memory_space<hbm>>
    %dma_start3A_530 = tpu.memref_squeeze %dma_start3A_529 : memref<1x8x64xf32, #tpu.memory_space<hbm>> -> memref<8x64xf32, #tpu.memory_space<hbm>>
    %dma_start3A_531 = arith.constant 0 : i32
    %dma_start3A_532 = arith.constant 0 : i32
    %dma_start3A_533 = tpu.memref_slice %arg10[%dma_start3A_522, %dma_start3A_531, %dma_start3A_532] : memref<32x8x64xf32, #tpu.memory_space<vmem>> -> memref<1x8x64xf32, #tpu.memory_space<vmem>>
    %dma_start3A_534 = tpu.memref_squeeze %dma_start3A_533 : memref<1x8x64xf32, #tpu.memory_space<vmem>> -> memref<8x64xf32, #tpu.memory_space<vmem>>
    %dma_start3A_535 = arith.constant 0 : i32
    %dma_start3A_536 = arith.constant 0 : i32
    %dma_start3A_537 = tpu.memref_slice %arg5[%squeeze3A_521, %dma_start3A_535, %dma_start3A_536] : memref<125000x8x64xf32, #tpu.memory_space<hbm>> -> memref<1x8x64xf32, #tpu.memory_space<hbm>>
    %dma_start3A_538 = tpu.memref_squeeze %dma_start3A_537 : memref<1x8x64xf32, #tpu.memory_space<hbm>> -> memref<8x64xf32, #tpu.memory_space<hbm>>
    tpu.enqueue_dma source(%dma_start3A_538 : memref<8x64xf32, #tpu.memory_space<hbm>>) target(%dma_start3A_534 : memref<8x64xf32, #tpu.memory_space<vmem>>) target_semaphore(%arg13 : memref<!tpu.dma_semaphore, #tpu.memory_space<semaphore_mem>>)
    %slice3A_539 = vector.extract_strided_slice %get3A_310 {offsets = [12], sizes = [1], strides = [1]} : vector<16xi32> to vector<1xi32>
    %squeeze3A_540 = vector.extract %slice3A_539[0] : i32 from vector<1xi32>
    %dma_start3A_541 = arith.constant 28 : i32
    %dma_start3A_542 = arith.constant 0 : i32
    %dma_start3A_543 = arith.constant 0 : i32
    %dma_start3A_544 = tpu.memref_slice %arg10[%dma_start3A_541, %dma_start3A_542, %dma_start3A_543] : memref<32x8x64xf32, #tpu.memory_space<vmem>> -> memref<1x8x64xf32, #tpu.memory_space<vmem>>
    %dma_start3A_545 = tpu.memref_squeeze %dma_start3A_544 : memref<1x8x64xf32, #tpu.memory_space<vmem>> -> memref<8x64xf32, #tpu.memory_space<vmem>>
    %dma_start3A_546 = arith.constant 0 : i32
    %dma_start3A_547 = arith.constant 0 : i32
    %dma_start3A_548 = tpu.memref_slice %arg5[%squeeze3A_540, %dma_start3A_546, %dma_start3A_547] : memref<125000x8x64xf32, #tpu.memory_space<hbm>> -> memref<1x8x64xf32, #tpu.memory_space<hbm>>
    %dma_start3A_549 = tpu.memref_squeeze %dma_start3A_548 : memref<1x8x64xf32, #tpu.memory_space<hbm>> -> memref<8x64xf32, #tpu.memory_space<hbm>>
    %dma_start3A_550 = arith.constant 0 : i32
    %dma_start3A_551 = arith.constant 0 : i32
    %dma_start3A_552 = tpu.memref_slice %arg10[%dma_start3A_541, %dma_start3A_550, %dma_start3A_551] : memref<32x8x64xf32, #tpu.memory_space<vmem>> -> memref<1x8x64xf32, #tpu.memory_space<vmem>>
    %dma_start3A_553 = tpu.memref_squeeze %dma_start3A_552 : memref<1x8x64xf32, #tpu.memory_space<vmem>> -> memref<8x64xf32, #tpu.memory_space<vmem>>
    %dma_start3A_554 = arith.constant 0 : i32
    %dma_start3A_555 = arith.constant 0 : i32
    %dma_start3A_556 = tpu.memref_slice %arg5[%squeeze3A_540, %dma_start3A_554, %dma_start3A_555] : memref<125000x8x64xf32, #tpu.memory_space<hbm>> -> memref<1x8x64xf32, #tpu.memory_space<hbm>>
    %dma_start3A_557 = tpu.memref_squeeze %dma_start3A_556 : memref<1x8x64xf32, #tpu.memory_space<hbm>> -> memref<8x64xf32, #tpu.memory_space<hbm>>
    tpu.enqueue_dma source(%dma_start3A_557 : memref<8x64xf32, #tpu.memory_space<hbm>>) target(%dma_start3A_553 : memref<8x64xf32, #tpu.memory_space<vmem>>) target_semaphore(%arg13 : memref<!tpu.dma_semaphore, #tpu.memory_space<semaphore_mem>>)
    %slice3A_558 = vector.extract_strided_slice %get3A_310 {offsets = [13], sizes = [1], strides = [1]} : vector<16xi32> to vector<1xi32>
    %squeeze3A_559 = vector.extract %slice3A_558[0] : i32 from vector<1xi32>
    %dma_start3A_560 = arith.constant 29 : i32
    %dma_start3A_561 = arith.constant 0 : i32
    %dma_start3A_562 = arith.constant 0 : i32
    %dma_start3A_563 = tpu.memref_slice %arg10[%dma_start3A_560, %dma_start3A_561, %dma_start3A_562] : memref<32x8x64xf32, #tpu.memory_space<vmem>> -> memref<1x8x64xf32, #tpu.memory_space<vmem>>
    %dma_start3A_564 = tpu.memref_squeeze %dma_start3A_563 : memref<1x8x64xf32, #tpu.memory_space<vmem>> -> memref<8x64xf32, #tpu.memory_space<vmem>>
    %dma_start3A_565 = arith.constant 0 : i32
    %dma_start3A_566 = arith.constant 0 : i32
    %dma_start3A_567 = tpu.memref_slice %arg5[%squeeze3A_559, %dma_start3A_565, %dma_start3A_566] : memref<125000x8x64xf32, #tpu.memory_space<hbm>> -> memref<1x8x64xf32, #tpu.memory_space<hbm>>
    %dma_start3A_568 = tpu.memref_squeeze %dma_start3A_567 : memref<1x8x64xf32, #tpu.memory_space<hbm>> -> memref<8x64xf32, #tpu.memory_space<hbm>>
    %dma_start3A_569 = arith.constant 0 : i32
    %dma_start3A_570 = arith.constant 0 : i32
    %dma_start3A_571 = tpu.memref_slice %arg10[%dma_start3A_560, %dma_start3A_569, %dma_start3A_570] : memref<32x8x64xf32, #tpu.memory_space<vmem>> -> memref<1x8x64xf32, #tpu.memory_space<vmem>>
    %dma_start3A_572 = tpu.memref_squeeze %dma_start3A_571 : memref<1x8x64xf32, #tpu.memory_space<vmem>> -> memref<8x64xf32, #tpu.memory_space<vmem>>
    %dma_start3A_573 = arith.constant 0 : i32
    %dma_start3A_574 = arith.constant 0 : i32
    %dma_start3A_575 = tpu.memref_slice %arg5[%squeeze3A_559, %dma_start3A_573, %dma_start3A_574] : memref<125000x8x64xf32, #tpu.memory_space<hbm>> -> memref<1x8x64xf32, #tpu.memory_space<hbm>>
    %dma_start3A_576 = tpu.memref_squeeze %dma_start3A_575 : memref<1x8x64xf32, #tpu.memory_space<hbm>> -> memref<8x64xf32, #tpu.memory_space<hbm>>
    tpu.enqueue_dma source(%dma_start3A_576 : memref<8x64xf32, #tpu.memory_space<hbm>>) target(%dma_start3A_572 : memref<8x64xf32, #tpu.memory_space<vmem>>) target_semaphore(%arg13 : memref<!tpu.dma_semaphore, #tpu.memory_space<semaphore_mem>>)
    %slice3A_577 = vector.extract_strided_slice %get3A_310 {offsets = [14], sizes = [1], strides = [1]} : vector<16xi32> to vector<1xi32>
    %squeeze3A_578 = vector.extract %slice3A_577[0] : i32 from vector<1xi32>
    %dma_start3A_579 = arith.constant 30 : i32
    %dma_start3A_580 = arith.constant 0 : i32
    %dma_start3A_581 = arith.constant 0 : i32
    %dma_start3A_582 = tpu.memref_slice %arg10[%dma_start3A_579, %dma_start3A_580, %dma_start3A_581] : memref<32x8x64xf32, #tpu.memory_space<vmem>> -> memref<1x8x64xf32, #tpu.memory_space<vmem>>
    %dma_start3A_583 = tpu.memref_squeeze %dma_start3A_582 : memref<1x8x64xf32, #tpu.memory_space<vmem>> -> memref<8x64xf32, #tpu.memory_space<vmem>>
    %dma_start3A_584 = arith.constant 0 : i32
    %dma_start3A_585 = arith.constant 0 : i32
    %dma_start3A_586 = tpu.memref_slice %arg5[%squeeze3A_578, %dma_start3A_584, %dma_start3A_585] : memref<125000x8x64xf32, #tpu.memory_space<hbm>> -> memref<1x8x64xf32, #tpu.memory_space<hbm>>
    %dma_start3A_587 = tpu.memref_squeeze %dma_start3A_586 : memref<1x8x64xf32, #tpu.memory_space<hbm>> -> memref<8x64xf32, #tpu.memory_space<hbm>>
    %dma_start3A_588 = arith.constant 0 : i32
    %dma_start3A_589 = arith.constant 0 : i32
    %dma_start3A_590 = tpu.memref_slice %arg10[%dma_start3A_579, %dma_start3A_588, %dma_start3A_589] : memref<32x8x64xf32, #tpu.memory_space<vmem>> -> memref<1x8x64xf32, #tpu.memory_space<vmem>>
    %dma_start3A_591 = tpu.memref_squeeze %dma_start3A_590 : memref<1x8x64xf32, #tpu.memory_space<vmem>> -> memref<8x64xf32, #tpu.memory_space<vmem>>
    %dma_start3A_592 = arith.constant 0 : i32
    %dma_start3A_593 = arith.constant 0 : i32
    %dma_start3A_594 = tpu.memref_slice %arg5[%squeeze3A_578, %dma_start3A_592, %dma_start3A_593] : memref<125000x8x64xf32, #tpu.memory_space<hbm>> -> memref<1x8x64xf32, #tpu.memory_space<hbm>>
    %dma_start3A_595 = tpu.memref_squeeze %dma_start3A_594 : memref<1x8x64xf32, #tpu.memory_space<hbm>> -> memref<8x64xf32, #tpu.memory_space<hbm>>
    tpu.enqueue_dma source(%dma_start3A_595 : memref<8x64xf32, #tpu.memory_space<hbm>>) target(%dma_start3A_591 : memref<8x64xf32, #tpu.memory_space<vmem>>) target_semaphore(%arg13 : memref<!tpu.dma_semaphore, #tpu.memory_space<semaphore_mem>>)
    %slice3A_596 = vector.extract_strided_slice %get3A_310 {offsets = [15], sizes = [1], strides = [1]} : vector<16xi32> to vector<1xi32>
    %squeeze3A_597 = vector.extract %slice3A_596[0] : i32 from vector<1xi32>
    %dma_start3A_598 = arith.constant 31 : i32
    %dma_start3A_599 = arith.constant 0 : i32
    %dma_start3A_600 = arith.constant 0 : i32
    %dma_start3A_601 = tpu.memref_slice %arg10[%dma_start3A_598, %dma_start3A_599, %dma_start3A_600] : memref<32x8x64xf32, #tpu.memory_space<vmem>> -> memref<1x8x64xf32, #tpu.memory_space<vmem>>
    %dma_start3A_602 = tpu.memref_squeeze %dma_start3A_601 : memref<1x8x64xf32, #tpu.memory_space<vmem>> -> memref<8x64xf32, #tpu.memory_space<vmem>>
    %dma_start3A_603 = arith.constant 0 : i32
    %dma_start3A_604 = arith.constant 0 : i32
    %dma_start3A_605 = tpu.memref_slice %arg5[%squeeze3A_597, %dma_start3A_603, %dma_start3A_604] : memref<125000x8x64xf32, #tpu.memory_space<hbm>> -> memref<1x8x64xf32, #tpu.memory_space<hbm>>
    %dma_start3A_606 = tpu.memref_squeeze %dma_start3A_605 : memref<1x8x64xf32, #tpu.memory_space<hbm>> -> memref<8x64xf32, #tpu.memory_space<hbm>>
    %dma_start3A_607 = arith.constant 0 : i32
    %dma_start3A_608 = arith.constant 0 : i32
    %dma_start3A_609 = tpu.memref_slice %arg10[%dma_start3A_598, %dma_start3A_607, %dma_start3A_608] : memref<32x8x64xf32, #tpu.memory_space<vmem>> -> memref<1x8x64xf32, #tpu.memory_space<vmem>>
    %dma_start3A_610 = tpu.memref_squeeze %dma_start3A_609 : memref<1x8x64xf32, #tpu.memory_space<vmem>> -> memref<8x64xf32, #tpu.memory_space<vmem>>
    %dma_start3A_611 = arith.constant 0 : i32
    %dma_start3A_612 = arith.constant 0 : i32
    %dma_start3A_613 = tpu.memref_slice %arg5[%squeeze3A_597, %dma_start3A_611, %dma_start3A_612] : memref<125000x8x64xf32, #tpu.memory_space<hbm>> -> memref<1x8x64xf32, #tpu.memory_space<hbm>>
    %dma_start3A_614 = tpu.memref_squeeze %dma_start3A_613 : memref<1x8x64xf32, #tpu.memory_space<hbm>> -> memref<8x64xf32, #tpu.memory_space<hbm>>
    tpu.enqueue_dma source(%dma_start3A_614 : memref<8x64xf32, #tpu.memory_space<hbm>>) target(%dma_start3A_610 : memref<8x64xf32, #tpu.memory_space<vmem>>) target_semaphore(%arg13 : memref<!tpu.dma_semaphore, #tpu.memory_space<semaphore_mem>>)
    %get3A_615 = arith.constant 1 : i32
    %get3A_616 = arith.index_cast %get3A_615 : i32 to index
    %get3A_617 = arith.constant 0 : index
    %get3A_618 = tpu.vector_load %arg7[%get3A_616, %get3A_617] {strides = array<i32>} : memref<46x32xi32, #tpu.memory_space<vmem>>, vector<16xi32>,
    %slice3A_619 = vector.extract_strided_slice %get3A_618 {offsets = [0], sizes = [1], strides = [1]} : vector<16xi32> to vector<1xi32>
    %squeeze3A_620 = vector.extract %slice3A_619[0] : i32 from vector<1xi32>
    %dma_start3A_621 = arith.constant 0 : i32
    %dma_start3A_622 = arith.constant 0 : i32
    %dma_start3A_623 = arith.constant 0 : i32
    %dma_start3A_624 = tpu.memref_slice %arg11[%dma_start3A_621, %dma_start3A_622, %dma_start3A_623] : memref<32x8x64xf32, #tpu.memory_space<vmem>> -> memref<1x8x64xf32, #tpu.memory_space<vmem>>
    %dma_start3A_625 = tpu.memref_squeeze %dma_start3A_624 : memref<1x8x64xf32, #tpu.memory_space<vmem>> -> memref<8x64xf32, #tpu.memory_space<vmem>>
    %dma_start3A_626 = arith.constant 0 : i32
    %dma_start3A_627 = arith.constant 0 : i32
    %dma_start3A_628 = tpu.memref_slice %arg5[%squeeze3A_620, %dma_start3A_626, %dma_start3A_627] : memref<125000x8x64xf32, #tpu.memory_space<hbm>> -> memref<1x8x64xf32, #tpu.memory_space<hbm>>
    %dma_start3A_629 = tpu.memref_squeeze %dma_start3A_628 : memref<1x8x64xf32, #tpu.memory_space<hbm>> -> memref<8x64xf32, #tpu.memory_space<hbm>>
    %dma_start3A_630 = arith.constant 0 : i32
    %dma_start3A_631 = arith.constant 0 : i32
    %dma_start3A_632 = tpu.memref_slice %arg11[%dma_start3A_621, %dma_start3A_630, %dma_start3A_631] : memref<32x8x64xf32, #tpu.memory_space<vmem>> -> memref<1x8x64xf32, #tpu.memory_space<vmem>>
    %dma_start3A_633 = tpu.memref_squeeze %dma_start3A_632 : memref<1x8x64xf32, #tpu.memory_space<vmem>> -> memref<8x64xf32, #tpu.memory_space<vmem>>
    %dma_start3A_634 = arith.constant 0 : i32
    %dma_start3A_635 = arith.constant 0 : i32
    %dma_start3A_636 = tpu.memref_slice %arg5[%squeeze3A_620, %dma_start3A_634, %dma_start3A_635] : memref<125000x8x64xf32, #tpu.memory_space<hbm>> -> memref<1x8x64xf32, #tpu.memory_space<hbm>>
    %dma_start3A_637 = tpu.memref_squeeze %dma_start3A_636 : memref<1x8x64xf32, #tpu.memory_space<hbm>> -> memref<8x64xf32, #tpu.memory_space<hbm>>
    tpu.enqueue_dma source(%dma_start3A_637 : memref<8x64xf32, #tpu.memory_space<hbm>>) target(%dma_start3A_633 : memref<8x64xf32, #tpu.memory_space<vmem>>) target_semaphore(%arg14 : memref<!tpu.dma_semaphore, #tpu.memory_space<semaphore_mem>>)
    %slice3A_638 = vector.extract_strided_slice %get3A_618 {offsets = [1], sizes = [1], strides = [1]} : vector<16xi32> to vector<1xi32>
    %squeeze3A_639 = vector.extract %slice3A_638[0] : i32 from vector<1xi32>
    %dma_start3A_640 = arith.constant 1 : i32
    %dma_start3A_641 = arith.constant 0 : i32
    %dma_start3A_642 = arith.constant 0 : i32
    %dma_start3A_643 = tpu.memref_slice %arg11[%dma_start3A_640, %dma_start3A_641, %dma_start3A_642] : memref<32x8x64xf32, #tpu.memory_space<vmem>> -> memref<1x8x64xf32, #tpu.memory_space<vmem>>
    %dma_start3A_644 = tpu.memref_squeeze %dma_start3A_643 : memref<1x8x64xf32, #tpu.memory_space<vmem>> -> memref<8x64xf32, #tpu.memory_space<vmem>>
    %dma_start3A_645 = arith.constant 0 : i32
    %dma_start3A_646 = arith.constant 0 : i32
    %dma_start3A_647 = tpu.memref_slice %arg5[%squeeze3A_639, %dma_start3A_645, %dma_start3A_646] : memref<125000x8x64xf32, #tpu.memory_space<hbm>> -> memref<1x8x64xf32, #tpu.memory_space<hbm>>
    %dma_start3A_648 = tpu.memref_squeeze %dma_start3A_647 : memref<1x8x64xf32, #tpu.memory_space<hbm>> -> memref<8x64xf32, #tpu.memory_space<hbm>>
    %dma_start3A_649 = arith.constant 0 : i32
    %dma_start3A_650 = arith.constant 0 : i32
    %dma_start3A_651 = tpu.memref_slice %arg11[%dma_start3A_640, %dma_start3A_649, %dma_start3A_650] : memref<32x8x64xf32, #tpu.memory_space<vmem>> -> memref<1x8x64xf32, #tpu.memory_space<vmem>>
    %dma_start3A_652 = tpu.memref_squeeze %dma_start3A_651 : memref<1x8x64xf32, #tpu.memory_space<vmem>> -> memref<8x64xf32, #tpu.memory_space<vmem>>
    %dma_start3A_653 = arith.constant 0 : i32
    %dma_start3A_654 = arith.constant 0 : i32
    %dma_start3A_655 = tpu.memref_slice %arg5[%squeeze3A_639, %dma_start3A_653, %dma_start3A_654] : memref<125000x8x64xf32, #tpu.memory_space<hbm>> -> memref<1x8x64xf32, #tpu.memory_space<hbm>>
    %dma_start3A_656 = tpu.memref_squeeze %dma_start3A_655 : memref<1x8x64xf32, #tpu.memory_space<hbm>> -> memref<8x64xf32, #tpu.memory_space<hbm>>
    tpu.enqueue_dma source(%dma_start3A_656 : memref<8x64xf32, #tpu.memory_space<hbm>>) target(%dma_start3A_652 : memref<8x64xf32, #tpu.memory_space<vmem>>) target_semaphore(%arg14 : memref<!tpu.dma_semaphore, #tpu.memory_space<semaphore_mem>>)
    %slice3A_657 = vector.extract_strided_slice %get3A_618 {offsets = [2], sizes = [1], strides = [1]} : vector<16xi32> to vector<1xi32>
    %squeeze3A_658 = vector.extract %slice3A_657[0] : i32 from vector<1xi32>
    %dma_start3A_659 = arith.constant 2 : i32
    %dma_start3A_660 = arith.constant 0 : i32
    %dma_start3A_661 = arith.constant 0 : i32
    %dma_start3A_662 = tpu.memref_slice %arg11[%dma_start3A_659, %dma_start3A_660, %dma_start3A_661] : memref<32x8x64xf32, #tpu.memory_space<vmem>> -> memref<1x8x64xf32, #tpu.memory_space<vmem>>
    %dma_start3A_663 = tpu.memref_squeeze %dma_start3A_662 : memref<1x8x64xf32, #tpu.memory_space<vmem>> -> memref<8x64xf32, #tpu.memory_space<vmem>>
    %dma_start3A_664 = arith.constant 0 : i32
    %dma_start3A_665 = arith.constant 0 : i32
    %dma_start3A_666 = tpu.memref_slice %arg5[%squeeze3A_658, %dma_start3A_664, %dma_start3A_665] : memref<125000x8x64xf32, #tpu.memory_space<hbm>> -> memref<1x8x64xf32, #tpu.memory_space<hbm>>
    %dma_start3A_667 = tpu.memref_squeeze %dma_start3A_666 : memref<1x8x64xf32, #tpu.memory_space<hbm>> -> memref<8x64xf32, #tpu.memory_space<hbm>>
    %dma_start3A_668 = arith.constant 0 : i32
    %dma_start3A_669 = arith.constant 0 : i32
    %dma_start3A_670 = tpu.memref_slice %arg11[%dma_start3A_659, %dma_start3A_668, %dma_start3A_669] : memref<32x8x64xf32, #tpu.memory_space<vmem>> -> memref<1x8x64xf32, #tpu.memory_space<vmem>>
    %dma_start3A_671 = tpu.memref_squeeze %dma_start3A_670 : memref<1x8x64xf32, #tpu.memory_space<vmem>> -> memref<8x64xf32, #tpu.memory_space<vmem>>
    %dma_start3A_672 = arith.constant 0 : i32
    %dma_start3A_673 = arith.constant 0 : i32
    %dma_start3A_674 = tpu.memref_slice %arg5[%squeeze3A_658, %dma_start3A_672, %dma_start3A_673] : memref<125000x8x64xf32, #tpu.memory_space<hbm>> -> memref<1x8x64xf32, #tpu.memory_space<hbm>>
    %dma_start3A_675 = tpu.memref_squeeze %dma_start3A_674 : memref<1x8x64xf32, #tpu.memory_space<hbm>> -> memref<8x64xf32, #tpu.memory_space<hbm>>
    tpu.enqueue_dma source(%dma_start3A_675 : memref<8x64xf32, #tpu.memory_space<hbm>>) target(%dma_start3A_671 : memref<8x64xf32, #tpu.memory_space<vmem>>) target_semaphore(%arg14 : memref<!tpu.dma_semaphore, #tpu.memory_space<semaphore_mem>>)
    %slice3A_676 = vector.extract_strided_slice %get3A_618 {offsets = [3], sizes = [1], strides = [1]} : vector<16xi32> to vector<1xi32>
    %squeeze3A_677 = vector.extract %slice3A_676[0] : i32 from vector<1xi32>
    %dma_start3A_678 = arith.constant 3 : i32
    %dma_start3A_679 = arith.constant 0 : i32
    %dma_start3A_680 = arith.constant 0 : i32
    %dma_start3A_681 = tpu.memref_slice %arg11[%dma_start3A_678, %dma_start3A_679, %dma_start3A_680] : memref<32x8x64xf32, #tpu.memory_space<vmem>> -> memref<1x8x64xf32, #tpu.memory_space<vmem>>
    %dma_start3A_682 = tpu.memref_squeeze %dma_start3A_681 : memref<1x8x64xf32, #tpu.memory_space<vmem>> -> memref<8x64xf32, #tpu.memory_space<vmem>>
    %dma_start3A_683 = arith.constant 0 : i32
    %dma_start3A_684 = arith.constant 0 : i32
    %dma_start3A_685 = tpu.memref_slice %arg5[%squeeze3A_677, %dma_start3A_683, %dma_start3A_684] : memref<125000x8x64xf32, #tpu.memory_space<hbm>> -> memref<1x8x64xf32, #tpu.memory_space<hbm>>
    %dma_start3A_686 = tpu.memref_squeeze %dma_start3A_685 : memref<1x8x64xf32, #tpu.memory_space<hbm>> -> memref<8x64xf32, #tpu.memory_space<hbm>>
    %dma_start3A_687 = arith.constant 0 : i32
    %dma_start3A_688 = arith.constant 0 : i32
    %dma_start3A_689 = tpu.memref_slice %arg11[%dma_start3A_678, %dma_start3A_687, %dma_start3A_688] : memref<32x8x64xf32, #tpu.memory_space<vmem>> -> memref<1x8x64xf32, #tpu.memory_space<vmem>>
    %dma_start3A_690 = tpu.memref_squeeze %dma_start3A_689 : memref<1x8x64xf32, #tpu.memory_space<vmem>> -> memref<8x64xf32, #tpu.memory_space<vmem>>
    %dma_start3A_691 = arith.constant 0 : i32
    %dma_start3A_692 = arith.constant 0 : i32
    %dma_start3A_693 = tpu.memref_slice %arg5[%squeeze3A_677, %dma_start3A_691, %dma_start3A_692] : memref<125000x8x64xf32, #tpu.memory_space<hbm>> -> memref<1x8x64xf32, #tpu.memory_space<hbm>>
    %dma_start3A_694 = tpu.memref_squeeze %dma_start3A_693 : memref<1x8x64xf32, #tpu.memory_space<hbm>> -> memref<8x64xf32, #tpu.memory_space<hbm>>
    tpu.enqueue_dma source(%dma_start3A_694 : memref<8x64xf32, #tpu.memory_space<hbm>>) target(%dma_start3A_690 : memref<8x64xf32, #tpu.memory_space<vmem>>) target_semaphore(%arg14 : memref<!tpu.dma_semaphore, #tpu.memory_space<semaphore_mem>>)
    %slice3A_695 = vector.extract_strided_slice %get3A_618 {offsets = [4], sizes = [1], strides = [1]} : vector<16xi32> to vector<1xi32>
    %squeeze3A_696 = vector.extract %slice3A_695[0] : i32 from vector<1xi32>
    %dma_start3A_697 = arith.constant 4 : i32
    %dma_start3A_698 = arith.constant 0 : i32
    %dma_start3A_699 = arith.constant 0 : i32
    %dma_start3A_700 = tpu.memref_slice %arg11[%dma_start3A_697, %dma_start3A_698, %dma_start3A_699] : memref<32x8x64xf32, #tpu.memory_space<vmem>> -> memref<1x8x64xf32, #tpu.memory_space<vmem>>
    %dma_start3A_701 = tpu.memref_squeeze %dma_start3A_700 : memref<1x8x64xf32, #tpu.memory_space<vmem>> -> memref<8x64xf32, #tpu.memory_space<vmem>>
    %dma_start3A_702 = arith.constant 0 : i32
    %dma_start3A_703 = arith.constant 0 : i32
    %dma_start3A_704 = tpu.memref_slice %arg5[%squeeze3A_696, %dma_start3A_702, %dma_start3A_703] : memref<125000x8x64xf32, #tpu.memory_space<hbm>> -> memref<1x8x64xf32, #tpu.memory_space<hbm>>
    %dma_start3A_705 = tpu.memref_squeeze %dma_start3A_704 : memref<1x8x64xf32, #tpu.memory_space<hbm>> -> memref<8x64xf32, #tpu.memory_space<hbm>>
    %dma_start3A_706 = arith.constant 0 : i32
    %dma_start3A_707 = arith.constant 0 : i32
    %dma_start3A_708 = tpu.memref_slice %arg11[%dma_start3A_697, %dma_start3A_706, %dma_start3A_707] : memref<32x8x64xf32, #tpu.memory_space<vmem>> -> memref<1x8x64xf32, #tpu.memory_space<vmem>>
    %dma_start3A_709 = tpu.memref_squeeze %dma_start3A_708 : memref<1x8x64xf32, #tpu.memory_space<vmem>> -> memref<8x64xf32, #tpu.memory_space<vmem>>
    %dma_start3A_710 = arith.constant 0 : i32
    %dma_start3A_711 = arith.constant 0 : i32
    %dma_start3A_712 = tpu.memref_slice %arg5[%squeeze3A_696, %dma_start3A_710, %dma_start3A_711] : memref<125000x8x64xf32, #tpu.memory_space<hbm>> -> memref<1x8x64xf32, #tpu.memory_space<hbm>>
    %dma_start3A_713 = tpu.memref_squeeze %dma_start3A_712 : memref<1x8x64xf32, #tpu.memory_space<hbm>> -> memref<8x64xf32, #tpu.memory_space<hbm>>
    tpu.enqueue_dma source(%dma_start3A_713 : memref<8x64xf32, #tpu.memory_space<hbm>>) target(%dma_start3A_709 : memref<8x64xf32, #tpu.memory_space<vmem>>) target_semaphore(%arg14 : memref<!tpu.dma_semaphore, #tpu.memory_space<semaphore_mem>>)
    %slice3A_714 = vector.extract_strided_slice %get3A_618 {offsets = [5], sizes = [1], strides = [1]} : vector<16xi32> to vector<1xi32>
    %squeeze3A_715 = vector.extract %slice3A_714[0] : i32 from vector<1xi32>
    %dma_start3A_716 = arith.constant 5 : i32
    %dma_start3A_717 = arith.constant 0 : i32
    %dma_start3A_718 = arith.constant 0 : i32
    %dma_start3A_719 = tpu.memref_slice %arg11[%dma_start3A_716, %dma_start3A_717, %dma_start3A_718] : memref<32x8x64xf32, #tpu.memory_space<vmem>> -> memref<1x8x64xf32, #tpu.memory_space<vmem>>
    %dma_start3A_720 = tpu.memref_squeeze %dma_start3A_719 : memref<1x8x64xf32, #tpu.memory_space<vmem>> -> memref<8x64xf32, #tpu.memory_space<vmem>>
    %dma_start3A_721 = arith.constant 0 : i32
    %dma_start3A_722 = arith.constant 0 : i32
    %dma_start3A_723 = tpu.memref_slice %arg5[%squeeze3A_715, %dma_start3A_721, %dma_start3A_722] : memref<125000x8x64xf32, #tpu.memory_space<hbm>> -> memref<1x8x64xf32, #tpu.memory_space<hbm>>
    %dma_start3A_724 = tpu.memref_squeeze %dma_start3A_723 : memref<1x8x64xf32, #tpu.memory_space<hbm>> -> memref<8x64xf32, #tpu.memory_space<hbm>>
    %dma_start3A_725 = arith.constant 0 : i32
    %dma_start3A_726 = arith.constant 0 : i32
    %dma_start3A_727 = tpu.memref_slice %arg11[%dma_start3A_716, %dma_start3A_725, %dma_start3A_726] : memref<32x8x64xf32, #tpu.memory_space<vmem>> -> memref<1x8x64xf32, #tpu.memory_space<vmem>>
    %dma_start3A_728 = tpu.memref_squeeze %dma_start3A_727 : memref<1x8x64xf32, #tpu.memory_space<vmem>> -> memref<8x64xf32, #tpu.memory_space<vmem>>
    %dma_start3A_729 = arith.constant 0 : i32
    %dma_start3A_730 = arith.constant 0 : i32
    %dma_start3A_731 = tpu.memref_slice %arg5[%squeeze3A_715, %dma_start3A_729, %dma_start3A_730] : memref<125000x8x64xf32, #tpu.memory_space<hbm>> -> memref<1x8x64xf32, #tpu.memory_space<hbm>>
    %dma_start3A_732 = tpu.memref_squeeze %dma_start3A_731 : memref<1x8x64xf32, #tpu.memory_space<hbm>> -> memref<8x64xf32, #tpu.memory_space<hbm>>
    tpu.enqueue_dma source(%dma_start3A_732 : memref<8x64xf32, #tpu.memory_space<hbm>>) target(%dma_start3A_728 : memref<8x64xf32, #tpu.memory_space<vmem>>) target_semaphore(%arg14 : memref<!tpu.dma_semaphore, #tpu.memory_space<semaphore_mem>>)
    %slice3A_733 = vector.extract_strided_slice %get3A_618 {offsets = [6], sizes = [1], strides = [1]} : vector<16xi32> to vector<1xi32>
    %squeeze3A_734 = vector.extract %slice3A_733[0] : i32 from vector<1xi32>
    %dma_start3A_735 = arith.constant 6 : i32
    %dma_start3A_736 = arith.constant 0 : i32
    %dma_start3A_737 = arith.constant 0 : i32
    %dma_start3A_738 = tpu.memref_slice %arg11[%dma_start3A_735, %dma_start3A_736, %dma_start3A_737] : memref<32x8x64xf32, #tpu.memory_space<vmem>> -> memref<1x8x64xf32, #tpu.memory_space<vmem>>
    %dma_start3A_739 = tpu.memref_squeeze %dma_start3A_738 : memref<1x8x64xf32, #tpu.memory_space<vmem>> -> memref<8x64xf32, #tpu.memory_space<vmem>>
    %dma_start3A_740 = arith.constant 0 : i32
    %dma_start3A_741 = arith.constant 0 : i32
    %dma_start3A_742 = tpu.memref_slice %arg5[%squeeze3A_734, %dma_start3A_740, %dma_start3A_741] : memref<125000x8x64xf32, #tpu.memory_space<hbm>> -> memref<1x8x64xf32, #tpu.memory_space<hbm>>
    %dma_start3A_743 = tpu.memref_squeeze %dma_start3A_742 : memref<1x8x64xf32, #tpu.memory_space<hbm>> -> memref<8x64xf32, #tpu.memory_space<hbm>>
    %dma_start3A_744 = arith.constant 0 : i32
    %dma_start3A_745 = arith.constant 0 : i32
    %dma_start3A_746 = tpu.memref_slice %arg11[%dma_start3A_735, %dma_start3A_744, %dma_start3A_745] : memref<32x8x64xf32, #tpu.memory_space<vmem>> -> memref<1x8x64xf32, #tpu.memory_space<vmem>>
    %dma_start3A_747 = tpu.memref_squeeze %dma_start3A_746 : memref<1x8x64xf32, #tpu.memory_space<vmem>> -> memref<8x64xf32, #tpu.memory_space<vmem>>
    %dma_start3A_748 = arith.constant 0 : i32
    %dma_start3A_749 = arith.constant 0 : i32
    %dma_start3A_750 = tpu.memref_slice %arg5[%squeeze3A_734, %dma_start3A_748, %dma_start3A_749] : memref<125000x8x64xf32, #tpu.memory_space<hbm>> -> memref<1x8x64xf32, #tpu.memory_space<hbm>>
    %dma_start3A_751 = tpu.memref_squeeze %dma_start3A_750 : memref<1x8x64xf32, #tpu.memory_space<hbm>> -> memref<8x64xf32, #tpu.memory_space<hbm>>
    tpu.enqueue_dma source(%dma_start3A_751 : memref<8x64xf32, #tpu.memory_space<hbm>>) target(%dma_start3A_747 : memref<8x64xf32, #tpu.memory_space<vmem>>) target_semaphore(%arg14 : memref<!tpu.dma_semaphore, #tpu.memory_space<semaphore_mem>>)
    %slice3A_752 = vector.extract_strided_slice %get3A_618 {offsets = [7], sizes = [1], strides = [1]} : vector<16xi32> to vector<1xi32>
    %squeeze3A_753 = vector.extract %slice3A_752[0] : i32 from vector<1xi32>
    %dma_start3A_754 = arith.constant 7 : i32
    %dma_start3A_755 = arith.constant 0 : i32
    %dma_start3A_756 = arith.constant 0 : i32
    %dma_start3A_757 = tpu.memref_slice %arg11[%dma_start3A_754, %dma_start3A_755, %dma_start3A_756] : memref<32x8x64xf32, #tpu.memory_space<vmem>> -> memref<1x8x64xf32, #tpu.memory_space<vmem>>
    %dma_start3A_758 = tpu.memref_squeeze %dma_start3A_757 : memref<1x8x64xf32, #tpu.memory_space<vmem>> -> memref<8x64xf32, #tpu.memory_space<vmem>>
    %dma_start3A_759 = arith.constant 0 : i32
    %dma_start3A_760 = arith.constant 0 : i32
    %dma_start3A_761 = tpu.memref_slice %arg5[%squeeze3A_753, %dma_start3A_759, %dma_start3A_760] : memref<125000x8x64xf32, #tpu.memory_space<hbm>> -> memref<1x8x64xf32, #tpu.memory_space<hbm>>
    %dma_start3A_762 = tpu.memref_squeeze %dma_start3A_761 : memref<1x8x64xf32, #tpu.memory_space<hbm>> -> memref<8x64xf32, #tpu.memory_space<hbm>>
    %dma_start3A_763 = arith.constant 0 : i32
    %dma_start3A_764 = arith.constant 0 : i32
    %dma_start3A_765 = tpu.memref_slice %arg11[%dma_start3A_754, %dma_start3A_763, %dma_start3A_764] : memref<32x8x64xf32, #tpu.memory_space<vmem>> -> memref<1x8x64xf32, #tpu.memory_space<vmem>>
    %dma_start3A_766 = tpu.memref_squeeze %dma_start3A_765 : memref<1x8x64xf32, #tpu.memory_space<vmem>> -> memref<8x64xf32, #tpu.memory_space<vmem>>
    %dma_start3A_767 = arith.constant 0 : i32
    %dma_start3A_768 = arith.constant 0 : i32
    %dma_start3A_769 = tpu.memref_slice %arg5[%squeeze3A_753, %dma_start3A_767, %dma_start3A_768] : memref<125000x8x64xf32, #tpu.memory_space<hbm>> -> memref<1x8x64xf32, #tpu.memory_space<hbm>>
    %dma_start3A_770 = tpu.memref_squeeze %dma_start3A_769 : memref<1x8x64xf32, #tpu.memory_space<hbm>> -> memref<8x64xf32, #tpu.memory_space<hbm>>
    tpu.enqueue_dma source(%dma_start3A_770 : memref<8x64xf32, #tpu.memory_space<hbm>>) target(%dma_start3A_766 : memref<8x64xf32, #tpu.memory_space<vmem>>) target_semaphore(%arg14 : memref<!tpu.dma_semaphore, #tpu.memory_space<semaphore_mem>>)
    %slice3A_771 = vector.extract_strided_slice %get3A_618 {offsets = [8], sizes = [1], strides = [1]} : vector<16xi32> to vector<1xi32>
    %squeeze3A_772 = vector.extract %slice3A_771[0] : i32 from vector<1xi32>
    %dma_start3A_773 = arith.constant 8 : i32
    %dma_start3A_774 = arith.constant 0 : i32
    %dma_start3A_775 = arith.constant 0 : i32
    %dma_start3A_776 = tpu.memref_slice %arg11[%dma_start3A_773, %dma_start3A_774, %dma_start3A_775] : memref<32x8x64xf32, #tpu.memory_space<vmem>> -> memref<1x8x64xf32, #tpu.memory_space<vmem>>
    %dma_start3A_777 = tpu.memref_squeeze %dma_start3A_776 : memref<1x8x64xf32, #tpu.memory_space<vmem>> -> memref<8x64xf32, #tpu.memory_space<vmem>>
    %dma_start3A_778 = arith.constant 0 : i32
    %dma_start3A_779 = arith.constant 0 : i32
    %dma_start3A_780 = tpu.memref_slice %arg5[%squeeze3A_772, %dma_start3A_778, %dma_start3A_779] : memref<125000x8x64xf32, #tpu.memory_space<hbm>> -> memref<1x8x64xf32, #tpu.memory_space<hbm>>
    %dma_start3A_781 = tpu.memref_squeeze %dma_start3A_780 : memref<1x8x64xf32, #tpu.memory_space<hbm>> -> memref<8x64xf32, #tpu.memory_space<hbm>>
    %dma_start3A_782 = arith.constant 0 : i32
    %dma_start3A_783 = arith.constant 0 : i32
    %dma_start3A_784 = tpu.memref_slice %arg11[%dma_start3A_773, %dma_start3A_782, %dma_start3A_783] : memref<32x8x64xf32, #tpu.memory_space<vmem>> -> memref<1x8x64xf32, #tpu.memory_space<vmem>>
    %dma_start3A_785 = tpu.memref_squeeze %dma_start3A_784 : memref<1x8x64xf32, #tpu.memory_space<vmem>> -> memref<8x64xf32, #tpu.memory_space<vmem>>
    %dma_start3A_786 = arith.constant 0 : i32
    %dma_start3A_787 = arith.constant 0 : i32
    %dma_start3A_788 = tpu.memref_slice %arg5[%squeeze3A_772, %dma_start3A_786, %dma_start3A_787] : memref<125000x8x64xf32, #tpu.memory_space<hbm>> -> memref<1x8x64xf32, #tpu.memory_space<hbm>>
    %dma_start3A_789 = tpu.memref_squeeze %dma_start3A_788 : memref<1x8x64xf32, #tpu.memory_space<hbm>> -> memref<8x64xf32, #tpu.memory_space<hbm>>
    tpu.enqueue_dma source(%dma_start3A_789 : memref<8x64xf32, #tpu.memory_space<hbm>>) target(%dma_start3A_785 : memref<8x64xf32, #tpu.memory_space<vmem>>) target_semaphore(%arg14 : memref<!tpu.dma_semaphore, #tpu.memory_space<semaphore_mem>>)
    %slice3A_790 = vector.extract_strided_slice %get3A_618 {offsets = [9], sizes = [1], strides = [1]} : vector<16xi32> to vector<1xi32>
    %squeeze3A_791 = vector.extract %slice3A_790[0] : i32 from vector<1xi32>
    %dma_start3A_792 = arith.constant 9 : i32
    %dma_start3A_793 = arith.constant 0 : i32
    %dma_start3A_794 = arith.constant 0 : i32
    %dma_start3A_795 = tpu.memref_slice %arg11[%dma_start3A_792, %dma_start3A_793, %dma_start3A_794] : memref<32x8x64xf32, #tpu.memory_space<vmem>> -> memref<1x8x64xf32, #tpu.memory_space<vmem>>
    %dma_start3A_796 = tpu.memref_squeeze %dma_start3A_795 : memref<1x8x64xf32, #tpu.memory_space<vmem>> -> memref<8x64xf32, #tpu.memory_space<vmem>>
    %dma_start3A_797 = arith.constant 0 : i32
    %dma_start3A_798 = arith.constant 0 : i32
    %dma_start3A_799 = tpu.memref_slice %arg5[%squeeze3A_791, %dma_start3A_797, %dma_start3A_798] : memref<125000x8x64xf32, #tpu.memory_space<hbm>> -> memref<1x8x64xf32, #tpu.memory_space<hbm>>
    %dma_start3A_800 = tpu.memref_squeeze %dma_start3A_799 : memref<1x8x64xf32, #tpu.memory_space<hbm>> -> memref<8x64xf32, #tpu.memory_space<hbm>>
    %dma_start3A_801 = arith.constant 0 : i32
    %dma_start3A_802 = arith.constant 0 : i32
    %dma_start3A_803 = tpu.memref_slice %arg11[%dma_start3A_792, %dma_start3A_801, %dma_start3A_802] : memref<32x8x64xf32, #tpu.memory_space<vmem>> -> memref<1x8x64xf32, #tpu.memory_space<vmem>>
    %dma_start3A_804 = tpu.memref_squeeze %dma_start3A_803 : memref<1x8x64xf32, #tpu.memory_space<vmem>> -> memref<8x64xf32, #tpu.memory_space<vmem>>
    %dma_start3A_805 = arith.constant 0 : i32
    %dma_start3A_806 = arith.constant 0 : i32
    %dma_start3A_807 = tpu.memref_slice %arg5[%squeeze3A_791, %dma_start3A_805, %dma_start3A_806] : memref<125000x8x64xf32, #tpu.memory_space<hbm>> -> memref<1x8x64xf32, #tpu.memory_space<hbm>>
    %dma_start3A_808 = tpu.memref_squeeze %dma_start3A_807 : memref<1x8x64xf32, #tpu.memory_space<hbm>> -> memref<8x64xf32, #tpu.memory_space<hbm>>
    tpu.enqueue_dma source(%dma_start3A_808 : memref<8x64xf32, #tpu.memory_space<hbm>>) target(%dma_start3A_804 : memref<8x64xf32, #tpu.memory_space<vmem>>) target_semaphore(%arg14 : memref<!tpu.dma_semaphore, #tpu.memory_space<semaphore_mem>>)
    %slice3A_809 = vector.extract_strided_slice %get3A_618 {offsets = [10], sizes = [1], strides = [1]} : vector<16xi32> to vector<1xi32>
    %squeeze3A_810 = vector.extract %slice3A_809[0] : i32 from vector<1xi32>
    %dma_start3A_811 = arith.constant 10 : i32
    %dma_start3A_812 = arith.constant 0 : i32
    %dma_start3A_813 = arith.constant 0 : i32
    %dma_start3A_814 = tpu.memref_slice %arg11[%dma_start3A_811, %dma_start3A_812, %dma_start3A_813] : memref<32x8x64xf32, #tpu.memory_space<vmem>> -> memref<1x8x64xf32, #tpu.memory_space<vmem>>
    %dma_start3A_815 = tpu.memref_squeeze %dma_start3A_814 : memref<1x8x64xf32, #tpu.memory_space<vmem>> -> memref<8x64xf32, #tpu.memory_space<vmem>>
    %dma_start3A_816 = arith.constant 0 : i32
    %dma_start3A_817 = arith.constant 0 : i32
    %dma_start3A_818 = tpu.memref_slice %arg5[%squeeze3A_810, %dma_start3A_816, %dma_start3A_817] : memref<125000x8x64xf32, #tpu.memory_space<hbm>> -> memref<1x8x64xf32, #tpu.memory_space<hbm>>
    %dma_start3A_819 = tpu.memref_squeeze %dma_start3A_818 : memref<1x8x64xf32, #tpu.memory_space<hbm>> -> memref<8x64xf32, #tpu.memory_space<hbm>>
    %dma_start3A_820 = arith.constant 0 : i32
    %dma_start3A_821 = arith.constant 0 : i32
    %dma_start3A_822 = tpu.memref_slice %arg11[%dma_start3A_811, %dma_start3A_820, %dma_start3A_821] : memref<32x8x64xf32, #tpu.memory_space<vmem>> -> memref<1x8x64xf32, #tpu.memory_space<vmem>>
    %dma_start3A_823 = tpu.memref_squeeze %dma_start3A_822 : memref<1x8x64xf32, #tpu.memory_space<vmem>> -> memref<8x64xf32, #tpu.memory_space<vmem>>
    %dma_start3A_824 = arith.constant 0 : i32
    %dma_start3A_825 = arith.constant 0 : i32
    %dma_start3A_826 = tpu.memref_slice %arg5[%squeeze3A_810, %dma_start3A_824, %dma_start3A_825] : memref<125000x8x64xf32, #tpu.memory_space<hbm>> -> memref<1x8x64xf32, #tpu.memory_space<hbm>>
    %dma_start3A_827 = tpu.memref_squeeze %dma_start3A_826 : memref<1x8x64xf32, #tpu.memory_space<hbm>> -> memref<8x64xf32, #tpu.memory_space<hbm>>
    tpu.enqueue_dma source(%dma_start3A_827 : memref<8x64xf32, #tpu.memory_space<hbm>>) target(%dma_start3A_823 : memref<8x64xf32, #tpu.memory_space<vmem>>) target_semaphore(%arg14 : memref<!tpu.dma_semaphore, #tpu.memory_space<semaphore_mem>>)
    %slice3A_828 = vector.extract_strided_slice %get3A_618 {offsets = [11], sizes = [1], strides = [1]} : vector<16xi32> to vector<1xi32>
    %squeeze3A_829 = vector.extract %slice3A_828[0] : i32 from vector<1xi32>
    %dma_start3A_830 = arith.constant 11 : i32
    %dma_start3A_831 = arith.constant 0 : i32
    %dma_start3A_832 = arith.constant 0 : i32
    %dma_start3A_833 = tpu.memref_slice %arg11[%dma_start3A_830, %dma_start3A_831, %dma_start3A_832] : memref<32x8x64xf32, #tpu.memory_space<vmem>> -> memref<1x8x64xf32, #tpu.memory_space<vmem>>
    %dma_start3A_834 = tpu.memref_squeeze %dma_start3A_833 : memref<1x8x64xf32, #tpu.memory_space<vmem>> -> memref<8x64xf32, #tpu.memory_space<vmem>>
    %dma_start3A_835 = arith.constant 0 : i32
    %dma_start3A_836 = arith.constant 0 : i32
    %dma_start3A_837 = tpu.memref_slice %arg5[%squeeze3A_829, %dma_start3A_835, %dma_start3A_836] : memref<125000x8x64xf32, #tpu.memory_space<hbm>> -> memref<1x8x64xf32, #tpu.memory_space<hbm>>
    %dma_start3A_838 = tpu.memref_squeeze %dma_start3A_837 : memref<1x8x64xf32, #tpu.memory_space<hbm>> -> memref<8x64xf32, #tpu.memory_space<hbm>>
    %dma_start3A_839 = arith.constant 0 : i32
    %dma_start3A_840 = arith.constant 0 : i32
    %dma_start3A_841 = tpu.memref_slice %arg11[%dma_start3A_830, %dma_start3A_839, %dma_start3A_840] : memref<32x8x64xf32, #tpu.memory_space<vmem>> -> memref<1x8x64xf32, #tpu.memory_space<vmem>>
    %dma_start3A_842 = tpu.memref_squeeze %dma_start3A_841 : memref<1x8x64xf32, #tpu.memory_space<vmem>> -> memref<8x64xf32, #tpu.memory_space<vmem>>
    %dma_start3A_843 = arith.constant 0 : i32
    %dma_start3A_844 = arith.constant 0 : i32
    %dma_start3A_845 = tpu.memref_slice %arg5[%squeeze3A_829, %dma_start3A_843, %dma_start3A_844] : memref<125000x8x64xf32, #tpu.memory_space<hbm>> -> memref<1x8x64xf32, #tpu.memory_space<hbm>>
    %dma_start3A_846 = tpu.memref_squeeze %dma_start3A_845 : memref<1x8x64xf32, #tpu.memory_space<hbm>> -> memref<8x64xf32, #tpu.memory_space<hbm>>
    tpu.enqueue_dma source(%dma_start3A_846 : memref<8x64xf32, #tpu.memory_space<hbm>>) target(%dma_start3A_842 : memref<8x64xf32, #tpu.memory_space<vmem>>) target_semaphore(%arg14 : memref<!tpu.dma_semaphore, #tpu.memory_space<semaphore_mem>>)
    %slice3A_847 = vector.extract_strided_slice %get3A_618 {offsets = [12], sizes = [1], strides = [1]} : vector<16xi32> to vector<1xi32>
    %squeeze3A_848 = vector.extract %slice3A_847[0] : i32 from vector<1xi32>
    %dma_start3A_849 = arith.constant 12 : i32
    %dma_start3A_850 = arith.constant 0 : i32
    %dma_start3A_851 = arith.constant 0 : i32
    %dma_start3A_852 = tpu.memref_slice %arg11[%dma_start3A_849, %dma_start3A_850, %dma_start3A_851] : memref<32x8x64xf32, #tpu.memory_space<vmem>> -> memref<1x8x64xf32, #tpu.memory_space<vmem>>
    %dma_start3A_853 = tpu.memref_squeeze %dma_start3A_852 : memref<1x8x64xf32, #tpu.memory_space<vmem>> -> memref<8x64xf32, #tpu.memory_space<vmem>>
    %dma_start3A_854 = arith.constant 0 : i32
    %dma_start3A_855 = arith.constant 0 : i32
    %dma_start3A_856 = tpu.memref_slice %arg5[%squeeze3A_848, %dma_start3A_854, %dma_start3A_855] : memref<125000x8x64xf32, #tpu.memory_space<hbm>> -> memref<1x8x64xf32, #tpu.memory_space<hbm>>
    %dma_start3A_857 = tpu.memref_squeeze %dma_start3A_856 : memref<1x8x64xf32, #tpu.memory_space<hbm>> -> memref<8x64xf32, #tpu.memory_space<hbm>>
    %dma_start3A_858 = arith.constant 0 : i32
    %dma_start3A_859 = arith.constant 0 : i32
    %dma_start3A_860 = tpu.memref_slice %arg11[%dma_start3A_849, %dma_start3A_858, %dma_start3A_859] : memref<32x8x64xf32, #tpu.memory_space<vmem>> -> memref<1x8x64xf32, #tpu.memory_space<vmem>>
    %dma_start3A_861 = tpu.memref_squeeze %dma_start3A_860 : memref<1x8x64xf32, #tpu.memory_space<vmem>> -> memref<8x64xf32, #tpu.memory_space<vmem>>
    %dma_start3A_862 = arith.constant 0 : i32
    %dma_start3A_863 = arith.constant 0 : i32
    %dma_start3A_864 = tpu.memref_slice %arg5[%squeeze3A_848, %dma_start3A_862, %dma_start3A_863] : memref<125000x8x64xf32, #tpu.memory_space<hbm>> -> memref<1x8x64xf32, #tpu.memory_space<hbm>>
    %dma_start3A_865 = tpu.memref_squeeze %dma_start3A_864 : memref<1x8x64xf32, #tpu.memory_space<hbm>> -> memref<8x64xf32, #tpu.memory_space<hbm>>
    tpu.enqueue_dma source(%dma_start3A_865 : memref<8x64xf32, #tpu.memory_space<hbm>>) target(%dma_start3A_861 : memref<8x64xf32, #tpu.memory_space<vmem>>) target_semaphore(%arg14 : memref<!tpu.dma_semaphore, #tpu.memory_space<semaphore_mem>>)
    %slice3A_866 = vector.extract_strided_slice %get3A_618 {offsets = [13], sizes = [1], strides = [1]} : vector<16xi32> to vector<1xi32>
    %squeeze3A_867 = vector.extract %slice3A_866[0] : i32 from vector<1xi32>
    %dma_start3A_868 = arith.constant 13 : i32
    %dma_start3A_869 = arith.constant 0 : i32
    %dma_start3A_870 = arith.constant 0 : i32
    %dma_start3A_871 = tpu.memref_slice %arg11[%dma_start3A_868, %dma_start3A_869, %dma_start3A_870] : memref<32x8x64xf32, #tpu.memory_space<vmem>> -> memref<1x8x64xf32, #tpu.memory_space<vmem>>
    %dma_start3A_872 = tpu.memref_squeeze %dma_start3A_871 : memref<1x8x64xf32, #tpu.memory_space<vmem>> -> memref<8x64xf32, #tpu.memory_space<vmem>>
    %dma_start3A_873 = arith.constant 0 : i32
    %dma_start3A_874 = arith.constant 0 : i32
    %dma_start3A_875 = tpu.memref_slice %arg5[%squeeze3A_867, %dma_start3A_873, %dma_start3A_874] : memref<125000x8x64xf32, #tpu.memory_space<hbm>> -> memref<1x8x64xf32, #tpu.memory_space<hbm>>
    %dma_start3A_876 = tpu.memref_squeeze %dma_start3A_875 : memref<1x8x64xf32, #tpu.memory_space<hbm>> -> memref<8x64xf32, #tpu.memory_space<hbm>>
    %dma_start3A_877 = arith.constant 0 : i32
    %dma_start3A_878 = arith.constant 0 : i32
    %dma_start3A_879 = tpu.memref_slice %arg11[%dma_start3A_868, %dma_start3A_877, %dma_start3A_878] : memref<32x8x64xf32, #tpu.memory_space<vmem>> -> memref<1x8x64xf32, #tpu.memory_space<vmem>>
    %dma_start3A_880 = tpu.memref_squeeze %dma_start3A_879 : memref<1x8x64xf32, #tpu.memory_space<vmem>> -> memref<8x64xf32, #tpu.memory_space<vmem>>
    %dma_start3A_881 = arith.constant 0 : i32
    %dma_start3A_882 = arith.constant 0 : i32
    %dma_start3A_883 = tpu.memref_slice %arg5[%squeeze3A_867, %dma_start3A_881, %dma_start3A_882] : memref<125000x8x64xf32, #tpu.memory_space<hbm>> -> memref<1x8x64xf32, #tpu.memory_space<hbm>>
    %dma_start3A_884 = tpu.memref_squeeze %dma_start3A_883 : memref<1x8x64xf32, #tpu.memory_space<hbm>> -> memref<8x64xf32, #tpu.memory_space<hbm>>
    tpu.enqueue_dma source(%dma_start3A_884 : memref<8x64xf32, #tpu.memory_space<hbm>>) target(%dma_start3A_880 : memref<8x64xf32, #tpu.memory_space<vmem>>) target_semaphore(%arg14 : memref<!tpu.dma_semaphore, #tpu.memory_space<semaphore_mem>>)
    %slice3A_885 = vector.extract_strided_slice %get3A_618 {offsets = [14], sizes = [1], strides = [1]} : vector<16xi32> to vector<1xi32>
    %squeeze3A_886 = vector.extract %slice3A_885[0] : i32 from vector<1xi32>
    %dma_start3A_887 = arith.constant 14 : i32
    %dma_start3A_888 = arith.constant 0 : i32
    %dma_start3A_889 = arith.constant 0 : i32
    %dma_start3A_890 = tpu.memref_slice %arg11[%dma_start3A_887, %dma_start3A_888, %dma_start3A_889] : memref<32x8x64xf32, #tpu.memory_space<vmem>> -> memref<1x8x64xf32, #tpu.memory_space<vmem>>
    %dma_start3A_891 = tpu.memref_squeeze %dma_start3A_890 : memref<1x8x64xf32, #tpu.memory_space<vmem>> -> memref<8x64xf32, #tpu.memory_space<vmem>>
    %dma_start3A_892 = arith.constant 0 : i32
    %dma_start3A_893 = arith.constant 0 : i32
    %dma_start3A_894 = tpu.memref_slice %arg5[%squeeze3A_886, %dma_start3A_892, %dma_start3A_893] : memref<125000x8x64xf32, #tpu.memory_space<hbm>> -> memref<1x8x64xf32, #tpu.memory_space<hbm>>
    %dma_start3A_895 = tpu.memref_squeeze %dma_start3A_894 : memref<1x8x64xf32, #tpu.memory_space<hbm>> -> memref<8x64xf32, #tpu.memory_space<hbm>>
    %dma_start3A_896 = arith.constant 0 : i32
    %dma_start3A_897 = arith.constant 0 : i32
    %dma_start3A_898 = tpu.memref_slice %arg11[%dma_start3A_887, %dma_start3A_896, %dma_start3A_897] : memref<32x8x64xf32, #tpu.memory_space<vmem>> -> memref<1x8x64xf32, #tpu.memory_space<vmem>>
    %dma_start3A_899 = tpu.memref_squeeze %dma_start3A_898 : memref<1x8x64xf32, #tpu.memory_space<vmem>> -> memref<8x64xf32, #tpu.memory_space<vmem>>
    %dma_start3A_900 = arith.constant 0 : i32
    %dma_start3A_901 = arith.constant 0 : i32
    %dma_start3A_902 = tpu.memref_slice %arg5[%squeeze3A_886, %dma_start3A_900, %dma_start3A_901] : memref<125000x8x64xf32, #tpu.memory_space<hbm>> -> memref<1x8x64xf32, #tpu.memory_space<hbm>>
    %dma_start3A_903 = tpu.memref_squeeze %dma_start3A_902 : memref<1x8x64xf32, #tpu.memory_space<hbm>> -> memref<8x64xf32, #tpu.memory_space<hbm>>
    tpu.enqueue_dma source(%dma_start3A_903 : memref<8x64xf32, #tpu.memory_space<hbm>>) target(%dma_start3A_899 : memref<8x64xf32, #tpu.memory_space<vmem>>) target_semaphore(%arg14 : memref<!tpu.dma_semaphore, #tpu.memory_space<semaphore_mem>>)
    %slice3A_904 = vector.extract_strided_slice %get3A_618 {offsets = [15], sizes = [1], strides = [1]} : vector<16xi32> to vector<1xi32>
    %squeeze3A_905 = vector.extract %slice3A_904[0] : i32 from vector<1xi32>
    %dma_start3A_906 = arith.constant 15 : i32
    %dma_start3A_907 = arith.constant 0 : i32
    %dma_start3A_908 = arith.constant 0 : i32
    %dma_start3A_909 = tpu.memref_slice %arg11[%dma_start3A_906, %dma_start3A_907, %dma_start3A_908] : memref<32x8x64xf32, #tpu.memory_space<vmem>> -> memref<1x8x64xf32, #tpu.memory_space<vmem>>
    %dma_start3A_910 = tpu.memref_squeeze %dma_start3A_909 : memref<1x8x64xf32, #tpu.memory_space<vmem>> -> memref<8x64xf32, #tpu.memory_space<vmem>>
    %dma_start3A_911 = arith.constant 0 : i32
    %dma_start3A_912 = arith.constant 0 : i32
    %dma_start3A_913 = tpu.memref_slice %arg5[%squeeze3A_905, %dma_start3A_911, %dma_start3A_912] : memref<125000x8x64xf32, #tpu.memory_space<hbm>> -> memref<1x8x64xf32, #tpu.memory_space<hbm>>
    %dma_start3A_914 = tpu.memref_squeeze %dma_start3A_913 : memref<1x8x64xf32, #tpu.memory_space<hbm>> -> memref<8x64xf32, #tpu.memory_space<hbm>>
    %dma_start3A_915 = arith.constant 0 : i32
    %dma_start3A_916 = arith.constant 0 : i32
    %dma_start3A_917 = tpu.memref_slice %arg11[%dma_start3A_906, %dma_start3A_915, %dma_start3A_916] : memref<32x8x64xf32, #tpu.memory_space<vmem>> -> memref<1x8x64xf32, #tpu.memory_space<vmem>>
    %dma_start3A_918 = tpu.memref_squeeze %dma_start3A_917 : memref<1x8x64xf32, #tpu.memory_space<vmem>> -> memref<8x64xf32, #tpu.memory_space<vmem>>
    %dma_start3A_919 = arith.constant 0 : i32
    %dma_start3A_920 = arith.constant 0 : i32
    %dma_start3A_921 = tpu.memref_slice %arg5[%squeeze3A_905, %dma_start3A_919, %dma_start3A_920] : memref<125000x8x64xf32, #tpu.memory_space<hbm>> -> memref<1x8x64xf32, #tpu.memory_space<hbm>>
    %dma_start3A_922 = tpu.memref_squeeze %dma_start3A_921 : memref<1x8x64xf32, #tpu.memory_space<hbm>> -> memref<8x64xf32, #tpu.memory_space<hbm>>
    tpu.enqueue_dma source(%dma_start3A_922 : memref<8x64xf32, #tpu.memory_space<hbm>>) target(%dma_start3A_918 : memref<8x64xf32, #tpu.memory_space<vmem>>) target_semaphore(%arg14 : memref<!tpu.dma_semaphore, #tpu.memory_space<semaphore_mem>>)
    %get3A_923 = arith.constant 1 : i32
    %get3A_924 = arith.index_cast %get3A_923 : i32 to index
    %get3A_925 = arith.constant 16 : index
    %get3A_926 = tpu.vector_load %arg7[%get3A_924, %get3A_925] {strides = array<i32>} : memref<46x32xi32, #tpu.memory_space<vmem>>, vector<16xi32>,
    %slice3A_927 = vector.extract_strided_slice %get3A_926 {offsets = [0], sizes = [1], strides = [1]} : vector<16xi32> to vector<1xi32>
    %squeeze3A_928 = vector.extract %slice3A_927[0] : i32 from vector<1xi32>
    %dma_start3A_929 = arith.constant 16 : i32
    %dma_start3A_930 = arith.constant 0 : i32
    %dma_start3A_931 = arith.constant 0 : i32
    %dma_start3A_932 = tpu.memref_slice %arg11[%dma_start3A_929, %dma_start3A_930, %dma_start3A_931] : memref<32x8x64xf32, #tpu.memory_space<vmem>> -> memref<1x8x64xf32, #tpu.memory_space<vmem>>
    %dma_start3A_933 = tpu.memref_squeeze %dma_start3A_932 : memref<1x8x64xf32, #tpu.memory_space<vmem>> -> memref<8x64xf32, #tpu.memory_space<vmem>>
    %dma_start3A_934 = arith.constant 0 : i32
    %dma_start3A_935 = arith.constant 0 : i32
    %dma_start3A_936 = tpu.memref_slice %arg5[%squeeze3A_928, %dma_start3A_934, %dma_start3A_935] : memref<125000x8x64xf32, #tpu.memory_space<hbm>> -> memref<1x8x64xf32, #tpu.memory_space<hbm>>
    %dma_start3A_937 = tpu.memref_squeeze %dma_start3A_936 : memref<1x8x64xf32, #tpu.memory_space<hbm>> -> memref<8x64xf32, #tpu.memory_space<hbm>>
    %dma_start3A_938 = arith.constant 0 : i32
    %dma_start3A_939 = arith.constant 0 : i32
    %dma_start3A_940 = tpu.memref_slice %arg11[%dma_start3A_929, %dma_start3A_938, %dma_start3A_939] : memref<32x8x64xf32, #tpu.memory_space<vmem>> -> memref<1x8x64xf32, #tpu.memory_space<vmem>>
    %dma_start3A_941 = tpu.memref_squeeze %dma_start3A_940 : memref<1x8x64xf32, #tpu.memory_space<vmem>> -> memref<8x64xf32, #tpu.memory_space<vmem>>
    %dma_start3A_942 = arith.constant 0 : i32
    %dma_start3A_943 = arith.constant 0 : i32
    %dma_start3A_944 = tpu.memref_slice %arg5[%squeeze3A_928, %dma_start3A_942, %dma_start3A_943] : memref<125000x8x64xf32, #tpu.memory_space<hbm>> -> memref<1x8x64xf32, #tpu.memory_space<hbm>>
    %dma_start3A_945 = tpu.memref_squeeze %dma_start3A_944 : memref<1x8x64xf32, #tpu.memory_space<hbm>> -> memref<8x64xf32, #tpu.memory_space<hbm>>
    tpu.enqueue_dma source(%dma_start3A_945 : memref<8x64xf32, #tpu.memory_space<hbm>>) target(%dma_start3A_941 : memref<8x64xf32, #tpu.memory_space<vmem>>) target_semaphore(%arg14 : memref<!tpu.dma_semaphore, #tpu.memory_space<semaphore_mem>>)
    %slice3A_946 = vector.extract_strided_slice %get3A_926 {offsets = [1], sizes = [1], strides = [1]} : vector<16xi32> to vector<1xi32>
    %squeeze3A_947 = vector.extract %slice3A_946[0] : i32 from vector<1xi32>
    %dma_start3A_948 = arith.constant 17 : i32
    %dma_start3A_949 = arith.constant 0 : i32
    %dma_start3A_950 = arith.constant 0 : i32
    %dma_start3A_951 = tpu.memref_slice %arg11[%dma_start3A_948, %dma_start3A_949, %dma_start3A_950] : memref<32x8x64xf32, #tpu.memory_space<vmem>> -> memref<1x8x64xf32, #tpu.memory_space<vmem>>
    %dma_start3A_952 = tpu.memref_squeeze %dma_start3A_951 : memref<1x8x64xf32, #tpu.memory_space<vmem>> -> memref<8x64xf32, #tpu.memory_space<vmem>>
    %dma_start3A_953 = arith.constant 0 : i32
    %dma_start3A_954 = arith.constant 0 : i32
    %dma_start3A_955 = tpu.memref_slice %arg5[%squeeze3A_947, %dma_start3A_953, %dma_start3A_954] : memref<125000x8x64xf32, #tpu.memory_space<hbm>> -> memref<1x8x64xf32, #tpu.memory_space<hbm>>
    %dma_start3A_956 = tpu.memref_squeeze %dma_start3A_955 : memref<1x8x64xf32, #tpu.memory_space<hbm>> -> memref<8x64xf32, #tpu.memory_space<hbm>>
    %dma_start3A_957 = arith.constant 0 : i32
    %dma_start3A_958 = arith.constant 0 : i32
    %dma_start3A_959 = tpu.memref_slice %arg11[%dma_start3A_948, %dma_start3A_957, %dma_start3A_958] : memref<32x8x64xf32, #tpu.memory_space<vmem>> -> memref<1x8x64xf32, #tpu.memory_space<vmem>>
    %dma_start3A_960 = tpu.memref_squeeze %dma_start3A_959 : memref<1x8x64xf32, #tpu.memory_space<vmem>> -> memref<8x64xf32, #tpu.memory_space<vmem>>
    %dma_start3A_961 = arith.constant 0 : i32
    %dma_start3A_962 = arith.constant 0 : i32
    %dma_start3A_963 = tpu.memref_slice %arg5[%squeeze3A_947, %dma_start3A_961, %dma_start3A_962] : memref<125000x8x64xf32, #tpu.memory_space<hbm>> -> memref<1x8x64xf32, #tpu.memory_space<hbm>>
    %dma_start3A_964 = tpu.memref_squeeze %dma_start3A_963 : memref<1x8x64xf32, #tpu.memory_space<hbm>> -> memref<8x64xf32, #tpu.memory_space<hbm>>
    tpu.enqueue_dma source(%dma_start3A_964 : memref<8x64xf32, #tpu.memory_space<hbm>>) target(%dma_start3A_960 : memref<8x64xf32, #tpu.memory_space<vmem>>) target_semaphore(%arg14 : memref<!tpu.dma_semaphore, #tpu.memory_space<semaphore_mem>>)
    %slice3A_965 = vector.extract_strided_slice %get3A_926 {offsets = [2], sizes = [1], strides = [1]} : vector<16xi32> to vector<1xi32>
    %squeeze3A_966 = vector.extract %slice3A_965[0] : i32 from vector<1xi32>
    %dma_start3A_967 = arith.constant 18 : i32
    %dma_start3A_968 = arith.constant 0 : i32
    %dma_start3A_969 = arith.constant 0 : i32
    %dma_start3A_970 = tpu.memref_slice %arg11[%dma_start3A_967, %dma_start3A_968, %dma_start3A_969] : memref<32x8x64xf32, #tpu.memory_space<vmem>> -> memref<1x8x64xf32, #tpu.memory_space<vmem>>
    %dma_start3A_971 = tpu.memref_squeeze %dma_start3A_970 : memref<1x8x64xf32, #tpu.memory_space<vmem>> -> memref<8x64xf32, #tpu.memory_space<vmem>>
    %dma_start3A_972 = arith.constant 0 : i32
    %dma_start3A_973 = arith.constant 0 : i32
    %dma_start3A_974 = tpu.memref_slice %arg5[%squeeze3A_966, %dma_start3A_972, %dma_start3A_973] : memref<125000x8x64xf32, #tpu.memory_space<hbm>> -> memref<1x8x64xf32, #tpu.memory_space<hbm>>
    %dma_start3A_975 = tpu.memref_squeeze %dma_start3A_974 : memref<1x8x64xf32, #tpu.memory_space<hbm>> -> memref<8x64xf32, #tpu.memory_space<hbm>>
    %dma_start3A_976 = arith.constant 0 : i32
    %dma_start3A_977 = arith.constant 0 : i32
    %dma_start3A_978 = tpu.memref_slice %arg11[%dma_start3A_967, %dma_start3A_976, %dma_start3A_977] : memref<32x8x64xf32, #tpu.memory_space<vmem>> -> memref<1x8x64xf32, #tpu.memory_space<vmem>>
    %dma_start3A_979 = tpu.memref_squeeze %dma_start3A_978 : memref<1x8x64xf32, #tpu.memory_space<vmem>> -> memref<8x64xf32, #tpu.memory_space<vmem>>
    %dma_start3A_980 = arith.constant 0 : i32
    %dma_start3A_981 = arith.constant 0 : i32
    %dma_start3A_982 = tpu.memref_slice %arg5[%squeeze3A_966, %dma_start3A_980, %dma_start3A_981] : memref<125000x8x64xf32, #tpu.memory_space<hbm>> -> memref<1x8x64xf32, #tpu.memory_space<hbm>>
    %dma_start3A_983 = tpu.memref_squeeze %dma_start3A_982 : memref<1x8x64xf32, #tpu.memory_space<hbm>> -> memref<8x64xf32, #tpu.memory_space<hbm>>
    tpu.enqueue_dma source(%dma_start3A_983 : memref<8x64xf32, #tpu.memory_space<hbm>>) target(%dma_start3A_979 : memref<8x64xf32, #tpu.memory_space<vmem>>) target_semaphore(%arg14 : memref<!tpu.dma_semaphore, #tpu.memory_space<semaphore_mem>>)
    %slice3A_984 = vector.extract_strided_slice %get3A_926 {offsets = [3], sizes = [1], strides = [1]} : vector<16xi32> to vector<1xi32>
    %squeeze3A_985 = vector.extract %slice3A_984[0] : i32 from vector<1xi32>
    %dma_start3A_986 = arith.constant 19 : i32
    %dma_start3A_987 = arith.constant 0 : i32
    %dma_start3A_988 = arith.constant 0 : i32
    %dma_start3A_989 = tpu.memref_slice %arg11[%dma_start3A_986, %dma_start3A_987, %dma_start3A_988] : memref<32x8x64xf32, #tpu.memory_space<vmem>> -> memref<1x8x64xf32, #tpu.memory_space<vmem>>
    %dma_start3A_990 = tpu.memref_squeeze %dma_start3A_989 : memref<1x8x64xf32, #tpu.memory_space<vmem>> -> memref<8x64xf32, #tpu.memory_space<vmem>>
    %dma_start3A_991 = arith.constant 0 : i32
    %dma_start3A_992 = arith.constant 0 : i32
    %dma_start3A_993 = tpu.memref_slice %arg5[%squeeze3A_985, %dma_start3A_991, %dma_start3A_992] : memref<125000x8x64xf32, #tpu.memory_space<hbm>> -> memref<1x8x64xf32, #tpu.memory_space<hbm>>
    %dma_start3A_994 = tpu.memref_squeeze %dma_start3A_993 : memref<1x8x64xf32, #tpu.memory_space<hbm>> -> memref<8x64xf32, #tpu.memory_space<hbm>>
    %dma_start3A_995 = arith.constant 0 : i32
    %dma_start3A_996 = arith.constant 0 : i32
    %dma_start3A_997 = tpu.memref_slice %arg11[%dma_start3A_986, %dma_start3A_995, %dma_start3A_996] : memref<32x8x64xf32, #tpu.memory_space<vmem>> -> memref<1x8x64xf32, #tpu.memory_space<vmem>>
    %dma_start3A_998 = tpu.memref_squeeze %dma_start3A_997 : memref<1x8x64xf32, #tpu.memory_space<vmem>> -> memref<8x64xf32, #tpu.memory_space<vmem>>
    %dma_start3A_999 = arith.constant 0 : i32
    %dma_start3A_1000 = arith.constant 0 : i32
    %dma_start3A_1001 = tpu.memref_slice %arg5[%squeeze3A_985, %dma_start3A_999, %dma_start3A_1000] : memref<125000x8x64xf32, #tpu.memory_space<hbm>> -> memref<1x8x64xf32, #tpu.memory_space<hbm>>
    %dma_start3A_1002 = tpu.memref_squeeze %dma_start3A_1001 : memref<1x8x64xf32, #tpu.memory_space<hbm>> -> memref<8x64xf32, #tpu.memory_space<hbm>>
    tpu.enqueue_dma source(%dma_start3A_1002 : memref<8x64xf32, #tpu.memory_space<hbm>>) target(%dma_start3A_998 : memref<8x64xf32, #tpu.memory_space<vmem>>) target_semaphore(%arg14 : memref<!tpu.dma_semaphore, #tpu.memory_space<semaphore_mem>>)
    %slice3A_1003 = vector.extract_strided_slice %get3A_926 {offsets = [4], sizes = [1], strides = [1]} : vector<16xi32> to vector<1xi32>
    %squeeze3A_1004 = vector.extract %slice3A_1003[0] : i32 from vector<1xi32>
    %dma_start3A_1005 = arith.constant 20 : i32
    %dma_start3A_1006 = arith.constant 0 : i32
    %dma_start3A_1007 = arith.constant 0 : i32
    %dma_start3A_1008 = tpu.memref_slice %arg11[%dma_start3A_1005, %dma_start3A_1006, %dma_start3A_1007] : memref<32x8x64xf32, #tpu.memory_space<vmem>> -> memref<1x8x64xf32, #tpu.memory_space<vmem>>
    %dma_start3A_1009 = tpu.memref_squeeze %dma_start3A_1008 : memref<1x8x64xf32, #tpu.memory_space<vmem>> -> memref<8x64xf32, #tpu.memory_space<vmem>>
    %dma_start3A_1010 = arith.constant 0 : i32
    %dma_start3A_1011 = arith.constant 0 : i32
    %dma_start3A_1012 = tpu.memref_slice %arg5[%squeeze3A_1004, %dma_start3A_1010, %dma_start3A_1011] : memref<125000x8x64xf32, #tpu.memory_space<hbm>> -> memref<1x8x64xf32, #tpu.memory_space<hbm>>
    %dma_start3A_1013 = tpu.memref_squeeze %dma_start3A_1012 : memref<1x8x64xf32, #tpu.memory_space<hbm>> -> memref<8x64xf32, #tpu.memory_space<hbm>>
    %dma_start3A_1014 = arith.constant 0 : i32
    %dma_start3A_1015 = arith.constant 0 : i32
    %dma_start3A_1016 = tpu.memref_slice %arg11[%dma_start3A_1005, %dma_start3A_1014, %dma_start3A_1015] : memref<32x8x64xf32, #tpu.memory_space<vmem>> -> memref<1x8x64xf32, #tpu.memory_space<vmem>>
    %dma_start3A_1017 = tpu.memref_squeeze %dma_start3A_1016 : memref<1x8x64xf32, #tpu.memory_space<vmem>> -> memref<8x64xf32, #tpu.memory_space<vmem>>
    %dma_start3A_1018 = arith.constant 0 : i32
    %dma_start3A_1019 = arith.constant 0 : i32
    %dma_start3A_1020 = tpu.memref_slice %arg5[%squeeze3A_1004, %dma_start3A_1018, %dma_start3A_1019] : memref<125000x8x64xf32, #tpu.memory_space<hbm>> -> memref<1x8x64xf32, #tpu.memory_space<hbm>>
    %dma_start3A_1021 = tpu.memref_squeeze %dma_start3A_1020 : memref<1x8x64xf32, #tpu.memory_space<hbm>> -> memref<8x64xf32, #tpu.memory_space<hbm>>
    tpu.enqueue_dma source(%dma_start3A_1021 : memref<8x64xf32, #tpu.memory_space<hbm>>) target(%dma_start3A_1017 : memref<8x64xf32, #tpu.memory_space<vmem>>) target_semaphore(%arg14 : memref<!tpu.dma_semaphore, #tpu.memory_space<semaphore_mem>>)
    %slice3A_1022 = vector.extract_strided_slice %get3A_926 {offsets = [5], sizes = [1], strides = [1]} : vector<16xi32> to vector<1xi32>
    %squeeze3A_1023 = vector.extract %slice3A_1022[0] : i32 from vector<1xi32>
    %dma_start3A_1024 = arith.constant 21 : i32
    %dma_start3A_1025 = arith.constant 0 : i32
    %dma_start3A_1026 = arith.constant 0 : i32
    %dma_start3A_1027 = tpu.memref_slice %arg11[%dma_start3A_1024, %dma_start3A_1025, %dma_start3A_1026] : memref<32x8x64xf32, #tpu.memory_space<vmem>> -> memref<1x8x64xf32, #tpu.memory_space<vmem>>
    %dma_start3A_1028 = tpu.memref_squeeze %dma_start3A_1027 : memref<1x8x64xf32, #tpu.memory_space<vmem>> -> memref<8x64xf32, #tpu.memory_space<vmem>>
    %dma_start3A_1029 = arith.constant 0 : i32
    %dma_start3A_1030 = arith.constant 0 : i32
    %dma_start3A_1031 = tpu.memref_slice %arg5[%squeeze3A_1023, %dma_start3A_1029, %dma_start3A_1030] : memref<125000x8x64xf32, #tpu.memory_space<hbm>> -> memref<1x8x64xf32, #tpu.memory_space<hbm>>
    %dma_start3A_1032 = tpu.memref_squeeze %dma_start3A_1031 : memref<1x8x64xf32, #tpu.memory_space<hbm>> -> memref<8x64xf32, #tpu.memory_space<hbm>>
    %dma_start3A_1033 = arith.constant 0 : i32
    %dma_start3A_1034 = arith.constant 0 : i32
    %dma_start3A_1035 = tpu.memref_slice %arg11[%dma_start3A_1024, %dma_start3A_1033, %dma_start3A_1034] : memref<32x8x64xf32, #tpu.memory_space<vmem>> -> memref<1x8x64xf32, #tpu.memory_space<vmem>>
    %dma_start3A_1036 = tpu.memref_squeeze %dma_start3A_1035 : memref<1x8x64xf32, #tpu.memory_space<vmem>> -> memref<8x64xf32, #tpu.memory_space<vmem>>
    %dma_start3A_1037 = arith.constant 0 : i32
    %dma_start3A_1038 = arith.constant 0 : i32
    %dma_start3A_1039 = tpu.memref_slice %arg5[%squeeze3A_1023, %dma_start3A_1037, %dma_start3A_1038] : memref<125000x8x64xf32, #tpu.memory_space<hbm>> -> memref<1x8x64xf32, #tpu.memory_space<hbm>>
    %dma_start3A_1040 = tpu.memref_squeeze %dma_start3A_1039 : memref<1x8x64xf32, #tpu.memory_space<hbm>> -> memref<8x64xf32, #tpu.memory_space<hbm>>
    tpu.enqueue_dma source(%dma_start3A_1040 : memref<8x64xf32, #tpu.memory_space<hbm>>) target(%dma_start3A_1036 : memref<8x64xf32, #tpu.memory_space<vmem>>) target_semaphore(%arg14 : memref<!tpu.dma_semaphore, #tpu.memory_space<semaphore_mem>>)
    %slice3A_1041 = vector.extract_strided_slice %get3A_926 {offsets = [6], sizes = [1], strides = [1]} : vector<16xi32> to vector<1xi32>
    %squeeze3A_1042 = vector.extract %slice3A_1041[0] : i32 from vector<1xi32>
    %dma_start3A_1043 = arith.constant 22 : i32
    %dma_start3A_1044 = arith.constant 0 : i32
    %dma_start3A_1045 = arith.constant 0 : i32
    %dma_start3A_1046 = tpu.memref_slice %arg11[%dma_start3A_1043, %dma_start3A_1044, %dma_start3A_1045] : memref<32x8x64xf32, #tpu.memory_space<vmem>> -> memref<1x8x64xf32, #tpu.memory_space<vmem>>
    %dma_start3A_1047 = tpu.memref_squeeze %dma_start3A_1046 : memref<1x8x64xf32, #tpu.memory_space<vmem>> -> memref<8x64xf32, #tpu.memory_space<vmem>>
    %dma_start3A_1048 = arith.constant 0 : i32
    %dma_start3A_1049 = arith.constant 0 : i32
    %dma_start3A_1050 = tpu.memref_slice %arg5[%squeeze3A_1042, %dma_start3A_1048, %dma_start3A_1049] : memref<125000x8x64xf32, #tpu.memory_space<hbm>> -> memref<1x8x64xf32, #tpu.memory_space<hbm>>
    %dma_start3A_1051 = tpu.memref_squeeze %dma_start3A_1050 : memref<1x8x64xf32, #tpu.memory_space<hbm>> -> memref<8x64xf32, #tpu.memory_space<hbm>>
    %dma_start3A_1052 = arith.constant 0 : i32
    %dma_start3A_1053 = arith.constant 0 : i32
    %dma_start3A_1054 = tpu.memref_slice %arg11[%dma_start3A_1043, %dma_start3A_1052, %dma_start3A_1053] : memref<32x8x64xf32, #tpu.memory_space<vmem>> -> memref<1x8x64xf32, #tpu.memory_space<vmem>>
    %dma_start3A_1055 = tpu.memref_squeeze %dma_start3A_1054 : memref<1x8x64xf32, #tpu.memory_space<vmem>> -> memref<8x64xf32, #tpu.memory_space<vmem>>
    %dma_start3A_1056 = arith.constant 0 : i32
    %dma_start3A_1057 = arith.constant 0 : i32
    %dma_start3A_1058 = tpu.memref_slice %arg5[%squeeze3A_1042, %dma_start3A_1056, %dma_start3A_1057] : memref<125000x8x64xf32, #tpu.memory_space<hbm>> -> memref<1x8x64xf32, #tpu.memory_space<hbm>>
    %dma_start3A_1059 = tpu.memref_squeeze %dma_start3A_1058 : memref<1x8x64xf32, #tpu.memory_space<hbm>> -> memref<8x64xf32, #tpu.memory_space<hbm>>
    tpu.enqueue_dma source(%dma_start3A_1059 : memref<8x64xf32, #tpu.memory_space<hbm>>) target(%dma_start3A_1055 : memref<8x64xf32, #tpu.memory_space<vmem>>) target_semaphore(%arg14 : memref<!tpu.dma_semaphore, #tpu.memory_space<semaphore_mem>>)
    %slice3A_1060 = vector.extract_strided_slice %get3A_926 {offsets = [7], sizes = [1], strides = [1]} : vector<16xi32> to vector<1xi32>
    %squeeze3A_1061 = vector.extract %slice3A_1060[0] : i32 from vector<1xi32>
    %dma_start3A_1062 = arith.constant 23 : i32
    %dma_start3A_1063 = arith.constant 0 : i32
    %dma_start3A_1064 = arith.constant 0 : i32
    %dma_start3A_1065 = tpu.memref_slice %arg11[%dma_start3A_1062, %dma_start3A_1063, %dma_start3A_1064] : memref<32x8x64xf32, #tpu.memory_space<vmem>> -> memref<1x8x64xf32, #tpu.memory_space<vmem>>
    %dma_start3A_1066 = tpu.memref_squeeze %dma_start3A_1065 : memref<1x8x64xf32, #tpu.memory_space<vmem>> -> memref<8x64xf32, #tpu.memory_space<vmem>>
    %dma_start3A_1067 = arith.constant 0 : i32
    %dma_start3A_1068 = arith.constant 0 : i32
    %dma_start3A_1069 = tpu.memref_slice %arg5[%squeeze3A_1061, %dma_start3A_1067, %dma_start3A_1068] : memref<125000x8x64xf32, #tpu.memory_space<hbm>> -> memref<1x8x64xf32, #tpu.memory_space<hbm>>
    %dma_start3A_1070 = tpu.memref_squeeze %dma_start3A_1069 : memref<1x8x64xf32, #tpu.memory_space<hbm>> -> memref<8x64xf32, #tpu.memory_space<hbm>>
    %dma_start3A_1071 = arith.constant 0 : i32
    %dma_start3A_1072 = arith.constant 0 : i32
    %dma_start3A_1073 = tpu.memref_slice %arg11[%dma_start3A_1062, %dma_start3A_1071, %dma_start3A_1072] : memref<32x8x64xf32, #tpu.memory_space<vmem>> -> memref<1x8x64xf32, #tpu.memory_space<vmem>>
    %dma_start3A_1074 = tpu.memref_squeeze %dma_start3A_1073 : memref<1x8x64xf32, #tpu.memory_space<vmem>> -> memref<8x64xf32, #tpu.memory_space<vmem>>
    %dma_start3A_1075 = arith.constant 0 : i32
    %dma_start3A_1076 = arith.constant 0 : i32
    %dma_start3A_1077 = tpu.memref_slice %arg5[%squeeze3A_1061, %dma_start3A_1075, %dma_start3A_1076] : memref<125000x8x64xf32, #tpu.memory_space<hbm>> -> memref<1x8x64xf32, #tpu.memory_space<hbm>>
    %dma_start3A_1078 = tpu.memref_squeeze %dma_start3A_1077 : memref<1x8x64xf32, #tpu.memory_space<hbm>> -> memref<8x64xf32, #tpu.memory_space<hbm>>
    tpu.enqueue_dma source(%dma_start3A_1078 : memref<8x64xf32, #tpu.memory_space<hbm>>) target(%dma_start3A_1074 : memref<8x64xf32, #tpu.memory_space<vmem>>) target_semaphore(%arg14 : memref<!tpu.dma_semaphore, #tpu.memory_space<semaphore_mem>>)
    %slice3A_1079 = vector.extract_strided_slice %get3A_926 {offsets = [8], sizes = [1], strides = [1]} : vector<16xi32> to vector<1xi32>
    %squeeze3A_1080 = vector.extract %slice3A_1079[0] : i32 from vector<1xi32>
    %dma_start3A_1081 = arith.constant 24 : i32
    %dma_start3A_1082 = arith.constant 0 : i32
    %dma_start3A_1083 = arith.constant 0 : i32
    %dma_start3A_1084 = tpu.memref_slice %arg11[%dma_start3A_1081, %dma_start3A_1082, %dma_start3A_1083] : memref<32x8x64xf32, #tpu.memory_space<vmem>> -> memref<1x8x64xf32, #tpu.memory_space<vmem>>
    %dma_start3A_1085 = tpu.memref_squeeze %dma_start3A_1084 : memref<1x8x64xf32, #tpu.memory_space<vmem>> -> memref<8x64xf32, #tpu.memory_space<vmem>>
    %dma_start3A_1086 = arith.constant 0 : i32
    %dma_start3A_1087 = arith.constant 0 : i32
    %dma_start3A_1088 = tpu.memref_slice %arg5[%squeeze3A_1080, %dma_start3A_1086, %dma_start3A_1087] : memref<125000x8x64xf32, #tpu.memory_space<hbm>> -> memref<1x8x64xf32, #tpu.memory_space<hbm>>
    %dma_start3A_1089 = tpu.memref_squeeze %dma_start3A_1088 : memref<1x8x64xf32, #tpu.memory_space<hbm>> -> memref<8x64xf32, #tpu.memory_space<hbm>>
    %dma_start3A_1090 = arith.constant 0 : i32
    %dma_start3A_1091 = arith.constant 0 : i32
    %dma_start3A_1092 = tpu.memref_slice %arg11[%dma_start3A_1081, %dma_start3A_1090, %dma_start3A_1091] : memref<32x8x64xf32, #tpu.memory_space<vmem>> -> memref<1x8x64xf32, #tpu.memory_space<vmem>>
    %dma_start3A_1093 = tpu.memref_squeeze %dma_start3A_1092 : memref<1x8x64xf32, #tpu.memory_space<vmem>> -> memref<8x64xf32, #tpu.memory_space<vmem>>
    %dma_start3A_1094 = arith.constant 0 : i32
    %dma_start3A_1095 = arith.constant 0 : i32
    %dma_start3A_1096 = tpu.memref_slice %arg5[%squeeze3A_1080, %dma_start3A_1094, %dma_start3A_1095] : memref<125000x8x64xf32, #tpu.memory_space<hbm>> -> memref<1x8x64xf32, #tpu.memory_space<hbm>>
    %dma_start3A_1097 = tpu.memref_squeeze %dma_start3A_1096 : memref<1x8x64xf32, #tpu.memory_space<hbm>> -> memref<8x64xf32, #tpu.memory_space<hbm>>
    tpu.enqueue_dma source(%dma_start3A_1097 : memref<8x64xf32, #tpu.memory_space<hbm>>) target(%dma_start3A_1093 : memref<8x64xf32, #tpu.memory_space<vmem>>) target_semaphore(%arg14 : memref<!tpu.dma_semaphore, #tpu.memory_space<semaphore_mem>>)
    %slice3A_1098 = vector.extract_strided_slice %get3A_926 {offsets = [9], sizes = [1], strides = [1]} : vector<16xi32> to vector<1xi32>
    %squeeze3A_1099 = vector.extract %slice3A_1098[0] : i32 from vector<1xi32>
    %dma_start3A_1100 = arith.constant 25 : i32
    %dma_start3A_1101 = arith.constant 0 : i32
    %dma_start3A_1102 = arith.constant 0 : i32
    %dma_start3A_1103 = tpu.memref_slice %arg11[%dma_start3A_1100, %dma_start3A_1101, %dma_start3A_1102] : memref<32x8x64xf32, #tpu.memory_space<vmem>> -> memref<1x8x64xf32, #tpu.memory_space<vmem>>
    %dma_start3A_1104 = tpu.memref_squeeze %dma_start3A_1103 : memref<1x8x64xf32, #tpu.memory_space<vmem>> -> memref<8x64xf32, #tpu.memory_space<vmem>>
    %dma_start3A_1105 = arith.constant 0 : i32
    %dma_start3A_1106 = arith.constant 0 : i32
    %dma_start3A_1107 = tpu.memref_slice %arg5[%squeeze3A_1099, %dma_start3A_1105, %dma_start3A_1106] : memref<125000x8x64xf32, #tpu.memory_space<hbm>> -> memref<1x8x64xf32, #tpu.memory_space<hbm>>
    %dma_start3A_1108 = tpu.memref_squeeze %dma_start3A_1107 : memref<1x8x64xf32, #tpu.memory_space<hbm>> -> memref<8x64xf32, #tpu.memory_space<hbm>>
    %dma_start3A_1109 = arith.constant 0 : i32
    %dma_start3A_1110 = arith.constant 0 : i32
    %dma_start3A_1111 = tpu.memref_slice %arg11[%dma_start3A_1100, %dma_start3A_1109, %dma_start3A_1110] : memref<32x8x64xf32, #tpu.memory_space<vmem>> -> memref<1x8x64xf32, #tpu.memory_space<vmem>>
    %dma_start3A_1112 = tpu.memref_squeeze %dma_start3A_1111 : memref<1x8x64xf32, #tpu.memory_space<vmem>> -> memref<8x64xf32, #tpu.memory_space<vmem>>
    %dma_start3A_1113 = arith.constant 0 : i32
    %dma_start3A_1114 = arith.constant 0 : i32
    %dma_start3A_1115 = tpu.memref_slice %arg5[%squeeze3A_1099, %dma_start3A_1113, %dma_start3A_1114] : memref<125000x8x64xf32, #tpu.memory_space<hbm>> -> memref<1x8x64xf32, #tpu.memory_space<hbm>>
    %dma_start3A_1116 = tpu.memref_squeeze %dma_start3A_1115 : memref<1x8x64xf32, #tpu.memory_space<hbm>> -> memref<8x64xf32, #tpu.memory_space<hbm>>
    tpu.enqueue_dma source(%dma_start3A_1116 : memref<8x64xf32, #tpu.memory_space<hbm>>) target(%dma_start3A_1112 : memref<8x64xf32, #tpu.memory_space<vmem>>) target_semaphore(%arg14 : memref<!tpu.dma_semaphore, #tpu.memory_space<semaphore_mem>>)
    %slice3A_1117 = vector.extract_strided_slice %get3A_926 {offsets = [10], sizes = [1], strides = [1]} : vector<16xi32> to vector<1xi32>
    %squeeze3A_1118 = vector.extract %slice3A_1117[0] : i32 from vector<1xi32>
    %dma_start3A_1119 = arith.constant 26 : i32
    %dma_start3A_1120 = arith.constant 0 : i32
    %dma_start3A_1121 = arith.constant 0 : i32
    %dma_start3A_1122 = tpu.memref_slice %arg11[%dma_start3A_1119, %dma_start3A_1120, %dma_start3A_1121] : memref<32x8x64xf32, #tpu.memory_space<vmem>> -> memref<1x8x64xf32, #tpu.memory_space<vmem>>
    %dma_start3A_1123 = tpu.memref_squeeze %dma_start3A_1122 : memref<1x8x64xf32, #tpu.memory_space<vmem>> -> memref<8x64xf32, #tpu.memory_space<vmem>>
    %dma_start3A_1124 = arith.constant 0 : i32
    %dma_start3A_1125 = arith.constant 0 : i32
    %dma_start3A_1126 = tpu.memref_slice %arg5[%squeeze3A_1118, %dma_start3A_1124, %dma_start3A_1125] : memref<125000x8x64xf32, #tpu.memory_space<hbm>> -> memref<1x8x64xf32, #tpu.memory_space<hbm>>
    %dma_start3A_1127 = tpu.memref_squeeze %dma_start3A_1126 : memref<1x8x64xf32, #tpu.memory_space<hbm>> -> memref<8x64xf32, #tpu.memory_space<hbm>>
    %dma_start3A_1128 = arith.constant 0 : i32
    %dma_start3A_1129 = arith.constant 0 : i32
    %dma_start3A_1130 = tpu.memref_slice %arg11[%dma_start3A_1119, %dma_start3A_1128, %dma_start3A_1129] : memref<32x8x64xf32, #tpu.memory_space<vmem>> -> memref<1x8x64xf32, #tpu.memory_space<vmem>>
    %dma_start3A_1131 = tpu.memref_squeeze %dma_start3A_1130 : memref<1x8x64xf32, #tpu.memory_space<vmem>> -> memref<8x64xf32, #tpu.memory_space<vmem>>
    %dma_start3A_1132 = arith.constant 0 : i32
    %dma_start3A_1133 = arith.constant 0 : i32
    %dma_start3A_1134 = tpu.memref_slice %arg5[%squeeze3A_1118, %dma_start3A_1132, %dma_start3A_1133] : memref<125000x8x64xf32, #tpu.memory_space<hbm>> -> memref<1x8x64xf32, #tpu.memory_space<hbm>>
    %dma_start3A_1135 = tpu.memref_squeeze %dma_start3A_1134 : memref<1x8x64xf32, #tpu.memory_space<hbm>> -> memref<8x64xf32, #tpu.memory_space<hbm>>
    tpu.enqueue_dma source(%dma_start3A_1135 : memref<8x64xf32, #tpu.memory_space<hbm>>) target(%dma_start3A_1131 : memref<8x64xf32, #tpu.memory_space<vmem>>) target_semaphore(%arg14 : memref<!tpu.dma_semaphore, #tpu.memory_space<semaphore_mem>>)
    %slice3A_1136 = vector.extract_strided_slice %get3A_926 {offsets = [11], sizes = [1], strides = [1]} : vector<16xi32> to vector<1xi32>
    %squeeze3A_1137 = vector.extract %slice3A_1136[0] : i32 from vector<1xi32>
    %dma_start3A_1138 = arith.constant 27 : i32
    %dma_start3A_1139 = arith.constant 0 : i32
    %dma_start3A_1140 = arith.constant 0 : i32
    %dma_start3A_1141 = tpu.memref_slice %arg11[%dma_start3A_1138, %dma_start3A_1139, %dma_start3A_1140] : memref<32x8x64xf32, #tpu.memory_space<vmem>> -> memref<1x8x64xf32, #tpu.memory_space<vmem>>
    %dma_start3A_1142 = tpu.memref_squeeze %dma_start3A_1141 : memref<1x8x64xf32, #tpu.memory_space<vmem>> -> memref<8x64xf32, #tpu.memory_space<vmem>>
    %dma_start3A_1143 = arith.constant 0 : i32
    %dma_start3A_1144 = arith.constant 0 : i32
    %dma_start3A_1145 = tpu.memref_slice %arg5[%squeeze3A_1137, %dma_start3A_1143, %dma_start3A_1144] : memref<125000x8x64xf32, #tpu.memory_space<hbm>> -> memref<1x8x64xf32, #tpu.memory_space<hbm>>
    %dma_start3A_1146 = tpu.memref_squeeze %dma_start3A_1145 : memref<1x8x64xf32, #tpu.memory_space<hbm>> -> memref<8x64xf32, #tpu.memory_space<hbm>>
    %dma_start3A_1147 = arith.constant 0 : i32
    %dma_start3A_1148 = arith.constant 0 : i32
    %dma_start3A_1149 = tpu.memref_slice %arg11[%dma_start3A_1138, %dma_start3A_1147, %dma_start3A_1148] : memref<32x8x64xf32, #tpu.memory_space<vmem>> -> memref<1x8x64xf32, #tpu.memory_space<vmem>>
    %dma_start3A_1150 = tpu.memref_squeeze %dma_start3A_1149 : memref<1x8x64xf32, #tpu.memory_space<vmem>> -> memref<8x64xf32, #tpu.memory_space<vmem>>
    %dma_start3A_1151 = arith.constant 0 : i32
    %dma_start3A_1152 = arith.constant 0 : i32
    %dma_start3A_1153 = tpu.memref_slice %arg5[%squeeze3A_1137, %dma_start3A_1151, %dma_start3A_1152] : memref<125000x8x64xf32, #tpu.memory_space<hbm>> -> memref<1x8x64xf32, #tpu.memory_space<hbm>>
    %dma_start3A_1154 = tpu.memref_squeeze %dma_start3A_1153 : memref<1x8x64xf32, #tpu.memory_space<hbm>> -> memref<8x64xf32, #tpu.memory_space<hbm>>
    tpu.enqueue_dma source(%dma_start3A_1154 : memref<8x64xf32, #tpu.memory_space<hbm>>) target(%dma_start3A_1150 : memref<8x64xf32, #tpu.memory_space<vmem>>) target_semaphore(%arg14 : memref<!tpu.dma_semaphore, #tpu.memory_space<semaphore_mem>>)
    %slice3A_1155 = vector.extract_strided_slice %get3A_926 {offsets = [12], sizes = [1], strides = [1]} : vector<16xi32> to vector<1xi32>
    %squeeze3A_1156 = vector.extract %slice3A_1155[0] : i32 from vector<1xi32>
    %dma_start3A_1157 = arith.constant 28 : i32
    %dma_start3A_1158 = arith.constant 0 : i32
    %dma_start3A_1159 = arith.constant 0 : i32
    %dma_start3A_1160 = tpu.memref_slice %arg11[%dma_start3A_1157, %dma_start3A_1158, %dma_start3A_1159] : memref<32x8x64xf32, #tpu.memory_space<vmem>> -> memref<1x8x64xf32, #tpu.memory_space<vmem>>
    %dma_start3A_1161 = tpu.memref_squeeze %dma_start3A_1160 : memref<1x8x64xf32, #tpu.memory_space<vmem>> -> memref<8x64xf32, #tpu.memory_space<vmem>>
    %dma_start3A_1162 = arith.constant 0 : i32
    %dma_start3A_1163 = arith.constant 0 : i32
    %dma_start3A_1164 = tpu.memref_slice %arg5[%squeeze3A_1156, %dma_start3A_1162, %dma_start3A_1163] : memref<125000x8x64xf32, #tpu.memory_space<hbm>> -> memref<1x8x64xf32, #tpu.memory_space<hbm>>
    %dma_start3A_1165 = tpu.memref_squeeze %dma_start3A_1164 : memref<1x8x64xf32, #tpu.memory_space<hbm>> -> memref<8x64xf32, #tpu.memory_space<hbm>>
    %dma_start3A_1166 = arith.constant 0 : i32
    %dma_start3A_1167 = arith.constant 0 : i32
    %dma_start3A_1168 = tpu.memref_slice %arg11[%dma_start3A_1157, %dma_start3A_1166, %dma_start3A_1167] : memref<32x8x64xf32, #tpu.memory_space<vmem>> -> memref<1x8x64xf32, #tpu.memory_space<vmem>>
    %dma_start3A_1169 = tpu.memref_squeeze %dma_start3A_1168 : memref<1x8x64xf32, #tpu.memory_space<vmem>> -> memref<8x64xf32, #tpu.memory_space<vmem>>
    %dma_start3A_1170 = arith.constant 0 : i32
    %dma_start3A_1171 = arith.constant 0 : i32
    %dma_start3A_1172 = tpu.memref_slice %arg5[%squeeze3A_1156, %dma_start3A_1170, %dma_start3A_1171] : memref<125000x8x64xf32, #tpu.memory_space<hbm>> -> memref<1x8x64xf32, #tpu.memory_space<hbm>>
    %dma_start3A_1173 = tpu.memref_squeeze %dma_start3A_1172 : memref<1x8x64xf32, #tpu.memory_space<hbm>> -> memref<8x64xf32, #tpu.memory_space<hbm>>
    tpu.enqueue_dma source(%dma_start3A_1173 : memref<8x64xf32, #tpu.memory_space<hbm>>) target(%dma_start3A_1169 : memref<8x64xf32, #tpu.memory_space<vmem>>) target_semaphore(%arg14 : memref<!tpu.dma_semaphore, #tpu.memory_space<semaphore_mem>>)
    %slice3A_1174 = vector.extract_strided_slice %get3A_926 {offsets = [13], sizes = [1], strides = [1]} : vector<16xi32> to vector<1xi32>
    %squeeze3A_1175 = vector.extract %slice3A_1174[0] : i32 from vector<1xi32>
    %dma_start3A_1176 = arith.constant 29 : i32
    %dma_start3A_1177 = arith.constant 0 : i32
    %dma_start3A_1178 = arith.constant 0 : i32
    %dma_start3A_1179 = tpu.memref_slice %arg11[%dma_start3A_1176, %dma_start3A_1177, %dma_start3A_1178] : memref<32x8x64xf32, #tpu.memory_space<vmem>> -> memref<1x8x64xf32, #tpu.memory_space<vmem>>
    %dma_start3A_1180 = tpu.memref_squeeze %dma_start3A_1179 : memref<1x8x64xf32, #tpu.memory_space<vmem>> -> memref<8x64xf32, #tpu.memory_space<vmem>>
    %dma_start3A_1181 = arith.constant 0 : i32
    %dma_start3A_1182 = arith.constant 0 : i32
    %dma_start3A_1183 = tpu.memref_slice %arg5[%squeeze3A_1175, %dma_start3A_1181, %dma_start3A_1182] : memref<125000x8x64xf32, #tpu.memory_space<hbm>> -> memref<1x8x64xf32, #tpu.memory_space<hbm>>
    %dma_start3A_1184 = tpu.memref_squeeze %dma_start3A_1183 : memref<1x8x64xf32, #tpu.memory_space<hbm>> -> memref<8x64xf32, #tpu.memory_space<hbm>>
    %dma_start3A_1185 = arith.constant 0 : i32
    %dma_start3A_1186 = arith.constant 0 : i32
    %dma_start3A_1187 = tpu.memref_slice %arg11[%dma_start3A_1176, %dma_start3A_1185, %dma_start3A_1186] : memref<32x8x64xf32, #tpu.memory_space<vmem>> -> memref<1x8x64xf32, #tpu.memory_space<vmem>>
    %dma_start3A_1188 = tpu.memref_squeeze %dma_start3A_1187 : memref<1x8x64xf32, #tpu.memory_space<vmem>> -> memref<8x64xf32, #tpu.memory_space<vmem>>
    %dma_start3A_1189 = arith.constant 0 : i32
    %dma_start3A_1190 = arith.constant 0 : i32
    %dma_start3A_1191 = tpu.memref_slice %arg5[%squeeze3A_1175, %dma_start3A_1189, %dma_start3A_1190] : memref<125000x8x64xf32, #tpu.memory_space<hbm>> -> memref<1x8x64xf32, #tpu.memory_space<hbm>>
    %dma_start3A_1192 = tpu.memref_squeeze %dma_start3A_1191 : memref<1x8x64xf32, #tpu.memory_space<hbm>> -> memref<8x64xf32, #tpu.memory_space<hbm>>
    tpu.enqueue_dma source(%dma_start3A_1192 : memref<8x64xf32, #tpu.memory_space<hbm>>) target(%dma_start3A_1188 : memref<8x64xf32, #tpu.memory_space<vmem>>) target_semaphore(%arg14 : memref<!tpu.dma_semaphore, #tpu.memory_space<semaphore_mem>>)
    %slice3A_1193 = vector.extract_strided_slice %get3A_926 {offsets = [14], sizes = [1], strides = [1]} : vector<16xi32> to vector<1xi32>
    %squeeze3A_1194 = vector.extract %slice3A_1193[0] : i32 from vector<1xi32>
    %dma_start3A_1195 = arith.constant 30 : i32
    %dma_start3A_1196 = arith.constant 0 : i32
    %dma_start3A_1197 = arith.constant 0 : i32
    %dma_start3A_1198 = tpu.memref_slice %arg11[%dma_start3A_1195, %dma_start3A_1196, %dma_start3A_1197] : memref<32x8x64xf32, #tpu.memory_space<vmem>> -> memref<1x8x64xf32, #tpu.memory_space<vmem>>
    %dma_start3A_1199 = tpu.memref_squeeze %dma_start3A_1198 : memref<1x8x64xf32, #tpu.memory_space<vmem>> -> memref<8x64xf32, #tpu.memory_space<vmem>>
    %dma_start3A_1200 = arith.constant 0 : i32
    %dma_start3A_1201 = arith.constant 0 : i32
    %dma_start3A_1202 = tpu.memref_slice %arg5[%squeeze3A_1194, %dma_start3A_1200, %dma_start3A_1201] : memref<125000x8x64xf32, #tpu.memory_space<hbm>> -> memref<1x8x64xf32, #tpu.memory_space<hbm>>
    %dma_start3A_1203 = tpu.memref_squeeze %dma_start3A_1202 : memref<1x8x64xf32, #tpu.memory_space<hbm>> -> memref<8x64xf32, #tpu.memory_space<hbm>>
    %dma_start3A_1204 = arith.constant 0 : i32
    %dma_start3A_1205 = arith.constant 0 : i32
    %dma_start3A_1206 = tpu.memref_slice %arg11[%dma_start3A_1195, %dma_start3A_1204, %dma_start3A_1205] : memref<32x8x64xf32, #tpu.memory_space<vmem>> -> memref<1x8x64xf32, #tpu.memory_space<vmem>>
    %dma_start3A_1207 = tpu.memref_squeeze %dma_start3A_1206 : memref<1x8x64xf32, #tpu.memory_space<vmem>> -> memref<8x64xf32, #tpu.memory_space<vmem>>
    %dma_start3A_1208 = arith.constant 0 : i32
    %dma_start3A_1209 = arith.constant 0 : i32
    %dma_start3A_1210 = tpu.memref_slice %arg5[%squeeze3A_1194, %dma_start3A_1208, %dma_start3A_1209] : memref<125000x8x64xf32, #tpu.memory_space<hbm>> -> memref<1x8x64xf32, #tpu.memory_space<hbm>>
    %dma_start3A_1211 = tpu.memref_squeeze %dma_start3A_1210 : memref<1x8x64xf32, #tpu.memory_space<hbm>> -> memref<8x64xf32, #tpu.memory_space<hbm>>
    tpu.enqueue_dma source(%dma_start3A_1211 : memref<8x64xf32, #tpu.memory_space<hbm>>) target(%dma_start3A_1207 : memref<8x64xf32, #tpu.memory_space<vmem>>) target_semaphore(%arg14 : memref<!tpu.dma_semaphore, #tpu.memory_space<semaphore_mem>>)
    %slice3A_1212 = vector.extract_strided_slice %get3A_926 {offsets = [15], sizes = [1], strides = [1]} : vector<16xi32> to vector<1xi32>
    %squeeze3A_1213 = vector.extract %slice3A_1212[0] : i32 from vector<1xi32>
    %dma_start3A_1214 = arith.constant 31 : i32
    %dma_start3A_1215 = arith.constant 0 : i32
    %dma_start3A_1216 = arith.constant 0 : i32
    %dma_start3A_1217 = tpu.memref_slice %arg11[%dma_start3A_1214, %dma_start3A_1215, %dma_start3A_1216] : memref<32x8x64xf32, #tpu.memory_space<vmem>> -> memref<1x8x64xf32, #tpu.memory_space<vmem>>
    %dma_start3A_1218 = tpu.memref_squeeze %dma_start3A_1217 : memref<1x8x64xf32, #tpu.memory_space<vmem>> -> memref<8x64xf32, #tpu.memory_space<vmem>>
    %dma_start3A_1219 = arith.constant 0 : i32
    %dma_start3A_1220 = arith.constant 0 : i32
    %dma_start3A_1221 = tpu.memref_slice %arg5[%squeeze3A_1213, %dma_start3A_1219, %dma_start3A_1220] : memref<125000x8x64xf32, #tpu.memory_space<hbm>> -> memref<1x8x64xf32, #tpu.memory_space<hbm>>
    %dma_start3A_1222 = tpu.memref_squeeze %dma_start3A_1221 : memref<1x8x64xf32, #tpu.memory_space<hbm>> -> memref<8x64xf32, #tpu.memory_space<hbm>>
    %dma_start3A_1223 = arith.constant 0 : i32
    %dma_start3A_1224 = arith.constant 0 : i32
    %dma_start3A_1225 = tpu.memref_slice %arg11[%dma_start3A_1214, %dma_start3A_1223, %dma_start3A_1224] : memref<32x8x64xf32, #tpu.memory_space<vmem>> -> memref<1x8x64xf32, #tpu.memory_space<vmem>>
    %dma_start3A_1226 = tpu.memref_squeeze %dma_start3A_1225 : memref<1x8x64xf32, #tpu.memory_space<vmem>> -> memref<8x64xf32, #tpu.memory_space<vmem>>
    %dma_start3A_1227 = arith.constant 0 : i32
    %dma_start3A_1228 = arith.constant 0 : i32
    %dma_start3A_1229 = tpu.memref_slice %arg5[%squeeze3A_1213, %dma_start3A_1227, %dma_start3A_1228] : memref<125000x8x64xf32, #tpu.memory_space<hbm>> -> memref<1x8x64xf32, #tpu.memory_space<hbm>>
    %dma_start3A_1230 = tpu.memref_squeeze %dma_start3A_1229 : memref<1x8x64xf32, #tpu.memory_space<hbm>> -> memref<8x64xf32, #tpu.memory_space<hbm>>
    tpu.enqueue_dma source(%dma_start3A_1230 : memref<8x64xf32, #tpu.memory_space<hbm>>) target(%dma_start3A_1226 : memref<8x64xf32, #tpu.memory_space<vmem>>) target_semaphore(%arg14 : memref<!tpu.dma_semaphore, #tpu.memory_space<semaphore_mem>>)
    %scan3A = arith.constant 0 : i32
    %scan3A_1231 = arith.constant 0 : i32
    %scan3A_1232 = arith.constant 22 : i32
    %scan3A_1233 = arith.addi %scan3A_1231, %scan3A_1232 : i32
    %scan3A_1234 = arith.constant 1 : i32
    %scan3A_1235 = scf.for %scan3A_1252 = %scan3A_1231 to %scan3A_1233 step %scan3A_1234 iter_args(%scan3A_1253 = %scan3A) -> (i32)  : i32 {
      %mul3A_1254 = arith.constant 2 : i32
      %mul3A_1255 = arith.muli %mul3A_1254, %scan3A_1252 : i32
      %dma_wait3A_1256 = arith.constant 0 : i32
      %dma_wait3A_1257 = arith.constant 0 : i32
      %dma_wait3A_1258 = arith.constant 0 : i32
      %dma_wait3A_1259 = tpu.memref_slice %arg5[%dma_wait3A_1256, %dma_wait3A_1257, %dma_wait3A_1258] : memref<125000x8x64xf32, #tpu.memory_space<hbm>> -> memref<32x8x64xf32, #tpu.memory_space<hbm>>
      %dma_wait3A_1260 = arith.constant 0 : i32
      %dma_wait3A_1261 = arith.constant 0 : i32
      %dma_wait3A_1262 = arith.constant 0 : i32
      %dma_wait3A_1263 = tpu.memref_slice %arg5[%dma_wait3A_1260, %dma_wait3A_1261, %dma_wait3A_1262] : memref<125000x8x64xf32, #tpu.memory_space<hbm>> -> memref<32x8x64xf32, #tpu.memory_space<hbm>>
      tpu.wait_dma2 semaphore(%arg13 : memref<!tpu.dma_semaphore, #tpu.memory_space<semaphore_mem>>) src(%dma_wait3A_1263 : memref<32x8x64xf32, #tpu.memory_space<hbm>>) dst(%arg10 : memref<32x8x64xf32, #tpu.memory_space<vmem>>)
      %scan3A_1264 = arith.constant 0 : i32
      %scan3A_1265 = arith.constant 0 : i32
      %scan3A_1266 = arith.constant 2 : i32
      %scan3A_1267 = arith.addi %scan3A_1265, %scan3A_1266 : i32
      %scan3A_1268 = arith.constant 1 : i32
      %scan3A_1269 = scf.for %scan3A_2521 = %scan3A_1265 to %scan3A_1267 step %scan3A_1268 iter_args(%scan3A_2522 = %scan3A_1264) -> (i32)  : i32 {
        %mul3A_2523 = arith.constant 16 : i32
        %mul3A_2524 = arith.muli %scan3A_2521, %mul3A_2523 : i32
        %get3A_2525 = arith.index_cast %mul3A_1255 : i32 to index
        %get3A_2526 = arith.index_cast %mul3A_2524 : i32 to index
        %get3A_2527 = tpu.vector_load %arg8[%get3A_2525, %get3A_2526] {strides = array<i32>} : memref<46x32xi32, #tpu.memory_space<vmem>>, vector<16xi32>,
        %mul3A_2528 = arith.constant 16 : i32
        %mul3A_2529 = arith.muli %scan3A_2521, %mul3A_2528 : i32
        %add3A_2530 = vector.broadcast %mul3A_2529 : i32 to vector<16xi32>
        %add3A_2531 = arith.addi %iota3A, %add3A_2530 : vector<16xi32>
        %mul3A_2532 = arith.constant 32 : i32
        %mul3A_2533 = arith.muli %mul3A_1255, %mul3A_2532 : i32
        %mul3A_2534 = arith.constant 16 : i32
        %mul3A_2535 = arith.muli %scan3A_2521, %mul3A_2534 : i32
        %add3A_2536 = arith.addi %mul3A_2533, %mul3A_2535 : i32
        %add3A_2537 = vector.broadcast %add3A_2536 : i32 to vector<16xi32>
        %add3A_2538 = arith.addi %add3A_2537, %iota3A : vector<16xi32>
        %sub3A = arith.constant 128 : i32
        %sub3A_2539 = vector.broadcast %sub3A : i32 to vector<16xi32>
        %sub3A_2540 = arith.subi %add3A_2538, %sub3A_2539 : vector<16xi32>
        %jit3A = arith.constant 10 : i32
        %div3A = vector.broadcast %jit3A : i32 to vector<16xi32>
        %div3A_2541 = arith.divsi %sub3A_2540, %div3A : vector<16xi32>
        %sign3A = arith.constant 0 : i32
        %sign3A_2542 = vector.broadcast %sign3A : i32 to vector<16xi32>
        %sign3A_2543 = arith.cmpi sgt, %sub3A_2540, %sign3A_2542 : vector<16xi32>
        %sign3A_2544 = arith.extui %sign3A_2543 : vector<16xi1> to vector<16xi32>
        %sign3A_2545 = arith.constant 0 : i32
        %sign3A_2546 = vector.broadcast %sign3A_2545 : i32 to vector<16xi32>
        %sign3A_2547 = arith.cmpi slt, %sub3A_2540, %sign3A_2546 : vector<16xi32>
        %sign3A_2548 = arith.extui %sign3A_2547 : vector<16xi1> to vector<16xi32>
        %sign3A_2549 = arith.subi %sign3A_2544, %sign3A_2548 : vector<16xi32>
        %sign3A_2550 = arith.constant 0 : i32
        %sign3A_2551 = arith.cmpi sgt, %jit3A, %sign3A_2550 : i32
        %sign3A_2552 = arith.extui %sign3A_2551 : i1 to i32
        %sign3A_2553 = arith.constant 0 : i32
        %sign3A_2554 = arith.cmpi slt, %jit3A, %sign3A_2553 : i32
        %sign3A_2555 = arith.extui %sign3A_2554 : i1 to i32
        %sign3A_2556 = arith.subi %sign3A_2552, %sign3A_2555 : i32
        %ne3A = vector.broadcast %sign3A_2556 : i32 to vector<16xi32>
        %ne3A_2557 = arith.cmpi ne, %sign3A_2549, %ne3A : vector<16xi32>
        %rem3A = vector.broadcast %jit3A : i32 to vector<16xi32>
        %rem3A_2558 = arith.remsi %sub3A_2540, %rem3A : vector<16xi32>
        %ne3A_2559 = arith.constant 0 : i32
        %ne3A_2560 = vector.broadcast %ne3A_2559 : i32 to vector<16xi32>
        %ne3A_2561 = arith.cmpi ne, %rem3A_2558, %ne3A_2560 : vector<16xi32>
        %and3A = arith.andi %ne3A_2557, %ne3A_2561 : vector<16xi1>
        %sub3A_2562 = arith.constant 1 : i32
        %sub3A_2563 = vector.broadcast %sub3A_2562 : i32 to vector<16xi32>
        %sub3A_2564 = arith.subi %div3A_2541, %sub3A_2563 : vector<16xi32>
        %select_n3A = arith.select %and3A, %sub3A_2564, %div3A_2541 : vector<16xi1>, vector<16xi32>
        %lt3A = arith.constant 4 : i32
        %lt3A_2565 = arith.cmpi slt, %mul3A_1255, %lt3A : i32
        %broadcast_in_dim3A = vector.broadcast %lt3A_2565 : i1 to vector<16xi1>
        %select_n3A_2566 = arith.select %broadcast_in_dim3A, %add3A_2538, %select_n3A : vector<16xi1>, vector<16xi32>
        %shift_right_arithmetic3A = arith.constant 6 : i32
        %shift_right_arithmetic3A_2567 = vector.broadcast %shift_right_arithmetic3A : i32 to vector<16xi32>
        %shift_right_arithmetic3A_2568 = arith.shrsi %get3A_2527, %shift_right_arithmetic3A_2567 : vector<16xi32>
        %broadcast_in_dim3A_2569 = arith.constant 0.000000e+00 : f32
        %broadcast_in_dim3A_2570 = vector.broadcast %broadcast_in_dim3A_2569 : f32 to vector<16xf32>
        %scan3A_2571 = arith.constant 0 : i32
        %scan3A_2572 = arith.constant 4 : i32
        %scan3A_2573 = arith.addi %scan3A_2571, %scan3A_2572 : i32
        %scan3A_2574 = arith.constant 1 : i32
        %scan3A_2575 = scf.for %scan3A_2584 = %scan3A_2571 to %scan3A_2573 step %scan3A_2574 iter_args(%scan3A_2585 = %broadcast_in_dim3A_2570) -> (vector<16xf32>)  : i32 {
          %mul3A_2586 = arith.constant 16 : i32
          %mul3A_2587 = arith.muli %scan3A_2584, %mul3A_2586 : i32
          %broadcast_in_dim3A_2588 = arith.constant 0 : i32
          %broadcast_in_dim3A_2589 = vector.broadcast %broadcast_in_dim3A_2588 : i32 to vector<16xi32>
          %add3A_2590 = vector.broadcast %mul3A_2587 : i32 to vector<16xi32>
          %add3A_2591 = arith.addi %broadcast_in_dim3A_2589, %add3A_2590 : vector<16xi32>
          %gather3A = tpu.vector_load_idx %arg10[%add3A_2531, %shift_right_arithmetic3A_2568, %add3A_2591] : memref<32x8x64xf32, #tpu.memory_space<vmem>>[vector<16xi32>, vector<16xi32>, vector<16xi32>], vector<16xf32>,
          %gather3A_2592 = tpu.vector_load_idx %arg9[%select_n3A_2566, %add3A_2591] : memref<128x64xf32, #tpu.memory_space<vmem>>[vector<16xi32>, vector<16xi32>], vector<16xf32>,
          %mul3A_2593 = arith.mulf %gather3A, %gather3A_2592 : vector<16xf32>
          %add3A_2594 = arith.addf %scan3A_2585, %mul3A_2593 : vector<16xf32>
          %broadcast_in_dim3A_2595 = arith.constant 1 : i32
          %broadcast_in_dim3A_2596 = vector.broadcast %broadcast_in_dim3A_2595 : i32 to vector<16xi32>
          %add3A_2597 = vector.broadcast %mul3A_2587 : i32 to vector<16xi32>
          %add3A_2598 = arith.addi %broadcast_in_dim3A_2596, %add3A_2597 : vector<16xi32>
          %gather3A_2599 = tpu.vector_load_idx %arg10[%add3A_2531, %shift_right_arithmetic3A_2568, %add3A_2598] : memref<32x8x64xf32, #tpu.memory_space<vmem>>[vector<16xi32>, vector<16xi32>, vector<16xi32>], vector<16xf32>,
          %gather3A_2600 = tpu.vector_load_idx %arg9[%select_n3A_2566, %add3A_2598] : memref<128x64xf32, #tpu.memory_space<vmem>>[vector<16xi32>, vector<16xi32>], vector<16xf32>,
          %mul3A_2601 = arith.mulf %gather3A_2599, %gather3A_2600 : vector<16xf32>
          %add3A_2602 = arith.addf %add3A_2594, %mul3A_2601 : vector<16xf32>
          %broadcast_in_dim3A_2603 = arith.constant 2 : i32
          %broadcast_in_dim3A_2604 = vector.broadcast %broadcast_in_dim3A_2603 : i32 to vector<16xi32>
          %add3A_2605 = vector.broadcast %mul3A_2587 : i32 to vector<16xi32>
          %add3A_2606 = arith.addi %broadcast_in_dim3A_2604, %add3A_2605 : vector<16xi32>
          %gather3A_2607 = tpu.vector_load_idx %arg10[%add3A_2531, %shift_right_arithmetic3A_2568, %add3A_2606] : memref<32x8x64xf32, #tpu.memory_space<vmem>>[vector<16xi32>, vector<16xi32>, vector<16xi32>], vector<16xf32>,
          %gather3A_2608 = tpu.vector_load_idx %arg9[%select_n3A_2566, %add3A_2606] : memref<128x64xf32, #tpu.memory_space<vmem>>[vector<16xi32>, vector<16xi32>], vector<16xf32>,
          %mul3A_2609 = arith.mulf %gather3A_2607, %gather3A_2608 : vector<16xf32>
          %add3A_2610 = arith.addf %add3A_2602, %mul3A_2609 : vector<16xf32>
          %broadcast_in_dim3A_2611 = arith.constant 3 : i32
          %broadcast_in_dim3A_2612 = vector.broadcast %broadcast_in_dim3A_2611 : i32 to vector<16xi32>
          %add3A_2613 = vector.broadcast %mul3A_2587 : i32 to vector<16xi32>
          %add3A_2614 = arith.addi %broadcast_in_dim3A_2612, %add3A_2613 : vector<16xi32>
          %gather3A_2615 = tpu.vector_load_idx %arg10[%add3A_2531, %shift_right_arithmetic3A_2568, %add3A_2614] : memref<32x8x64xf32, #tpu.memory_space<vmem>>[vector<16xi32>, vector<16xi32>, vector<16xi32>], vector<16xf32>,
          %gather3A_2616 = tpu.vector_load_idx %arg9[%select_n3A_2566, %add3A_2614] : memref<128x64xf32, #tpu.memory_space<vmem>>[vector<16xi32>, vector<16xi32>], vector<16xf32>,
          %mul3A_2617 = arith.mulf %gather3A_2615, %gather3A_2616 : vector<16xf32>
          %add3A_2618 = arith.addf %add3A_2610, %mul3A_2617 : vector<16xf32>
          %broadcast_in_dim3A_2619 = arith.constant 4 : i32
          %broadcast_in_dim3A_2620 = vector.broadcast %broadcast_in_dim3A_2619 : i32 to vector<16xi32>
          %add3A_2621 = vector.broadcast %mul3A_2587 : i32 to vector<16xi32>
          %add3A_2622 = arith.addi %broadcast_in_dim3A_2620, %add3A_2621 : vector<16xi32>
          %gather3A_2623 = tpu.vector_load_idx %arg10[%add3A_2531, %shift_right_arithmetic3A_2568, %add3A_2622] : memref<32x8x64xf32, #tpu.memory_space<vmem>>[vector<16xi32>, vector<16xi32>, vector<16xi32>], vector<16xf32>,
          %gather3A_2624 = tpu.vector_load_idx %arg9[%select_n3A_2566, %add3A_2622] : memref<128x64xf32, #tpu.memory_space<vmem>>[vector<16xi32>, vector<16xi32>], vector<16xf32>,
          %mul3A_2625 = arith.mulf %gather3A_2623, %gather3A_2624 : vector<16xf32>
          %add3A_2626 = arith.addf %add3A_2618, %mul3A_2625 : vector<16xf32>
          %broadcast_in_dim3A_2627 = arith.constant 5 : i32
          %broadcast_in_dim3A_2628 = vector.broadcast %broadcast_in_dim3A_2627 : i32 to vector<16xi32>
          %add3A_2629 = vector.broadcast %mul3A_2587 : i32 to vector<16xi32>
          %add3A_2630 = arith.addi %broadcast_in_dim3A_2628, %add3A_2629 : vector<16xi32>
          %gather3A_2631 = tpu.vector_load_idx %arg10[%add3A_2531, %shift_right_arithmetic3A_2568, %add3A_2630] : memref<32x8x64xf32, #tpu.memory_space<vmem>>[vector<16xi32>, vector<16xi32>, vector<16xi32>], vector<16xf32>,
          %gather3A_2632 = tpu.vector_load_idx %arg9[%select_n3A_2566, %add3A_2630] : memref<128x64xf32, #tpu.memory_space<vmem>>[vector<16xi32>, vector<16xi32>], vector<16xf32>,
          %mul3A_2633 = arith.mulf %gather3A_2631, %gather3A_2632 : vector<16xf32>
          %add3A_2634 = arith.addf %add3A_2626, %mul3A_2633 : vector<16xf32>
          %broadcast_in_dim3A_2635 = arith.constant 6 : i32
          %broadcast_in_dim3A_2636 = vector.broadcast %broadcast_in_dim3A_2635 : i32 to vector<16xi32>
          %add3A_2637 = vector.broadcast %mul3A_2587 : i32 to vector<16xi32>
          %add3A_2638 = arith.addi %broadcast_in_dim3A_2636, %add3A_2637 : vector<16xi32>
          %gather3A_2639 = tpu.vector_load_idx %arg10[%add3A_2531, %shift_right_arithmetic3A_2568, %add3A_2638] : memref<32x8x64xf32, #tpu.memory_space<vmem>>[vector<16xi32>, vector<16xi32>, vector<16xi32>], vector<16xf32>,
          %gather3A_2640 = tpu.vector_load_idx %arg9[%select_n3A_2566, %add3A_2638] : memref<128x64xf32, #tpu.memory_space<vmem>>[vector<16xi32>, vector<16xi32>], vector<16xf32>,
          %mul3A_2641 = arith.mulf %gather3A_2639, %gather3A_2640 : vector<16xf32>
          %add3A_2642 = arith.addf %add3A_2634, %mul3A_2641 : vector<16xf32>
          %broadcast_in_dim3A_2643 = arith.constant 7 : i32
          %broadcast_in_dim3A_2644 = vector.broadcast %broadcast_in_dim3A_2643 : i32 to vector<16xi32>
          %add3A_2645 = vector.broadcast %mul3A_2587 : i32 to vector<16xi32>
          %add3A_2646 = arith.addi %broadcast_in_dim3A_2644, %add3A_2645 : vector<16xi32>
          %gather3A_2647 = tpu.vector_load_idx %arg10[%add3A_2531, %shift_right_arithmetic3A_2568, %add3A_2646] : memref<32x8x64xf32, #tpu.memory_space<vmem>>[vector<16xi32>, vector<16xi32>, vector<16xi32>], vector<16xf32>,
          %gather3A_2648 = tpu.vector_load_idx %arg9[%select_n3A_2566, %add3A_2646] : memref<128x64xf32, #tpu.memory_space<vmem>>[vector<16xi32>, vector<16xi32>], vector<16xf32>,
          %mul3A_2649 = arith.mulf %gather3A_2647, %gather3A_2648 : vector<16xf32>
          %add3A_2650 = arith.addf %add3A_2642, %mul3A_2649 : vector<16xf32>
          %broadcast_in_dim3A_2651 = arith.constant 8 : i32
          %broadcast_in_dim3A_2652 = vector.broadcast %broadcast_in_dim3A_2651 : i32 to vector<16xi32>
          %add3A_2653 = vector.broadcast %mul3A_2587 : i32 to vector<16xi32>
          %add3A_2654 = arith.addi %broadcast_in_dim3A_2652, %add3A_2653 : vector<16xi32>
          %gather3A_2655 = tpu.vector_load_idx %arg10[%add3A_2531, %shift_right_arithmetic3A_2568, %add3A_2654] : memref<32x8x64xf32, #tpu.memory_space<vmem>>[vector<16xi32>, vector<16xi32>, vector<16xi32>], vector<16xf32>,
          %gather3A_2656 = tpu.vector_load_idx %arg9[%select_n3A_2566, %add3A_2654] : memref<128x64xf32, #tpu.memory_space<vmem>>[vector<16xi32>, vector<16xi32>], vector<16xf32>,
          %mul3A_2657 = arith.mulf %gather3A_2655, %gather3A_2656 : vector<16xf32>
          %add3A_2658 = arith.addf %add3A_2650, %mul3A_2657 : vector<16xf32>
          %broadcast_in_dim3A_2659 = arith.constant 9 : i32
          %broadcast_in_dim3A_2660 = vector.broadcast %broadcast_in_dim3A_2659 : i32 to vector<16xi32>
          %add3A_2661 = vector.broadcast %mul3A_2587 : i32 to vector<16xi32>
          %add3A_2662 = arith.addi %broadcast_in_dim3A_2660, %add3A_2661 : vector<16xi32>
          %gather3A_2663 = tpu.vector_load_idx %arg10[%add3A_2531, %shift_right_arithmetic3A_2568, %add3A_2662] : memref<32x8x64xf32, #tpu.memory_space<vmem>>[vector<16xi32>, vector<16xi32>, vector<16xi32>], vector<16xf32>,
          %gather3A_2664 = tpu.vector_load_idx %arg9[%select_n3A_2566, %add3A_2662] : memref<128x64xf32, #tpu.memory_space<vmem>>[vector<16xi32>, vector<16xi32>], vector<16xf32>,
          %mul3A_2665 = arith.mulf %gather3A_2663, %gather3A_2664 : vector<16xf32>
          %add3A_2666 = arith.addf %add3A_2658, %mul3A_2665 : vector<16xf32>
          %broadcast_in_dim3A_2667 = arith.constant 10 : i32
          %broadcast_in_dim3A_2668 = vector.broadcast %broadcast_in_dim3A_2667 : i32 to vector<16xi32>
          %add3A_2669 = vector.broadcast %mul3A_2587 : i32 to vector<16xi32>
          %add3A_2670 = arith.addi %broadcast_in_dim3A_2668, %add3A_2669 : vector<16xi32>
          %gather3A_2671 = tpu.vector_load_idx %arg10[%add3A_2531, %shift_right_arithmetic3A_2568, %add3A_2670] : memref<32x8x64xf32, #tpu.memory_space<vmem>>[vector<16xi32>, vector<16xi32>, vector<16xi32>], vector<16xf32>,
          %gather3A_2672 = tpu.vector_load_idx %arg9[%select_n3A_2566, %add3A_2670] : memref<128x64xf32, #tpu.memory_space<vmem>>[vector<16xi32>, vector<16xi32>], vector<16xf32>,
          %mul3A_2673 = arith.mulf %gather3A_2671, %gather3A_2672 : vector<16xf32>
          %add3A_2674 = arith.addf %add3A_2666, %mul3A_2673 : vector<16xf32>
          %broadcast_in_dim3A_2675 = arith.constant 11 : i32
          %broadcast_in_dim3A_2676 = vector.broadcast %broadcast_in_dim3A_2675 : i32 to vector<16xi32>
          %add3A_2677 = vector.broadcast %mul3A_2587 : i32 to vector<16xi32>
          %add3A_2678 = arith.addi %broadcast_in_dim3A_2676, %add3A_2677 : vector<16xi32>
          %gather3A_2679 = tpu.vector_load_idx %arg10[%add3A_2531, %shift_right_arithmetic3A_2568, %add3A_2678] : memref<32x8x64xf32, #tpu.memory_space<vmem>>[vector<16xi32>, vector<16xi32>, vector<16xi32>], vector<16xf32>,
          %gather3A_2680 = tpu.vector_load_idx %arg9[%select_n3A_2566, %add3A_2678] : memref<128x64xf32, #tpu.memory_space<vmem>>[vector<16xi32>, vector<16xi32>], vector<16xf32>,
          %mul3A_2681 = arith.mulf %gather3A_2679, %gather3A_2680 : vector<16xf32>
          %add3A_2682 = arith.addf %add3A_2674, %mul3A_2681 : vector<16xf32>
          %broadcast_in_dim3A_2683 = arith.constant 12 : i32
          %broadcast_in_dim3A_2684 = vector.broadcast %broadcast_in_dim3A_2683 : i32 to vector<16xi32>
          %add3A_2685 = vector.broadcast %mul3A_2587 : i32 to vector<16xi32>
          %add3A_2686 = arith.addi %broadcast_in_dim3A_2684, %add3A_2685 : vector<16xi32>
          %gather3A_2687 = tpu.vector_load_idx %arg10[%add3A_2531, %shift_right_arithmetic3A_2568, %add3A_2686] : memref<32x8x64xf32, #tpu.memory_space<vmem>>[vector<16xi32>, vector<16xi32>, vector<16xi32>], vector<16xf32>,
          %gather3A_2688 = tpu.vector_load_idx %arg9[%select_n3A_2566, %add3A_2686] : memref<128x64xf32, #tpu.memory_space<vmem>>[vector<16xi32>, vector<16xi32>], vector<16xf32>,
          %mul3A_2689 = arith.mulf %gather3A_2687, %gather3A_2688 : vector<16xf32>
          %add3A_2690 = arith.addf %add3A_2682, %mul3A_2689 : vector<16xf32>
          %broadcast_in_dim3A_2691 = arith.constant 13 : i32
          %broadcast_in_dim3A_2692 = vector.broadcast %broadcast_in_dim3A_2691 : i32 to vector<16xi32>
          %add3A_2693 = vector.broadcast %mul3A_2587 : i32 to vector<16xi32>
          %add3A_2694 = arith.addi %broadcast_in_dim3A_2692, %add3A_2693 : vector<16xi32>
          %gather3A_2695 = tpu.vector_load_idx %arg10[%add3A_2531, %shift_right_arithmetic3A_2568, %add3A_2694] : memref<32x8x64xf32, #tpu.memory_space<vmem>>[vector<16xi32>, vector<16xi32>, vector<16xi32>], vector<16xf32>,
          %gather3A_2696 = tpu.vector_load_idx %arg9[%select_n3A_2566, %add3A_2694] : memref<128x64xf32, #tpu.memory_space<vmem>>[vector<16xi32>, vector<16xi32>], vector<16xf32>,
          %mul3A_2697 = arith.mulf %gather3A_2695, %gather3A_2696 : vector<16xf32>
          %add3A_2698 = arith.addf %add3A_2690, %mul3A_2697 : vector<16xf32>
          %broadcast_in_dim3A_2699 = arith.constant 14 : i32
          %broadcast_in_dim3A_2700 = vector.broadcast %broadcast_in_dim3A_2699 : i32 to vector<16xi32>
          %add3A_2701 = vector.broadcast %mul3A_2587 : i32 to vector<16xi32>
          %add3A_2702 = arith.addi %broadcast_in_dim3A_2700, %add3A_2701 : vector<16xi32>
          %gather3A_2703 = tpu.vector_load_idx %arg10[%add3A_2531, %shift_right_arithmetic3A_2568, %add3A_2702] : memref<32x8x64xf32, #tpu.memory_space<vmem>>[vector<16xi32>, vector<16xi32>, vector<16xi32>], vector<16xf32>,
          %gather3A_2704 = tpu.vector_load_idx %arg9[%select_n3A_2566, %add3A_2702] : memref<128x64xf32, #tpu.memory_space<vmem>>[vector<16xi32>, vector<16xi32>], vector<16xf32>,
          %mul3A_2705 = arith.mulf %gather3A_2703, %gather3A_2704 : vector<16xf32>
          %add3A_2706 = arith.addf %add3A_2698, %mul3A_2705 : vector<16xf32>
          %broadcast_in_dim3A_2707 = arith.constant 15 : i32
          %broadcast_in_dim3A_2708 = vector.broadcast %broadcast_in_dim3A_2707 : i32 to vector<16xi32>
          %add3A_2709 = vector.broadcast %mul3A_2587 : i32 to vector<16xi32>
          %add3A_2710 = arith.addi %broadcast_in_dim3A_2708, %add3A_2709 : vector<16xi32>
          %gather3A_2711 = tpu.vector_load_idx %arg10[%add3A_2531, %shift_right_arithmetic3A_2568, %add3A_2710] : memref<32x8x64xf32, #tpu.memory_space<vmem>>[vector<16xi32>, vector<16xi32>, vector<16xi32>], vector<16xf32>,
          %gather3A_2712 = tpu.vector_load_idx %arg9[%select_n3A_2566, %add3A_2710] : memref<128x64xf32, #tpu.memory_space<vmem>>[vector<16xi32>, vector<16xi32>], vector<16xf32>,
          %mul3A_2713 = arith.mulf %gather3A_2711, %gather3A_2712 : vector<16xf32>
          %add3A_2714 = arith.addf %add3A_2706, %mul3A_2713 : vector<16xf32>
          scf.yield %add3A_2714 : vector<16xf32>
        }
        %scan3A_2576 = arith.constant 4 : i32
        %mul3A_2577 = arith.constant 32 : i32
        %mul3A_2578 = arith.muli %mul3A_1255, %mul3A_2577 : i32
        %mul3A_2579 = arith.constant 16 : i32
        %mul3A_2580 = arith.muli %scan3A_2521, %mul3A_2579 : i32
        %add3A_2581 = arith.addi %mul3A_2578, %mul3A_2580 : i32
        %swap3A = arith.index_cast %add3A_2581 : i32 to index
        %swap3A_2582 = tpu.vector_load %arg12[%swap3A] {strides = array<i32>} : memref<1408xf32, #tpu.memory_space<vmem>>, vector<16xf32>,
        tpu.vector_store %arg12[%swap3A], %scan3A_2575 {strides = array<i32>} : memref<1408xf32, #tpu.memory_space<vmem>>, vector<16xf32>,
        %scan3A_2583 = arith.constant 0 : i32
        scf.yield %scan3A_2583 : i32
      }
      %scan3A_1270 = arith.constant 2 : i32
      %add3A_1271 = arith.constant 2 : i32
      %add3A_1272 = arith.addi %mul3A_1255, %add3A_1271 : i32
      %get3A_1273 = arith.index_cast %add3A_1272 : i32 to index
      %get3A_1274 = arith.constant 0 : index
      %get3A_1275 = tpu.vector_load %arg7[%get3A_1273, %get3A_1274] {strides = array<i32>} : memref<46x32xi32, #tpu.memory_space<vmem>>, vector<16xi32>,
      %slice3A_1276 = vector.extract_strided_slice %get3A_1275 {offsets = [0], sizes = [1], strides = [1]} : vector<16xi32> to vector<1xi32>
      %squeeze3A_1277 = vector.extract %slice3A_1276[0] : i32 from vector<1xi32>
      %dma_start3A_1278 = arith.constant 0 : i32
      %dma_start3A_1279 = arith.constant 0 : i32
      %dma_start3A_1280 = arith.constant 0 : i32
      %dma_start3A_1281 = tpu.memref_slice %arg10[%dma_start3A_1278, %dma_start3A_1279, %dma_start3A_1280] : memref<32x8x64xf32, #tpu.memory_space<vmem>> -> memref<1x8x64xf32, #tpu.memory_space<vmem>>
      %dma_start3A_1282 = tpu.memref_squeeze %dma_start3A_1281 : memref<1x8x64xf32, #tpu.memory_space<vmem>> -> memref<8x64xf32, #tpu.memory_space<vmem>>
      %dma_start3A_1283 = arith.constant 0 : i32
      %dma_start3A_1284 = arith.constant 0 : i32
      %dma_start3A_1285 = tpu.memref_slice %arg5[%squeeze3A_1277, %dma_start3A_1283, %dma_start3A_1284] : memref<125000x8x64xf32, #tpu.memory_space<hbm>> -> memref<1x8x64xf32, #tpu.memory_space<hbm>>
      %dma_start3A_1286 = tpu.memref_squeeze %dma_start3A_1285 : memref<1x8x64xf32, #tpu.memory_space<hbm>> -> memref<8x64xf32, #tpu.memory_space<hbm>>
      %dma_start3A_1287 = arith.constant 0 : i32
      %dma_start3A_1288 = arith.constant 0 : i32
      %dma_start3A_1289 = tpu.memref_slice %arg10[%dma_start3A_1278, %dma_start3A_1287, %dma_start3A_1288] : memref<32x8x64xf32, #tpu.memory_space<vmem>> -> memref<1x8x64xf32, #tpu.memory_space<vmem>>
      %dma_start3A_1290 = tpu.memref_squeeze %dma_start3A_1289 : memref<1x8x64xf32, #tpu.memory_space<vmem>> -> memref<8x64xf32, #tpu.memory_space<vmem>>
      %dma_start3A_1291 = arith.constant 0 : i32
      %dma_start3A_1292 = arith.constant 0 : i32
      %dma_start3A_1293 = tpu.memref_slice %arg5[%squeeze3A_1277, %dma_start3A_1291, %dma_start3A_1292] : memref<125000x8x64xf32, #tpu.memory_space<hbm>> -> memref<1x8x64xf32, #tpu.memory_space<hbm>>
      %dma_start3A_1294 = tpu.memref_squeeze %dma_start3A_1293 : memref<1x8x64xf32, #tpu.memory_space<hbm>> -> memref<8x64xf32, #tpu.memory_space<hbm>>
      tpu.enqueue_dma source(%dma_start3A_1294 : memref<8x64xf32, #tpu.memory_space<hbm>>) target(%dma_start3A_1290 : memref<8x64xf32, #tpu.memory_space<vmem>>) target_semaphore(%arg13 : memref<!tpu.dma_semaphore, #tpu.memory_space<semaphore_mem>>)
      %slice3A_1295 = vector.extract_strided_slice %get3A_1275 {offsets = [1], sizes = [1], strides = [1]} : vector<16xi32> to vector<1xi32>
      %squeeze3A_1296 = vector.extract %slice3A_1295[0] : i32 from vector<1xi32>
      %dma_start3A_1297 = arith.constant 1 : i32
      %dma_start3A_1298 = arith.constant 0 : i32
      %dma_start3A_1299 = arith.constant 0 : i32
      %dma_start3A_1300 = tpu.memref_slice %arg10[%dma_start3A_1297, %dma_start3A_1298, %dma_start3A_1299] : memref<32x8x64xf32, #tpu.memory_space<vmem>> -> memref<1x8x64xf32, #tpu.memory_space<vmem>>
      %dma_start3A_1301 = tpu.memref_squeeze %dma_start3A_1300 : memref<1x8x64xf32, #tpu.memory_space<vmem>> -> memref<8x64xf32, #tpu.memory_space<vmem>>
      %dma_start3A_1302 = arith.constant 0 : i32
      %dma_start3A_1303 = arith.constant 0 : i32
      %dma_start3A_1304 = tpu.memref_slice %arg5[%squeeze3A_1296, %dma_start3A_1302, %dma_start3A_1303] : memref<125000x8x64xf32, #tpu.memory_space<hbm>> -> memref<1x8x64xf32, #tpu.memory_space<hbm>>
      %dma_start3A_1305 = tpu.memref_squeeze %dma_start3A_1304 : memref<1x8x64xf32, #tpu.memory_space<hbm>> -> memref<8x64xf32, #tpu.memory_space<hbm>>
      %dma_start3A_1306 = arith.constant 0 : i32
      %dma_start3A_1307 = arith.constant 0 : i32
      %dma_start3A_1308 = tpu.memref_slice %arg10[%dma_start3A_1297, %dma_start3A_1306, %dma_start3A_1307] : memref<32x8x64xf32, #tpu.memory_space<vmem>> -> memref<1x8x64xf32, #tpu.memory_space<vmem>>
      %dma_start3A_1309 = tpu.memref_squeeze %dma_start3A_1308 : memref<1x8x64xf32, #tpu.memory_space<vmem>> -> memref<8x64xf32, #tpu.memory_space<vmem>>
      %dma_start3A_1310 = arith.constant 0 : i32
      %dma_start3A_1311 = arith.constant 0 : i32
      %dma_start3A_1312 = tpu.memref_slice %arg5[%squeeze3A_1296, %dma_start3A_1310, %dma_start3A_1311] : memref<125000x8x64xf32, #tpu.memory_space<hbm>> -> memref<1x8x64xf32, #tpu.memory_space<hbm>>
      %dma_start3A_1313 = tpu.memref_squeeze %dma_start3A_1312 : memref<1x8x64xf32, #tpu.memory_space<hbm>> -> memref<8x64xf32, #tpu.memory_space<hbm>>
      tpu.enqueue_dma source(%dma_start3A_1313 : memref<8x64xf32, #tpu.memory_space<hbm>>) target(%dma_start3A_1309 : memref<8x64xf32, #tpu.memory_space<vmem>>) target_semaphore(%arg13 : memref<!tpu.dma_semaphore, #tpu.memory_space<semaphore_mem>>)
      %slice3A_1314 = vector.extract_strided_slice %get3A_1275 {offsets = [2], sizes = [1], strides = [1]} : vector<16xi32> to vector<1xi32>
      %squeeze3A_1315 = vector.extract %slice3A_1314[0] : i32 from vector<1xi32>
      %dma_start3A_1316 = arith.constant 2 : i32
      %dma_start3A_1317 = arith.constant 0 : i32
      %dma_start3A_1318 = arith.constant 0 : i32
      %dma_start3A_1319 = tpu.memref_slice %arg10[%dma_start3A_1316, %dma_start3A_1317, %dma_start3A_1318] : memref<32x8x64xf32, #tpu.memory_space<vmem>> -> memref<1x8x64xf32, #tpu.memory_space<vmem>>
      %dma_start3A_1320 = tpu.memref_squeeze %dma_start3A_1319 : memref<1x8x64xf32, #tpu.memory_space<vmem>> -> memref<8x64xf32, #tpu.memory_space<vmem>>
      %dma_start3A_1321 = arith.constant 0 : i32
      %dma_start3A_1322 = arith.constant 0 : i32
      %dma_start3A_1323 = tpu.memref_slice %arg5[%squeeze3A_1315, %dma_start3A_1321, %dma_start3A_1322] : memref<125000x8x64xf32, #tpu.memory_space<hbm>> -> memref<1x8x64xf32, #tpu.memory_space<hbm>>
      %dma_start3A_1324 = tpu.memref_squeeze %dma_start3A_1323 : memref<1x8x64xf32, #tpu.memory_space<hbm>> -> memref<8x64xf32, #tpu.memory_space<hbm>>
      %dma_start3A_1325 = arith.constant 0 : i32
      %dma_start3A_1326 = arith.constant 0 : i32
      %dma_start3A_1327 = tpu.memref_slice %arg10[%dma_start3A_1316, %dma_start3A_1325, %dma_start3A_1326] : memref<32x8x64xf32, #tpu.memory_space<vmem>> -> memref<1x8x64xf32, #tpu.memory_space<vmem>>
      %dma_start3A_1328 = tpu.memref_squeeze %dma_start3A_1327 : memref<1x8x64xf32, #tpu.memory_space<vmem>> -> memref<8x64xf32, #tpu.memory_space<vmem>>
      %dma_start3A_1329 = arith.constant 0 : i32
      %dma_start3A_1330 = arith.constant 0 : i32
      %dma_start3A_1331 = tpu.memref_slice %arg5[%squeeze3A_1315, %dma_start3A_1329, %dma_start3A_1330] : memref<125000x8x64xf32, #tpu.memory_space<hbm>> -> memref<1x8x64xf32, #tpu.memory_space<hbm>>
      %dma_start3A_1332 = tpu.memref_squeeze %dma_start3A_1331 : memref<1x8x64xf32, #tpu.memory_space<hbm>> -> memref<8x64xf32, #tpu.memory_space<hbm>>
      tpu.enqueue_dma source(%dma_start3A_1332 : memref<8x64xf32, #tpu.memory_space<hbm>>) target(%dma_start3A_1328 : memref<8x64xf32, #tpu.memory_space<vmem>>) target_semaphore(%arg13 : memref<!tpu.dma_semaphore, #tpu.memory_space<semaphore_mem>>)
      %slice3A_1333 = vector.extract_strided_slice %get3A_1275 {offsets = [3], sizes = [1], strides = [1]} : vector<16xi32> to vector<1xi32>
      %squeeze3A_1334 = vector.extract %slice3A_1333[0] : i32 from vector<1xi32>
      %dma_start3A_1335 = arith.constant 3 : i32
      %dma_start3A_1336 = arith.constant 0 : i32
      %dma_start3A_1337 = arith.constant 0 : i32
      %dma_start3A_1338 = tpu.memref_slice %arg10[%dma_start3A_1335, %dma_start3A_1336, %dma_start3A_1337] : memref<32x8x64xf32, #tpu.memory_space<vmem>> -> memref<1x8x64xf32, #tpu.memory_space<vmem>>
      %dma_start3A_1339 = tpu.memref_squeeze %dma_start3A_1338 : memref<1x8x64xf32, #tpu.memory_space<vmem>> -> memref<8x64xf32, #tpu.memory_space<vmem>>
      %dma_start3A_1340 = arith.constant 0 : i32
      %dma_start3A_1341 = arith.constant 0 : i32
      %dma_start3A_1342 = tpu.memref_slice %arg5[%squeeze3A_1334, %dma_start3A_1340, %dma_start3A_1341] : memref<125000x8x64xf32, #tpu.memory_space<hbm>> -> memref<1x8x64xf32, #tpu.memory_space<hbm>>
      %dma_start3A_1343 = tpu.memref_squeeze %dma_start3A_1342 : memref<1x8x64xf32, #tpu.memory_space<hbm>> -> memref<8x64xf32, #tpu.memory_space<hbm>>
      %dma_start3A_1344 = arith.constant 0 : i32
      %dma_start3A_1345 = arith.constant 0 : i32
      %dma_start3A_1346 = tpu.memref_slice %arg10[%dma_start3A_1335, %dma_start3A_1344, %dma_start3A_1345] : memref<32x8x64xf32, #tpu.memory_space<vmem>> -> memref<1x8x64xf32, #tpu.memory_space<vmem>>
      %dma_start3A_1347 = tpu.memref_squeeze %dma_start3A_1346 : memref<1x8x64xf32, #tpu.memory_space<vmem>> -> memref<8x64xf32, #tpu.memory_space<vmem>>
      %dma_start3A_1348 = arith.constant 0 : i32
      %dma_start3A_1349 = arith.constant 0 : i32
      %dma_start3A_1350 = tpu.memref_slice %arg5[%squeeze3A_1334, %dma_start3A_1348, %dma_start3A_1349] : memref<125000x8x64xf32, #tpu.memory_space<hbm>> -> memref<1x8x64xf32, #tpu.memory_space<hbm>>
      %dma_start3A_1351 = tpu.memref_squeeze %dma_start3A_1350 : memref<1x8x64xf32, #tpu.memory_space<hbm>> -> memref<8x64xf32, #tpu.memory_space<hbm>>
      tpu.enqueue_dma source(%dma_start3A_1351 : memref<8x64xf32, #tpu.memory_space<hbm>>) target(%dma_start3A_1347 : memref<8x64xf32, #tpu.memory_space<vmem>>) target_semaphore(%arg13 : memref<!tpu.dma_semaphore, #tpu.memory_space<semaphore_mem>>)
      %slice3A_1352 = vector.extract_strided_slice %get3A_1275 {offsets = [4], sizes = [1], strides = [1]} : vector<16xi32> to vector<1xi32>
      %squeeze3A_1353 = vector.extract %slice3A_1352[0] : i32 from vector<1xi32>
      %dma_start3A_1354 = arith.constant 4 : i32
      %dma_start3A_1355 = arith.constant 0 : i32
      %dma_start3A_1356 = arith.constant 0 : i32
      %dma_start3A_1357 = tpu.memref_slice %arg10[%dma_start3A_1354, %dma_start3A_1355, %dma_start3A_1356] : memref<32x8x64xf32, #tpu.memory_space<vmem>> -> memref<1x8x64xf32, #tpu.memory_space<vmem>>
      %dma_start3A_1358 = tpu.memref_squeeze %dma_start3A_1357 : memref<1x8x64xf32, #tpu.memory_space<vmem>> -> memref<8x64xf32, #tpu.memory_space<vmem>>
      %dma_start3A_1359 = arith.constant 0 : i32
      %dma_start3A_1360 = arith.constant 0 : i32
      %dma_start3A_1361 = tpu.memref_slice %arg5[%squeeze3A_1353, %dma_start3A_1359, %dma_start3A_1360] : memref<125000x8x64xf32, #tpu.memory_space<hbm>> -> memref<1x8x64xf32, #tpu.memory_space<hbm>>
      %dma_start3A_1362 = tpu.memref_squeeze %dma_start3A_1361 : memref<1x8x64xf32, #tpu.memory_space<hbm>> -> memref<8x64xf32, #tpu.memory_space<hbm>>
      %dma_start3A_1363 = arith.constant 0 : i32
      %dma_start3A_1364 = arith.constant 0 : i32
      %dma_start3A_1365 = tpu.memref_slice %arg10[%dma_start3A_1354, %dma_start3A_1363, %dma_start3A_1364] : memref<32x8x64xf32, #tpu.memory_space<vmem>> -> memref<1x8x64xf32, #tpu.memory_space<vmem>>
      %dma_start3A_1366 = tpu.memref_squeeze %dma_start3A_1365 : memref<1x8x64xf32, #tpu.memory_space<vmem>> -> memref<8x64xf32, #tpu.memory_space<vmem>>
      %dma_start3A_1367 = arith.constant 0 : i32
      %dma_start3A_1368 = arith.constant 0 : i32
      %dma_start3A_1369 = tpu.memref_slice %arg5[%squeeze3A_1353, %dma_start3A_1367, %dma_start3A_1368] : memref<125000x8x64xf32, #tpu.memory_space<hbm>> -> memref<1x8x64xf32, #tpu.memory_space<hbm>>
      %dma_start3A_1370 = tpu.memref_squeeze %dma_start3A_1369 : memref<1x8x64xf32, #tpu.memory_space<hbm>> -> memref<8x64xf32, #tpu.memory_space<hbm>>
      tpu.enqueue_dma source(%dma_start3A_1370 : memref<8x64xf32, #tpu.memory_space<hbm>>) target(%dma_start3A_1366 : memref<8x64xf32, #tpu.memory_space<vmem>>) target_semaphore(%arg13 : memref<!tpu.dma_semaphore, #tpu.memory_space<semaphore_mem>>)
      %slice3A_1371 = vector.extract_strided_slice %get3A_1275 {offsets = [5], sizes = [1], strides = [1]} : vector<16xi32> to vector<1xi32>
      %squeeze3A_1372 = vector.extract %slice3A_1371[0] : i32 from vector<1xi32>
      %dma_start3A_1373 = arith.constant 5 : i32
      %dma_start3A_1374 = arith.constant 0 : i32
      %dma_start3A_1375 = arith.constant 0 : i32
      %dma_start3A_1376 = tpu.memref_slice %arg10[%dma_start3A_1373, %dma_start3A_1374, %dma_start3A_1375] : memref<32x8x64xf32, #tpu.memory_space<vmem>> -> memref<1x8x64xf32, #tpu.memory_space<vmem>>
      %dma_start3A_1377 = tpu.memref_squeeze %dma_start3A_1376 : memref<1x8x64xf32, #tpu.memory_space<vmem>> -> memref<8x64xf32, #tpu.memory_space<vmem>>
      %dma_start3A_1378 = arith.constant 0 : i32
      %dma_start3A_1379 = arith.constant 0 : i32
      %dma_start3A_1380 = tpu.memref_slice %arg5[%squeeze3A_1372, %dma_start3A_1378, %dma_start3A_1379] : memref<125000x8x64xf32, #tpu.memory_space<hbm>> -> memref<1x8x64xf32, #tpu.memory_space<hbm>>
      %dma_start3A_1381 = tpu.memref_squeeze %dma_start3A_1380 : memref<1x8x64xf32, #tpu.memory_space<hbm>> -> memref<8x64xf32, #tpu.memory_space<hbm>>
      %dma_start3A_1382 = arith.constant 0 : i32
      %dma_start3A_1383 = arith.constant 0 : i32
      %dma_start3A_1384 = tpu.memref_slice %arg10[%dma_start3A_1373, %dma_start3A_1382, %dma_start3A_1383] : memref<32x8x64xf32, #tpu.memory_space<vmem>> -> memref<1x8x64xf32, #tpu.memory_space<vmem>>
      %dma_start3A_1385 = tpu.memref_squeeze %dma_start3A_1384 : memref<1x8x64xf32, #tpu.memory_space<vmem>> -> memref<8x64xf32, #tpu.memory_space<vmem>>
      %dma_start3A_1386 = arith.constant 0 : i32
      %dma_start3A_1387 = arith.constant 0 : i32
      %dma_start3A_1388 = tpu.memref_slice %arg5[%squeeze3A_1372, %dma_start3A_1386, %dma_start3A_1387] : memref<125000x8x64xf32, #tpu.memory_space<hbm>> -> memref<1x8x64xf32, #tpu.memory_space<hbm>>
      %dma_start3A_1389 = tpu.memref_squeeze %dma_start3A_1388 : memref<1x8x64xf32, #tpu.memory_space<hbm>> -> memref<8x64xf32, #tpu.memory_space<hbm>>
      tpu.enqueue_dma source(%dma_start3A_1389 : memref<8x64xf32, #tpu.memory_space<hbm>>) target(%dma_start3A_1385 : memref<8x64xf32, #tpu.memory_space<vmem>>) target_semaphore(%arg13 : memref<!tpu.dma_semaphore, #tpu.memory_space<semaphore_mem>>)
      %slice3A_1390 = vector.extract_strided_slice %get3A_1275 {offsets = [6], sizes = [1], strides = [1]} : vector<16xi32> to vector<1xi32>
      %squeeze3A_1391 = vector.extract %slice3A_1390[0] : i32 from vector<1xi32>
      %dma_start3A_1392 = arith.constant 6 : i32
      %dma_start3A_1393 = arith.constant 0 : i32
      %dma_start3A_1394 = arith.constant 0 : i32
      %dma_start3A_1395 = tpu.memref_slice %arg10[%dma_start3A_1392, %dma_start3A_1393, %dma_start3A_1394] : memref<32x8x64xf32, #tpu.memory_space<vmem>> -> memref<1x8x64xf32, #tpu.memory_space<vmem>>
      %dma_start3A_1396 = tpu.memref_squeeze %dma_start3A_1395 : memref<1x8x64xf32, #tpu.memory_space<vmem>> -> memref<8x64xf32, #tpu.memory_space<vmem>>
      %dma_start3A_1397 = arith.constant 0 : i32
      %dma_start3A_1398 = arith.constant 0 : i32
      %dma_start3A_1399 = tpu.memref_slice %arg5[%squeeze3A_1391, %dma_start3A_1397, %dma_start3A_1398] : memref<125000x8x64xf32, #tpu.memory_space<hbm>> -> memref<1x8x64xf32, #tpu.memory_space<hbm>>
      %dma_start3A_1400 = tpu.memref_squeeze %dma_start3A_1399 : memref<1x8x64xf32, #tpu.memory_space<hbm>> -> memref<8x64xf32, #tpu.memory_space<hbm>>
      %dma_start3A_1401 = arith.constant 0 : i32
      %dma_start3A_1402 = arith.constant 0 : i32
      %dma_start3A_1403 = tpu.memref_slice %arg10[%dma_start3A_1392, %dma_start3A_1401, %dma_start3A_1402] : memref<32x8x64xf32, #tpu.memory_space<vmem>> -> memref<1x8x64xf32, #tpu.memory_space<vmem>>
      %dma_start3A_1404 = tpu.memref_squeeze %dma_start3A_1403 : memref<1x8x64xf32, #tpu.memory_space<vmem>> -> memref<8x64xf32, #tpu.memory_space<vmem>>
      %dma_start3A_1405 = arith.constant 0 : i32
      %dma_start3A_1406 = arith.constant 0 : i32
      %dma_start3A_1407 = tpu.memref_slice %arg5[%squeeze3A_1391, %dma_start3A_1405, %dma_start3A_1406] : memref<125000x8x64xf32, #tpu.memory_space<hbm>> -> memref<1x8x64xf32, #tpu.memory_space<hbm>>
      %dma_start3A_1408 = tpu.memref_squeeze %dma_start3A_1407 : memref<1x8x64xf32, #tpu.memory_space<hbm>> -> memref<8x64xf32, #tpu.memory_space<hbm>>
      tpu.enqueue_dma source(%dma_start3A_1408 : memref<8x64xf32, #tpu.memory_space<hbm>>) target(%dma_start3A_1404 : memref<8x64xf32, #tpu.memory_space<vmem>>) target_semaphore(%arg13 : memref<!tpu.dma_semaphore, #tpu.memory_space<semaphore_mem>>)
      %slice3A_1409 = vector.extract_strided_slice %get3A_1275 {offsets = [7], sizes = [1], strides = [1]} : vector<16xi32> to vector<1xi32>
      %squeeze3A_1410 = vector.extract %slice3A_1409[0] : i32 from vector<1xi32>
      %dma_start3A_1411 = arith.constant 7 : i32
      %dma_start3A_1412 = arith.constant 0 : i32
      %dma_start3A_1413 = arith.constant 0 : i32
      %dma_start3A_1414 = tpu.memref_slice %arg10[%dma_start3A_1411, %dma_start3A_1412, %dma_start3A_1413] : memref<32x8x64xf32, #tpu.memory_space<vmem>> -> memref<1x8x64xf32, #tpu.memory_space<vmem>>
      %dma_start3A_1415 = tpu.memref_squeeze %dma_start3A_1414 : memref<1x8x64xf32, #tpu.memory_space<vmem>> -> memref<8x64xf32, #tpu.memory_space<vmem>>
      %dma_start3A_1416 = arith.constant 0 : i32
      %dma_start3A_1417 = arith.constant 0 : i32
      %dma_start3A_1418 = tpu.memref_slice %arg5[%squeeze3A_1410, %dma_start3A_1416, %dma_start3A_1417] : memref<125000x8x64xf32, #tpu.memory_space<hbm>> -> memref<1x8x64xf32, #tpu.memory_space<hbm>>
      %dma_start3A_1419 = tpu.memref_squeeze %dma_start3A_1418 : memref<1x8x64xf32, #tpu.memory_space<hbm>> -> memref<8x64xf32, #tpu.memory_space<hbm>>
      %dma_start3A_1420 = arith.constant 0 : i32
      %dma_start3A_1421 = arith.constant 0 : i32
      %dma_start3A_1422 = tpu.memref_slice %arg10[%dma_start3A_1411, %dma_start3A_1420, %dma_start3A_1421] : memref<32x8x64xf32, #tpu.memory_space<vmem>> -> memref<1x8x64xf32, #tpu.memory_space<vmem>>
      %dma_start3A_1423 = tpu.memref_squeeze %dma_start3A_1422 : memref<1x8x64xf32, #tpu.memory_space<vmem>> -> memref<8x64xf32, #tpu.memory_space<vmem>>
      %dma_start3A_1424 = arith.constant 0 : i32
      %dma_start3A_1425 = arith.constant 0 : i32
      %dma_start3A_1426 = tpu.memref_slice %arg5[%squeeze3A_1410, %dma_start3A_1424, %dma_start3A_1425] : memref<125000x8x64xf32, #tpu.memory_space<hbm>> -> memref<1x8x64xf32, #tpu.memory_space<hbm>>
      %dma_start3A_1427 = tpu.memref_squeeze %dma_start3A_1426 : memref<1x8x64xf32, #tpu.memory_space<hbm>> -> memref<8x64xf32, #tpu.memory_space<hbm>>
      tpu.enqueue_dma source(%dma_start3A_1427 : memref<8x64xf32, #tpu.memory_space<hbm>>) target(%dma_start3A_1423 : memref<8x64xf32, #tpu.memory_space<vmem>>) target_semaphore(%arg13 : memref<!tpu.dma_semaphore, #tpu.memory_space<semaphore_mem>>)
      %slice3A_1428 = vector.extract_strided_slice %get3A_1275 {offsets = [8], sizes = [1], strides = [1]} : vector<16xi32> to vector<1xi32>
      %squeeze3A_1429 = vector.extract %slice3A_1428[0] : i32 from vector<1xi32>
      %dma_start3A_1430 = arith.constant 8 : i32
      %dma_start3A_1431 = arith.constant 0 : i32
      %dma_start3A_1432 = arith.constant 0 : i32
      %dma_start3A_1433 = tpu.memref_slice %arg10[%dma_start3A_1430, %dma_start3A_1431, %dma_start3A_1432] : memref<32x8x64xf32, #tpu.memory_space<vmem>> -> memref<1x8x64xf32, #tpu.memory_space<vmem>>
      %dma_start3A_1434 = tpu.memref_squeeze %dma_start3A_1433 : memref<1x8x64xf32, #tpu.memory_space<vmem>> -> memref<8x64xf32, #tpu.memory_space<vmem>>
      %dma_start3A_1435 = arith.constant 0 : i32
      %dma_start3A_1436 = arith.constant 0 : i32
      %dma_start3A_1437 = tpu.memref_slice %arg5[%squeeze3A_1429, %dma_start3A_1435, %dma_start3A_1436] : memref<125000x8x64xf32, #tpu.memory_space<hbm>> -> memref<1x8x64xf32, #tpu.memory_space<hbm>>
      %dma_start3A_1438 = tpu.memref_squeeze %dma_start3A_1437 : memref<1x8x64xf32, #tpu.memory_space<hbm>> -> memref<8x64xf32, #tpu.memory_space<hbm>>
      %dma_start3A_1439 = arith.constant 0 : i32
      %dma_start3A_1440 = arith.constant 0 : i32
      %dma_start3A_1441 = tpu.memref_slice %arg10[%dma_start3A_1430, %dma_start3A_1439, %dma_start3A_1440] : memref<32x8x64xf32, #tpu.memory_space<vmem>> -> memref<1x8x64xf32, #tpu.memory_space<vmem>>
      %dma_start3A_1442 = tpu.memref_squeeze %dma_start3A_1441 : memref<1x8x64xf32, #tpu.memory_space<vmem>> -> memref<8x64xf32, #tpu.memory_space<vmem>>
      %dma_start3A_1443 = arith.constant 0 : i32
      %dma_start3A_1444 = arith.constant 0 : i32
      %dma_start3A_1445 = tpu.memref_slice %arg5[%squeeze3A_1429, %dma_start3A_1443, %dma_start3A_1444] : memref<125000x8x64xf32, #tpu.memory_space<hbm>> -> memref<1x8x64xf32, #tpu.memory_space<hbm>>
      %dma_start3A_1446 = tpu.memref_squeeze %dma_start3A_1445 : memref<1x8x64xf32, #tpu.memory_space<hbm>> -> memref<8x64xf32, #tpu.memory_space<hbm>>
      tpu.enqueue_dma source(%dma_start3A_1446 : memref<8x64xf32, #tpu.memory_space<hbm>>) target(%dma_start3A_1442 : memref<8x64xf32, #tpu.memory_space<vmem>>) target_semaphore(%arg13 : memref<!tpu.dma_semaphore, #tpu.memory_space<semaphore_mem>>)
      %slice3A_1447 = vector.extract_strided_slice %get3A_1275 {offsets = [9], sizes = [1], strides = [1]} : vector<16xi32> to vector<1xi32>
      %squeeze3A_1448 = vector.extract %slice3A_1447[0] : i32 from vector<1xi32>
      %dma_start3A_1449 = arith.constant 9 : i32
      %dma_start3A_1450 = arith.constant 0 : i32
      %dma_start3A_1451 = arith.constant 0 : i32
      %dma_start3A_1452 = tpu.memref_slice %arg10[%dma_start3A_1449, %dma_start3A_1450, %dma_start3A_1451] : memref<32x8x64xf32, #tpu.memory_space<vmem>> -> memref<1x8x64xf32, #tpu.memory_space<vmem>>
      %dma_start3A_1453 = tpu.memref_squeeze %dma_start3A_1452 : memref<1x8x64xf32, #tpu.memory_space<vmem>> -> memref<8x64xf32, #tpu.memory_space<vmem>>
      %dma_start3A_1454 = arith.constant 0 : i32
      %dma_start3A_1455 = arith.constant 0 : i32
      %dma_start3A_1456 = tpu.memref_slice %arg5[%squeeze3A_1448, %dma_start3A_1454, %dma_start3A_1455] : memref<125000x8x64xf32, #tpu.memory_space<hbm>> -> memref<1x8x64xf32, #tpu.memory_space<hbm>>
      %dma_start3A_1457 = tpu.memref_squeeze %dma_start3A_1456 : memref<1x8x64xf32, #tpu.memory_space<hbm>> -> memref<8x64xf32, #tpu.memory_space<hbm>>
      %dma_start3A_1458 = arith.constant 0 : i32
      %dma_start3A_1459 = arith.constant 0 : i32
      %dma_start3A_1460 = tpu.memref_slice %arg10[%dma_start3A_1449, %dma_start3A_1458, %dma_start3A_1459] : memref<32x8x64xf32, #tpu.memory_space<vmem>> -> memref<1x8x64xf32, #tpu.memory_space<vmem>>
      %dma_start3A_1461 = tpu.memref_squeeze %dma_start3A_1460 : memref<1x8x64xf32, #tpu.memory_space<vmem>> -> memref<8x64xf32, #tpu.memory_space<vmem>>
      %dma_start3A_1462 = arith.constant 0 : i32
      %dma_start3A_1463 = arith.constant 0 : i32
      %dma_start3A_1464 = tpu.memref_slice %arg5[%squeeze3A_1448, %dma_start3A_1462, %dma_start3A_1463] : memref<125000x8x64xf32, #tpu.memory_space<hbm>> -> memref<1x8x64xf32, #tpu.memory_space<hbm>>
      %dma_start3A_1465 = tpu.memref_squeeze %dma_start3A_1464 : memref<1x8x64xf32, #tpu.memory_space<hbm>> -> memref<8x64xf32, #tpu.memory_space<hbm>>
      tpu.enqueue_dma source(%dma_start3A_1465 : memref<8x64xf32, #tpu.memory_space<hbm>>) target(%dma_start3A_1461 : memref<8x64xf32, #tpu.memory_space<vmem>>) target_semaphore(%arg13 : memref<!tpu.dma_semaphore, #tpu.memory_space<semaphore_mem>>)
      %slice3A_1466 = vector.extract_strided_slice %get3A_1275 {offsets = [10], sizes = [1], strides = [1]} : vector<16xi32> to vector<1xi32>
      %squeeze3A_1467 = vector.extract %slice3A_1466[0] : i32 from vector<1xi32>
      %dma_start3A_1468 = arith.constant 10 : i32
      %dma_start3A_1469 = arith.constant 0 : i32
      %dma_start3A_1470 = arith.constant 0 : i32
      %dma_start3A_1471 = tpu.memref_slice %arg10[%dma_start3A_1468, %dma_start3A_1469, %dma_start3A_1470] : memref<32x8x64xf32, #tpu.memory_space<vmem>> -> memref<1x8x64xf32, #tpu.memory_space<vmem>>
      %dma_start3A_1472 = tpu.memref_squeeze %dma_start3A_1471 : memref<1x8x64xf32, #tpu.memory_space<vmem>> -> memref<8x64xf32, #tpu.memory_space<vmem>>
      %dma_start3A_1473 = arith.constant 0 : i32
      %dma_start3A_1474 = arith.constant 0 : i32
      %dma_start3A_1475 = tpu.memref_slice %arg5[%squeeze3A_1467, %dma_start3A_1473, %dma_start3A_1474] : memref<125000x8x64xf32, #tpu.memory_space<hbm>> -> memref<1x8x64xf32, #tpu.memory_space<hbm>>
      %dma_start3A_1476 = tpu.memref_squeeze %dma_start3A_1475 : memref<1x8x64xf32, #tpu.memory_space<hbm>> -> memref<8x64xf32, #tpu.memory_space<hbm>>
      %dma_start3A_1477 = arith.constant 0 : i32
      %dma_start3A_1478 = arith.constant 0 : i32
      %dma_start3A_1479 = tpu.memref_slice %arg10[%dma_start3A_1468, %dma_start3A_1477, %dma_start3A_1478] : memref<32x8x64xf32, #tpu.memory_space<vmem>> -> memref<1x8x64xf32, #tpu.memory_space<vmem>>
      %dma_start3A_1480 = tpu.memref_squeeze %dma_start3A_1479 : memref<1x8x64xf32, #tpu.memory_space<vmem>> -> memref<8x64xf32, #tpu.memory_space<vmem>>
      %dma_start3A_1481 = arith.constant 0 : i32
      %dma_start3A_1482 = arith.constant 0 : i32
      %dma_start3A_1483 = tpu.memref_slice %arg5[%squeeze3A_1467, %dma_start3A_1481, %dma_start3A_1482] : memref<125000x8x64xf32, #tpu.memory_space<hbm>> -> memref<1x8x64xf32, #tpu.memory_space<hbm>>
      %dma_start3A_1484 = tpu.memref_squeeze %dma_start3A_1483 : memref<1x8x64xf32, #tpu.memory_space<hbm>> -> memref<8x64xf32, #tpu.memory_space<hbm>>
      tpu.enqueue_dma source(%dma_start3A_1484 : memref<8x64xf32, #tpu.memory_space<hbm>>) target(%dma_start3A_1480 : memref<8x64xf32, #tpu.memory_space<vmem>>) target_semaphore(%arg13 : memref<!tpu.dma_semaphore, #tpu.memory_space<semaphore_mem>>)
      %slice3A_1485 = vector.extract_strided_slice %get3A_1275 {offsets = [11], sizes = [1], strides = [1]} : vector<16xi32> to vector<1xi32>
      %squeeze3A_1486 = vector.extract %slice3A_1485[0] : i32 from vector<1xi32>
      %dma_start3A_1487 = arith.constant 11 : i32
      %dma_start3A_1488 = arith.constant 0 : i32
      %dma_start3A_1489 = arith.constant 0 : i32
      %dma_start3A_1490 = tpu.memref_slice %arg10[%dma_start3A_1487, %dma_start3A_1488, %dma_start3A_1489] : memref<32x8x64xf32, #tpu.memory_space<vmem>> -> memref<1x8x64xf32, #tpu.memory_space<vmem>>
      %dma_start3A_1491 = tpu.memref_squeeze %dma_start3A_1490 : memref<1x8x64xf32, #tpu.memory_space<vmem>> -> memref<8x64xf32, #tpu.memory_space<vmem>>
      %dma_start3A_1492 = arith.constant 0 : i32
      %dma_start3A_1493 = arith.constant 0 : i32
      %dma_start3A_1494 = tpu.memref_slice %arg5[%squeeze3A_1486, %dma_start3A_1492, %dma_start3A_1493] : memref<125000x8x64xf32, #tpu.memory_space<hbm>> -> memref<1x8x64xf32, #tpu.memory_space<hbm>>
      %dma_start3A_1495 = tpu.memref_squeeze %dma_start3A_1494 : memref<1x8x64xf32, #tpu.memory_space<hbm>> -> memref<8x64xf32, #tpu.memory_space<hbm>>
      %dma_start3A_1496 = arith.constant 0 : i32
      %dma_start3A_1497 = arith.constant 0 : i32
      %dma_start3A_1498 = tpu.memref_slice %arg10[%dma_start3A_1487, %dma_start3A_1496, %dma_start3A_1497] : memref<32x8x64xf32, #tpu.memory_space<vmem>> -> memref<1x8x64xf32, #tpu.memory_space<vmem>>
      %dma_start3A_1499 = tpu.memref_squeeze %dma_start3A_1498 : memref<1x8x64xf32, #tpu.memory_space<vmem>> -> memref<8x64xf32, #tpu.memory_space<vmem>>
      %dma_start3A_1500 = arith.constant 0 : i32
      %dma_start3A_1501 = arith.constant 0 : i32
      %dma_start3A_1502 = tpu.memref_slice %arg5[%squeeze3A_1486, %dma_start3A_1500, %dma_start3A_1501] : memref<125000x8x64xf32, #tpu.memory_space<hbm>> -> memref<1x8x64xf32, #tpu.memory_space<hbm>>
      %dma_start3A_1503 = tpu.memref_squeeze %dma_start3A_1502 : memref<1x8x64xf32, #tpu.memory_space<hbm>> -> memref<8x64xf32, #tpu.memory_space<hbm>>
      tpu.enqueue_dma source(%dma_start3A_1503 : memref<8x64xf32, #tpu.memory_space<hbm>>) target(%dma_start3A_1499 : memref<8x64xf32, #tpu.memory_space<vmem>>) target_semaphore(%arg13 : memref<!tpu.dma_semaphore, #tpu.memory_space<semaphore_mem>>)
      %slice3A_1504 = vector.extract_strided_slice %get3A_1275 {offsets = [12], sizes = [1], strides = [1]} : vector<16xi32> to vector<1xi32>
      %squeeze3A_1505 = vector.extract %slice3A_1504[0] : i32 from vector<1xi32>
      %dma_start3A_1506 = arith.constant 12 : i32
      %dma_start3A_1507 = arith.constant 0 : i32
      %dma_start3A_1508 = arith.constant 0 : i32
      %dma_start3A_1509 = tpu.memref_slice %arg10[%dma_start3A_1506, %dma_start3A_1507, %dma_start3A_1508] : memref<32x8x64xf32, #tpu.memory_space<vmem>> -> memref<1x8x64xf32, #tpu.memory_space<vmem>>
      %dma_start3A_1510 = tpu.memref_squeeze %dma_start3A_1509 : memref<1x8x64xf32, #tpu.memory_space<vmem>> -> memref<8x64xf32, #tpu.memory_space<vmem>>
      %dma_start3A_1511 = arith.constant 0 : i32
      %dma_start3A_1512 = arith.constant 0 : i32
      %dma_start3A_1513 = tpu.memref_slice %arg5[%squeeze3A_1505, %dma_start3A_1511, %dma_start3A_1512] : memref<125000x8x64xf32, #tpu.memory_space<hbm>> -> memref<1x8x64xf32, #tpu.memory_space<hbm>>
      %dma_start3A_1514 = tpu.memref_squeeze %dma_start3A_1513 : memref<1x8x64xf32, #tpu.memory_space<hbm>> -> memref<8x64xf32, #tpu.memory_space<hbm>>
      %dma_start3A_1515 = arith.constant 0 : i32
      %dma_start3A_1516 = arith.constant 0 : i32
      %dma_start3A_1517 = tpu.memref_slice %arg10[%dma_start3A_1506, %dma_start3A_1515, %dma_start3A_1516] : memref<32x8x64xf32, #tpu.memory_space<vmem>> -> memref<1x8x64xf32, #tpu.memory_space<vmem>>
      %dma_start3A_1518 = tpu.memref_squeeze %dma_start3A_1517 : memref<1x8x64xf32, #tpu.memory_space<vmem>> -> memref<8x64xf32, #tpu.memory_space<vmem>>
      %dma_start3A_1519 = arith.constant 0 : i32
      %dma_start3A_1520 = arith.constant 0 : i32
      %dma_start3A_1521 = tpu.memref_slice %arg5[%squeeze3A_1505, %dma_start3A_1519, %dma_start3A_1520] : memref<125000x8x64xf32, #tpu.memory_space<hbm>> -> memref<1x8x64xf32, #tpu.memory_space<hbm>>
      %dma_start3A_1522 = tpu.memref_squeeze %dma_start3A_1521 : memref<1x8x64xf32, #tpu.memory_space<hbm>> -> memref<8x64xf32, #tpu.memory_space<hbm>>
      tpu.enqueue_dma source(%dma_start3A_1522 : memref<8x64xf32, #tpu.memory_space<hbm>>) target(%dma_start3A_1518 : memref<8x64xf32, #tpu.memory_space<vmem>>) target_semaphore(%arg13 : memref<!tpu.dma_semaphore, #tpu.memory_space<semaphore_mem>>)
      %slice3A_1523 = vector.extract_strided_slice %get3A_1275 {offsets = [13], sizes = [1], strides = [1]} : vector<16xi32> to vector<1xi32>
      %squeeze3A_1524 = vector.extract %slice3A_1523[0] : i32 from vector<1xi32>
      %dma_start3A_1525 = arith.constant 13 : i32
      %dma_start3A_1526 = arith.constant 0 : i32
      %dma_start3A_1527 = arith.constant 0 : i32
      %dma_start3A_1528 = tpu.memref_slice %arg10[%dma_start3A_1525, %dma_start3A_1526, %dma_start3A_1527] : memref<32x8x64xf32, #tpu.memory_space<vmem>> -> memref<1x8x64xf32, #tpu.memory_space<vmem>>
      %dma_start3A_1529 = tpu.memref_squeeze %dma_start3A_1528 : memref<1x8x64xf32, #tpu.memory_space<vmem>> -> memref<8x64xf32, #tpu.memory_space<vmem>>
      %dma_start3A_1530 = arith.constant 0 : i32
      %dma_start3A_1531 = arith.constant 0 : i32
      %dma_start3A_1532 = tpu.memref_slice %arg5[%squeeze3A_1524, %dma_start3A_1530, %dma_start3A_1531] : memref<125000x8x64xf32, #tpu.memory_space<hbm>> -> memref<1x8x64xf32, #tpu.memory_space<hbm>>
      %dma_start3A_1533 = tpu.memref_squeeze %dma_start3A_1532 : memref<1x8x64xf32, #tpu.memory_space<hbm>> -> memref<8x64xf32, #tpu.memory_space<hbm>>
      %dma_start3A_1534 = arith.constant 0 : i32
      %dma_start3A_1535 = arith.constant 0 : i32
      %dma_start3A_1536 = tpu.memref_slice %arg10[%dma_start3A_1525, %dma_start3A_1534, %dma_start3A_1535] : memref<32x8x64xf32, #tpu.memory_space<vmem>> -> memref<1x8x64xf32, #tpu.memory_space<vmem>>
      %dma_start3A_1537 = tpu.memref_squeeze %dma_start3A_1536 : memref<1x8x64xf32, #tpu.memory_space<vmem>> -> memref<8x64xf32, #tpu.memory_space<vmem>>
      %dma_start3A_1538 = arith.constant 0 : i32
      %dma_start3A_1539 = arith.constant 0 : i32
      %dma_start3A_1540 = tpu.memref_slice %arg5[%squeeze3A_1524, %dma_start3A_1538, %dma_start3A_1539] : memref<125000x8x64xf32, #tpu.memory_space<hbm>> -> memref<1x8x64xf32, #tpu.memory_space<hbm>>
      %dma_start3A_1541 = tpu.memref_squeeze %dma_start3A_1540 : memref<1x8x64xf32, #tpu.memory_space<hbm>> -> memref<8x64xf32, #tpu.memory_space<hbm>>
      tpu.enqueue_dma source(%dma_start3A_1541 : memref<8x64xf32, #tpu.memory_space<hbm>>) target(%dma_start3A_1537 : memref<8x64xf32, #tpu.memory_space<vmem>>) target_semaphore(%arg13 : memref<!tpu.dma_semaphore, #tpu.memory_space<semaphore_mem>>)
      %slice3A_1542 = vector.extract_strided_slice %get3A_1275 {offsets = [14], sizes = [1], strides = [1]} : vector<16xi32> to vector<1xi32>
      %squeeze3A_1543 = vector.extract %slice3A_1542[0] : i32 from vector<1xi32>
      %dma_start3A_1544 = arith.constant 14 : i32
      %dma_start3A_1545 = arith.constant 0 : i32
      %dma_start3A_1546 = arith.constant 0 : i32
      %dma_start3A_1547 = tpu.memref_slice %arg10[%dma_start3A_1544, %dma_start3A_1545, %dma_start3A_1546] : memref<32x8x64xf32, #tpu.memory_space<vmem>> -> memref<1x8x64xf32, #tpu.memory_space<vmem>>
      %dma_start3A_1548 = tpu.memref_squeeze %dma_start3A_1547 : memref<1x8x64xf32, #tpu.memory_space<vmem>> -> memref<8x64xf32, #tpu.memory_space<vmem>>
      %dma_start3A_1549 = arith.constant 0 : i32
      %dma_start3A_1550 = arith.constant 0 : i32
      %dma_start3A_1551 = tpu.memref_slice %arg5[%squeeze3A_1543, %dma_start3A_1549, %dma_start3A_1550] : memref<125000x8x64xf32, #tpu.memory_space<hbm>> -> memref<1x8x64xf32, #tpu.memory_space<hbm>>
      %dma_start3A_1552 = tpu.memref_squeeze %dma_start3A_1551 : memref<1x8x64xf32, #tpu.memory_space<hbm>> -> memref<8x64xf32, #tpu.memory_space<hbm>>
      %dma_start3A_1553 = arith.constant 0 : i32
      %dma_start3A_1554 = arith.constant 0 : i32
      %dma_start3A_1555 = tpu.memref_slice %arg10[%dma_start3A_1544, %dma_start3A_1553, %dma_start3A_1554] : memref<32x8x64xf32, #tpu.memory_space<vmem>> -> memref<1x8x64xf32, #tpu.memory_space<vmem>>
      %dma_start3A_1556 = tpu.memref_squeeze %dma_start3A_1555 : memref<1x8x64xf32, #tpu.memory_space<vmem>> -> memref<8x64xf32, #tpu.memory_space<vmem>>
      %dma_start3A_1557 = arith.constant 0 : i32
      %dma_start3A_1558 = arith.constant 0 : i32
      %dma_start3A_1559 = tpu.memref_slice %arg5[%squeeze3A_1543, %dma_start3A_1557, %dma_start3A_1558] : memref<125000x8x64xf32, #tpu.memory_space<hbm>> -> memref<1x8x64xf32, #tpu.memory_space<hbm>>
      %dma_start3A_1560 = tpu.memref_squeeze %dma_start3A_1559 : memref<1x8x64xf32, #tpu.memory_space<hbm>> -> memref<8x64xf32, #tpu.memory_space<hbm>>
      tpu.enqueue_dma source(%dma_start3A_1560 : memref<8x64xf32, #tpu.memory_space<hbm>>) target(%dma_start3A_1556 : memref<8x64xf32, #tpu.memory_space<vmem>>) target_semaphore(%arg13 : memref<!tpu.dma_semaphore, #tpu.memory_space<semaphore_mem>>)
      %slice3A_1561 = vector.extract_strided_slice %get3A_1275 {offsets = [15], sizes = [1], strides = [1]} : vector<16xi32> to vector<1xi32>
      %squeeze3A_1562 = vector.extract %slice3A_1561[0] : i32 from vector<1xi32>
      %dma_start3A_1563 = arith.constant 15 : i32
      %dma_start3A_1564 = arith.constant 0 : i32
      %dma_start3A_1565 = arith.constant 0 : i32
      %dma_start3A_1566 = tpu.memref_slice %arg10[%dma_start3A_1563, %dma_start3A_1564, %dma_start3A_1565] : memref<32x8x64xf32, #tpu.memory_space<vmem>> -> memref<1x8x64xf32, #tpu.memory_space<vmem>>
      %dma_start3A_1567 = tpu.memref_squeeze %dma_start3A_1566 : memref<1x8x64xf32, #tpu.memory_space<vmem>> -> memref<8x64xf32, #tpu.memory_space<vmem>>
      %dma_start3A_1568 = arith.constant 0 : i32
      %dma_start3A_1569 = arith.constant 0 : i32
      %dma_start3A_1570 = tpu.memref_slice %arg5[%squeeze3A_1562, %dma_start3A_1568, %dma_start3A_1569] : memref<125000x8x64xf32, #tpu.memory_space<hbm>> -> memref<1x8x64xf32, #tpu.memory_space<hbm>>
      %dma_start3A_1571 = tpu.memref_squeeze %dma_start3A_1570 : memref<1x8x64xf32, #tpu.memory_space<hbm>> -> memref<8x64xf32, #tpu.memory_space<hbm>>
      %dma_start3A_1572 = arith.constant 0 : i32
      %dma_start3A_1573 = arith.constant 0 : i32
      %dma_start3A_1574 = tpu.memref_slice %arg10[%dma_start3A_1563, %dma_start3A_1572, %dma_start3A_1573] : memref<32x8x64xf32, #tpu.memory_space<vmem>> -> memref<1x8x64xf32, #tpu.memory_space<vmem>>
      %dma_start3A_1575 = tpu.memref_squeeze %dma_start3A_1574 : memref<1x8x64xf32, #tpu.memory_space<vmem>> -> memref<8x64xf32, #tpu.memory_space<vmem>>
      %dma_start3A_1576 = arith.constant 0 : i32
      %dma_start3A_1577 = arith.constant 0 : i32
      %dma_start3A_1578 = tpu.memref_slice %arg5[%squeeze3A_1562, %dma_start3A_1576, %dma_start3A_1577] : memref<125000x8x64xf32, #tpu.memory_space<hbm>> -> memref<1x8x64xf32, #tpu.memory_space<hbm>>
      %dma_start3A_1579 = tpu.memref_squeeze %dma_start3A_1578 : memref<1x8x64xf32, #tpu.memory_space<hbm>> -> memref<8x64xf32, #tpu.memory_space<hbm>>
      tpu.enqueue_dma source(%dma_start3A_1579 : memref<8x64xf32, #tpu.memory_space<hbm>>) target(%dma_start3A_1575 : memref<8x64xf32, #tpu.memory_space<vmem>>) target_semaphore(%arg13 : memref<!tpu.dma_semaphore, #tpu.memory_space<semaphore_mem>>)
      %get3A_1580 = arith.index_cast %add3A_1272 : i32 to index
      %get3A_1581 = arith.constant 16 : index
      %get3A_1582 = tpu.vector_load %arg7[%get3A_1580, %get3A_1581] {strides = array<i32>} : memref<46x32xi32, #tpu.memory_space<vmem>>, vector<16xi32>,
      %slice3A_1583 = vector.extract_strided_slice %get3A_1582 {offsets = [0], sizes = [1], strides = [1]} : vector<16xi32> to vector<1xi32>
      %squeeze3A_1584 = vector.extract %slice3A_1583[0] : i32 from vector<1xi32>
      %dma_start3A_1585 = arith.constant 16 : i32
      %dma_start3A_1586 = arith.constant 0 : i32
      %dma_start3A_1587 = arith.constant 0 : i32
      %dma_start3A_1588 = tpu.memref_slice %arg10[%dma_start3A_1585, %dma_start3A_1586, %dma_start3A_1587] : memref<32x8x64xf32, #tpu.memory_space<vmem>> -> memref<1x8x64xf32, #tpu.memory_space<vmem>>
      %dma_start3A_1589 = tpu.memref_squeeze %dma_start3A_1588 : memref<1x8x64xf32, #tpu.memory_space<vmem>> -> memref<8x64xf32, #tpu.memory_space<vmem>>
      %dma_start3A_1590 = arith.constant 0 : i32
      %dma_start3A_1591 = arith.constant 0 : i32
      %dma_start3A_1592 = tpu.memref_slice %arg5[%squeeze3A_1584, %dma_start3A_1590, %dma_start3A_1591] : memref<125000x8x64xf32, #tpu.memory_space<hbm>> -> memref<1x8x64xf32, #tpu.memory_space<hbm>>
      %dma_start3A_1593 = tpu.memref_squeeze %dma_start3A_1592 : memref<1x8x64xf32, #tpu.memory_space<hbm>> -> memref<8x64xf32, #tpu.memory_space<hbm>>
      %dma_start3A_1594 = arith.constant 0 : i32
      %dma_start3A_1595 = arith.constant 0 : i32
      %dma_start3A_1596 = tpu.memref_slice %arg10[%dma_start3A_1585, %dma_start3A_1594, %dma_start3A_1595] : memref<32x8x64xf32, #tpu.memory_space<vmem>> -> memref<1x8x64xf32, #tpu.memory_space<vmem>>
      %dma_start3A_1597 = tpu.memref_squeeze %dma_start3A_1596 : memref<1x8x64xf32, #tpu.memory_space<vmem>> -> memref<8x64xf32, #tpu.memory_space<vmem>>
      %dma_start3A_1598 = arith.constant 0 : i32
      %dma_start3A_1599 = arith.constant 0 : i32
      %dma_start3A_1600 = tpu.memref_slice %arg5[%squeeze3A_1584, %dma_start3A_1598, %dma_start3A_1599] : memref<125000x8x64xf32, #tpu.memory_space<hbm>> -> memref<1x8x64xf32, #tpu.memory_space<hbm>>
      %dma_start3A_1601 = tpu.memref_squeeze %dma_start3A_1600 : memref<1x8x64xf32, #tpu.memory_space<hbm>> -> memref<8x64xf32, #tpu.memory_space<hbm>>
      tpu.enqueue_dma source(%dma_start3A_1601 : memref<8x64xf32, #tpu.memory_space<hbm>>) target(%dma_start3A_1597 : memref<8x64xf32, #tpu.memory_space<vmem>>) target_semaphore(%arg13 : memref<!tpu.dma_semaphore, #tpu.memory_space<semaphore_mem>>)
      %slice3A_1602 = vector.extract_strided_slice %get3A_1582 {offsets = [1], sizes = [1], strides = [1]} : vector<16xi32> to vector<1xi32>
      %squeeze3A_1603 = vector.extract %slice3A_1602[0] : i32 from vector<1xi32>
      %dma_start3A_1604 = arith.constant 17 : i32
      %dma_start3A_1605 = arith.constant 0 : i32
      %dma_start3A_1606 = arith.constant 0 : i32
      %dma_start3A_1607 = tpu.memref_slice %arg10[%dma_start3A_1604, %dma_start3A_1605, %dma_start3A_1606] : memref<32x8x64xf32, #tpu.memory_space<vmem>> -> memref<1x8x64xf32, #tpu.memory_space<vmem>>
      %dma_start3A_1608 = tpu.memref_squeeze %dma_start3A_1607 : memref<1x8x64xf32, #tpu.memory_space<vmem>> -> memref<8x64xf32, #tpu.memory_space<vmem>>
      %dma_start3A_1609 = arith.constant 0 : i32
      %dma_start3A_1610 = arith.constant 0 : i32
      %dma_start3A_1611 = tpu.memref_slice %arg5[%squeeze3A_1603, %dma_start3A_1609, %dma_start3A_1610] : memref<125000x8x64xf32, #tpu.memory_space<hbm>> -> memref<1x8x64xf32, #tpu.memory_space<hbm>>
      %dma_start3A_1612 = tpu.memref_squeeze %dma_start3A_1611 : memref<1x8x64xf32, #tpu.memory_space<hbm>> -> memref<8x64xf32, #tpu.memory_space<hbm>>
      %dma_start3A_1613 = arith.constant 0 : i32
      %dma_start3A_1614 = arith.constant 0 : i32
      %dma_start3A_1615 = tpu.memref_slice %arg10[%dma_start3A_1604, %dma_start3A_1613, %dma_start3A_1614] : memref<32x8x64xf32, #tpu.memory_space<vmem>> -> memref<1x8x64xf32, #tpu.memory_space<vmem>>
      %dma_start3A_1616 = tpu.memref_squeeze %dma_start3A_1615 : memref<1x8x64xf32, #tpu.memory_space<vmem>> -> memref<8x64xf32, #tpu.memory_space<vmem>>
      %dma_start3A_1617 = arith.constant 0 : i32
      %dma_start3A_1618 = arith.constant 0 : i32
      %dma_start3A_1619 = tpu.memref_slice %arg5[%squeeze3A_1603, %dma_start3A_1617, %dma_start3A_1618] : memref<125000x8x64xf32, #tpu.memory_space<hbm>> -> memref<1x8x64xf32, #tpu.memory_space<hbm>>
      %dma_start3A_1620 = tpu.memref_squeeze %dma_start3A_1619 : memref<1x8x64xf32, #tpu.memory_space<hbm>> -> memref<8x64xf32, #tpu.memory_space<hbm>>
      tpu.enqueue_dma source(%dma_start3A_1620 : memref<8x64xf32, #tpu.memory_space<hbm>>) target(%dma_start3A_1616 : memref<8x64xf32, #tpu.memory_space<vmem>>) target_semaphore(%arg13 : memref<!tpu.dma_semaphore, #tpu.memory_space<semaphore_mem>>)
      %slice3A_1621 = vector.extract_strided_slice %get3A_1582 {offsets = [2], sizes = [1], strides = [1]} : vector<16xi32> to vector<1xi32>
      %squeeze3A_1622 = vector.extract %slice3A_1621[0] : i32 from vector<1xi32>
      %dma_start3A_1623 = arith.constant 18 : i32
      %dma_start3A_1624 = arith.constant 0 : i32
      %dma_start3A_1625 = arith.constant 0 : i32
      %dma_start3A_1626 = tpu.memref_slice %arg10[%dma_start3A_1623, %dma_start3A_1624, %dma_start3A_1625] : memref<32x8x64xf32, #tpu.memory_space<vmem>> -> memref<1x8x64xf32, #tpu.memory_space<vmem>>
      %dma_start3A_1627 = tpu.memref_squeeze %dma_start3A_1626 : memref<1x8x64xf32, #tpu.memory_space<vmem>> -> memref<8x64xf32, #tpu.memory_space<vmem>>
      %dma_start3A_1628 = arith.constant 0 : i32
      %dma_start3A_1629 = arith.constant 0 : i32
      %dma_start3A_1630 = tpu.memref_slice %arg5[%squeeze3A_1622, %dma_start3A_1628, %dma_start3A_1629] : memref<125000x8x64xf32, #tpu.memory_space<hbm>> -> memref<1x8x64xf32, #tpu.memory_space<hbm>>
      %dma_start3A_1631 = tpu.memref_squeeze %dma_start3A_1630 : memref<1x8x64xf32, #tpu.memory_space<hbm>> -> memref<8x64xf32, #tpu.memory_space<hbm>>
      %dma_start3A_1632 = arith.constant 0 : i32
      %dma_start3A_1633 = arith.constant 0 : i32
      %dma_start3A_1634 = tpu.memref_slice %arg10[%dma_start3A_1623, %dma_start3A_1632, %dma_start3A_1633] : memref<32x8x64xf32, #tpu.memory_space<vmem>> -> memref<1x8x64xf32, #tpu.memory_space<vmem>>
      %dma_start3A_1635 = tpu.memref_squeeze %dma_start3A_1634 : memref<1x8x64xf32, #tpu.memory_space<vmem>> -> memref<8x64xf32, #tpu.memory_space<vmem>>
      %dma_start3A_1636 = arith.constant 0 : i32
      %dma_start3A_1637 = arith.constant 0 : i32
      %dma_start3A_1638 = tpu.memref_slice %arg5[%squeeze3A_1622, %dma_start3A_1636, %dma_start3A_1637] : memref<125000x8x64xf32, #tpu.memory_space<hbm>> -> memref<1x8x64xf32, #tpu.memory_space<hbm>>
      %dma_start3A_1639 = tpu.memref_squeeze %dma_start3A_1638 : memref<1x8x64xf32, #tpu.memory_space<hbm>> -> memref<8x64xf32, #tpu.memory_space<hbm>>
      tpu.enqueue_dma source(%dma_start3A_1639 : memref<8x64xf32, #tpu.memory_space<hbm>>) target(%dma_start3A_1635 : memref<8x64xf32, #tpu.memory_space<vmem>>) target_semaphore(%arg13 : memref<!tpu.dma_semaphore, #tpu.memory_space<semaphore_mem>>)
      %slice3A_1640 = vector.extract_strided_slice %get3A_1582 {offsets = [3], sizes = [1], strides = [1]} : vector<16xi32> to vector<1xi32>
      %squeeze3A_1641 = vector.extract %slice3A_1640[0] : i32 from vector<1xi32>
      %dma_start3A_1642 = arith.constant 19 : i32
      %dma_start3A_1643 = arith.constant 0 : i32
      %dma_start3A_1644 = arith.constant 0 : i32
      %dma_start3A_1645 = tpu.memref_slice %arg10[%dma_start3A_1642, %dma_start3A_1643, %dma_start3A_1644] : memref<32x8x64xf32, #tpu.memory_space<vmem>> -> memref<1x8x64xf32, #tpu.memory_space<vmem>>
      %dma_start3A_1646 = tpu.memref_squeeze %dma_start3A_1645 : memref<1x8x64xf32, #tpu.memory_space<vmem>> -> memref<8x64xf32, #tpu.memory_space<vmem>>
      %dma_start3A_1647 = arith.constant 0 : i32
      %dma_start3A_1648 = arith.constant 0 : i32
      %dma_start3A_1649 = tpu.memref_slice %arg5[%squeeze3A_1641, %dma_start3A_1647, %dma_start3A_1648] : memref<125000x8x64xf32, #tpu.memory_space<hbm>> -> memref<1x8x64xf32, #tpu.memory_space<hbm>>
      %dma_start3A_1650 = tpu.memref_squeeze %dma_start3A_1649 : memref<1x8x64xf32, #tpu.memory_space<hbm>> -> memref<8x64xf32, #tpu.memory_space<hbm>>
      %dma_start3A_1651 = arith.constant 0 : i32
      %dma_start3A_1652 = arith.constant 0 : i32
      %dma_start3A_1653 = tpu.memref_slice %arg10[%dma_start3A_1642, %dma_start3A_1651, %dma_start3A_1652] : memref<32x8x64xf32, #tpu.memory_space<vmem>> -> memref<1x8x64xf32, #tpu.memory_space<vmem>>
      %dma_start3A_1654 = tpu.memref_squeeze %dma_start3A_1653 : memref<1x8x64xf32, #tpu.memory_space<vmem>> -> memref<8x64xf32, #tpu.memory_space<vmem>>
      %dma_start3A_1655 = arith.constant 0 : i32
      %dma_start3A_1656 = arith.constant 0 : i32
      %dma_start3A_1657 = tpu.memref_slice %arg5[%squeeze3A_1641, %dma_start3A_1655, %dma_start3A_1656] : memref<125000x8x64xf32, #tpu.memory_space<hbm>> -> memref<1x8x64xf32, #tpu.memory_space<hbm>>
      %dma_start3A_1658 = tpu.memref_squeeze %dma_start3A_1657 : memref<1x8x64xf32, #tpu.memory_space<hbm>> -> memref<8x64xf32, #tpu.memory_space<hbm>>
      tpu.enqueue_dma source(%dma_start3A_1658 : memref<8x64xf32, #tpu.memory_space<hbm>>) target(%dma_start3A_1654 : memref<8x64xf32, #tpu.memory_space<vmem>>) target_semaphore(%arg13 : memref<!tpu.dma_semaphore, #tpu.memory_space<semaphore_mem>>)
      %slice3A_1659 = vector.extract_strided_slice %get3A_1582 {offsets = [4], sizes = [1], strides = [1]} : vector<16xi32> to vector<1xi32>
      %squeeze3A_1660 = vector.extract %slice3A_1659[0] : i32 from vector<1xi32>
      %dma_start3A_1661 = arith.constant 20 : i32
      %dma_start3A_1662 = arith.constant 0 : i32
      %dma_start3A_1663 = arith.constant 0 : i32
      %dma_start3A_1664 = tpu.memref_slice %arg10[%dma_start3A_1661, %dma_start3A_1662, %dma_start3A_1663] : memref<32x8x64xf32, #tpu.memory_space<vmem>> -> memref<1x8x64xf32, #tpu.memory_space<vmem>>
      %dma_start3A_1665 = tpu.memref_squeeze %dma_start3A_1664 : memref<1x8x64xf32, #tpu.memory_space<vmem>> -> memref<8x64xf32, #tpu.memory_space<vmem>>
      %dma_start3A_1666 = arith.constant 0 : i32
      %dma_start3A_1667 = arith.constant 0 : i32
      %dma_start3A_1668 = tpu.memref_slice %arg5[%squeeze3A_1660, %dma_start3A_1666, %dma_start3A_1667] : memref<125000x8x64xf32, #tpu.memory_space<hbm>> -> memref<1x8x64xf32, #tpu.memory_space<hbm>>
      %dma_start3A_1669 = tpu.memref_squeeze %dma_start3A_1668 : memref<1x8x64xf32, #tpu.memory_space<hbm>> -> memref<8x64xf32, #tpu.memory_space<hbm>>
      %dma_start3A_1670 = arith.constant 0 : i32
      %dma_start3A_1671 = arith.constant 0 : i32
      %dma_start3A_1672 = tpu.memref_slice %arg10[%dma_start3A_1661, %dma_start3A_1670, %dma_start3A_1671] : memref<32x8x64xf32, #tpu.memory_space<vmem>> -> memref<1x8x64xf32, #tpu.memory_space<vmem>>
      %dma_start3A_1673 = tpu.memref_squeeze %dma_start3A_1672 : memref<1x8x64xf32, #tpu.memory_space<vmem>> -> memref<8x64xf32, #tpu.memory_space<vmem>>
      %dma_start3A_1674 = arith.constant 0 : i32
      %dma_start3A_1675 = arith.constant 0 : i32
      %dma_start3A_1676 = tpu.memref_slice %arg5[%squeeze3A_1660, %dma_start3A_1674, %dma_start3A_1675] : memref<125000x8x64xf32, #tpu.memory_space<hbm>> -> memref<1x8x64xf32, #tpu.memory_space<hbm>>
      %dma_start3A_1677 = tpu.memref_squeeze %dma_start3A_1676 : memref<1x8x64xf32, #tpu.memory_space<hbm>> -> memref<8x64xf32, #tpu.memory_space<hbm>>
      tpu.enqueue_dma source(%dma_start3A_1677 : memref<8x64xf32, #tpu.memory_space<hbm>>) target(%dma_start3A_1673 : memref<8x64xf32, #tpu.memory_space<vmem>>) target_semaphore(%arg13 : memref<!tpu.dma_semaphore, #tpu.memory_space<semaphore_mem>>)
      %slice3A_1678 = vector.extract_strided_slice %get3A_1582 {offsets = [5], sizes = [1], strides = [1]} : vector<16xi32> to vector<1xi32>
      %squeeze3A_1679 = vector.extract %slice3A_1678[0] : i32 from vector<1xi32>
      %dma_start3A_1680 = arith.constant 21 : i32
      %dma_start3A_1681 = arith.constant 0 : i32
      %dma_start3A_1682 = arith.constant 0 : i32
      %dma_start3A_1683 = tpu.memref_slice %arg10[%dma_start3A_1680, %dma_start3A_1681, %dma_start3A_1682] : memref<32x8x64xf32, #tpu.memory_space<vmem>> -> memref<1x8x64xf32, #tpu.memory_space<vmem>>
      %dma_start3A_1684 = tpu.memref_squeeze %dma_start3A_1683 : memref<1x8x64xf32, #tpu.memory_space<vmem>> -> memref<8x64xf32, #tpu.memory_space<vmem>>
      %dma_start3A_1685 = arith.constant 0 : i32
      %dma_start3A_1686 = arith.constant 0 : i32
      %dma_start3A_1687 = tpu.memref_slice %arg5[%squeeze3A_1679, %dma_start3A_1685, %dma_start3A_1686] : memref<125000x8x64xf32, #tpu.memory_space<hbm>> -> memref<1x8x64xf32, #tpu.memory_space<hbm>>
      %dma_start3A_1688 = tpu.memref_squeeze %dma_start3A_1687 : memref<1x8x64xf32, #tpu.memory_space<hbm>> -> memref<8x64xf32, #tpu.memory_space<hbm>>
      %dma_start3A_1689 = arith.constant 0 : i32
      %dma_start3A_1690 = arith.constant 0 : i32
      %dma_start3A_1691 = tpu.memref_slice %arg10[%dma_start3A_1680, %dma_start3A_1689, %dma_start3A_1690] : memref<32x8x64xf32, #tpu.memory_space<vmem>> -> memref<1x8x64xf32, #tpu.memory_space<vmem>>
      %dma_start3A_1692 = tpu.memref_squeeze %dma_start3A_1691 : memref<1x8x64xf32, #tpu.memory_space<vmem>> -> memref<8x64xf32, #tpu.memory_space<vmem>>
      %dma_start3A_1693 = arith.constant 0 : i32
      %dma_start3A_1694 = arith.constant 0 : i32
      %dma_start3A_1695 = tpu.memref_slice %arg5[%squeeze3A_1679, %dma_start3A_1693, %dma_start3A_1694] : memref<125000x8x64xf32, #tpu.memory_space<hbm>> -> memref<1x8x64xf32, #tpu.memory_space<hbm>>
      %dma_start3A_1696 = tpu.memref_squeeze %dma_start3A_1695 : memref<1x8x64xf32, #tpu.memory_space<hbm>> -> memref<8x64xf32, #tpu.memory_space<hbm>>
      tpu.enqueue_dma source(%dma_start3A_1696 : memref<8x64xf32, #tpu.memory_space<hbm>>) target(%dma_start3A_1692 : memref<8x64xf32, #tpu.memory_space<vmem>>) target_semaphore(%arg13 : memref<!tpu.dma_semaphore, #tpu.memory_space<semaphore_mem>>)
      %slice3A_1697 = vector.extract_strided_slice %get3A_1582 {offsets = [6], sizes = [1], strides = [1]} : vector<16xi32> to vector<1xi32>
      %squeeze3A_1698 = vector.extract %slice3A_1697[0] : i32 from vector<1xi32>
      %dma_start3A_1699 = arith.constant 22 : i32
      %dma_start3A_1700 = arith.constant 0 : i32
      %dma_start3A_1701 = arith.constant 0 : i32
      %dma_start3A_1702 = tpu.memref_slice %arg10[%dma_start3A_1699, %dma_start3A_1700, %dma_start3A_1701] : memref<32x8x64xf32, #tpu.memory_space<vmem>> -> memref<1x8x64xf32, #tpu.memory_space<vmem>>
      %dma_start3A_1703 = tpu.memref_squeeze %dma_start3A_1702 : memref<1x8x64xf32, #tpu.memory_space<vmem>> -> memref<8x64xf32, #tpu.memory_space<vmem>>
      %dma_start3A_1704 = arith.constant 0 : i32
      %dma_start3A_1705 = arith.constant 0 : i32
      %dma_start3A_1706 = tpu.memref_slice %arg5[%squeeze3A_1698, %dma_start3A_1704, %dma_start3A_1705] : memref<125000x8x64xf32, #tpu.memory_space<hbm>> -> memref<1x8x64xf32, #tpu.memory_space<hbm>>
      %dma_start3A_1707 = tpu.memref_squeeze %dma_start3A_1706 : memref<1x8x64xf32, #tpu.memory_space<hbm>> -> memref<8x64xf32, #tpu.memory_space<hbm>>
      %dma_start3A_1708 = arith.constant 0 : i32
      %dma_start3A_1709 = arith.constant 0 : i32
      %dma_start3A_1710 = tpu.memref_slice %arg10[%dma_start3A_1699, %dma_start3A_1708, %dma_start3A_1709] : memref<32x8x64xf32, #tpu.memory_space<vmem>> -> memref<1x8x64xf32, #tpu.memory_space<vmem>>
      %dma_start3A_1711 = tpu.memref_squeeze %dma_start3A_1710 : memref<1x8x64xf32, #tpu.memory_space<vmem>> -> memref<8x64xf32, #tpu.memory_space<vmem>>
      %dma_start3A_1712 = arith.constant 0 : i32
      %dma_start3A_1713 = arith.constant 0 : i32
      %dma_start3A_1714 = tpu.memref_slice %arg5[%squeeze3A_1698, %dma_start3A_1712, %dma_start3A_1713] : memref<125000x8x64xf32, #tpu.memory_space<hbm>> -> memref<1x8x64xf32, #tpu.memory_space<hbm>>
      %dma_start3A_1715 = tpu.memref_squeeze %dma_start3A_1714 : memref<1x8x64xf32, #tpu.memory_space<hbm>> -> memref<8x64xf32, #tpu.memory_space<hbm>>
      tpu.enqueue_dma source(%dma_start3A_1715 : memref<8x64xf32, #tpu.memory_space<hbm>>) target(%dma_start3A_1711 : memref<8x64xf32, #tpu.memory_space<vmem>>) target_semaphore(%arg13 : memref<!tpu.dma_semaphore, #tpu.memory_space<semaphore_mem>>)
      %slice3A_1716 = vector.extract_strided_slice %get3A_1582 {offsets = [7], sizes = [1], strides = [1]} : vector<16xi32> to vector<1xi32>
      %squeeze3A_1717 = vector.extract %slice3A_1716[0] : i32 from vector<1xi32>
      %dma_start3A_1718 = arith.constant 23 : i32
      %dma_start3A_1719 = arith.constant 0 : i32
      %dma_start3A_1720 = arith.constant 0 : i32
      %dma_start3A_1721 = tpu.memref_slice %arg10[%dma_start3A_1718, %dma_start3A_1719, %dma_start3A_1720] : memref<32x8x64xf32, #tpu.memory_space<vmem>> -> memref<1x8x64xf32, #tpu.memory_space<vmem>>
      %dma_start3A_1722 = tpu.memref_squeeze %dma_start3A_1721 : memref<1x8x64xf32, #tpu.memory_space<vmem>> -> memref<8x64xf32, #tpu.memory_space<vmem>>
      %dma_start3A_1723 = arith.constant 0 : i32
      %dma_start3A_1724 = arith.constant 0 : i32
      %dma_start3A_1725 = tpu.memref_slice %arg5[%squeeze3A_1717, %dma_start3A_1723, %dma_start3A_1724] : memref<125000x8x64xf32, #tpu.memory_space<hbm>> -> memref<1x8x64xf32, #tpu.memory_space<hbm>>
      %dma_start3A_1726 = tpu.memref_squeeze %dma_start3A_1725 : memref<1x8x64xf32, #tpu.memory_space<hbm>> -> memref<8x64xf32, #tpu.memory_space<hbm>>
      %dma_start3A_1727 = arith.constant 0 : i32
      %dma_start3A_1728 = arith.constant 0 : i32
      %dma_start3A_1729 = tpu.memref_slice %arg10[%dma_start3A_1718, %dma_start3A_1727, %dma_start3A_1728] : memref<32x8x64xf32, #tpu.memory_space<vmem>> -> memref<1x8x64xf32, #tpu.memory_space<vmem>>
      %dma_start3A_1730 = tpu.memref_squeeze %dma_start3A_1729 : memref<1x8x64xf32, #tpu.memory_space<vmem>> -> memref<8x64xf32, #tpu.memory_space<vmem>>
      %dma_start3A_1731 = arith.constant 0 : i32
      %dma_start3A_1732 = arith.constant 0 : i32
      %dma_start3A_1733 = tpu.memref_slice %arg5[%squeeze3A_1717, %dma_start3A_1731, %dma_start3A_1732] : memref<125000x8x64xf32, #tpu.memory_space<hbm>> -> memref<1x8x64xf32, #tpu.memory_space<hbm>>
      %dma_start3A_1734 = tpu.memref_squeeze %dma_start3A_1733 : memref<1x8x64xf32, #tpu.memory_space<hbm>> -> memref<8x64xf32, #tpu.memory_space<hbm>>
      tpu.enqueue_dma source(%dma_start3A_1734 : memref<8x64xf32, #tpu.memory_space<hbm>>) target(%dma_start3A_1730 : memref<8x64xf32, #tpu.memory_space<vmem>>) target_semaphore(%arg13 : memref<!tpu.dma_semaphore, #tpu.memory_space<semaphore_mem>>)
      %slice3A_1735 = vector.extract_strided_slice %get3A_1582 {offsets = [8], sizes = [1], strides = [1]} : vector<16xi32> to vector<1xi32>
      %squeeze3A_1736 = vector.extract %slice3A_1735[0] : i32 from vector<1xi32>
      %dma_start3A_1737 = arith.constant 24 : i32
      %dma_start3A_1738 = arith.constant 0 : i32
      %dma_start3A_1739 = arith.constant 0 : i32
      %dma_start3A_1740 = tpu.memref_slice %arg10[%dma_start3A_1737, %dma_start3A_1738, %dma_start3A_1739] : memref<32x8x64xf32, #tpu.memory_space<vmem>> -> memref<1x8x64xf32, #tpu.memory_space<vmem>>
      %dma_start3A_1741 = tpu.memref_squeeze %dma_start3A_1740 : memref<1x8x64xf32, #tpu.memory_space<vmem>> -> memref<8x64xf32, #tpu.memory_space<vmem>>
      %dma_start3A_1742 = arith.constant 0 : i32
      %dma_start3A_1743 = arith.constant 0 : i32
      %dma_start3A_1744 = tpu.memref_slice %arg5[%squeeze3A_1736, %dma_start3A_1742, %dma_start3A_1743] : memref<125000x8x64xf32, #tpu.memory_space<hbm>> -> memref<1x8x64xf32, #tpu.memory_space<hbm>>
      %dma_start3A_1745 = tpu.memref_squeeze %dma_start3A_1744 : memref<1x8x64xf32, #tpu.memory_space<hbm>> -> memref<8x64xf32, #tpu.memory_space<hbm>>
      %dma_start3A_1746 = arith.constant 0 : i32
      %dma_start3A_1747 = arith.constant 0 : i32
      %dma_start3A_1748 = tpu.memref_slice %arg10[%dma_start3A_1737, %dma_start3A_1746, %dma_start3A_1747] : memref<32x8x64xf32, #tpu.memory_space<vmem>> -> memref<1x8x64xf32, #tpu.memory_space<vmem>>
      %dma_start3A_1749 = tpu.memref_squeeze %dma_start3A_1748 : memref<1x8x64xf32, #tpu.memory_space<vmem>> -> memref<8x64xf32, #tpu.memory_space<vmem>>
      %dma_start3A_1750 = arith.constant 0 : i32
      %dma_start3A_1751 = arith.constant 0 : i32
      %dma_start3A_1752 = tpu.memref_slice %arg5[%squeeze3A_1736, %dma_start3A_1750, %dma_start3A_1751] : memref<125000x8x64xf32, #tpu.memory_space<hbm>> -> memref<1x8x64xf32, #tpu.memory_space<hbm>>
      %dma_start3A_1753 = tpu.memref_squeeze %dma_start3A_1752 : memref<1x8x64xf32, #tpu.memory_space<hbm>> -> memref<8x64xf32, #tpu.memory_space<hbm>>
      tpu.enqueue_dma source(%dma_start3A_1753 : memref<8x64xf32, #tpu.memory_space<hbm>>) target(%dma_start3A_1749 : memref<8x64xf32, #tpu.memory_space<vmem>>) target_semaphore(%arg13 : memref<!tpu.dma_semaphore, #tpu.memory_space<semaphore_mem>>)
      %slice3A_1754 = vector.extract_strided_slice %get3A_1582 {offsets = [9], sizes = [1], strides = [1]} : vector<16xi32> to vector<1xi32>
      %squeeze3A_1755 = vector.extract %slice3A_1754[0] : i32 from vector<1xi32>
      %dma_start3A_1756 = arith.constant 25 : i32
      %dma_start3A_1757 = arith.constant 0 : i32
      %dma_start3A_1758 = arith.constant 0 : i32
      %dma_start3A_1759 = tpu.memref_slice %arg10[%dma_start3A_1756, %dma_start3A_1757, %dma_start3A_1758] : memref<32x8x64xf32, #tpu.memory_space<vmem>> -> memref<1x8x64xf32, #tpu.memory_space<vmem>>
      %dma_start3A_1760 = tpu.memref_squeeze %dma_start3A_1759 : memref<1x8x64xf32, #tpu.memory_space<vmem>> -> memref<8x64xf32, #tpu.memory_space<vmem>>
      %dma_start3A_1761 = arith.constant 0 : i32
      %dma_start3A_1762 = arith.constant 0 : i32
      %dma_start3A_1763 = tpu.memref_slice %arg5[%squeeze3A_1755, %dma_start3A_1761, %dma_start3A_1762] : memref<125000x8x64xf32, #tpu.memory_space<hbm>> -> memref<1x8x64xf32, #tpu.memory_space<hbm>>
      %dma_start3A_1764 = tpu.memref_squeeze %dma_start3A_1763 : memref<1x8x64xf32, #tpu.memory_space<hbm>> -> memref<8x64xf32, #tpu.memory_space<hbm>>
      %dma_start3A_1765 = arith.constant 0 : i32
      %dma_start3A_1766 = arith.constant 0 : i32
      %dma_start3A_1767 = tpu.memref_slice %arg10[%dma_start3A_1756, %dma_start3A_1765, %dma_start3A_1766] : memref<32x8x64xf32, #tpu.memory_space<vmem>> -> memref<1x8x64xf32, #tpu.memory_space<vmem>>
      %dma_start3A_1768 = tpu.memref_squeeze %dma_start3A_1767 : memref<1x8x64xf32, #tpu.memory_space<vmem>> -> memref<8x64xf32, #tpu.memory_space<vmem>>
      %dma_start3A_1769 = arith.constant 0 : i32
      %dma_start3A_1770 = arith.constant 0 : i32
      %dma_start3A_1771 = tpu.memref_slice %arg5[%squeeze3A_1755, %dma_start3A_1769, %dma_start3A_1770] : memref<125000x8x64xf32, #tpu.memory_space<hbm>> -> memref<1x8x64xf32, #tpu.memory_space<hbm>>
      %dma_start3A_1772 = tpu.memref_squeeze %dma_start3A_1771 : memref<1x8x64xf32, #tpu.memory_space<hbm>> -> memref<8x64xf32, #tpu.memory_space<hbm>>
      tpu.enqueue_dma source(%dma_start3A_1772 : memref<8x64xf32, #tpu.memory_space<hbm>>) target(%dma_start3A_1768 : memref<8x64xf32, #tpu.memory_space<vmem>>) target_semaphore(%arg13 : memref<!tpu.dma_semaphore, #tpu.memory_space<semaphore_mem>>)
      %slice3A_1773 = vector.extract_strided_slice %get3A_1582 {offsets = [10], sizes = [1], strides = [1]} : vector<16xi32> to vector<1xi32>
      %squeeze3A_1774 = vector.extract %slice3A_1773[0] : i32 from vector<1xi32>
      %dma_start3A_1775 = arith.constant 26 : i32
      %dma_start3A_1776 = arith.constant 0 : i32
      %dma_start3A_1777 = arith.constant 0 : i32
      %dma_start3A_1778 = tpu.memref_slice %arg10[%dma_start3A_1775, %dma_start3A_1776, %dma_start3A_1777] : memref<32x8x64xf32, #tpu.memory_space<vmem>> -> memref<1x8x64xf32, #tpu.memory_space<vmem>>
      %dma_start3A_1779 = tpu.memref_squeeze %dma_start3A_1778 : memref<1x8x64xf32, #tpu.memory_space<vmem>> -> memref<8x64xf32, #tpu.memory_space<vmem>>
      %dma_start3A_1780 = arith.constant 0 : i32
      %dma_start3A_1781 = arith.constant 0 : i32
      %dma_start3A_1782 = tpu.memref_slice %arg5[%squeeze3A_1774, %dma_start3A_1780, %dma_start3A_1781] : memref<125000x8x64xf32, #tpu.memory_space<hbm>> -> memref<1x8x64xf32, #tpu.memory_space<hbm>>
      %dma_start3A_1783 = tpu.memref_squeeze %dma_start3A_1782 : memref<1x8x64xf32, #tpu.memory_space<hbm>> -> memref<8x64xf32, #tpu.memory_space<hbm>>
      %dma_start3A_1784 = arith.constant 0 : i32
      %dma_start3A_1785 = arith.constant 0 : i32
      %dma_start3A_1786 = tpu.memref_slice %arg10[%dma_start3A_1775, %dma_start3A_1784, %dma_start3A_1785] : memref<32x8x64xf32, #tpu.memory_space<vmem>> -> memref<1x8x64xf32, #tpu.memory_space<vmem>>
      %dma_start3A_1787 = tpu.memref_squeeze %dma_start3A_1786 : memref<1x8x64xf32, #tpu.memory_space<vmem>> -> memref<8x64xf32, #tpu.memory_space<vmem>>
      %dma_start3A_1788 = arith.constant 0 : i32
      %dma_start3A_1789 = arith.constant 0 : i32
      %dma_start3A_1790 = tpu.memref_slice %arg5[%squeeze3A_1774, %dma_start3A_1788, %dma_start3A_1789] : memref<125000x8x64xf32, #tpu.memory_space<hbm>> -> memref<1x8x64xf32, #tpu.memory_space<hbm>>
      %dma_start3A_1791 = tpu.memref_squeeze %dma_start3A_1790 : memref<1x8x64xf32, #tpu.memory_space<hbm>> -> memref<8x64xf32, #tpu.memory_space<hbm>>
      tpu.enqueue_dma source(%dma_start3A_1791 : memref<8x64xf32, #tpu.memory_space<hbm>>) target(%dma_start3A_1787 : memref<8x64xf32, #tpu.memory_space<vmem>>) target_semaphore(%arg13 : memref<!tpu.dma_semaphore, #tpu.memory_space<semaphore_mem>>)
      %slice3A_1792 = vector.extract_strided_slice %get3A_1582 {offsets = [11], sizes = [1], strides = [1]} : vector<16xi32> to vector<1xi32>
      %squeeze3A_1793 = vector.extract %slice3A_1792[0] : i32 from vector<1xi32>
      %dma_start3A_1794 = arith.constant 27 : i32
      %dma_start3A_1795 = arith.constant 0 : i32
      %dma_start3A_1796 = arith.constant 0 : i32
      %dma_start3A_1797 = tpu.memref_slice %arg10[%dma_start3A_1794, %dma_start3A_1795, %dma_start3A_1796] : memref<32x8x64xf32, #tpu.memory_space<vmem>> -> memref<1x8x64xf32, #tpu.memory_space<vmem>>
      %dma_start3A_1798 = tpu.memref_squeeze %dma_start3A_1797 : memref<1x8x64xf32, #tpu.memory_space<vmem>> -> memref<8x64xf32, #tpu.memory_space<vmem>>
      %dma_start3A_1799 = arith.constant 0 : i32
      %dma_start3A_1800 = arith.constant 0 : i32
      %dma_start3A_1801 = tpu.memref_slice %arg5[%squeeze3A_1793, %dma_start3A_1799, %dma_start3A_1800] : memref<125000x8x64xf32, #tpu.memory_space<hbm>> -> memref<1x8x64xf32, #tpu.memory_space<hbm>>
      %dma_start3A_1802 = tpu.memref_squeeze %dma_start3A_1801 : memref<1x8x64xf32, #tpu.memory_space<hbm>> -> memref<8x64xf32, #tpu.memory_space<hbm>>
      %dma_start3A_1803 = arith.constant 0 : i32
      %dma_start3A_1804 = arith.constant 0 : i32
      %dma_start3A_1805 = tpu.memref_slice %arg10[%dma_start3A_1794, %dma_start3A_1803, %dma_start3A_1804] : memref<32x8x64xf32, #tpu.memory_space<vmem>> -> memref<1x8x64xf32, #tpu.memory_space<vmem>>
      %dma_start3A_1806 = tpu.memref_squeeze %dma_start3A_1805 : memref<1x8x64xf32, #tpu.memory_space<vmem>> -> memref<8x64xf32, #tpu.memory_space<vmem>>
      %dma_start3A_1807 = arith.constant 0 : i32
      %dma_start3A_1808 = arith.constant 0 : i32
      %dma_start3A_1809 = tpu.memref_slice %arg5[%squeeze3A_1793, %dma_start3A_1807, %dma_start3A_1808] : memref<125000x8x64xf32, #tpu.memory_space<hbm>> -> memref<1x8x64xf32, #tpu.memory_space<hbm>>
      %dma_start3A_1810 = tpu.memref_squeeze %dma_start3A_1809 : memref<1x8x64xf32, #tpu.memory_space<hbm>> -> memref<8x64xf32, #tpu.memory_space<hbm>>
      tpu.enqueue_dma source(%dma_start3A_1810 : memref<8x64xf32, #tpu.memory_space<hbm>>) target(%dma_start3A_1806 : memref<8x64xf32, #tpu.memory_space<vmem>>) target_semaphore(%arg13 : memref<!tpu.dma_semaphore, #tpu.memory_space<semaphore_mem>>)
      %slice3A_1811 = vector.extract_strided_slice %get3A_1582 {offsets = [12], sizes = [1], strides = [1]} : vector<16xi32> to vector<1xi32>
      %squeeze3A_1812 = vector.extract %slice3A_1811[0] : i32 from vector<1xi32>
      %dma_start3A_1813 = arith.constant 28 : i32
      %dma_start3A_1814 = arith.constant 0 : i32
      %dma_start3A_1815 = arith.constant 0 : i32
      %dma_start3A_1816 = tpu.memref_slice %arg10[%dma_start3A_1813, %dma_start3A_1814, %dma_start3A_1815] : memref<32x8x64xf32, #tpu.memory_space<vmem>> -> memref<1x8x64xf32, #tpu.memory_space<vmem>>
      %dma_start3A_1817 = tpu.memref_squeeze %dma_start3A_1816 : memref<1x8x64xf32, #tpu.memory_space<vmem>> -> memref<8x64xf32, #tpu.memory_space<vmem>>
      %dma_start3A_1818 = arith.constant 0 : i32
      %dma_start3A_1819 = arith.constant 0 : i32
      %dma_start3A_1820 = tpu.memref_slice %arg5[%squeeze3A_1812, %dma_start3A_1818, %dma_start3A_1819] : memref<125000x8x64xf32, #tpu.memory_space<hbm>> -> memref<1x8x64xf32, #tpu.memory_space<hbm>>
      %dma_start3A_1821 = tpu.memref_squeeze %dma_start3A_1820 : memref<1x8x64xf32, #tpu.memory_space<hbm>> -> memref<8x64xf32, #tpu.memory_space<hbm>>
      %dma_start3A_1822 = arith.constant 0 : i32
      %dma_start3A_1823 = arith.constant 0 : i32
      %dma_start3A_1824 = tpu.memref_slice %arg10[%dma_start3A_1813, %dma_start3A_1822, %dma_start3A_1823] : memref<32x8x64xf32, #tpu.memory_space<vmem>> -> memref<1x8x64xf32, #tpu.memory_space<vmem>>
      %dma_start3A_1825 = tpu.memref_squeeze %dma_start3A_1824 : memref<1x8x64xf32, #tpu.memory_space<vmem>> -> memref<8x64xf32, #tpu.memory_space<vmem>>
      %dma_start3A_1826 = arith.constant 0 : i32
      %dma_start3A_1827 = arith.constant 0 : i32
      %dma_start3A_1828 = tpu.memref_slice %arg5[%squeeze3A_1812, %dma_start3A_1826, %dma_start3A_1827] : memref<125000x8x64xf32, #tpu.memory_space<hbm>> -> memref<1x8x64xf32, #tpu.memory_space<hbm>>
      %dma_start3A_1829 = tpu.memref_squeeze %dma_start3A_1828 : memref<1x8x64xf32, #tpu.memory_space<hbm>> -> memref<8x64xf32, #tpu.memory_space<hbm>>
      tpu.enqueue_dma source(%dma_start3A_1829 : memref<8x64xf32, #tpu.memory_space<hbm>>) target(%dma_start3A_1825 : memref<8x64xf32, #tpu.memory_space<vmem>>) target_semaphore(%arg13 : memref<!tpu.dma_semaphore, #tpu.memory_space<semaphore_mem>>)
      %slice3A_1830 = vector.extract_strided_slice %get3A_1582 {offsets = [13], sizes = [1], strides = [1]} : vector<16xi32> to vector<1xi32>
      %squeeze3A_1831 = vector.extract %slice3A_1830[0] : i32 from vector<1xi32>
      %dma_start3A_1832 = arith.constant 29 : i32
      %dma_start3A_1833 = arith.constant 0 : i32
      %dma_start3A_1834 = arith.constant 0 : i32
      %dma_start3A_1835 = tpu.memref_slice %arg10[%dma_start3A_1832, %dma_start3A_1833, %dma_start3A_1834] : memref<32x8x64xf32, #tpu.memory_space<vmem>> -> memref<1x8x64xf32, #tpu.memory_space<vmem>>
      %dma_start3A_1836 = tpu.memref_squeeze %dma_start3A_1835 : memref<1x8x64xf32, #tpu.memory_space<vmem>> -> memref<8x64xf32, #tpu.memory_space<vmem>>
      %dma_start3A_1837 = arith.constant 0 : i32
      %dma_start3A_1838 = arith.constant 0 : i32
      %dma_start3A_1839 = tpu.memref_slice %arg5[%squeeze3A_1831, %dma_start3A_1837, %dma_start3A_1838] : memref<125000x8x64xf32, #tpu.memory_space<hbm>> -> memref<1x8x64xf32, #tpu.memory_space<hbm>>
      %dma_start3A_1840 = tpu.memref_squeeze %dma_start3A_1839 : memref<1x8x64xf32, #tpu.memory_space<hbm>> -> memref<8x64xf32, #tpu.memory_space<hbm>>
      %dma_start3A_1841 = arith.constant 0 : i32
      %dma_start3A_1842 = arith.constant 0 : i32
      %dma_start3A_1843 = tpu.memref_slice %arg10[%dma_start3A_1832, %dma_start3A_1841, %dma_start3A_1842] : memref<32x8x64xf32, #tpu.memory_space<vmem>> -> memref<1x8x64xf32, #tpu.memory_space<vmem>>
      %dma_start3A_1844 = tpu.memref_squeeze %dma_start3A_1843 : memref<1x8x64xf32, #tpu.memory_space<vmem>> -> memref<8x64xf32, #tpu.memory_space<vmem>>
      %dma_start3A_1845 = arith.constant 0 : i32
      %dma_start3A_1846 = arith.constant 0 : i32
      %dma_start3A_1847 = tpu.memref_slice %arg5[%squeeze3A_1831, %dma_start3A_1845, %dma_start3A_1846] : memref<125000x8x64xf32, #tpu.memory_space<hbm>> -> memref<1x8x64xf32, #tpu.memory_space<hbm>>
      %dma_start3A_1848 = tpu.memref_squeeze %dma_start3A_1847 : memref<1x8x64xf32, #tpu.memory_space<hbm>> -> memref<8x64xf32, #tpu.memory_space<hbm>>
      tpu.enqueue_dma source(%dma_start3A_1848 : memref<8x64xf32, #tpu.memory_space<hbm>>) target(%dma_start3A_1844 : memref<8x64xf32, #tpu.memory_space<vmem>>) target_semaphore(%arg13 : memref<!tpu.dma_semaphore, #tpu.memory_space<semaphore_mem>>)
      %slice3A_1849 = vector.extract_strided_slice %get3A_1582 {offsets = [14], sizes = [1], strides = [1]} : vector<16xi32> to vector<1xi32>
      %squeeze3A_1850 = vector.extract %slice3A_1849[0] : i32 from vector<1xi32>
      %dma_start3A_1851 = arith.constant 30 : i32
      %dma_start3A_1852 = arith.constant 0 : i32
      %dma_start3A_1853 = arith.constant 0 : i32
      %dma_start3A_1854 = tpu.memref_slice %arg10[%dma_start3A_1851, %dma_start3A_1852, %dma_start3A_1853] : memref<32x8x64xf32, #tpu.memory_space<vmem>> -> memref<1x8x64xf32, #tpu.memory_space<vmem>>
      %dma_start3A_1855 = tpu.memref_squeeze %dma_start3A_1854 : memref<1x8x64xf32, #tpu.memory_space<vmem>> -> memref<8x64xf32, #tpu.memory_space<vmem>>
      %dma_start3A_1856 = arith.constant 0 : i32
      %dma_start3A_1857 = arith.constant 0 : i32
      %dma_start3A_1858 = tpu.memref_slice %arg5[%squeeze3A_1850, %dma_start3A_1856, %dma_start3A_1857] : memref<125000x8x64xf32, #tpu.memory_space<hbm>> -> memref<1x8x64xf32, #tpu.memory_space<hbm>>
      %dma_start3A_1859 = tpu.memref_squeeze %dma_start3A_1858 : memref<1x8x64xf32, #tpu.memory_space<hbm>> -> memref<8x64xf32, #tpu.memory_space<hbm>>
      %dma_start3A_1860 = arith.constant 0 : i32
      %dma_start3A_1861 = arith.constant 0 : i32
      %dma_start3A_1862 = tpu.memref_slice %arg10[%dma_start3A_1851, %dma_start3A_1860, %dma_start3A_1861] : memref<32x8x64xf32, #tpu.memory_space<vmem>> -> memref<1x8x64xf32, #tpu.memory_space<vmem>>
      %dma_start3A_1863 = tpu.memref_squeeze %dma_start3A_1862 : memref<1x8x64xf32, #tpu.memory_space<vmem>> -> memref<8x64xf32, #tpu.memory_space<vmem>>
      %dma_start3A_1864 = arith.constant 0 : i32
      %dma_start3A_1865 = arith.constant 0 : i32
      %dma_start3A_1866 = tpu.memref_slice %arg5[%squeeze3A_1850, %dma_start3A_1864, %dma_start3A_1865] : memref<125000x8x64xf32, #tpu.memory_space<hbm>> -> memref<1x8x64xf32, #tpu.memory_space<hbm>>
      %dma_start3A_1867 = tpu.memref_squeeze %dma_start3A_1866 : memref<1x8x64xf32, #tpu.memory_space<hbm>> -> memref<8x64xf32, #tpu.memory_space<hbm>>
      tpu.enqueue_dma source(%dma_start3A_1867 : memref<8x64xf32, #tpu.memory_space<hbm>>) target(%dma_start3A_1863 : memref<8x64xf32, #tpu.memory_space<vmem>>) target_semaphore(%arg13 : memref<!tpu.dma_semaphore, #tpu.memory_space<semaphore_mem>>)
      %slice3A_1868 = vector.extract_strided_slice %get3A_1582 {offsets = [15], sizes = [1], strides = [1]} : vector<16xi32> to vector<1xi32>
      %squeeze3A_1869 = vector.extract %slice3A_1868[0] : i32 from vector<1xi32>
      %dma_start3A_1870 = arith.constant 31 : i32
      %dma_start3A_1871 = arith.constant 0 : i32
      %dma_start3A_1872 = arith.constant 0 : i32
      %dma_start3A_1873 = tpu.memref_slice %arg10[%dma_start3A_1870, %dma_start3A_1871, %dma_start3A_1872] : memref<32x8x64xf32, #tpu.memory_space<vmem>> -> memref<1x8x64xf32, #tpu.memory_space<vmem>>
      %dma_start3A_1874 = tpu.memref_squeeze %dma_start3A_1873 : memref<1x8x64xf32, #tpu.memory_space<vmem>> -> memref<8x64xf32, #tpu.memory_space<vmem>>
      %dma_start3A_1875 = arith.constant 0 : i32
      %dma_start3A_1876 = arith.constant 0 : i32
      %dma_start3A_1877 = tpu.memref_slice %arg5[%squeeze3A_1869, %dma_start3A_1875, %dma_start3A_1876] : memref<125000x8x64xf32, #tpu.memory_space<hbm>> -> memref<1x8x64xf32, #tpu.memory_space<hbm>>
      %dma_start3A_1878 = tpu.memref_squeeze %dma_start3A_1877 : memref<1x8x64xf32, #tpu.memory_space<hbm>> -> memref<8x64xf32, #tpu.memory_space<hbm>>
      %dma_start3A_1879 = arith.constant 0 : i32
      %dma_start3A_1880 = arith.constant 0 : i32
      %dma_start3A_1881 = tpu.memref_slice %arg10[%dma_start3A_1870, %dma_start3A_1879, %dma_start3A_1880] : memref<32x8x64xf32, #tpu.memory_space<vmem>> -> memref<1x8x64xf32, #tpu.memory_space<vmem>>
      %dma_start3A_1882 = tpu.memref_squeeze %dma_start3A_1881 : memref<1x8x64xf32, #tpu.memory_space<vmem>> -> memref<8x64xf32, #tpu.memory_space<vmem>>
      %dma_start3A_1883 = arith.constant 0 : i32
      %dma_start3A_1884 = arith.constant 0 : i32
      %dma_start3A_1885 = tpu.memref_slice %arg5[%squeeze3A_1869, %dma_start3A_1883, %dma_start3A_1884] : memref<125000x8x64xf32, #tpu.memory_space<hbm>> -> memref<1x8x64xf32, #tpu.memory_space<hbm>>
      %dma_start3A_1886 = tpu.memref_squeeze %dma_start3A_1885 : memref<1x8x64xf32, #tpu.memory_space<hbm>> -> memref<8x64xf32, #tpu.memory_space<hbm>>
      tpu.enqueue_dma source(%dma_start3A_1886 : memref<8x64xf32, #tpu.memory_space<hbm>>) target(%dma_start3A_1882 : memref<8x64xf32, #tpu.memory_space<vmem>>) target_semaphore(%arg13 : memref<!tpu.dma_semaphore, #tpu.memory_space<semaphore_mem>>)
      %dma_wait3A_1887 = arith.constant 0 : i32
      %dma_wait3A_1888 = arith.constant 0 : i32
      %dma_wait3A_1889 = arith.constant 0 : i32
      %dma_wait3A_1890 = tpu.memref_slice %arg5[%dma_wait3A_1887, %dma_wait3A_1888, %dma_wait3A_1889] : memref<125000x8x64xf32, #tpu.memory_space<hbm>> -> memref<32x8x64xf32, #tpu.memory_space<hbm>>
      %dma_wait3A_1891 = arith.constant 0 : i32
      %dma_wait3A_1892 = arith.constant 0 : i32
      %dma_wait3A_1893 = arith.constant 0 : i32
      %dma_wait3A_1894 = tpu.memref_slice %arg5[%dma_wait3A_1891, %dma_wait3A_1892, %dma_wait3A_1893] : memref<125000x8x64xf32, #tpu.memory_space<hbm>> -> memref<32x8x64xf32, #tpu.memory_space<hbm>>
      tpu.wait_dma2 semaphore(%arg14 : memref<!tpu.dma_semaphore, #tpu.memory_space<semaphore_mem>>) src(%dma_wait3A_1894 : memref<32x8x64xf32, #tpu.memory_space<hbm>>) dst(%arg11 : memref<32x8x64xf32, #tpu.memory_space<vmem>>)
      %add3A_1895 = arith.constant 1 : i32
      %add3A_1896 = arith.addi %mul3A_1255, %add3A_1895 : i32
      %scan3A_1897 = arith.constant 0 : i32
      %scan3A_1898 = arith.constant 0 : i32
      %scan3A_1899 = arith.constant 2 : i32
      %scan3A_1900 = arith.addi %scan3A_1898, %scan3A_1899 : i32
      %scan3A_1901 = arith.constant 1 : i32
      %scan3A_1902 = scf.for %scan3A_2521 = %scan3A_1898 to %scan3A_1900 step %scan3A_1901 iter_args(%scan3A_2522 = %scan3A_1897) -> (i32)  : i32 {
        %mul3A_2523 = arith.constant 16 : i32
        %mul3A_2524 = arith.muli %scan3A_2521, %mul3A_2523 : i32
        %get3A_2525 = arith.index_cast %add3A_1896 : i32 to index
        %get3A_2526 = arith.index_cast %mul3A_2524 : i32 to index
        %get3A_2527 = tpu.vector_load %arg8[%get3A_2525, %get3A_2526] {strides = array<i32>} : memref<46x32xi32, #tpu.memory_space<vmem>>, vector<16xi32>,
        %mul3A_2528 = arith.constant 16 : i32
        %mul3A_2529 = arith.muli %scan3A_2521, %mul3A_2528 : i32
        %add3A_2530 = vector.broadcast %mul3A_2529 : i32 to vector<16xi32>
        %add3A_2531 = arith.addi %iota3A, %add3A_2530 : vector<16xi32>
        %mul3A_2532 = arith.constant 32 : i32
        %mul3A_2533 = arith.muli %add3A_1896, %mul3A_2532 : i32
        %mul3A_2534 = arith.constant 16 : i32
        %mul3A_2535 = arith.muli %scan3A_2521, %mul3A_2534 : i32
        %add3A_2536 = arith.addi %mul3A_2533, %mul3A_2535 : i32
        %add3A_2537 = vector.broadcast %add3A_2536 : i32 to vector<16xi32>
        %add3A_2538 = arith.addi %add3A_2537, %iota3A : vector<16xi32>
        %sub3A = arith.constant 128 : i32
        %sub3A_2539 = vector.broadcast %sub3A : i32 to vector<16xi32>
        %sub3A_2540 = arith.subi %add3A_2538, %sub3A_2539 : vector<16xi32>
        %jit3A = arith.constant 10 : i32
        %div3A = vector.broadcast %jit3A : i32 to vector<16xi32>
        %div3A_2541 = arith.divsi %sub3A_2540, %div3A : vector<16xi32>
        %sign3A = arith.constant 0 : i32
        %sign3A_2542 = vector.broadcast %sign3A : i32 to vector<16xi32>
        %sign3A_2543 = arith.cmpi sgt, %sub3A_2540, %sign3A_2542 : vector<16xi32>
        %sign3A_2544 = arith.extui %sign3A_2543 : vector<16xi1> to vector<16xi32>
        %sign3A_2545 = arith.constant 0 : i32
        %sign3A_2546 = vector.broadcast %sign3A_2545 : i32 to vector<16xi32>
        %sign3A_2547 = arith.cmpi slt, %sub3A_2540, %sign3A_2546 : vector<16xi32>
        %sign3A_2548 = arith.extui %sign3A_2547 : vector<16xi1> to vector<16xi32>
        %sign3A_2549 = arith.subi %sign3A_2544, %sign3A_2548 : vector<16xi32>
        %sign3A_2550 = arith.constant 0 : i32
        %sign3A_2551 = arith.cmpi sgt, %jit3A, %sign3A_2550 : i32
        %sign3A_2552 = arith.extui %sign3A_2551 : i1 to i32
        %sign3A_2553 = arith.constant 0 : i32
        %sign3A_2554 = arith.cmpi slt, %jit3A, %sign3A_2553 : i32
        %sign3A_2555 = arith.extui %sign3A_2554 : i1 to i32
        %sign3A_2556 = arith.subi %sign3A_2552, %sign3A_2555 : i32
        %ne3A = vector.broadcast %sign3A_2556 : i32 to vector<16xi32>
        %ne3A_2557 = arith.cmpi ne, %sign3A_2549, %ne3A : vector<16xi32>
        %rem3A = vector.broadcast %jit3A : i32 to vector<16xi32>
        %rem3A_2558 = arith.remsi %sub3A_2540, %rem3A : vector<16xi32>
        %ne3A_2559 = arith.constant 0 : i32
        %ne3A_2560 = vector.broadcast %ne3A_2559 : i32 to vector<16xi32>
        %ne3A_2561 = arith.cmpi ne, %rem3A_2558, %ne3A_2560 : vector<16xi32>
        %and3A = arith.andi %ne3A_2557, %ne3A_2561 : vector<16xi1>
        %sub3A_2562 = arith.constant 1 : i32
        %sub3A_2563 = vector.broadcast %sub3A_2562 : i32 to vector<16xi32>
        %sub3A_2564 = arith.subi %div3A_2541, %sub3A_2563 : vector<16xi32>
        %select_n3A = arith.select %and3A, %sub3A_2564, %div3A_2541 : vector<16xi1>, vector<16xi32>
        %lt3A = arith.constant 4 : i32
        %lt3A_2565 = arith.cmpi slt, %add3A_1896, %lt3A : i32
        %broadcast_in_dim3A = vector.broadcast %lt3A_2565 : i1 to vector<16xi1>
        %select_n3A_2566 = arith.select %broadcast_in_dim3A, %add3A_2538, %select_n3A : vector<16xi1>, vector<16xi32>
        %shift_right_arithmetic3A = arith.constant 6 : i32
        %shift_right_arithmetic3A_2567 = vector.broadcast %shift_right_arithmetic3A : i32 to vector<16xi32>
        %shift_right_arithmetic3A_2568 = arith.shrsi %get3A_2527, %shift_right_arithmetic3A_2567 : vector<16xi32>
        %broadcast_in_dim3A_2569 = arith.constant 0.000000e+00 : f32
        %broadcast_in_dim3A_2570 = vector.broadcast %broadcast_in_dim3A_2569 : f32 to vector<16xf32>
        %scan3A_2571 = arith.constant 0 : i32
        %scan3A_2572 = arith.constant 4 : i32
        %scan3A_2573 = arith.addi %scan3A_2571, %scan3A_2572 : i32
        %scan3A_2574 = arith.constant 1 : i32
        %scan3A_2575 = scf.for %scan3A_2584 = %scan3A_2571 to %scan3A_2573 step %scan3A_2574 iter_args(%scan3A_2585 = %broadcast_in_dim3A_2570) -> (vector<16xf32>)  : i32 {
          %mul3A_2586 = arith.constant 16 : i32
          %mul3A_2587 = arith.muli %scan3A_2584, %mul3A_2586 : i32
          %broadcast_in_dim3A_2588 = arith.constant 0 : i32
          %broadcast_in_dim3A_2589 = vector.broadcast %broadcast_in_dim3A_2588 : i32 to vector<16xi32>
          %add3A_2590 = vector.broadcast %mul3A_2587 : i32 to vector<16xi32>
          %add3A_2591 = arith.addi %broadcast_in_dim3A_2589, %add3A_2590 : vector<16xi32>
          %gather3A = tpu.vector_load_idx %arg11[%add3A_2531, %shift_right_arithmetic3A_2568, %add3A_2591] : memref<32x8x64xf32, #tpu.memory_space<vmem>>[vector<16xi32>, vector<16xi32>, vector<16xi32>], vector<16xf32>,
          %gather3A_2592 = tpu.vector_load_idx %arg9[%select_n3A_2566, %add3A_2591] : memref<128x64xf32, #tpu.memory_space<vmem>>[vector<16xi32>, vector<16xi32>], vector<16xf32>,
          %mul3A_2593 = arith.mulf %gather3A, %gather3A_2592 : vector<16xf32>
          %add3A_2594 = arith.addf %scan3A_2585, %mul3A_2593 : vector<16xf32>
          %broadcast_in_dim3A_2595 = arith.constant 1 : i32
          %broadcast_in_dim3A_2596 = vector.broadcast %broadcast_in_dim3A_2595 : i32 to vector<16xi32>
          %add3A_2597 = vector.broadcast %mul3A_2587 : i32 to vector<16xi32>
          %add3A_2598 = arith.addi %broadcast_in_dim3A_2596, %add3A_2597 : vector<16xi32>
          %gather3A_2599 = tpu.vector_load_idx %arg11[%add3A_2531, %shift_right_arithmetic3A_2568, %add3A_2598] : memref<32x8x64xf32, #tpu.memory_space<vmem>>[vector<16xi32>, vector<16xi32>, vector<16xi32>], vector<16xf32>,
          %gather3A_2600 = tpu.vector_load_idx %arg9[%select_n3A_2566, %add3A_2598] : memref<128x64xf32, #tpu.memory_space<vmem>>[vector<16xi32>, vector<16xi32>], vector<16xf32>,
          %mul3A_2601 = arith.mulf %gather3A_2599, %gather3A_2600 : vector<16xf32>
          %add3A_2602 = arith.addf %add3A_2594, %mul3A_2601 : vector<16xf32>
          %broadcast_in_dim3A_2603 = arith.constant 2 : i32
          %broadcast_in_dim3A_2604 = vector.broadcast %broadcast_in_dim3A_2603 : i32 to vector<16xi32>
          %add3A_2605 = vector.broadcast %mul3A_2587 : i32 to vector<16xi32>
          %add3A_2606 = arith.addi %broadcast_in_dim3A_2604, %add3A_2605 : vector<16xi32>
          %gather3A_2607 = tpu.vector_load_idx %arg11[%add3A_2531, %shift_right_arithmetic3A_2568, %add3A_2606] : memref<32x8x64xf32, #tpu.memory_space<vmem>>[vector<16xi32>, vector<16xi32>, vector<16xi32>], vector<16xf32>,
          %gather3A_2608 = tpu.vector_load_idx %arg9[%select_n3A_2566, %add3A_2606] : memref<128x64xf32, #tpu.memory_space<vmem>>[vector<16xi32>, vector<16xi32>], vector<16xf32>,
          %mul3A_2609 = arith.mulf %gather3A_2607, %gather3A_2608 : vector<16xf32>
          %add3A_2610 = arith.addf %add3A_2602, %mul3A_2609 : vector<16xf32>
          %broadcast_in_dim3A_2611 = arith.constant 3 : i32
          %broadcast_in_dim3A_2612 = vector.broadcast %broadcast_in_dim3A_2611 : i32 to vector<16xi32>
          %add3A_2613 = vector.broadcast %mul3A_2587 : i32 to vector<16xi32>
          %add3A_2614 = arith.addi %broadcast_in_dim3A_2612, %add3A_2613 : vector<16xi32>
          %gather3A_2615 = tpu.vector_load_idx %arg11[%add3A_2531, %shift_right_arithmetic3A_2568, %add3A_2614] : memref<32x8x64xf32, #tpu.memory_space<vmem>>[vector<16xi32>, vector<16xi32>, vector<16xi32>], vector<16xf32>,
          %gather3A_2616 = tpu.vector_load_idx %arg9[%select_n3A_2566, %add3A_2614] : memref<128x64xf32, #tpu.memory_space<vmem>>[vector<16xi32>, vector<16xi32>], vector<16xf32>,
          %mul3A_2617 = arith.mulf %gather3A_2615, %gather3A_2616 : vector<16xf32>
          %add3A_2618 = arith.addf %add3A_2610, %mul3A_2617 : vector<16xf32>
          %broadcast_in_dim3A_2619 = arith.constant 4 : i32
          %broadcast_in_dim3A_2620 = vector.broadcast %broadcast_in_dim3A_2619 : i32 to vector<16xi32>
          %add3A_2621 = vector.broadcast %mul3A_2587 : i32 to vector<16xi32>
          %add3A_2622 = arith.addi %broadcast_in_dim3A_2620, %add3A_2621 : vector<16xi32>
          %gather3A_2623 = tpu.vector_load_idx %arg11[%add3A_2531, %shift_right_arithmetic3A_2568, %add3A_2622] : memref<32x8x64xf32, #tpu.memory_space<vmem>>[vector<16xi32>, vector<16xi32>, vector<16xi32>], vector<16xf32>,
          %gather3A_2624 = tpu.vector_load_idx %arg9[%select_n3A_2566, %add3A_2622] : memref<128x64xf32, #tpu.memory_space<vmem>>[vector<16xi32>, vector<16xi32>], vector<16xf32>,
          %mul3A_2625 = arith.mulf %gather3A_2623, %gather3A_2624 : vector<16xf32>
          %add3A_2626 = arith.addf %add3A_2618, %mul3A_2625 : vector<16xf32>
          %broadcast_in_dim3A_2627 = arith.constant 5 : i32
          %broadcast_in_dim3A_2628 = vector.broadcast %broadcast_in_dim3A_2627 : i32 to vector<16xi32>
          %add3A_2629 = vector.broadcast %mul3A_2587 : i32 to vector<16xi32>
          %add3A_2630 = arith.addi %broadcast_in_dim3A_2628, %add3A_2629 : vector<16xi32>
          %gather3A_2631 = tpu.vector_load_idx %arg11[%add3A_2531, %shift_right_arithmetic3A_2568, %add3A_2630] : memref<32x8x64xf32, #tpu.memory_space<vmem>>[vector<16xi32>, vector<16xi32>, vector<16xi32>], vector<16xf32>,
          %gather3A_2632 = tpu.vector_load_idx %arg9[%select_n3A_2566, %add3A_2630] : memref<128x64xf32, #tpu.memory_space<vmem>>[vector<16xi32>, vector<16xi32>], vector<16xf32>,
          %mul3A_2633 = arith.mulf %gather3A_2631, %gather3A_2632 : vector<16xf32>
          %add3A_2634 = arith.addf %add3A_2626, %mul3A_2633 : vector<16xf32>
          %broadcast_in_dim3A_2635 = arith.constant 6 : i32
          %broadcast_in_dim3A_2636 = vector.broadcast %broadcast_in_dim3A_2635 : i32 to vector<16xi32>
          %add3A_2637 = vector.broadcast %mul3A_2587 : i32 to vector<16xi32>
          %add3A_2638 = arith.addi %broadcast_in_dim3A_2636, %add3A_2637 : vector<16xi32>
          %gather3A_2639 = tpu.vector_load_idx %arg11[%add3A_2531, %shift_right_arithmetic3A_2568, %add3A_2638] : memref<32x8x64xf32, #tpu.memory_space<vmem>>[vector<16xi32>, vector<16xi32>, vector<16xi32>], vector<16xf32>,
          %gather3A_2640 = tpu.vector_load_idx %arg9[%select_n3A_2566, %add3A_2638] : memref<128x64xf32, #tpu.memory_space<vmem>>[vector<16xi32>, vector<16xi32>], vector<16xf32>,
          %mul3A_2641 = arith.mulf %gather3A_2639, %gather3A_2640 : vector<16xf32>
          %add3A_2642 = arith.addf %add3A_2634, %mul3A_2641 : vector<16xf32>
          %broadcast_in_dim3A_2643 = arith.constant 7 : i32
          %broadcast_in_dim3A_2644 = vector.broadcast %broadcast_in_dim3A_2643 : i32 to vector<16xi32>
          %add3A_2645 = vector.broadcast %mul3A_2587 : i32 to vector<16xi32>
          %add3A_2646 = arith.addi %broadcast_in_dim3A_2644, %add3A_2645 : vector<16xi32>
          %gather3A_2647 = tpu.vector_load_idx %arg11[%add3A_2531, %shift_right_arithmetic3A_2568, %add3A_2646] : memref<32x8x64xf32, #tpu.memory_space<vmem>>[vector<16xi32>, vector<16xi32>, vector<16xi32>], vector<16xf32>,
          %gather3A_2648 = tpu.vector_load_idx %arg9[%select_n3A_2566, %add3A_2646] : memref<128x64xf32, #tpu.memory_space<vmem>>[vector<16xi32>, vector<16xi32>], vector<16xf32>,
          %mul3A_2649 = arith.mulf %gather3A_2647, %gather3A_2648 : vector<16xf32>
          %add3A_2650 = arith.addf %add3A_2642, %mul3A_2649 : vector<16xf32>
          %broadcast_in_dim3A_2651 = arith.constant 8 : i32
          %broadcast_in_dim3A_2652 = vector.broadcast %broadcast_in_dim3A_2651 : i32 to vector<16xi32>
          %add3A_2653 = vector.broadcast %mul3A_2587 : i32 to vector<16xi32>
          %add3A_2654 = arith.addi %broadcast_in_dim3A_2652, %add3A_2653 : vector<16xi32>
          %gather3A_2655 = tpu.vector_load_idx %arg11[%add3A_2531, %shift_right_arithmetic3A_2568, %add3A_2654] : memref<32x8x64xf32, #tpu.memory_space<vmem>>[vector<16xi32>, vector<16xi32>, vector<16xi32>], vector<16xf32>,
          %gather3A_2656 = tpu.vector_load_idx %arg9[%select_n3A_2566, %add3A_2654] : memref<128x64xf32, #tpu.memory_space<vmem>>[vector<16xi32>, vector<16xi32>], vector<16xf32>,
          %mul3A_2657 = arith.mulf %gather3A_2655, %gather3A_2656 : vector<16xf32>
          %add3A_2658 = arith.addf %add3A_2650, %mul3A_2657 : vector<16xf32>
          %broadcast_in_dim3A_2659 = arith.constant 9 : i32
          %broadcast_in_dim3A_2660 = vector.broadcast %broadcast_in_dim3A_2659 : i32 to vector<16xi32>
          %add3A_2661 = vector.broadcast %mul3A_2587 : i32 to vector<16xi32>
          %add3A_2662 = arith.addi %broadcast_in_dim3A_2660, %add3A_2661 : vector<16xi32>
          %gather3A_2663 = tpu.vector_load_idx %arg11[%add3A_2531, %shift_right_arithmetic3A_2568, %add3A_2662] : memref<32x8x64xf32, #tpu.memory_space<vmem>>[vector<16xi32>, vector<16xi32>, vector<16xi32>], vector<16xf32>,
          %gather3A_2664 = tpu.vector_load_idx %arg9[%select_n3A_2566, %add3A_2662] : memref<128x64xf32, #tpu.memory_space<vmem>>[vector<16xi32>, vector<16xi32>], vector<16xf32>,
          %mul3A_2665 = arith.mulf %gather3A_2663, %gather3A_2664 : vector<16xf32>
          %add3A_2666 = arith.addf %add3A_2658, %mul3A_2665 : vector<16xf32>
          %broadcast_in_dim3A_2667 = arith.constant 10 : i32
          %broadcast_in_dim3A_2668 = vector.broadcast %broadcast_in_dim3A_2667 : i32 to vector<16xi32>
          %add3A_2669 = vector.broadcast %mul3A_2587 : i32 to vector<16xi32>
          %add3A_2670 = arith.addi %broadcast_in_dim3A_2668, %add3A_2669 : vector<16xi32>
          %gather3A_2671 = tpu.vector_load_idx %arg11[%add3A_2531, %shift_right_arithmetic3A_2568, %add3A_2670] : memref<32x8x64xf32, #tpu.memory_space<vmem>>[vector<16xi32>, vector<16xi32>, vector<16xi32>], vector<16xf32>,
          %gather3A_2672 = tpu.vector_load_idx %arg9[%select_n3A_2566, %add3A_2670] : memref<128x64xf32, #tpu.memory_space<vmem>>[vector<16xi32>, vector<16xi32>], vector<16xf32>,
          %mul3A_2673 = arith.mulf %gather3A_2671, %gather3A_2672 : vector<16xf32>
          %add3A_2674 = arith.addf %add3A_2666, %mul3A_2673 : vector<16xf32>
          %broadcast_in_dim3A_2675 = arith.constant 11 : i32
          %broadcast_in_dim3A_2676 = vector.broadcast %broadcast_in_dim3A_2675 : i32 to vector<16xi32>
          %add3A_2677 = vector.broadcast %mul3A_2587 : i32 to vector<16xi32>
          %add3A_2678 = arith.addi %broadcast_in_dim3A_2676, %add3A_2677 : vector<16xi32>
          %gather3A_2679 = tpu.vector_load_idx %arg11[%add3A_2531, %shift_right_arithmetic3A_2568, %add3A_2678] : memref<32x8x64xf32, #tpu.memory_space<vmem>>[vector<16xi32>, vector<16xi32>, vector<16xi32>], vector<16xf32>,
          %gather3A_2680 = tpu.vector_load_idx %arg9[%select_n3A_2566, %add3A_2678] : memref<128x64xf32, #tpu.memory_space<vmem>>[vector<16xi32>, vector<16xi32>], vector<16xf32>,
          %mul3A_2681 = arith.mulf %gather3A_2679, %gather3A_2680 : vector<16xf32>
          %add3A_2682 = arith.addf %add3A_2674, %mul3A_2681 : vector<16xf32>
          %broadcast_in_dim3A_2683 = arith.constant 12 : i32
          %broadcast_in_dim3A_2684 = vector.broadcast %broadcast_in_dim3A_2683 : i32 to vector<16xi32>
          %add3A_2685 = vector.broadcast %mul3A_2587 : i32 to vector<16xi32>
          %add3A_2686 = arith.addi %broadcast_in_dim3A_2684, %add3A_2685 : vector<16xi32>
          %gather3A_2687 = tpu.vector_load_idx %arg11[%add3A_2531, %shift_right_arithmetic3A_2568, %add3A_2686] : memref<32x8x64xf32, #tpu.memory_space<vmem>>[vector<16xi32>, vector<16xi32>, vector<16xi32>], vector<16xf32>,
          %gather3A_2688 = tpu.vector_load_idx %arg9[%select_n3A_2566, %add3A_2686] : memref<128x64xf32, #tpu.memory_space<vmem>>[vector<16xi32>, vector<16xi32>], vector<16xf32>,
          %mul3A_2689 = arith.mulf %gather3A_2687, %gather3A_2688 : vector<16xf32>
          %add3A_2690 = arith.addf %add3A_2682, %mul3A_2689 : vector<16xf32>
          %broadcast_in_dim3A_2691 = arith.constant 13 : i32
          %broadcast_in_dim3A_2692 = vector.broadcast %broadcast_in_dim3A_2691 : i32 to vector<16xi32>
          %add3A_2693 = vector.broadcast %mul3A_2587 : i32 to vector<16xi32>
          %add3A_2694 = arith.addi %broadcast_in_dim3A_2692, %add3A_2693 : vector<16xi32>
          %gather3A_2695 = tpu.vector_load_idx %arg11[%add3A_2531, %shift_right_arithmetic3A_2568, %add3A_2694] : memref<32x8x64xf32, #tpu.memory_space<vmem>>[vector<16xi32>, vector<16xi32>, vector<16xi32>], vector<16xf32>,
          %gather3A_2696 = tpu.vector_load_idx %arg9[%select_n3A_2566, %add3A_2694] : memref<128x64xf32, #tpu.memory_space<vmem>>[vector<16xi32>, vector<16xi32>], vector<16xf32>,
          %mul3A_2697 = arith.mulf %gather3A_2695, %gather3A_2696 : vector<16xf32>
          %add3A_2698 = arith.addf %add3A_2690, %mul3A_2697 : vector<16xf32>
          %broadcast_in_dim3A_2699 = arith.constant 14 : i32
          %broadcast_in_dim3A_2700 = vector.broadcast %broadcast_in_dim3A_2699 : i32 to vector<16xi32>
          %add3A_2701 = vector.broadcast %mul3A_2587 : i32 to vector<16xi32>
          %add3A_2702 = arith.addi %broadcast_in_dim3A_2700, %add3A_2701 : vector<16xi32>
          %gather3A_2703 = tpu.vector_load_idx %arg11[%add3A_2531, %shift_right_arithmetic3A_2568, %add3A_2702] : memref<32x8x64xf32, #tpu.memory_space<vmem>>[vector<16xi32>, vector<16xi32>, vector<16xi32>], vector<16xf32>,
          %gather3A_2704 = tpu.vector_load_idx %arg9[%select_n3A_2566, %add3A_2702] : memref<128x64xf32, #tpu.memory_space<vmem>>[vector<16xi32>, vector<16xi32>], vector<16xf32>,
          %mul3A_2705 = arith.mulf %gather3A_2703, %gather3A_2704 : vector<16xf32>
          %add3A_2706 = arith.addf %add3A_2698, %mul3A_2705 : vector<16xf32>
          %broadcast_in_dim3A_2707 = arith.constant 15 : i32
          %broadcast_in_dim3A_2708 = vector.broadcast %broadcast_in_dim3A_2707 : i32 to vector<16xi32>
          %add3A_2709 = vector.broadcast %mul3A_2587 : i32 to vector<16xi32>
          %add3A_2710 = arith.addi %broadcast_in_dim3A_2708, %add3A_2709 : vector<16xi32>
          %gather3A_2711 = tpu.vector_load_idx %arg11[%add3A_2531, %shift_right_arithmetic3A_2568, %add3A_2710] : memref<32x8x64xf32, #tpu.memory_space<vmem>>[vector<16xi32>, vector<16xi32>, vector<16xi32>], vector<16xf32>,
          %gather3A_2712 = tpu.vector_load_idx %arg9[%select_n3A_2566, %add3A_2710] : memref<128x64xf32, #tpu.memory_space<vmem>>[vector<16xi32>, vector<16xi32>], vector<16xf32>,
          %mul3A_2713 = arith.mulf %gather3A_2711, %gather3A_2712 : vector<16xf32>
          %add3A_2714 = arith.addf %add3A_2706, %mul3A_2713 : vector<16xf32>
          scf.yield %add3A_2714 : vector<16xf32>
        }
        %scan3A_2576 = arith.constant 4 : i32
        %mul3A_2577 = arith.constant 32 : i32
        %mul3A_2578 = arith.muli %add3A_1896, %mul3A_2577 : i32
        %mul3A_2579 = arith.constant 16 : i32
        %mul3A_2580 = arith.muli %scan3A_2521, %mul3A_2579 : i32
        %add3A_2581 = arith.addi %mul3A_2578, %mul3A_2580 : i32
        %swap3A = arith.index_cast %add3A_2581 : i32 to index
        %swap3A_2582 = tpu.vector_load %arg12[%swap3A] {strides = array<i32>} : memref<1408xf32, #tpu.memory_space<vmem>>, vector<16xf32>,
        tpu.vector_store %arg12[%swap3A], %scan3A_2575 {strides = array<i32>} : memref<1408xf32, #tpu.memory_space<vmem>>, vector<16xf32>,
        %scan3A_2583 = arith.constant 0 : i32
        scf.yield %scan3A_2583 : i32
      }
      %scan3A_1903 = arith.constant 2 : i32
      %add3A_1904 = arith.constant 3 : i32
      %add3A_1905 = arith.addi %mul3A_1255, %add3A_1904 : i32
      %get3A_1906 = arith.index_cast %add3A_1905 : i32 to index
      %get3A_1907 = arith.constant 0 : index
      %get3A_1908 = tpu.vector_load %arg7[%get3A_1906, %get3A_1907] {strides = array<i32>} : memref<46x32xi32, #tpu.memory_space<vmem>>, vector<16xi32>,
      %slice3A_1909 = vector.extract_strided_slice %get3A_1908 {offsets = [0], sizes = [1], strides = [1]} : vector<16xi32> to vector<1xi32>
      %squeeze3A_1910 = vector.extract %slice3A_1909[0] : i32 from vector<1xi32>
      %dma_start3A_1911 = arith.constant 0 : i32
      %dma_start3A_1912 = arith.constant 0 : i32
      %dma_start3A_1913 = arith.constant 0 : i32
      %dma_start3A_1914 = tpu.memref_slice %arg11[%dma_start3A_1911, %dma_start3A_1912, %dma_start3A_1913] : memref<32x8x64xf32, #tpu.memory_space<vmem>> -> memref<1x8x64xf32, #tpu.memory_space<vmem>>
      %dma_start3A_1915 = tpu.memref_squeeze %dma_start3A_1914 : memref<1x8x64xf32, #tpu.memory_space<vmem>> -> memref<8x64xf32, #tpu.memory_space<vmem>>
      %dma_start3A_1916 = arith.constant 0 : i32
      %dma_start3A_1917 = arith.constant 0 : i32
      %dma_start3A_1918 = tpu.memref_slice %arg5[%squeeze3A_1910, %dma_start3A_1916, %dma_start3A_1917] : memref<125000x8x64xf32, #tpu.memory_space<hbm>> -> memref<1x8x64xf32, #tpu.memory_space<hbm>>
      %dma_start3A_1919 = tpu.memref_squeeze %dma_start3A_1918 : memref<1x8x64xf32, #tpu.memory_space<hbm>> -> memref<8x64xf32, #tpu.memory_space<hbm>>
      %dma_start3A_1920 = arith.constant 0 : i32
      %dma_start3A_1921 = arith.constant 0 : i32
      %dma_start3A_1922 = tpu.memref_slice %arg11[%dma_start3A_1911, %dma_start3A_1920, %dma_start3A_1921] : memref<32x8x64xf32, #tpu.memory_space<vmem>> -> memref<1x8x64xf32, #tpu.memory_space<vmem>>
      %dma_start3A_1923 = tpu.memref_squeeze %dma_start3A_1922 : memref<1x8x64xf32, #tpu.memory_space<vmem>> -> memref<8x64xf32, #tpu.memory_space<vmem>>
      %dma_start3A_1924 = arith.constant 0 : i32
      %dma_start3A_1925 = arith.constant 0 : i32
      %dma_start3A_1926 = tpu.memref_slice %arg5[%squeeze3A_1910, %dma_start3A_1924, %dma_start3A_1925] : memref<125000x8x64xf32, #tpu.memory_space<hbm>> -> memref<1x8x64xf32, #tpu.memory_space<hbm>>
      %dma_start3A_1927 = tpu.memref_squeeze %dma_start3A_1926 : memref<1x8x64xf32, #tpu.memory_space<hbm>> -> memref<8x64xf32, #tpu.memory_space<hbm>>
      tpu.enqueue_dma source(%dma_start3A_1927 : memref<8x64xf32, #tpu.memory_space<hbm>>) target(%dma_start3A_1923 : memref<8x64xf32, #tpu.memory_space<vmem>>) target_semaphore(%arg14 : memref<!tpu.dma_semaphore, #tpu.memory_space<semaphore_mem>>)
      %slice3A_1928 = vector.extract_strided_slice %get3A_1908 {offsets = [1], sizes = [1], strides = [1]} : vector<16xi32> to vector<1xi32>
      %squeeze3A_1929 = vector.extract %slice3A_1928[0] : i32 from vector<1xi32>
      %dma_start3A_1930 = arith.constant 1 : i32
      %dma_start3A_1931 = arith.constant 0 : i32
      %dma_start3A_1932 = arith.constant 0 : i32
      %dma_start3A_1933 = tpu.memref_slice %arg11[%dma_start3A_1930, %dma_start3A_1931, %dma_start3A_1932] : memref<32x8x64xf32, #tpu.memory_space<vmem>> -> memref<1x8x64xf32, #tpu.memory_space<vmem>>
      %dma_start3A_1934 = tpu.memref_squeeze %dma_start3A_1933 : memref<1x8x64xf32, #tpu.memory_space<vmem>> -> memref<8x64xf32, #tpu.memory_space<vmem>>
      %dma_start3A_1935 = arith.constant 0 : i32
      %dma_start3A_1936 = arith.constant 0 : i32
      %dma_start3A_1937 = tpu.memref_slice %arg5[%squeeze3A_1929, %dma_start3A_1935, %dma_start3A_1936] : memref<125000x8x64xf32, #tpu.memory_space<hbm>> -> memref<1x8x64xf32, #tpu.memory_space<hbm>>
      %dma_start3A_1938 = tpu.memref_squeeze %dma_start3A_1937 : memref<1x8x64xf32, #tpu.memory_space<hbm>> -> memref<8x64xf32, #tpu.memory_space<hbm>>
      %dma_start3A_1939 = arith.constant 0 : i32
      %dma_start3A_1940 = arith.constant 0 : i32
      %dma_start3A_1941 = tpu.memref_slice %arg11[%dma_start3A_1930, %dma_start3A_1939, %dma_start3A_1940] : memref<32x8x64xf32, #tpu.memory_space<vmem>> -> memref<1x8x64xf32, #tpu.memory_space<vmem>>
      %dma_start3A_1942 = tpu.memref_squeeze %dma_start3A_1941 : memref<1x8x64xf32, #tpu.memory_space<vmem>> -> memref<8x64xf32, #tpu.memory_space<vmem>>
      %dma_start3A_1943 = arith.constant 0 : i32
      %dma_start3A_1944 = arith.constant 0 : i32
      %dma_start3A_1945 = tpu.memref_slice %arg5[%squeeze3A_1929, %dma_start3A_1943, %dma_start3A_1944] : memref<125000x8x64xf32, #tpu.memory_space<hbm>> -> memref<1x8x64xf32, #tpu.memory_space<hbm>>
      %dma_start3A_1946 = tpu.memref_squeeze %dma_start3A_1945 : memref<1x8x64xf32, #tpu.memory_space<hbm>> -> memref<8x64xf32, #tpu.memory_space<hbm>>
      tpu.enqueue_dma source(%dma_start3A_1946 : memref<8x64xf32, #tpu.memory_space<hbm>>) target(%dma_start3A_1942 : memref<8x64xf32, #tpu.memory_space<vmem>>) target_semaphore(%arg14 : memref<!tpu.dma_semaphore, #tpu.memory_space<semaphore_mem>>)
      %slice3A_1947 = vector.extract_strided_slice %get3A_1908 {offsets = [2], sizes = [1], strides = [1]} : vector<16xi32> to vector<1xi32>
      %squeeze3A_1948 = vector.extract %slice3A_1947[0] : i32 from vector<1xi32>
      %dma_start3A_1949 = arith.constant 2 : i32
      %dma_start3A_1950 = arith.constant 0 : i32
      %dma_start3A_1951 = arith.constant 0 : i32
      %dma_start3A_1952 = tpu.memref_slice %arg11[%dma_start3A_1949, %dma_start3A_1950, %dma_start3A_1951] : memref<32x8x64xf32, #tpu.memory_space<vmem>> -> memref<1x8x64xf32, #tpu.memory_space<vmem>>
      %dma_start3A_1953 = tpu.memref_squeeze %dma_start3A_1952 : memref<1x8x64xf32, #tpu.memory_space<vmem>> -> memref<8x64xf32, #tpu.memory_space<vmem>>
      %dma_start3A_1954 = arith.constant 0 : i32
      %dma_start3A_1955 = arith.constant 0 : i32
      %dma_start3A_1956 = tpu.memref_slice %arg5[%squeeze3A_1948, %dma_start3A_1954, %dma_start3A_1955] : memref<125000x8x64xf32, #tpu.memory_space<hbm>> -> memref<1x8x64xf32, #tpu.memory_space<hbm>>
      %dma_start3A_1957 = tpu.memref_squeeze %dma_start3A_1956 : memref<1x8x64xf32, #tpu.memory_space<hbm>> -> memref<8x64xf32, #tpu.memory_space<hbm>>
      %dma_start3A_1958 = arith.constant 0 : i32
      %dma_start3A_1959 = arith.constant 0 : i32
      %dma_start3A_1960 = tpu.memref_slice %arg11[%dma_start3A_1949, %dma_start3A_1958, %dma_start3A_1959] : memref<32x8x64xf32, #tpu.memory_space<vmem>> -> memref<1x8x64xf32, #tpu.memory_space<vmem>>
      %dma_start3A_1961 = tpu.memref_squeeze %dma_start3A_1960 : memref<1x8x64xf32, #tpu.memory_space<vmem>> -> memref<8x64xf32, #tpu.memory_space<vmem>>
      %dma_start3A_1962 = arith.constant 0 : i32
      %dma_start3A_1963 = arith.constant 0 : i32
      %dma_start3A_1964 = tpu.memref_slice %arg5[%squeeze3A_1948, %dma_start3A_1962, %dma_start3A_1963] : memref<125000x8x64xf32, #tpu.memory_space<hbm>> -> memref<1x8x64xf32, #tpu.memory_space<hbm>>
      %dma_start3A_1965 = tpu.memref_squeeze %dma_start3A_1964 : memref<1x8x64xf32, #tpu.memory_space<hbm>> -> memref<8x64xf32, #tpu.memory_space<hbm>>
      tpu.enqueue_dma source(%dma_start3A_1965 : memref<8x64xf32, #tpu.memory_space<hbm>>) target(%dma_start3A_1961 : memref<8x64xf32, #tpu.memory_space<vmem>>) target_semaphore(%arg14 : memref<!tpu.dma_semaphore, #tpu.memory_space<semaphore_mem>>)
      %slice3A_1966 = vector.extract_strided_slice %get3A_1908 {offsets = [3], sizes = [1], strides = [1]} : vector<16xi32> to vector<1xi32>
      %squeeze3A_1967 = vector.extract %slice3A_1966[0] : i32 from vector<1xi32>
      %dma_start3A_1968 = arith.constant 3 : i32
      %dma_start3A_1969 = arith.constant 0 : i32
      %dma_start3A_1970 = arith.constant 0 : i32
      %dma_start3A_1971 = tpu.memref_slice %arg11[%dma_start3A_1968, %dma_start3A_1969, %dma_start3A_1970] : memref<32x8x64xf32, #tpu.memory_space<vmem>> -> memref<1x8x64xf32, #tpu.memory_space<vmem>>
      %dma_start3A_1972 = tpu.memref_squeeze %dma_start3A_1971 : memref<1x8x64xf32, #tpu.memory_space<vmem>> -> memref<8x64xf32, #tpu.memory_space<vmem>>
      %dma_start3A_1973 = arith.constant 0 : i32
      %dma_start3A_1974 = arith.constant 0 : i32
      %dma_start3A_1975 = tpu.memref_slice %arg5[%squeeze3A_1967, %dma_start3A_1973, %dma_start3A_1974] : memref<125000x8x64xf32, #tpu.memory_space<hbm>> -> memref<1x8x64xf32, #tpu.memory_space<hbm>>
      %dma_start3A_1976 = tpu.memref_squeeze %dma_start3A_1975 : memref<1x8x64xf32, #tpu.memory_space<hbm>> -> memref<8x64xf32, #tpu.memory_space<hbm>>
      %dma_start3A_1977 = arith.constant 0 : i32
      %dma_start3A_1978 = arith.constant 0 : i32
      %dma_start3A_1979 = tpu.memref_slice %arg11[%dma_start3A_1968, %dma_start3A_1977, %dma_start3A_1978] : memref<32x8x64xf32, #tpu.memory_space<vmem>> -> memref<1x8x64xf32, #tpu.memory_space<vmem>>
      %dma_start3A_1980 = tpu.memref_squeeze %dma_start3A_1979 : memref<1x8x64xf32, #tpu.memory_space<vmem>> -> memref<8x64xf32, #tpu.memory_space<vmem>>
      %dma_start3A_1981 = arith.constant 0 : i32
      %dma_start3A_1982 = arith.constant 0 : i32
      %dma_start3A_1983 = tpu.memref_slice %arg5[%squeeze3A_1967, %dma_start3A_1981, %dma_start3A_1982] : memref<125000x8x64xf32, #tpu.memory_space<hbm>> -> memref<1x8x64xf32, #tpu.memory_space<hbm>>
      %dma_start3A_1984 = tpu.memref_squeeze %dma_start3A_1983 : memref<1x8x64xf32, #tpu.memory_space<hbm>> -> memref<8x64xf32, #tpu.memory_space<hbm>>
      tpu.enqueue_dma source(%dma_start3A_1984 : memref<8x64xf32, #tpu.memory_space<hbm>>) target(%dma_start3A_1980 : memref<8x64xf32, #tpu.memory_space<vmem>>) target_semaphore(%arg14 : memref<!tpu.dma_semaphore, #tpu.memory_space<semaphore_mem>>)
      %slice3A_1985 = vector.extract_strided_slice %get3A_1908 {offsets = [4], sizes = [1], strides = [1]} : vector<16xi32> to vector<1xi32>
      %squeeze3A_1986 = vector.extract %slice3A_1985[0] : i32 from vector<1xi32>
      %dma_start3A_1987 = arith.constant 4 : i32
      %dma_start3A_1988 = arith.constant 0 : i32
      %dma_start3A_1989 = arith.constant 0 : i32
      %dma_start3A_1990 = tpu.memref_slice %arg11[%dma_start3A_1987, %dma_start3A_1988, %dma_start3A_1989] : memref<32x8x64xf32, #tpu.memory_space<vmem>> -> memref<1x8x64xf32, #tpu.memory_space<vmem>>
      %dma_start3A_1991 = tpu.memref_squeeze %dma_start3A_1990 : memref<1x8x64xf32, #tpu.memory_space<vmem>> -> memref<8x64xf32, #tpu.memory_space<vmem>>
      %dma_start3A_1992 = arith.constant 0 : i32
      %dma_start3A_1993 = arith.constant 0 : i32
      %dma_start3A_1994 = tpu.memref_slice %arg5[%squeeze3A_1986, %dma_start3A_1992, %dma_start3A_1993] : memref<125000x8x64xf32, #tpu.memory_space<hbm>> -> memref<1x8x64xf32, #tpu.memory_space<hbm>>
      %dma_start3A_1995 = tpu.memref_squeeze %dma_start3A_1994 : memref<1x8x64xf32, #tpu.memory_space<hbm>> -> memref<8x64xf32, #tpu.memory_space<hbm>>
      %dma_start3A_1996 = arith.constant 0 : i32
      %dma_start3A_1997 = arith.constant 0 : i32
      %dma_start3A_1998 = tpu.memref_slice %arg11[%dma_start3A_1987, %dma_start3A_1996, %dma_start3A_1997] : memref<32x8x64xf32, #tpu.memory_space<vmem>> -> memref<1x8x64xf32, #tpu.memory_space<vmem>>
      %dma_start3A_1999 = tpu.memref_squeeze %dma_start3A_1998 : memref<1x8x64xf32, #tpu.memory_space<vmem>> -> memref<8x64xf32, #tpu.memory_space<vmem>>
      %dma_start3A_2000 = arith.constant 0 : i32
      %dma_start3A_2001 = arith.constant 0 : i32
      %dma_start3A_2002 = tpu.memref_slice %arg5[%squeeze3A_1986, %dma_start3A_2000, %dma_start3A_2001] : memref<125000x8x64xf32, #tpu.memory_space<hbm>> -> memref<1x8x64xf32, #tpu.memory_space<hbm>>
      %dma_start3A_2003 = tpu.memref_squeeze %dma_start3A_2002 : memref<1x8x64xf32, #tpu.memory_space<hbm>> -> memref<8x64xf32, #tpu.memory_space<hbm>>
      tpu.enqueue_dma source(%dma_start3A_2003 : memref<8x64xf32, #tpu.memory_space<hbm>>) target(%dma_start3A_1999 : memref<8x64xf32, #tpu.memory_space<vmem>>) target_semaphore(%arg14 : memref<!tpu.dma_semaphore, #tpu.memory_space<semaphore_mem>>)
      %slice3A_2004 = vector.extract_strided_slice %get3A_1908 {offsets = [5], sizes = [1], strides = [1]} : vector<16xi32> to vector<1xi32>
      %squeeze3A_2005 = vector.extract %slice3A_2004[0] : i32 from vector<1xi32>
      %dma_start3A_2006 = arith.constant 5 : i32
      %dma_start3A_2007 = arith.constant 0 : i32
      %dma_start3A_2008 = arith.constant 0 : i32
      %dma_start3A_2009 = tpu.memref_slice %arg11[%dma_start3A_2006, %dma_start3A_2007, %dma_start3A_2008] : memref<32x8x64xf32, #tpu.memory_space<vmem>> -> memref<1x8x64xf32, #tpu.memory_space<vmem>>
      %dma_start3A_2010 = tpu.memref_squeeze %dma_start3A_2009 : memref<1x8x64xf32, #tpu.memory_space<vmem>> -> memref<8x64xf32, #tpu.memory_space<vmem>>
      %dma_start3A_2011 = arith.constant 0 : i32
      %dma_start3A_2012 = arith.constant 0 : i32
      %dma_start3A_2013 = tpu.memref_slice %arg5[%squeeze3A_2005, %dma_start3A_2011, %dma_start3A_2012] : memref<125000x8x64xf32, #tpu.memory_space<hbm>> -> memref<1x8x64xf32, #tpu.memory_space<hbm>>
      %dma_start3A_2014 = tpu.memref_squeeze %dma_start3A_2013 : memref<1x8x64xf32, #tpu.memory_space<hbm>> -> memref<8x64xf32, #tpu.memory_space<hbm>>
      %dma_start3A_2015 = arith.constant 0 : i32
      %dma_start3A_2016 = arith.constant 0 : i32
      %dma_start3A_2017 = tpu.memref_slice %arg11[%dma_start3A_2006, %dma_start3A_2015, %dma_start3A_2016] : memref<32x8x64xf32, #tpu.memory_space<vmem>> -> memref<1x8x64xf32, #tpu.memory_space<vmem>>
      %dma_start3A_2018 = tpu.memref_squeeze %dma_start3A_2017 : memref<1x8x64xf32, #tpu.memory_space<vmem>> -> memref<8x64xf32, #tpu.memory_space<vmem>>
      %dma_start3A_2019 = arith.constant 0 : i32
      %dma_start3A_2020 = arith.constant 0 : i32
      %dma_start3A_2021 = tpu.memref_slice %arg5[%squeeze3A_2005, %dma_start3A_2019, %dma_start3A_2020] : memref<125000x8x64xf32, #tpu.memory_space<hbm>> -> memref<1x8x64xf32, #tpu.memory_space<hbm>>
      %dma_start3A_2022 = tpu.memref_squeeze %dma_start3A_2021 : memref<1x8x64xf32, #tpu.memory_space<hbm>> -> memref<8x64xf32, #tpu.memory_space<hbm>>
      tpu.enqueue_dma source(%dma_start3A_2022 : memref<8x64xf32, #tpu.memory_space<hbm>>) target(%dma_start3A_2018 : memref<8x64xf32, #tpu.memory_space<vmem>>) target_semaphore(%arg14 : memref<!tpu.dma_semaphore, #tpu.memory_space<semaphore_mem>>)
      %slice3A_2023 = vector.extract_strided_slice %get3A_1908 {offsets = [6], sizes = [1], strides = [1]} : vector<16xi32> to vector<1xi32>
      %squeeze3A_2024 = vector.extract %slice3A_2023[0] : i32 from vector<1xi32>
      %dma_start3A_2025 = arith.constant 6 : i32
      %dma_start3A_2026 = arith.constant 0 : i32
      %dma_start3A_2027 = arith.constant 0 : i32
      %dma_start3A_2028 = tpu.memref_slice %arg11[%dma_start3A_2025, %dma_start3A_2026, %dma_start3A_2027] : memref<32x8x64xf32, #tpu.memory_space<vmem>> -> memref<1x8x64xf32, #tpu.memory_space<vmem>>
      %dma_start3A_2029 = tpu.memref_squeeze %dma_start3A_2028 : memref<1x8x64xf32, #tpu.memory_space<vmem>> -> memref<8x64xf32, #tpu.memory_space<vmem>>
      %dma_start3A_2030 = arith.constant 0 : i32
      %dma_start3A_2031 = arith.constant 0 : i32
      %dma_start3A_2032 = tpu.memref_slice %arg5[%squeeze3A_2024, %dma_start3A_2030, %dma_start3A_2031] : memref<125000x8x64xf32, #tpu.memory_space<hbm>> -> memref<1x8x64xf32, #tpu.memory_space<hbm>>
      %dma_start3A_2033 = tpu.memref_squeeze %dma_start3A_2032 : memref<1x8x64xf32, #tpu.memory_space<hbm>> -> memref<8x64xf32, #tpu.memory_space<hbm>>
      %dma_start3A_2034 = arith.constant 0 : i32
      %dma_start3A_2035 = arith.constant 0 : i32
      %dma_start3A_2036 = tpu.memref_slice %arg11[%dma_start3A_2025, %dma_start3A_2034, %dma_start3A_2035] : memref<32x8x64xf32, #tpu.memory_space<vmem>> -> memref<1x8x64xf32, #tpu.memory_space<vmem>>
      %dma_start3A_2037 = tpu.memref_squeeze %dma_start3A_2036 : memref<1x8x64xf32, #tpu.memory_space<vmem>> -> memref<8x64xf32, #tpu.memory_space<vmem>>
      %dma_start3A_2038 = arith.constant 0 : i32
      %dma_start3A_2039 = arith.constant 0 : i32
      %dma_start3A_2040 = tpu.memref_slice %arg5[%squeeze3A_2024, %dma_start3A_2038, %dma_start3A_2039] : memref<125000x8x64xf32, #tpu.memory_space<hbm>> -> memref<1x8x64xf32, #tpu.memory_space<hbm>>
      %dma_start3A_2041 = tpu.memref_squeeze %dma_start3A_2040 : memref<1x8x64xf32, #tpu.memory_space<hbm>> -> memref<8x64xf32, #tpu.memory_space<hbm>>
      tpu.enqueue_dma source(%dma_start3A_2041 : memref<8x64xf32, #tpu.memory_space<hbm>>) target(%dma_start3A_2037 : memref<8x64xf32, #tpu.memory_space<vmem>>) target_semaphore(%arg14 : memref<!tpu.dma_semaphore, #tpu.memory_space<semaphore_mem>>)
      %slice3A_2042 = vector.extract_strided_slice %get3A_1908 {offsets = [7], sizes = [1], strides = [1]} : vector<16xi32> to vector<1xi32>
      %squeeze3A_2043 = vector.extract %slice3A_2042[0] : i32 from vector<1xi32>
      %dma_start3A_2044 = arith.constant 7 : i32
      %dma_start3A_2045 = arith.constant 0 : i32
      %dma_start3A_2046 = arith.constant 0 : i32
      %dma_start3A_2047 = tpu.memref_slice %arg11[%dma_start3A_2044, %dma_start3A_2045, %dma_start3A_2046] : memref<32x8x64xf32, #tpu.memory_space<vmem>> -> memref<1x8x64xf32, #tpu.memory_space<vmem>>
      %dma_start3A_2048 = tpu.memref_squeeze %dma_start3A_2047 : memref<1x8x64xf32, #tpu.memory_space<vmem>> -> memref<8x64xf32, #tpu.memory_space<vmem>>
      %dma_start3A_2049 = arith.constant 0 : i32
      %dma_start3A_2050 = arith.constant 0 : i32
      %dma_start3A_2051 = tpu.memref_slice %arg5[%squeeze3A_2043, %dma_start3A_2049, %dma_start3A_2050] : memref<125000x8x64xf32, #tpu.memory_space<hbm>> -> memref<1x8x64xf32, #tpu.memory_space<hbm>>
      %dma_start3A_2052 = tpu.memref_squeeze %dma_start3A_2051 : memref<1x8x64xf32, #tpu.memory_space<hbm>> -> memref<8x64xf32, #tpu.memory_space<hbm>>
      %dma_start3A_2053 = arith.constant 0 : i32
      %dma_start3A_2054 = arith.constant 0 : i32
      %dma_start3A_2055 = tpu.memref_slice %arg11[%dma_start3A_2044, %dma_start3A_2053, %dma_start3A_2054] : memref<32x8x64xf32, #tpu.memory_space<vmem>> -> memref<1x8x64xf32, #tpu.memory_space<vmem>>
      %dma_start3A_2056 = tpu.memref_squeeze %dma_start3A_2055 : memref<1x8x64xf32, #tpu.memory_space<vmem>> -> memref<8x64xf32, #tpu.memory_space<vmem>>
      %dma_start3A_2057 = arith.constant 0 : i32
      %dma_start3A_2058 = arith.constant 0 : i32
      %dma_start3A_2059 = tpu.memref_slice %arg5[%squeeze3A_2043, %dma_start3A_2057, %dma_start3A_2058] : memref<125000x8x64xf32, #tpu.memory_space<hbm>> -> memref<1x8x64xf32, #tpu.memory_space<hbm>>
      %dma_start3A_2060 = tpu.memref_squeeze %dma_start3A_2059 : memref<1x8x64xf32, #tpu.memory_space<hbm>> -> memref<8x64xf32, #tpu.memory_space<hbm>>
      tpu.enqueue_dma source(%dma_start3A_2060 : memref<8x64xf32, #tpu.memory_space<hbm>>) target(%dma_start3A_2056 : memref<8x64xf32, #tpu.memory_space<vmem>>) target_semaphore(%arg14 : memref<!tpu.dma_semaphore, #tpu.memory_space<semaphore_mem>>)
      %slice3A_2061 = vector.extract_strided_slice %get3A_1908 {offsets = [8], sizes = [1], strides = [1]} : vector<16xi32> to vector<1xi32>
      %squeeze3A_2062 = vector.extract %slice3A_2061[0] : i32 from vector<1xi32>
      %dma_start3A_2063 = arith.constant 8 : i32
      %dma_start3A_2064 = arith.constant 0 : i32
      %dma_start3A_2065 = arith.constant 0 : i32
      %dma_start3A_2066 = tpu.memref_slice %arg11[%dma_start3A_2063, %dma_start3A_2064, %dma_start3A_2065] : memref<32x8x64xf32, #tpu.memory_space<vmem>> -> memref<1x8x64xf32, #tpu.memory_space<vmem>>
      %dma_start3A_2067 = tpu.memref_squeeze %dma_start3A_2066 : memref<1x8x64xf32, #tpu.memory_space<vmem>> -> memref<8x64xf32, #tpu.memory_space<vmem>>
      %dma_start3A_2068 = arith.constant 0 : i32
      %dma_start3A_2069 = arith.constant 0 : i32
      %dma_start3A_2070 = tpu.memref_slice %arg5[%squeeze3A_2062, %dma_start3A_2068, %dma_start3A_2069] : memref<125000x8x64xf32, #tpu.memory_space<hbm>> -> memref<1x8x64xf32, #tpu.memory_space<hbm>>
      %dma_start3A_2071 = tpu.memref_squeeze %dma_start3A_2070 : memref<1x8x64xf32, #tpu.memory_space<hbm>> -> memref<8x64xf32, #tpu.memory_space<hbm>>
      %dma_start3A_2072 = arith.constant 0 : i32
      %dma_start3A_2073 = arith.constant 0 : i32
      %dma_start3A_2074 = tpu.memref_slice %arg11[%dma_start3A_2063, %dma_start3A_2072, %dma_start3A_2073] : memref<32x8x64xf32, #tpu.memory_space<vmem>> -> memref<1x8x64xf32, #tpu.memory_space<vmem>>
      %dma_start3A_2075 = tpu.memref_squeeze %dma_start3A_2074 : memref<1x8x64xf32, #tpu.memory_space<vmem>> -> memref<8x64xf32, #tpu.memory_space<vmem>>
      %dma_start3A_2076 = arith.constant 0 : i32
      %dma_start3A_2077 = arith.constant 0 : i32
      %dma_start3A_2078 = tpu.memref_slice %arg5[%squeeze3A_2062, %dma_start3A_2076, %dma_start3A_2077] : memref<125000x8x64xf32, #tpu.memory_space<hbm>> -> memref<1x8x64xf32, #tpu.memory_space<hbm>>
      %dma_start3A_2079 = tpu.memref_squeeze %dma_start3A_2078 : memref<1x8x64xf32, #tpu.memory_space<hbm>> -> memref<8x64xf32, #tpu.memory_space<hbm>>
      tpu.enqueue_dma source(%dma_start3A_2079 : memref<8x64xf32, #tpu.memory_space<hbm>>) target(%dma_start3A_2075 : memref<8x64xf32, #tpu.memory_space<vmem>>) target_semaphore(%arg14 : memref<!tpu.dma_semaphore, #tpu.memory_space<semaphore_mem>>)
      %slice3A_2080 = vector.extract_strided_slice %get3A_1908 {offsets = [9], sizes = [1], strides = [1]} : vector<16xi32> to vector<1xi32>
      %squeeze3A_2081 = vector.extract %slice3A_2080[0] : i32 from vector<1xi32>
      %dma_start3A_2082 = arith.constant 9 : i32
      %dma_start3A_2083 = arith.constant 0 : i32
      %dma_start3A_2084 = arith.constant 0 : i32
      %dma_start3A_2085 = tpu.memref_slice %arg11[%dma_start3A_2082, %dma_start3A_2083, %dma_start3A_2084] : memref<32x8x64xf32, #tpu.memory_space<vmem>> -> memref<1x8x64xf32, #tpu.memory_space<vmem>>
      %dma_start3A_2086 = tpu.memref_squeeze %dma_start3A_2085 : memref<1x8x64xf32, #tpu.memory_space<vmem>> -> memref<8x64xf32, #tpu.memory_space<vmem>>
      %dma_start3A_2087 = arith.constant 0 : i32
      %dma_start3A_2088 = arith.constant 0 : i32
      %dma_start3A_2089 = tpu.memref_slice %arg5[%squeeze3A_2081, %dma_start3A_2087, %dma_start3A_2088] : memref<125000x8x64xf32, #tpu.memory_space<hbm>> -> memref<1x8x64xf32, #tpu.memory_space<hbm>>
      %dma_start3A_2090 = tpu.memref_squeeze %dma_start3A_2089 : memref<1x8x64xf32, #tpu.memory_space<hbm>> -> memref<8x64xf32, #tpu.memory_space<hbm>>
      %dma_start3A_2091 = arith.constant 0 : i32
      %dma_start3A_2092 = arith.constant 0 : i32
      %dma_start3A_2093 = tpu.memref_slice %arg11[%dma_start3A_2082, %dma_start3A_2091, %dma_start3A_2092] : memref<32x8x64xf32, #tpu.memory_space<vmem>> -> memref<1x8x64xf32, #tpu.memory_space<vmem>>
      %dma_start3A_2094 = tpu.memref_squeeze %dma_start3A_2093 : memref<1x8x64xf32, #tpu.memory_space<vmem>> -> memref<8x64xf32, #tpu.memory_space<vmem>>
      %dma_start3A_2095 = arith.constant 0 : i32
      %dma_start3A_2096 = arith.constant 0 : i32
      %dma_start3A_2097 = tpu.memref_slice %arg5[%squeeze3A_2081, %dma_start3A_2095, %dma_start3A_2096] : memref<125000x8x64xf32, #tpu.memory_space<hbm>> -> memref<1x8x64xf32, #tpu.memory_space<hbm>>
      %dma_start3A_2098 = tpu.memref_squeeze %dma_start3A_2097 : memref<1x8x64xf32, #tpu.memory_space<hbm>> -> memref<8x64xf32, #tpu.memory_space<hbm>>
      tpu.enqueue_dma source(%dma_start3A_2098 : memref<8x64xf32, #tpu.memory_space<hbm>>) target(%dma_start3A_2094 : memref<8x64xf32, #tpu.memory_space<vmem>>) target_semaphore(%arg14 : memref<!tpu.dma_semaphore, #tpu.memory_space<semaphore_mem>>)
      %slice3A_2099 = vector.extract_strided_slice %get3A_1908 {offsets = [10], sizes = [1], strides = [1]} : vector<16xi32> to vector<1xi32>
      %squeeze3A_2100 = vector.extract %slice3A_2099[0] : i32 from vector<1xi32>
      %dma_start3A_2101 = arith.constant 10 : i32
      %dma_start3A_2102 = arith.constant 0 : i32
      %dma_start3A_2103 = arith.constant 0 : i32
      %dma_start3A_2104 = tpu.memref_slice %arg11[%dma_start3A_2101, %dma_start3A_2102, %dma_start3A_2103] : memref<32x8x64xf32, #tpu.memory_space<vmem>> -> memref<1x8x64xf32, #tpu.memory_space<vmem>>
      %dma_start3A_2105 = tpu.memref_squeeze %dma_start3A_2104 : memref<1x8x64xf32, #tpu.memory_space<vmem>> -> memref<8x64xf32, #tpu.memory_space<vmem>>
      %dma_start3A_2106 = arith.constant 0 : i32
      %dma_start3A_2107 = arith.constant 0 : i32
      %dma_start3A_2108 = tpu.memref_slice %arg5[%squeeze3A_2100, %dma_start3A_2106, %dma_start3A_2107] : memref<125000x8x64xf32, #tpu.memory_space<hbm>> -> memref<1x8x64xf32, #tpu.memory_space<hbm>>
      %dma_start3A_2109 = tpu.memref_squeeze %dma_start3A_2108 : memref<1x8x64xf32, #tpu.memory_space<hbm>> -> memref<8x64xf32, #tpu.memory_space<hbm>>
      %dma_start3A_2110 = arith.constant 0 : i32
      %dma_start3A_2111 = arith.constant 0 : i32
      %dma_start3A_2112 = tpu.memref_slice %arg11[%dma_start3A_2101, %dma_start3A_2110, %dma_start3A_2111] : memref<32x8x64xf32, #tpu.memory_space<vmem>> -> memref<1x8x64xf32, #tpu.memory_space<vmem>>
      %dma_start3A_2113 = tpu.memref_squeeze %dma_start3A_2112 : memref<1x8x64xf32, #tpu.memory_space<vmem>> -> memref<8x64xf32, #tpu.memory_space<vmem>>
      %dma_start3A_2114 = arith.constant 0 : i32
      %dma_start3A_2115 = arith.constant 0 : i32
      %dma_start3A_2116 = tpu.memref_slice %arg5[%squeeze3A_2100, %dma_start3A_2114, %dma_start3A_2115] : memref<125000x8x64xf32, #tpu.memory_space<hbm>> -> memref<1x8x64xf32, #tpu.memory_space<hbm>>
      %dma_start3A_2117 = tpu.memref_squeeze %dma_start3A_2116 : memref<1x8x64xf32, #tpu.memory_space<hbm>> -> memref<8x64xf32, #tpu.memory_space<hbm>>
      tpu.enqueue_dma source(%dma_start3A_2117 : memref<8x64xf32, #tpu.memory_space<hbm>>) target(%dma_start3A_2113 : memref<8x64xf32, #tpu.memory_space<vmem>>) target_semaphore(%arg14 : memref<!tpu.dma_semaphore, #tpu.memory_space<semaphore_mem>>)
      %slice3A_2118 = vector.extract_strided_slice %get3A_1908 {offsets = [11], sizes = [1], strides = [1]} : vector<16xi32> to vector<1xi32>
      %squeeze3A_2119 = vector.extract %slice3A_2118[0] : i32 from vector<1xi32>
      %dma_start3A_2120 = arith.constant 11 : i32
      %dma_start3A_2121 = arith.constant 0 : i32
      %dma_start3A_2122 = arith.constant 0 : i32
      %dma_start3A_2123 = tpu.memref_slice %arg11[%dma_start3A_2120, %dma_start3A_2121, %dma_start3A_2122] : memref<32x8x64xf32, #tpu.memory_space<vmem>> -> memref<1x8x64xf32, #tpu.memory_space<vmem>>
      %dma_start3A_2124 = tpu.memref_squeeze %dma_start3A_2123 : memref<1x8x64xf32, #tpu.memory_space<vmem>> -> memref<8x64xf32, #tpu.memory_space<vmem>>
      %dma_start3A_2125 = arith.constant 0 : i32
      %dma_start3A_2126 = arith.constant 0 : i32
      %dma_start3A_2127 = tpu.memref_slice %arg5[%squeeze3A_2119, %dma_start3A_2125, %dma_start3A_2126] : memref<125000x8x64xf32, #tpu.memory_space<hbm>> -> memref<1x8x64xf32, #tpu.memory_space<hbm>>
      %dma_start3A_2128 = tpu.memref_squeeze %dma_start3A_2127 : memref<1x8x64xf32, #tpu.memory_space<hbm>> -> memref<8x64xf32, #tpu.memory_space<hbm>>
      %dma_start3A_2129 = arith.constant 0 : i32
      %dma_start3A_2130 = arith.constant 0 : i32
      %dma_start3A_2131 = tpu.memref_slice %arg11[%dma_start3A_2120, %dma_start3A_2129, %dma_start3A_2130] : memref<32x8x64xf32, #tpu.memory_space<vmem>> -> memref<1x8x64xf32, #tpu.memory_space<vmem>>
      %dma_start3A_2132 = tpu.memref_squeeze %dma_start3A_2131 : memref<1x8x64xf32, #tpu.memory_space<vmem>> -> memref<8x64xf32, #tpu.memory_space<vmem>>
      %dma_start3A_2133 = arith.constant 0 : i32
      %dma_start3A_2134 = arith.constant 0 : i32
      %dma_start3A_2135 = tpu.memref_slice %arg5[%squeeze3A_2119, %dma_start3A_2133, %dma_start3A_2134] : memref<125000x8x64xf32, #tpu.memory_space<hbm>> -> memref<1x8x64xf32, #tpu.memory_space<hbm>>
      %dma_start3A_2136 = tpu.memref_squeeze %dma_start3A_2135 : memref<1x8x64xf32, #tpu.memory_space<hbm>> -> memref<8x64xf32, #tpu.memory_space<hbm>>
      tpu.enqueue_dma source(%dma_start3A_2136 : memref<8x64xf32, #tpu.memory_space<hbm>>) target(%dma_start3A_2132 : memref<8x64xf32, #tpu.memory_space<vmem>>) target_semaphore(%arg14 : memref<!tpu.dma_semaphore, #tpu.memory_space<semaphore_mem>>)
      %slice3A_2137 = vector.extract_strided_slice %get3A_1908 {offsets = [12], sizes = [1], strides = [1]} : vector<16xi32> to vector<1xi32>
      %squeeze3A_2138 = vector.extract %slice3A_2137[0] : i32 from vector<1xi32>
      %dma_start3A_2139 = arith.constant 12 : i32
      %dma_start3A_2140 = arith.constant 0 : i32
      %dma_start3A_2141 = arith.constant 0 : i32
      %dma_start3A_2142 = tpu.memref_slice %arg11[%dma_start3A_2139, %dma_start3A_2140, %dma_start3A_2141] : memref<32x8x64xf32, #tpu.memory_space<vmem>> -> memref<1x8x64xf32, #tpu.memory_space<vmem>>
      %dma_start3A_2143 = tpu.memref_squeeze %dma_start3A_2142 : memref<1x8x64xf32, #tpu.memory_space<vmem>> -> memref<8x64xf32, #tpu.memory_space<vmem>>
      %dma_start3A_2144 = arith.constant 0 : i32
      %dma_start3A_2145 = arith.constant 0 : i32
      %dma_start3A_2146 = tpu.memref_slice %arg5[%squeeze3A_2138, %dma_start3A_2144, %dma_start3A_2145] : memref<125000x8x64xf32, #tpu.memory_space<hbm>> -> memref<1x8x64xf32, #tpu.memory_space<hbm>>
      %dma_start3A_2147 = tpu.memref_squeeze %dma_start3A_2146 : memref<1x8x64xf32, #tpu.memory_space<hbm>> -> memref<8x64xf32, #tpu.memory_space<hbm>>
      %dma_start3A_2148 = arith.constant 0 : i32
      %dma_start3A_2149 = arith.constant 0 : i32
      %dma_start3A_2150 = tpu.memref_slice %arg11[%dma_start3A_2139, %dma_start3A_2148, %dma_start3A_2149] : memref<32x8x64xf32, #tpu.memory_space<vmem>> -> memref<1x8x64xf32, #tpu.memory_space<vmem>>
      %dma_start3A_2151 = tpu.memref_squeeze %dma_start3A_2150 : memref<1x8x64xf32, #tpu.memory_space<vmem>> -> memref<8x64xf32, #tpu.memory_space<vmem>>
      %dma_start3A_2152 = arith.constant 0 : i32
      %dma_start3A_2153 = arith.constant 0 : i32
      %dma_start3A_2154 = tpu.memref_slice %arg5[%squeeze3A_2138, %dma_start3A_2152, %dma_start3A_2153] : memref<125000x8x64xf32, #tpu.memory_space<hbm>> -> memref<1x8x64xf32, #tpu.memory_space<hbm>>
      %dma_start3A_2155 = tpu.memref_squeeze %dma_start3A_2154 : memref<1x8x64xf32, #tpu.memory_space<hbm>> -> memref<8x64xf32, #tpu.memory_space<hbm>>
      tpu.enqueue_dma source(%dma_start3A_2155 : memref<8x64xf32, #tpu.memory_space<hbm>>) target(%dma_start3A_2151 : memref<8x64xf32, #tpu.memory_space<vmem>>) target_semaphore(%arg14 : memref<!tpu.dma_semaphore, #tpu.memory_space<semaphore_mem>>)
      %slice3A_2156 = vector.extract_strided_slice %get3A_1908 {offsets = [13], sizes = [1], strides = [1]} : vector<16xi32> to vector<1xi32>
      %squeeze3A_2157 = vector.extract %slice3A_2156[0] : i32 from vector<1xi32>
      %dma_start3A_2158 = arith.constant 13 : i32
      %dma_start3A_2159 = arith.constant 0 : i32
      %dma_start3A_2160 = arith.constant 0 : i32
      %dma_start3A_2161 = tpu.memref_slice %arg11[%dma_start3A_2158, %dma_start3A_2159, %dma_start3A_2160] : memref<32x8x64xf32, #tpu.memory_space<vmem>> -> memref<1x8x64xf32, #tpu.memory_space<vmem>>
      %dma_start3A_2162 = tpu.memref_squeeze %dma_start3A_2161 : memref<1x8x64xf32, #tpu.memory_space<vmem>> -> memref<8x64xf32, #tpu.memory_space<vmem>>
      %dma_start3A_2163 = arith.constant 0 : i32
      %dma_start3A_2164 = arith.constant 0 : i32
      %dma_start3A_2165 = tpu.memref_slice %arg5[%squeeze3A_2157, %dma_start3A_2163, %dma_start3A_2164] : memref<125000x8x64xf32, #tpu.memory_space<hbm>> -> memref<1x8x64xf32, #tpu.memory_space<hbm>>
      %dma_start3A_2166 = tpu.memref_squeeze %dma_start3A_2165 : memref<1x8x64xf32, #tpu.memory_space<hbm>> -> memref<8x64xf32, #tpu.memory_space<hbm>>
      %dma_start3A_2167 = arith.constant 0 : i32
      %dma_start3A_2168 = arith.constant 0 : i32
      %dma_start3A_2169 = tpu.memref_slice %arg11[%dma_start3A_2158, %dma_start3A_2167, %dma_start3A_2168] : memref<32x8x64xf32, #tpu.memory_space<vmem>> -> memref<1x8x64xf32, #tpu.memory_space<vmem>>
      %dma_start3A_2170 = tpu.memref_squeeze %dma_start3A_2169 : memref<1x8x64xf32, #tpu.memory_space<vmem>> -> memref<8x64xf32, #tpu.memory_space<vmem>>
      %dma_start3A_2171 = arith.constant 0 : i32
      %dma_start3A_2172 = arith.constant 0 : i32
      %dma_start3A_2173 = tpu.memref_slice %arg5[%squeeze3A_2157, %dma_start3A_2171, %dma_start3A_2172] : memref<125000x8x64xf32, #tpu.memory_space<hbm>> -> memref<1x8x64xf32, #tpu.memory_space<hbm>>
      %dma_start3A_2174 = tpu.memref_squeeze %dma_start3A_2173 : memref<1x8x64xf32, #tpu.memory_space<hbm>> -> memref<8x64xf32, #tpu.memory_space<hbm>>
      tpu.enqueue_dma source(%dma_start3A_2174 : memref<8x64xf32, #tpu.memory_space<hbm>>) target(%dma_start3A_2170 : memref<8x64xf32, #tpu.memory_space<vmem>>) target_semaphore(%arg14 : memref<!tpu.dma_semaphore, #tpu.memory_space<semaphore_mem>>)
      %slice3A_2175 = vector.extract_strided_slice %get3A_1908 {offsets = [14], sizes = [1], strides = [1]} : vector<16xi32> to vector<1xi32>
      %squeeze3A_2176 = vector.extract %slice3A_2175[0] : i32 from vector<1xi32>
      %dma_start3A_2177 = arith.constant 14 : i32
      %dma_start3A_2178 = arith.constant 0 : i32
      %dma_start3A_2179 = arith.constant 0 : i32
      %dma_start3A_2180 = tpu.memref_slice %arg11[%dma_start3A_2177, %dma_start3A_2178, %dma_start3A_2179] : memref<32x8x64xf32, #tpu.memory_space<vmem>> -> memref<1x8x64xf32, #tpu.memory_space<vmem>>
      %dma_start3A_2181 = tpu.memref_squeeze %dma_start3A_2180 : memref<1x8x64xf32, #tpu.memory_space<vmem>> -> memref<8x64xf32, #tpu.memory_space<vmem>>
      %dma_start3A_2182 = arith.constant 0 : i32
      %dma_start3A_2183 = arith.constant 0 : i32
      %dma_start3A_2184 = tpu.memref_slice %arg5[%squeeze3A_2176, %dma_start3A_2182, %dma_start3A_2183] : memref<125000x8x64xf32, #tpu.memory_space<hbm>> -> memref<1x8x64xf32, #tpu.memory_space<hbm>>
      %dma_start3A_2185 = tpu.memref_squeeze %dma_start3A_2184 : memref<1x8x64xf32, #tpu.memory_space<hbm>> -> memref<8x64xf32, #tpu.memory_space<hbm>>
      %dma_start3A_2186 = arith.constant 0 : i32
      %dma_start3A_2187 = arith.constant 0 : i32
      %dma_start3A_2188 = tpu.memref_slice %arg11[%dma_start3A_2177, %dma_start3A_2186, %dma_start3A_2187] : memref<32x8x64xf32, #tpu.memory_space<vmem>> -> memref<1x8x64xf32, #tpu.memory_space<vmem>>
      %dma_start3A_2189 = tpu.memref_squeeze %dma_start3A_2188 : memref<1x8x64xf32, #tpu.memory_space<vmem>> -> memref<8x64xf32, #tpu.memory_space<vmem>>
      %dma_start3A_2190 = arith.constant 0 : i32
      %dma_start3A_2191 = arith.constant 0 : i32
      %dma_start3A_2192 = tpu.memref_slice %arg5[%squeeze3A_2176, %dma_start3A_2190, %dma_start3A_2191] : memref<125000x8x64xf32, #tpu.memory_space<hbm>> -> memref<1x8x64xf32, #tpu.memory_space<hbm>>
      %dma_start3A_2193 = tpu.memref_squeeze %dma_start3A_2192 : memref<1x8x64xf32, #tpu.memory_space<hbm>> -> memref<8x64xf32, #tpu.memory_space<hbm>>
      tpu.enqueue_dma source(%dma_start3A_2193 : memref<8x64xf32, #tpu.memory_space<hbm>>) target(%dma_start3A_2189 : memref<8x64xf32, #tpu.memory_space<vmem>>) target_semaphore(%arg14 : memref<!tpu.dma_semaphore, #tpu.memory_space<semaphore_mem>>)
      %slice3A_2194 = vector.extract_strided_slice %get3A_1908 {offsets = [15], sizes = [1], strides = [1]} : vector<16xi32> to vector<1xi32>
      %squeeze3A_2195 = vector.extract %slice3A_2194[0] : i32 from vector<1xi32>
      %dma_start3A_2196 = arith.constant 15 : i32
      %dma_start3A_2197 = arith.constant 0 : i32
      %dma_start3A_2198 = arith.constant 0 : i32
      %dma_start3A_2199 = tpu.memref_slice %arg11[%dma_start3A_2196, %dma_start3A_2197, %dma_start3A_2198] : memref<32x8x64xf32, #tpu.memory_space<vmem>> -> memref<1x8x64xf32, #tpu.memory_space<vmem>>
      %dma_start3A_2200 = tpu.memref_squeeze %dma_start3A_2199 : memref<1x8x64xf32, #tpu.memory_space<vmem>> -> memref<8x64xf32, #tpu.memory_space<vmem>>
      %dma_start3A_2201 = arith.constant 0 : i32
      %dma_start3A_2202 = arith.constant 0 : i32
      %dma_start3A_2203 = tpu.memref_slice %arg5[%squeeze3A_2195, %dma_start3A_2201, %dma_start3A_2202] : memref<125000x8x64xf32, #tpu.memory_space<hbm>> -> memref<1x8x64xf32, #tpu.memory_space<hbm>>
      %dma_start3A_2204 = tpu.memref_squeeze %dma_start3A_2203 : memref<1x8x64xf32, #tpu.memory_space<hbm>> -> memref<8x64xf32, #tpu.memory_space<hbm>>
      %dma_start3A_2205 = arith.constant 0 : i32
      %dma_start3A_2206 = arith.constant 0 : i32
      %dma_start3A_2207 = tpu.memref_slice %arg11[%dma_start3A_2196, %dma_start3A_2205, %dma_start3A_2206] : memref<32x8x64xf32, #tpu.memory_space<vmem>> -> memref<1x8x64xf32, #tpu.memory_space<vmem>>
      %dma_start3A_2208 = tpu.memref_squeeze %dma_start3A_2207 : memref<1x8x64xf32, #tpu.memory_space<vmem>> -> memref<8x64xf32, #tpu.memory_space<vmem>>
      %dma_start3A_2209 = arith.constant 0 : i32
      %dma_start3A_2210 = arith.constant 0 : i32
      %dma_start3A_2211 = tpu.memref_slice %arg5[%squeeze3A_2195, %dma_start3A_2209, %dma_start3A_2210] : memref<125000x8x64xf32, #tpu.memory_space<hbm>> -> memref<1x8x64xf32, #tpu.memory_space<hbm>>
      %dma_start3A_2212 = tpu.memref_squeeze %dma_start3A_2211 : memref<1x8x64xf32, #tpu.memory_space<hbm>> -> memref<8x64xf32, #tpu.memory_space<hbm>>
      tpu.enqueue_dma source(%dma_start3A_2212 : memref<8x64xf32, #tpu.memory_space<hbm>>) target(%dma_start3A_2208 : memref<8x64xf32, #tpu.memory_space<vmem>>) target_semaphore(%arg14 : memref<!tpu.dma_semaphore, #tpu.memory_space<semaphore_mem>>)
      %get3A_2213 = arith.index_cast %add3A_1905 : i32 to index
      %get3A_2214 = arith.constant 16 : index
      %get3A_2215 = tpu.vector_load %arg7[%get3A_2213, %get3A_2214] {strides = array<i32>} : memref<46x32xi32, #tpu.memory_space<vmem>>, vector<16xi32>,
      %slice3A_2216 = vector.extract_strided_slice %get3A_2215 {offsets = [0], sizes = [1], strides = [1]} : vector<16xi32> to vector<1xi32>
      %squeeze3A_2217 = vector.extract %slice3A_2216[0] : i32 from vector<1xi32>
      %dma_start3A_2218 = arith.constant 16 : i32
      %dma_start3A_2219 = arith.constant 0 : i32
      %dma_start3A_2220 = arith.constant 0 : i32
      %dma_start3A_2221 = tpu.memref_slice %arg11[%dma_start3A_2218, %dma_start3A_2219, %dma_start3A_2220] : memref<32x8x64xf32, #tpu.memory_space<vmem>> -> memref<1x8x64xf32, #tpu.memory_space<vmem>>
      %dma_start3A_2222 = tpu.memref_squeeze %dma_start3A_2221 : memref<1x8x64xf32, #tpu.memory_space<vmem>> -> memref<8x64xf32, #tpu.memory_space<vmem>>
      %dma_start3A_2223 = arith.constant 0 : i32
      %dma_start3A_2224 = arith.constant 0 : i32
      %dma_start3A_2225 = tpu.memref_slice %arg5[%squeeze3A_2217, %dma_start3A_2223, %dma_start3A_2224] : memref<125000x8x64xf32, #tpu.memory_space<hbm>> -> memref<1x8x64xf32, #tpu.memory_space<hbm>>
      %dma_start3A_2226 = tpu.memref_squeeze %dma_start3A_2225 : memref<1x8x64xf32, #tpu.memory_space<hbm>> -> memref<8x64xf32, #tpu.memory_space<hbm>>
      %dma_start3A_2227 = arith.constant 0 : i32
      %dma_start3A_2228 = arith.constant 0 : i32
      %dma_start3A_2229 = tpu.memref_slice %arg11[%dma_start3A_2218, %dma_start3A_2227, %dma_start3A_2228] : memref<32x8x64xf32, #tpu.memory_space<vmem>> -> memref<1x8x64xf32, #tpu.memory_space<vmem>>
      %dma_start3A_2230 = tpu.memref_squeeze %dma_start3A_2229 : memref<1x8x64xf32, #tpu.memory_space<vmem>> -> memref<8x64xf32, #tpu.memory_space<vmem>>
      %dma_start3A_2231 = arith.constant 0 : i32
      %dma_start3A_2232 = arith.constant 0 : i32
      %dma_start3A_2233 = tpu.memref_slice %arg5[%squeeze3A_2217, %dma_start3A_2231, %dma_start3A_2232] : memref<125000x8x64xf32, #tpu.memory_space<hbm>> -> memref<1x8x64xf32, #tpu.memory_space<hbm>>
      %dma_start3A_2234 = tpu.memref_squeeze %dma_start3A_2233 : memref<1x8x64xf32, #tpu.memory_space<hbm>> -> memref<8x64xf32, #tpu.memory_space<hbm>>
      tpu.enqueue_dma source(%dma_start3A_2234 : memref<8x64xf32, #tpu.memory_space<hbm>>) target(%dma_start3A_2230 : memref<8x64xf32, #tpu.memory_space<vmem>>) target_semaphore(%arg14 : memref<!tpu.dma_semaphore, #tpu.memory_space<semaphore_mem>>)
      %slice3A_2235 = vector.extract_strided_slice %get3A_2215 {offsets = [1], sizes = [1], strides = [1]} : vector<16xi32> to vector<1xi32>
      %squeeze3A_2236 = vector.extract %slice3A_2235[0] : i32 from vector<1xi32>
      %dma_start3A_2237 = arith.constant 17 : i32
      %dma_start3A_2238 = arith.constant 0 : i32
      %dma_start3A_2239 = arith.constant 0 : i32
      %dma_start3A_2240 = tpu.memref_slice %arg11[%dma_start3A_2237, %dma_start3A_2238, %dma_start3A_2239] : memref<32x8x64xf32, #tpu.memory_space<vmem>> -> memref<1x8x64xf32, #tpu.memory_space<vmem>>
      %dma_start3A_2241 = tpu.memref_squeeze %dma_start3A_2240 : memref<1x8x64xf32, #tpu.memory_space<vmem>> -> memref<8x64xf32, #tpu.memory_space<vmem>>
      %dma_start3A_2242 = arith.constant 0 : i32
      %dma_start3A_2243 = arith.constant 0 : i32
      %dma_start3A_2244 = tpu.memref_slice %arg5[%squeeze3A_2236, %dma_start3A_2242, %dma_start3A_2243] : memref<125000x8x64xf32, #tpu.memory_space<hbm>> -> memref<1x8x64xf32, #tpu.memory_space<hbm>>
      %dma_start3A_2245 = tpu.memref_squeeze %dma_start3A_2244 : memref<1x8x64xf32, #tpu.memory_space<hbm>> -> memref<8x64xf32, #tpu.memory_space<hbm>>
      %dma_start3A_2246 = arith.constant 0 : i32
      %dma_start3A_2247 = arith.constant 0 : i32
      %dma_start3A_2248 = tpu.memref_slice %arg11[%dma_start3A_2237, %dma_start3A_2246, %dma_start3A_2247] : memref<32x8x64xf32, #tpu.memory_space<vmem>> -> memref<1x8x64xf32, #tpu.memory_space<vmem>>
      %dma_start3A_2249 = tpu.memref_squeeze %dma_start3A_2248 : memref<1x8x64xf32, #tpu.memory_space<vmem>> -> memref<8x64xf32, #tpu.memory_space<vmem>>
      %dma_start3A_2250 = arith.constant 0 : i32
      %dma_start3A_2251 = arith.constant 0 : i32
      %dma_start3A_2252 = tpu.memref_slice %arg5[%squeeze3A_2236, %dma_start3A_2250, %dma_start3A_2251] : memref<125000x8x64xf32, #tpu.memory_space<hbm>> -> memref<1x8x64xf32, #tpu.memory_space<hbm>>
      %dma_start3A_2253 = tpu.memref_squeeze %dma_start3A_2252 : memref<1x8x64xf32, #tpu.memory_space<hbm>> -> memref<8x64xf32, #tpu.memory_space<hbm>>
      tpu.enqueue_dma source(%dma_start3A_2253 : memref<8x64xf32, #tpu.memory_space<hbm>>) target(%dma_start3A_2249 : memref<8x64xf32, #tpu.memory_space<vmem>>) target_semaphore(%arg14 : memref<!tpu.dma_semaphore, #tpu.memory_space<semaphore_mem>>)
      %slice3A_2254 = vector.extract_strided_slice %get3A_2215 {offsets = [2], sizes = [1], strides = [1]} : vector<16xi32> to vector<1xi32>
      %squeeze3A_2255 = vector.extract %slice3A_2254[0] : i32 from vector<1xi32>
      %dma_start3A_2256 = arith.constant 18 : i32
      %dma_start3A_2257 = arith.constant 0 : i32
      %dma_start3A_2258 = arith.constant 0 : i32
      %dma_start3A_2259 = tpu.memref_slice %arg11[%dma_start3A_2256, %dma_start3A_2257, %dma_start3A_2258] : memref<32x8x64xf32, #tpu.memory_space<vmem>> -> memref<1x8x64xf32, #tpu.memory_space<vmem>>
      %dma_start3A_2260 = tpu.memref_squeeze %dma_start3A_2259 : memref<1x8x64xf32, #tpu.memory_space<vmem>> -> memref<8x64xf32, #tpu.memory_space<vmem>>
      %dma_start3A_2261 = arith.constant 0 : i32
      %dma_start3A_2262 = arith.constant 0 : i32
      %dma_start3A_2263 = tpu.memref_slice %arg5[%squeeze3A_2255, %dma_start3A_2261, %dma_start3A_2262] : memref<125000x8x64xf32, #tpu.memory_space<hbm>> -> memref<1x8x64xf32, #tpu.memory_space<hbm>>
      %dma_start3A_2264 = tpu.memref_squeeze %dma_start3A_2263 : memref<1x8x64xf32, #tpu.memory_space<hbm>> -> memref<8x64xf32, #tpu.memory_space<hbm>>
      %dma_start3A_2265 = arith.constant 0 : i32
      %dma_start3A_2266 = arith.constant 0 : i32
      %dma_start3A_2267 = tpu.memref_slice %arg11[%dma_start3A_2256, %dma_start3A_2265, %dma_start3A_2266] : memref<32x8x64xf32, #tpu.memory_space<vmem>> -> memref<1x8x64xf32, #tpu.memory_space<vmem>>
      %dma_start3A_2268 = tpu.memref_squeeze %dma_start3A_2267 : memref<1x8x64xf32, #tpu.memory_space<vmem>> -> memref<8x64xf32, #tpu.memory_space<vmem>>
      %dma_start3A_2269 = arith.constant 0 : i32
      %dma_start3A_2270 = arith.constant 0 : i32
      %dma_start3A_2271 = tpu.memref_slice %arg5[%squeeze3A_2255, %dma_start3A_2269, %dma_start3A_2270] : memref<125000x8x64xf32, #tpu.memory_space<hbm>> -> memref<1x8x64xf32, #tpu.memory_space<hbm>>
      %dma_start3A_2272 = tpu.memref_squeeze %dma_start3A_2271 : memref<1x8x64xf32, #tpu.memory_space<hbm>> -> memref<8x64xf32, #tpu.memory_space<hbm>>
      tpu.enqueue_dma source(%dma_start3A_2272 : memref<8x64xf32, #tpu.memory_space<hbm>>) target(%dma_start3A_2268 : memref<8x64xf32, #tpu.memory_space<vmem>>) target_semaphore(%arg14 : memref<!tpu.dma_semaphore, #tpu.memory_space<semaphore_mem>>)
      %slice3A_2273 = vector.extract_strided_slice %get3A_2215 {offsets = [3], sizes = [1], strides = [1]} : vector<16xi32> to vector<1xi32>
      %squeeze3A_2274 = vector.extract %slice3A_2273[0] : i32 from vector<1xi32>
      %dma_start3A_2275 = arith.constant 19 : i32
      %dma_start3A_2276 = arith.constant 0 : i32
      %dma_start3A_2277 = arith.constant 0 : i32
      %dma_start3A_2278 = tpu.memref_slice %arg11[%dma_start3A_2275, %dma_start3A_2276, %dma_start3A_2277] : memref<32x8x64xf32, #tpu.memory_space<vmem>> -> memref<1x8x64xf32, #tpu.memory_space<vmem>>
      %dma_start3A_2279 = tpu.memref_squeeze %dma_start3A_2278 : memref<1x8x64xf32, #tpu.memory_space<vmem>> -> memref<8x64xf32, #tpu.memory_space<vmem>>
      %dma_start3A_2280 = arith.constant 0 : i32
      %dma_start3A_2281 = arith.constant 0 : i32
      %dma_start3A_2282 = tpu.memref_slice %arg5[%squeeze3A_2274, %dma_start3A_2280, %dma_start3A_2281] : memref<125000x8x64xf32, #tpu.memory_space<hbm>> -> memref<1x8x64xf32, #tpu.memory_space<hbm>>
      %dma_start3A_2283 = tpu.memref_squeeze %dma_start3A_2282 : memref<1x8x64xf32, #tpu.memory_space<hbm>> -> memref<8x64xf32, #tpu.memory_space<hbm>>
      %dma_start3A_2284 = arith.constant 0 : i32
      %dma_start3A_2285 = arith.constant 0 : i32
      %dma_start3A_2286 = tpu.memref_slice %arg11[%dma_start3A_2275, %dma_start3A_2284, %dma_start3A_2285] : memref<32x8x64xf32, #tpu.memory_space<vmem>> -> memref<1x8x64xf32, #tpu.memory_space<vmem>>
      %dma_start3A_2287 = tpu.memref_squeeze %dma_start3A_2286 : memref<1x8x64xf32, #tpu.memory_space<vmem>> -> memref<8x64xf32, #tpu.memory_space<vmem>>
      %dma_start3A_2288 = arith.constant 0 : i32
      %dma_start3A_2289 = arith.constant 0 : i32
      %dma_start3A_2290 = tpu.memref_slice %arg5[%squeeze3A_2274, %dma_start3A_2288, %dma_start3A_2289] : memref<125000x8x64xf32, #tpu.memory_space<hbm>> -> memref<1x8x64xf32, #tpu.memory_space<hbm>>
      %dma_start3A_2291 = tpu.memref_squeeze %dma_start3A_2290 : memref<1x8x64xf32, #tpu.memory_space<hbm>> -> memref<8x64xf32, #tpu.memory_space<hbm>>
      tpu.enqueue_dma source(%dma_start3A_2291 : memref<8x64xf32, #tpu.memory_space<hbm>>) target(%dma_start3A_2287 : memref<8x64xf32, #tpu.memory_space<vmem>>) target_semaphore(%arg14 : memref<!tpu.dma_semaphore, #tpu.memory_space<semaphore_mem>>)
      %slice3A_2292 = vector.extract_strided_slice %get3A_2215 {offsets = [4], sizes = [1], strides = [1]} : vector<16xi32> to vector<1xi32>
      %squeeze3A_2293 = vector.extract %slice3A_2292[0] : i32 from vector<1xi32>
      %dma_start3A_2294 = arith.constant 20 : i32
      %dma_start3A_2295 = arith.constant 0 : i32
      %dma_start3A_2296 = arith.constant 0 : i32
      %dma_start3A_2297 = tpu.memref_slice %arg11[%dma_start3A_2294, %dma_start3A_2295, %dma_start3A_2296] : memref<32x8x64xf32, #tpu.memory_space<vmem>> -> memref<1x8x64xf32, #tpu.memory_space<vmem>>
      %dma_start3A_2298 = tpu.memref_squeeze %dma_start3A_2297 : memref<1x8x64xf32, #tpu.memory_space<vmem>> -> memref<8x64xf32, #tpu.memory_space<vmem>>
      %dma_start3A_2299 = arith.constant 0 : i32
      %dma_start3A_2300 = arith.constant 0 : i32
      %dma_start3A_2301 = tpu.memref_slice %arg5[%squeeze3A_2293, %dma_start3A_2299, %dma_start3A_2300] : memref<125000x8x64xf32, #tpu.memory_space<hbm>> -> memref<1x8x64xf32, #tpu.memory_space<hbm>>
      %dma_start3A_2302 = tpu.memref_squeeze %dma_start3A_2301 : memref<1x8x64xf32, #tpu.memory_space<hbm>> -> memref<8x64xf32, #tpu.memory_space<hbm>>
      %dma_start3A_2303 = arith.constant 0 : i32
      %dma_start3A_2304 = arith.constant 0 : i32
      %dma_start3A_2305 = tpu.memref_slice %arg11[%dma_start3A_2294, %dma_start3A_2303, %dma_start3A_2304] : memref<32x8x64xf32, #tpu.memory_space<vmem>> -> memref<1x8x64xf32, #tpu.memory_space<vmem>>
      %dma_start3A_2306 = tpu.memref_squeeze %dma_start3A_2305 : memref<1x8x64xf32, #tpu.memory_space<vmem>> -> memref<8x64xf32, #tpu.memory_space<vmem>>
      %dma_start3A_2307 = arith.constant 0 : i32
      %dma_start3A_2308 = arith.constant 0 : i32
      %dma_start3A_2309 = tpu.memref_slice %arg5[%squeeze3A_2293, %dma_start3A_2307, %dma_start3A_2308] : memref<125000x8x64xf32, #tpu.memory_space<hbm>> -> memref<1x8x64xf32, #tpu.memory_space<hbm>>
      %dma_start3A_2310 = tpu.memref_squeeze %dma_start3A_2309 : memref<1x8x64xf32, #tpu.memory_space<hbm>> -> memref<8x64xf32, #tpu.memory_space<hbm>>
      tpu.enqueue_dma source(%dma_start3A_2310 : memref<8x64xf32, #tpu.memory_space<hbm>>) target(%dma_start3A_2306 : memref<8x64xf32, #tpu.memory_space<vmem>>) target_semaphore(%arg14 : memref<!tpu.dma_semaphore, #tpu.memory_space<semaphore_mem>>)
      %slice3A_2311 = vector.extract_strided_slice %get3A_2215 {offsets = [5], sizes = [1], strides = [1]} : vector<16xi32> to vector<1xi32>
      %squeeze3A_2312 = vector.extract %slice3A_2311[0] : i32 from vector<1xi32>
      %dma_start3A_2313 = arith.constant 21 : i32
      %dma_start3A_2314 = arith.constant 0 : i32
      %dma_start3A_2315 = arith.constant 0 : i32
      %dma_start3A_2316 = tpu.memref_slice %arg11[%dma_start3A_2313, %dma_start3A_2314, %dma_start3A_2315] : memref<32x8x64xf32, #tpu.memory_space<vmem>> -> memref<1x8x64xf32, #tpu.memory_space<vmem>>
      %dma_start3A_2317 = tpu.memref_squeeze %dma_start3A_2316 : memref<1x8x64xf32, #tpu.memory_space<vmem>> -> memref<8x64xf32, #tpu.memory_space<vmem>>
      %dma_start3A_2318 = arith.constant 0 : i32
      %dma_start3A_2319 = arith.constant 0 : i32
      %dma_start3A_2320 = tpu.memref_slice %arg5[%squeeze3A_2312, %dma_start3A_2318, %dma_start3A_2319] : memref<125000x8x64xf32, #tpu.memory_space<hbm>> -> memref<1x8x64xf32, #tpu.memory_space<hbm>>
      %dma_start3A_2321 = tpu.memref_squeeze %dma_start3A_2320 : memref<1x8x64xf32, #tpu.memory_space<hbm>> -> memref<8x64xf32, #tpu.memory_space<hbm>>
      %dma_start3A_2322 = arith.constant 0 : i32
      %dma_start3A_2323 = arith.constant 0 : i32
      %dma_start3A_2324 = tpu.memref_slice %arg11[%dma_start3A_2313, %dma_start3A_2322, %dma_start3A_2323] : memref<32x8x64xf32, #tpu.memory_space<vmem>> -> memref<1x8x64xf32, #tpu.memory_space<vmem>>
      %dma_start3A_2325 = tpu.memref_squeeze %dma_start3A_2324 : memref<1x8x64xf32, #tpu.memory_space<vmem>> -> memref<8x64xf32, #tpu.memory_space<vmem>>
      %dma_start3A_2326 = arith.constant 0 : i32
      %dma_start3A_2327 = arith.constant 0 : i32
      %dma_start3A_2328 = tpu.memref_slice %arg5[%squeeze3A_2312, %dma_start3A_2326, %dma_start3A_2327] : memref<125000x8x64xf32, #tpu.memory_space<hbm>> -> memref<1x8x64xf32, #tpu.memory_space<hbm>>
      %dma_start3A_2329 = tpu.memref_squeeze %dma_start3A_2328 : memref<1x8x64xf32, #tpu.memory_space<hbm>> -> memref<8x64xf32, #tpu.memory_space<hbm>>
      tpu.enqueue_dma source(%dma_start3A_2329 : memref<8x64xf32, #tpu.memory_space<hbm>>) target(%dma_start3A_2325 : memref<8x64xf32, #tpu.memory_space<vmem>>) target_semaphore(%arg14 : memref<!tpu.dma_semaphore, #tpu.memory_space<semaphore_mem>>)
      %slice3A_2330 = vector.extract_strided_slice %get3A_2215 {offsets = [6], sizes = [1], strides = [1]} : vector<16xi32> to vector<1xi32>
      %squeeze3A_2331 = vector.extract %slice3A_2330[0] : i32 from vector<1xi32>
      %dma_start3A_2332 = arith.constant 22 : i32
      %dma_start3A_2333 = arith.constant 0 : i32
      %dma_start3A_2334 = arith.constant 0 : i32
      %dma_start3A_2335 = tpu.memref_slice %arg11[%dma_start3A_2332, %dma_start3A_2333, %dma_start3A_2334] : memref<32x8x64xf32, #tpu.memory_space<vmem>> -> memref<1x8x64xf32, #tpu.memory_space<vmem>>
      %dma_start3A_2336 = tpu.memref_squeeze %dma_start3A_2335 : memref<1x8x64xf32, #tpu.memory_space<vmem>> -> memref<8x64xf32, #tpu.memory_space<vmem>>
      %dma_start3A_2337 = arith.constant 0 : i32
      %dma_start3A_2338 = arith.constant 0 : i32
      %dma_start3A_2339 = tpu.memref_slice %arg5[%squeeze3A_2331, %dma_start3A_2337, %dma_start3A_2338] : memref<125000x8x64xf32, #tpu.memory_space<hbm>> -> memref<1x8x64xf32, #tpu.memory_space<hbm>>
      %dma_start3A_2340 = tpu.memref_squeeze %dma_start3A_2339 : memref<1x8x64xf32, #tpu.memory_space<hbm>> -> memref<8x64xf32, #tpu.memory_space<hbm>>
      %dma_start3A_2341 = arith.constant 0 : i32
      %dma_start3A_2342 = arith.constant 0 : i32
      %dma_start3A_2343 = tpu.memref_slice %arg11[%dma_start3A_2332, %dma_start3A_2341, %dma_start3A_2342] : memref<32x8x64xf32, #tpu.memory_space<vmem>> -> memref<1x8x64xf32, #tpu.memory_space<vmem>>
      %dma_start3A_2344 = tpu.memref_squeeze %dma_start3A_2343 : memref<1x8x64xf32, #tpu.memory_space<vmem>> -> memref<8x64xf32, #tpu.memory_space<vmem>>
      %dma_start3A_2345 = arith.constant 0 : i32
      %dma_start3A_2346 = arith.constant 0 : i32
      %dma_start3A_2347 = tpu.memref_slice %arg5[%squeeze3A_2331, %dma_start3A_2345, %dma_start3A_2346] : memref<125000x8x64xf32, #tpu.memory_space<hbm>> -> memref<1x8x64xf32, #tpu.memory_space<hbm>>
      %dma_start3A_2348 = tpu.memref_squeeze %dma_start3A_2347 : memref<1x8x64xf32, #tpu.memory_space<hbm>> -> memref<8x64xf32, #tpu.memory_space<hbm>>
      tpu.enqueue_dma source(%dma_start3A_2348 : memref<8x64xf32, #tpu.memory_space<hbm>>) target(%dma_start3A_2344 : memref<8x64xf32, #tpu.memory_space<vmem>>) target_semaphore(%arg14 : memref<!tpu.dma_semaphore, #tpu.memory_space<semaphore_mem>>)
      %slice3A_2349 = vector.extract_strided_slice %get3A_2215 {offsets = [7], sizes = [1], strides = [1]} : vector<16xi32> to vector<1xi32>
      %squeeze3A_2350 = vector.extract %slice3A_2349[0] : i32 from vector<1xi32>
      %dma_start3A_2351 = arith.constant 23 : i32
      %dma_start3A_2352 = arith.constant 0 : i32
      %dma_start3A_2353 = arith.constant 0 : i32
      %dma_start3A_2354 = tpu.memref_slice %arg11[%dma_start3A_2351, %dma_start3A_2352, %dma_start3A_2353] : memref<32x8x64xf32, #tpu.memory_space<vmem>> -> memref<1x8x64xf32, #tpu.memory_space<vmem>>
      %dma_start3A_2355 = tpu.memref_squeeze %dma_start3A_2354 : memref<1x8x64xf32, #tpu.memory_space<vmem>> -> memref<8x64xf32, #tpu.memory_space<vmem>>
      %dma_start3A_2356 = arith.constant 0 : i32
      %dma_start3A_2357 = arith.constant 0 : i32
      %dma_start3A_2358 = tpu.memref_slice %arg5[%squeeze3A_2350, %dma_start3A_2356, %dma_start3A_2357] : memref<125000x8x64xf32, #tpu.memory_space<hbm>> -> memref<1x8x64xf32, #tpu.memory_space<hbm>>
      %dma_start3A_2359 = tpu.memref_squeeze %dma_start3A_2358 : memref<1x8x64xf32, #tpu.memory_space<hbm>> -> memref<8x64xf32, #tpu.memory_space<hbm>>
      %dma_start3A_2360 = arith.constant 0 : i32
      %dma_start3A_2361 = arith.constant 0 : i32
      %dma_start3A_2362 = tpu.memref_slice %arg11[%dma_start3A_2351, %dma_start3A_2360, %dma_start3A_2361] : memref<32x8x64xf32, #tpu.memory_space<vmem>> -> memref<1x8x64xf32, #tpu.memory_space<vmem>>
      %dma_start3A_2363 = tpu.memref_squeeze %dma_start3A_2362 : memref<1x8x64xf32, #tpu.memory_space<vmem>> -> memref<8x64xf32, #tpu.memory_space<vmem>>
      %dma_start3A_2364 = arith.constant 0 : i32
      %dma_start3A_2365 = arith.constant 0 : i32
      %dma_start3A_2366 = tpu.memref_slice %arg5[%squeeze3A_2350, %dma_start3A_2364, %dma_start3A_2365] : memref<125000x8x64xf32, #tpu.memory_space<hbm>> -> memref<1x8x64xf32, #tpu.memory_space<hbm>>
      %dma_start3A_2367 = tpu.memref_squeeze %dma_start3A_2366 : memref<1x8x64xf32, #tpu.memory_space<hbm>> -> memref<8x64xf32, #tpu.memory_space<hbm>>
      tpu.enqueue_dma source(%dma_start3A_2367 : memref<8x64xf32, #tpu.memory_space<hbm>>) target(%dma_start3A_2363 : memref<8x64xf32, #tpu.memory_space<vmem>>) target_semaphore(%arg14 : memref<!tpu.dma_semaphore, #tpu.memory_space<semaphore_mem>>)
      %slice3A_2368 = vector.extract_strided_slice %get3A_2215 {offsets = [8], sizes = [1], strides = [1]} : vector<16xi32> to vector<1xi32>
      %squeeze3A_2369 = vector.extract %slice3A_2368[0] : i32 from vector<1xi32>
      %dma_start3A_2370 = arith.constant 24 : i32
      %dma_start3A_2371 = arith.constant 0 : i32
      %dma_start3A_2372 = arith.constant 0 : i32
      %dma_start3A_2373 = tpu.memref_slice %arg11[%dma_start3A_2370, %dma_start3A_2371, %dma_start3A_2372] : memref<32x8x64xf32, #tpu.memory_space<vmem>> -> memref<1x8x64xf32, #tpu.memory_space<vmem>>
      %dma_start3A_2374 = tpu.memref_squeeze %dma_start3A_2373 : memref<1x8x64xf32, #tpu.memory_space<vmem>> -> memref<8x64xf32, #tpu.memory_space<vmem>>
      %dma_start3A_2375 = arith.constant 0 : i32
      %dma_start3A_2376 = arith.constant 0 : i32
      %dma_start3A_2377 = tpu.memref_slice %arg5[%squeeze3A_2369, %dma_start3A_2375, %dma_start3A_2376] : memref<125000x8x64xf32, #tpu.memory_space<hbm>> -> memref<1x8x64xf32, #tpu.memory_space<hbm>>
      %dma_start3A_2378 = tpu.memref_squeeze %dma_start3A_2377 : memref<1x8x64xf32, #tpu.memory_space<hbm>> -> memref<8x64xf32, #tpu.memory_space<hbm>>
      %dma_start3A_2379 = arith.constant 0 : i32
      %dma_start3A_2380 = arith.constant 0 : i32
      %dma_start3A_2381 = tpu.memref_slice %arg11[%dma_start3A_2370, %dma_start3A_2379, %dma_start3A_2380] : memref<32x8x64xf32, #tpu.memory_space<vmem>> -> memref<1x8x64xf32, #tpu.memory_space<vmem>>
      %dma_start3A_2382 = tpu.memref_squeeze %dma_start3A_2381 : memref<1x8x64xf32, #tpu.memory_space<vmem>> -> memref<8x64xf32, #tpu.memory_space<vmem>>
      %dma_start3A_2383 = arith.constant 0 : i32
      %dma_start3A_2384 = arith.constant 0 : i32
      %dma_start3A_2385 = tpu.memref_slice %arg5[%squeeze3A_2369, %dma_start3A_2383, %dma_start3A_2384] : memref<125000x8x64xf32, #tpu.memory_space<hbm>> -> memref<1x8x64xf32, #tpu.memory_space<hbm>>
      %dma_start3A_2386 = tpu.memref_squeeze %dma_start3A_2385 : memref<1x8x64xf32, #tpu.memory_space<hbm>> -> memref<8x64xf32, #tpu.memory_space<hbm>>
      tpu.enqueue_dma source(%dma_start3A_2386 : memref<8x64xf32, #tpu.memory_space<hbm>>) target(%dma_start3A_2382 : memref<8x64xf32, #tpu.memory_space<vmem>>) target_semaphore(%arg14 : memref<!tpu.dma_semaphore, #tpu.memory_space<semaphore_mem>>)
      %slice3A_2387 = vector.extract_strided_slice %get3A_2215 {offsets = [9], sizes = [1], strides = [1]} : vector<16xi32> to vector<1xi32>
      %squeeze3A_2388 = vector.extract %slice3A_2387[0] : i32 from vector<1xi32>
      %dma_start3A_2389 = arith.constant 25 : i32
      %dma_start3A_2390 = arith.constant 0 : i32
      %dma_start3A_2391 = arith.constant 0 : i32
      %dma_start3A_2392 = tpu.memref_slice %arg11[%dma_start3A_2389, %dma_start3A_2390, %dma_start3A_2391] : memref<32x8x64xf32, #tpu.memory_space<vmem>> -> memref<1x8x64xf32, #tpu.memory_space<vmem>>
      %dma_start3A_2393 = tpu.memref_squeeze %dma_start3A_2392 : memref<1x8x64xf32, #tpu.memory_space<vmem>> -> memref<8x64xf32, #tpu.memory_space<vmem>>
      %dma_start3A_2394 = arith.constant 0 : i32
      %dma_start3A_2395 = arith.constant 0 : i32
      %dma_start3A_2396 = tpu.memref_slice %arg5[%squeeze3A_2388, %dma_start3A_2394, %dma_start3A_2395] : memref<125000x8x64xf32, #tpu.memory_space<hbm>> -> memref<1x8x64xf32, #tpu.memory_space<hbm>>
      %dma_start3A_2397 = tpu.memref_squeeze %dma_start3A_2396 : memref<1x8x64xf32, #tpu.memory_space<hbm>> -> memref<8x64xf32, #tpu.memory_space<hbm>>
      %dma_start3A_2398 = arith.constant 0 : i32
      %dma_start3A_2399 = arith.constant 0 : i32
      %dma_start3A_2400 = tpu.memref_slice %arg11[%dma_start3A_2389, %dma_start3A_2398, %dma_start3A_2399] : memref<32x8x64xf32, #tpu.memory_space<vmem>> -> memref<1x8x64xf32, #tpu.memory_space<vmem>>
      %dma_start3A_2401 = tpu.memref_squeeze %dma_start3A_2400 : memref<1x8x64xf32, #tpu.memory_space<vmem>> -> memref<8x64xf32, #tpu.memory_space<vmem>>
      %dma_start3A_2402 = arith.constant 0 : i32
      %dma_start3A_2403 = arith.constant 0 : i32
      %dma_start3A_2404 = tpu.memref_slice %arg5[%squeeze3A_2388, %dma_start3A_2402, %dma_start3A_2403] : memref<125000x8x64xf32, #tpu.memory_space<hbm>> -> memref<1x8x64xf32, #tpu.memory_space<hbm>>
      %dma_start3A_2405 = tpu.memref_squeeze %dma_start3A_2404 : memref<1x8x64xf32, #tpu.memory_space<hbm>> -> memref<8x64xf32, #tpu.memory_space<hbm>>
      tpu.enqueue_dma source(%dma_start3A_2405 : memref<8x64xf32, #tpu.memory_space<hbm>>) target(%dma_start3A_2401 : memref<8x64xf32, #tpu.memory_space<vmem>>) target_semaphore(%arg14 : memref<!tpu.dma_semaphore, #tpu.memory_space<semaphore_mem>>)
      %slice3A_2406 = vector.extract_strided_slice %get3A_2215 {offsets = [10], sizes = [1], strides = [1]} : vector<16xi32> to vector<1xi32>
      %squeeze3A_2407 = vector.extract %slice3A_2406[0] : i32 from vector<1xi32>
      %dma_start3A_2408 = arith.constant 26 : i32
      %dma_start3A_2409 = arith.constant 0 : i32
      %dma_start3A_2410 = arith.constant 0 : i32
      %dma_start3A_2411 = tpu.memref_slice %arg11[%dma_start3A_2408, %dma_start3A_2409, %dma_start3A_2410] : memref<32x8x64xf32, #tpu.memory_space<vmem>> -> memref<1x8x64xf32, #tpu.memory_space<vmem>>
      %dma_start3A_2412 = tpu.memref_squeeze %dma_start3A_2411 : memref<1x8x64xf32, #tpu.memory_space<vmem>> -> memref<8x64xf32, #tpu.memory_space<vmem>>
      %dma_start3A_2413 = arith.constant 0 : i32
      %dma_start3A_2414 = arith.constant 0 : i32
      %dma_start3A_2415 = tpu.memref_slice %arg5[%squeeze3A_2407, %dma_start3A_2413, %dma_start3A_2414] : memref<125000x8x64xf32, #tpu.memory_space<hbm>> -> memref<1x8x64xf32, #tpu.memory_space<hbm>>
      %dma_start3A_2416 = tpu.memref_squeeze %dma_start3A_2415 : memref<1x8x64xf32, #tpu.memory_space<hbm>> -> memref<8x64xf32, #tpu.memory_space<hbm>>
      %dma_start3A_2417 = arith.constant 0 : i32
      %dma_start3A_2418 = arith.constant 0 : i32
      %dma_start3A_2419 = tpu.memref_slice %arg11[%dma_start3A_2408, %dma_start3A_2417, %dma_start3A_2418] : memref<32x8x64xf32, #tpu.memory_space<vmem>> -> memref<1x8x64xf32, #tpu.memory_space<vmem>>
      %dma_start3A_2420 = tpu.memref_squeeze %dma_start3A_2419 : memref<1x8x64xf32, #tpu.memory_space<vmem>> -> memref<8x64xf32, #tpu.memory_space<vmem>>
      %dma_start3A_2421 = arith.constant 0 : i32
      %dma_start3A_2422 = arith.constant 0 : i32
      %dma_start3A_2423 = tpu.memref_slice %arg5[%squeeze3A_2407, %dma_start3A_2421, %dma_start3A_2422] : memref<125000x8x64xf32, #tpu.memory_space<hbm>> -> memref<1x8x64xf32, #tpu.memory_space<hbm>>
      %dma_start3A_2424 = tpu.memref_squeeze %dma_start3A_2423 : memref<1x8x64xf32, #tpu.memory_space<hbm>> -> memref<8x64xf32, #tpu.memory_space<hbm>>
      tpu.enqueue_dma source(%dma_start3A_2424 : memref<8x64xf32, #tpu.memory_space<hbm>>) target(%dma_start3A_2420 : memref<8x64xf32, #tpu.memory_space<vmem>>) target_semaphore(%arg14 : memref<!tpu.dma_semaphore, #tpu.memory_space<semaphore_mem>>)
      %slice3A_2425 = vector.extract_strided_slice %get3A_2215 {offsets = [11], sizes = [1], strides = [1]} : vector<16xi32> to vector<1xi32>
      %squeeze3A_2426 = vector.extract %slice3A_2425[0] : i32 from vector<1xi32>
      %dma_start3A_2427 = arith.constant 27 : i32
      %dma_start3A_2428 = arith.constant 0 : i32
      %dma_start3A_2429 = arith.constant 0 : i32
      %dma_start3A_2430 = tpu.memref_slice %arg11[%dma_start3A_2427, %dma_start3A_2428, %dma_start3A_2429] : memref<32x8x64xf32, #tpu.memory_space<vmem>> -> memref<1x8x64xf32, #tpu.memory_space<vmem>>
      %dma_start3A_2431 = tpu.memref_squeeze %dma_start3A_2430 : memref<1x8x64xf32, #tpu.memory_space<vmem>> -> memref<8x64xf32, #tpu.memory_space<vmem>>
      %dma_start3A_2432 = arith.constant 0 : i32
      %dma_start3A_2433 = arith.constant 0 : i32
      %dma_start3A_2434 = tpu.memref_slice %arg5[%squeeze3A_2426, %dma_start3A_2432, %dma_start3A_2433] : memref<125000x8x64xf32, #tpu.memory_space<hbm>> -> memref<1x8x64xf32, #tpu.memory_space<hbm>>
      %dma_start3A_2435 = tpu.memref_squeeze %dma_start3A_2434 : memref<1x8x64xf32, #tpu.memory_space<hbm>> -> memref<8x64xf32, #tpu.memory_space<hbm>>
      %dma_start3A_2436 = arith.constant 0 : i32
      %dma_start3A_2437 = arith.constant 0 : i32
      %dma_start3A_2438 = tpu.memref_slice %arg11[%dma_start3A_2427, %dma_start3A_2436, %dma_start3A_2437] : memref<32x8x64xf32, #tpu.memory_space<vmem>> -> memref<1x8x64xf32, #tpu.memory_space<vmem>>
      %dma_start3A_2439 = tpu.memref_squeeze %dma_start3A_2438 : memref<1x8x64xf32, #tpu.memory_space<vmem>> -> memref<8x64xf32, #tpu.memory_space<vmem>>
      %dma_start3A_2440 = arith.constant 0 : i32
      %dma_start3A_2441 = arith.constant 0 : i32
      %dma_start3A_2442 = tpu.memref_slice %arg5[%squeeze3A_2426, %dma_start3A_2440, %dma_start3A_2441] : memref<125000x8x64xf32, #tpu.memory_space<hbm>> -> memref<1x8x64xf32, #tpu.memory_space<hbm>>
      %dma_start3A_2443 = tpu.memref_squeeze %dma_start3A_2442 : memref<1x8x64xf32, #tpu.memory_space<hbm>> -> memref<8x64xf32, #tpu.memory_space<hbm>>
      tpu.enqueue_dma source(%dma_start3A_2443 : memref<8x64xf32, #tpu.memory_space<hbm>>) target(%dma_start3A_2439 : memref<8x64xf32, #tpu.memory_space<vmem>>) target_semaphore(%arg14 : memref<!tpu.dma_semaphore, #tpu.memory_space<semaphore_mem>>)
      %slice3A_2444 = vector.extract_strided_slice %get3A_2215 {offsets = [12], sizes = [1], strides = [1]} : vector<16xi32> to vector<1xi32>
      %squeeze3A_2445 = vector.extract %slice3A_2444[0] : i32 from vector<1xi32>
      %dma_start3A_2446 = arith.constant 28 : i32
      %dma_start3A_2447 = arith.constant 0 : i32
      %dma_start3A_2448 = arith.constant 0 : i32
      %dma_start3A_2449 = tpu.memref_slice %arg11[%dma_start3A_2446, %dma_start3A_2447, %dma_start3A_2448] : memref<32x8x64xf32, #tpu.memory_space<vmem>> -> memref<1x8x64xf32, #tpu.memory_space<vmem>>
      %dma_start3A_2450 = tpu.memref_squeeze %dma_start3A_2449 : memref<1x8x64xf32, #tpu.memory_space<vmem>> -> memref<8x64xf32, #tpu.memory_space<vmem>>
      %dma_start3A_2451 = arith.constant 0 : i32
      %dma_start3A_2452 = arith.constant 0 : i32
      %dma_start3A_2453 = tpu.memref_slice %arg5[%squeeze3A_2445, %dma_start3A_2451, %dma_start3A_2452] : memref<125000x8x64xf32, #tpu.memory_space<hbm>> -> memref<1x8x64xf32, #tpu.memory_space<hbm>>
      %dma_start3A_2454 = tpu.memref_squeeze %dma_start3A_2453 : memref<1x8x64xf32, #tpu.memory_space<hbm>> -> memref<8x64xf32, #tpu.memory_space<hbm>>
      %dma_start3A_2455 = arith.constant 0 : i32
      %dma_start3A_2456 = arith.constant 0 : i32
      %dma_start3A_2457 = tpu.memref_slice %arg11[%dma_start3A_2446, %dma_start3A_2455, %dma_start3A_2456] : memref<32x8x64xf32, #tpu.memory_space<vmem>> -> memref<1x8x64xf32, #tpu.memory_space<vmem>>
      %dma_start3A_2458 = tpu.memref_squeeze %dma_start3A_2457 : memref<1x8x64xf32, #tpu.memory_space<vmem>> -> memref<8x64xf32, #tpu.memory_space<vmem>>
      %dma_start3A_2459 = arith.constant 0 : i32
      %dma_start3A_2460 = arith.constant 0 : i32
      %dma_start3A_2461 = tpu.memref_slice %arg5[%squeeze3A_2445, %dma_start3A_2459, %dma_start3A_2460] : memref<125000x8x64xf32, #tpu.memory_space<hbm>> -> memref<1x8x64xf32, #tpu.memory_space<hbm>>
      %dma_start3A_2462 = tpu.memref_squeeze %dma_start3A_2461 : memref<1x8x64xf32, #tpu.memory_space<hbm>> -> memref<8x64xf32, #tpu.memory_space<hbm>>
      tpu.enqueue_dma source(%dma_start3A_2462 : memref<8x64xf32, #tpu.memory_space<hbm>>) target(%dma_start3A_2458 : memref<8x64xf32, #tpu.memory_space<vmem>>) target_semaphore(%arg14 : memref<!tpu.dma_semaphore, #tpu.memory_space<semaphore_mem>>)
      %slice3A_2463 = vector.extract_strided_slice %get3A_2215 {offsets = [13], sizes = [1], strides = [1]} : vector<16xi32> to vector<1xi32>
      %squeeze3A_2464 = vector.extract %slice3A_2463[0] : i32 from vector<1xi32>
      %dma_start3A_2465 = arith.constant 29 : i32
      %dma_start3A_2466 = arith.constant 0 : i32
      %dma_start3A_2467 = arith.constant 0 : i32
      %dma_start3A_2468 = tpu.memref_slice %arg11[%dma_start3A_2465, %dma_start3A_2466, %dma_start3A_2467] : memref<32x8x64xf32, #tpu.memory_space<vmem>> -> memref<1x8x64xf32, #tpu.memory_space<vmem>>
      %dma_start3A_2469 = tpu.memref_squeeze %dma_start3A_2468 : memref<1x8x64xf32, #tpu.memory_space<vmem>> -> memref<8x64xf32, #tpu.memory_space<vmem>>
      %dma_start3A_2470 = arith.constant 0 : i32
      %dma_start3A_2471 = arith.constant 0 : i32
      %dma_start3A_2472 = tpu.memref_slice %arg5[%squeeze3A_2464, %dma_start3A_2470, %dma_start3A_2471] : memref<125000x8x64xf32, #tpu.memory_space<hbm>> -> memref<1x8x64xf32, #tpu.memory_space<hbm>>
      %dma_start3A_2473 = tpu.memref_squeeze %dma_start3A_2472 : memref<1x8x64xf32, #tpu.memory_space<hbm>> -> memref<8x64xf32, #tpu.memory_space<hbm>>
      %dma_start3A_2474 = arith.constant 0 : i32
      %dma_start3A_2475 = arith.constant 0 : i32
      %dma_start3A_2476 = tpu.memref_slice %arg11[%dma_start3A_2465, %dma_start3A_2474, %dma_start3A_2475] : memref<32x8x64xf32, #tpu.memory_space<vmem>> -> memref<1x8x64xf32, #tpu.memory_space<vmem>>
      %dma_start3A_2477 = tpu.memref_squeeze %dma_start3A_2476 : memref<1x8x64xf32, #tpu.memory_space<vmem>> -> memref<8x64xf32, #tpu.memory_space<vmem>>
      %dma_start3A_2478 = arith.constant 0 : i32
      %dma_start3A_2479 = arith.constant 0 : i32
      %dma_start3A_2480 = tpu.memref_slice %arg5[%squeeze3A_2464, %dma_start3A_2478, %dma_start3A_2479] : memref<125000x8x64xf32, #tpu.memory_space<hbm>> -> memref<1x8x64xf32, #tpu.memory_space<hbm>>
      %dma_start3A_2481 = tpu.memref_squeeze %dma_start3A_2480 : memref<1x8x64xf32, #tpu.memory_space<hbm>> -> memref<8x64xf32, #tpu.memory_space<hbm>>
      tpu.enqueue_dma source(%dma_start3A_2481 : memref<8x64xf32, #tpu.memory_space<hbm>>) target(%dma_start3A_2477 : memref<8x64xf32, #tpu.memory_space<vmem>>) target_semaphore(%arg14 : memref<!tpu.dma_semaphore, #tpu.memory_space<semaphore_mem>>)
      %slice3A_2482 = vector.extract_strided_slice %get3A_2215 {offsets = [14], sizes = [1], strides = [1]} : vector<16xi32> to vector<1xi32>
      %squeeze3A_2483 = vector.extract %slice3A_2482[0] : i32 from vector<1xi32>
      %dma_start3A_2484 = arith.constant 30 : i32
      %dma_start3A_2485 = arith.constant 0 : i32
      %dma_start3A_2486 = arith.constant 0 : i32
      %dma_start3A_2487 = tpu.memref_slice %arg11[%dma_start3A_2484, %dma_start3A_2485, %dma_start3A_2486] : memref<32x8x64xf32, #tpu.memory_space<vmem>> -> memref<1x8x64xf32, #tpu.memory_space<vmem>>
      %dma_start3A_2488 = tpu.memref_squeeze %dma_start3A_2487 : memref<1x8x64xf32, #tpu.memory_space<vmem>> -> memref<8x64xf32, #tpu.memory_space<vmem>>
      %dma_start3A_2489 = arith.constant 0 : i32
      %dma_start3A_2490 = arith.constant 0 : i32
      %dma_start3A_2491 = tpu.memref_slice %arg5[%squeeze3A_2483, %dma_start3A_2489, %dma_start3A_2490] : memref<125000x8x64xf32, #tpu.memory_space<hbm>> -> memref<1x8x64xf32, #tpu.memory_space<hbm>>
      %dma_start3A_2492 = tpu.memref_squeeze %dma_start3A_2491 : memref<1x8x64xf32, #tpu.memory_space<hbm>> -> memref<8x64xf32, #tpu.memory_space<hbm>>
      %dma_start3A_2493 = arith.constant 0 : i32
      %dma_start3A_2494 = arith.constant 0 : i32
      %dma_start3A_2495 = tpu.memref_slice %arg11[%dma_start3A_2484, %dma_start3A_2493, %dma_start3A_2494] : memref<32x8x64xf32, #tpu.memory_space<vmem>> -> memref<1x8x64xf32, #tpu.memory_space<vmem>>
      %dma_start3A_2496 = tpu.memref_squeeze %dma_start3A_2495 : memref<1x8x64xf32, #tpu.memory_space<vmem>> -> memref<8x64xf32, #tpu.memory_space<vmem>>
      %dma_start3A_2497 = arith.constant 0 : i32
      %dma_start3A_2498 = arith.constant 0 : i32
      %dma_start3A_2499 = tpu.memref_slice %arg5[%squeeze3A_2483, %dma_start3A_2497, %dma_start3A_2498] : memref<125000x8x64xf32, #tpu.memory_space<hbm>> -> memref<1x8x64xf32, #tpu.memory_space<hbm>>
      %dma_start3A_2500 = tpu.memref_squeeze %dma_start3A_2499 : memref<1x8x64xf32, #tpu.memory_space<hbm>> -> memref<8x64xf32, #tpu.memory_space<hbm>>
      tpu.enqueue_dma source(%dma_start3A_2500 : memref<8x64xf32, #tpu.memory_space<hbm>>) target(%dma_start3A_2496 : memref<8x64xf32, #tpu.memory_space<vmem>>) target_semaphore(%arg14 : memref<!tpu.dma_semaphore, #tpu.memory_space<semaphore_mem>>)
      %slice3A_2501 = vector.extract_strided_slice %get3A_2215 {offsets = [15], sizes = [1], strides = [1]} : vector<16xi32> to vector<1xi32>
      %squeeze3A_2502 = vector.extract %slice3A_2501[0] : i32 from vector<1xi32>
      %dma_start3A_2503 = arith.constant 31 : i32
      %dma_start3A_2504 = arith.constant 0 : i32
      %dma_start3A_2505 = arith.constant 0 : i32
      %dma_start3A_2506 = tpu.memref_slice %arg11[%dma_start3A_2503, %dma_start3A_2504, %dma_start3A_2505] : memref<32x8x64xf32, #tpu.memory_space<vmem>> -> memref<1x8x64xf32, #tpu.memory_space<vmem>>
      %dma_start3A_2507 = tpu.memref_squeeze %dma_start3A_2506 : memref<1x8x64xf32, #tpu.memory_space<vmem>> -> memref<8x64xf32, #tpu.memory_space<vmem>>
      %dma_start3A_2508 = arith.constant 0 : i32
      %dma_start3A_2509 = arith.constant 0 : i32
      %dma_start3A_2510 = tpu.memref_slice %arg5[%squeeze3A_2502, %dma_start3A_2508, %dma_start3A_2509] : memref<125000x8x64xf32, #tpu.memory_space<hbm>> -> memref<1x8x64xf32, #tpu.memory_space<hbm>>
      %dma_start3A_2511 = tpu.memref_squeeze %dma_start3A_2510 : memref<1x8x64xf32, #tpu.memory_space<hbm>> -> memref<8x64xf32, #tpu.memory_space<hbm>>
      %dma_start3A_2512 = arith.constant 0 : i32
      %dma_start3A_2513 = arith.constant 0 : i32
      %dma_start3A_2514 = tpu.memref_slice %arg11[%dma_start3A_2503, %dma_start3A_2512, %dma_start3A_2513] : memref<32x8x64xf32, #tpu.memory_space<vmem>> -> memref<1x8x64xf32, #tpu.memory_space<vmem>>
      %dma_start3A_2515 = tpu.memref_squeeze %dma_start3A_2514 : memref<1x8x64xf32, #tpu.memory_space<vmem>> -> memref<8x64xf32, #tpu.memory_space<vmem>>
      %dma_start3A_2516 = arith.constant 0 : i32
      %dma_start3A_2517 = arith.constant 0 : i32
      %dma_start3A_2518 = tpu.memref_slice %arg5[%squeeze3A_2502, %dma_start3A_2516, %dma_start3A_2517] : memref<125000x8x64xf32, #tpu.memory_space<hbm>> -> memref<1x8x64xf32, #tpu.memory_space<hbm>>
      %dma_start3A_2519 = tpu.memref_squeeze %dma_start3A_2518 : memref<1x8x64xf32, #tpu.memory_space<hbm>> -> memref<8x64xf32, #tpu.memory_space<hbm>>
      tpu.enqueue_dma source(%dma_start3A_2519 : memref<8x64xf32, #tpu.memory_space<hbm>>) target(%dma_start3A_2515 : memref<8x64xf32, #tpu.memory_space<vmem>>) target_semaphore(%arg14 : memref<!tpu.dma_semaphore, #tpu.memory_space<semaphore_mem>>)
      %scan3A_2520 = arith.constant 0 : i32
      scf.yield %scan3A_2520 : i32
    }
    %scan3A_1236 = arith.constant 22 : i32
    %dma_wait3A = arith.constant 0 : i32
    %dma_wait3A_1237 = arith.constant 0 : i32
    %dma_wait3A_1238 = arith.constant 0 : i32
    %dma_wait3A_1239 = tpu.memref_slice %arg5[%dma_wait3A, %dma_wait3A_1237, %dma_wait3A_1238] : memref<125000x8x64xf32, #tpu.memory_space<hbm>> -> memref<32x8x64xf32, #tpu.memory_space<hbm>>
    %dma_wait3A_1240 = arith.constant 0 : i32
    %dma_wait3A_1241 = arith.constant 0 : i32
    %dma_wait3A_1242 = arith.constant 0 : i32
    %dma_wait3A_1243 = tpu.memref_slice %arg5[%dma_wait3A_1240, %dma_wait3A_1241, %dma_wait3A_1242] : memref<125000x8x64xf32, #tpu.memory_space<hbm>> -> memref<32x8x64xf32, #tpu.memory_space<hbm>>
    tpu.wait_dma2 semaphore(%arg13 : memref<!tpu.dma_semaphore, #tpu.memory_space<semaphore_mem>>) src(%dma_wait3A_1243 : memref<32x8x64xf32, #tpu.memory_space<hbm>>) dst(%arg10 : memref<32x8x64xf32, #tpu.memory_space<vmem>>)
    %dma_wait3A_1244 = arith.constant 0 : i32
    %dma_wait3A_1245 = arith.constant 0 : i32
    %dma_wait3A_1246 = arith.constant 0 : i32
    %dma_wait3A_1247 = tpu.memref_slice %arg5[%dma_wait3A_1244, %dma_wait3A_1245, %dma_wait3A_1246] : memref<125000x8x64xf32, #tpu.memory_space<hbm>> -> memref<32x8x64xf32, #tpu.memory_space<hbm>>
    %dma_wait3A_1248 = arith.constant 0 : i32
    %dma_wait3A_1249 = arith.constant 0 : i32
    %dma_wait3A_1250 = arith.constant 0 : i32
    %dma_wait3A_1251 = tpu.memref_slice %arg5[%dma_wait3A_1248, %dma_wait3A_1249, %dma_wait3A_1250] : memref<125000x8x64xf32, #tpu.memory_space<hbm>> -> memref<32x8x64xf32, #tpu.memory_space<hbm>>
    tpu.wait_dma2 semaphore(%arg14 : memref<!tpu.dma_semaphore, #tpu.memory_space<semaphore_mem>>) src(%dma_wait3A_1251 : memref<32x8x64xf32, #tpu.memory_space<hbm>>) dst(%arg11 : memref<32x8x64xf32, #tpu.memory_space<vmem>>)
    "tpu.region"() ({
      %run_scoped3A = tpu.sem_alloc : memref<!tpu.dma_semaphore, #tpu.memory_space<semaphore_mem>>
      %dma_start3A_1252 = arith.constant 0 : i32
      %dma_start3A_1253 = tpu.memref_slice %arg6[%add3A, %dma_start3A_1252] : memref<32x1408xf32, #tpu.memory_space<hbm>> -> memref<1x1408xf32, #tpu.memory_space<hbm>>
      %dma_start3A_1254 = tpu.memref_squeeze %dma_start3A_1253 : memref<1x1408xf32, #tpu.memory_space<hbm>> -> memref<1408xf32, #tpu.memory_space<hbm>>
      %dma_start3A_1255 = arith.constant 0 : i32
      %dma_start3A_1256 = tpu.memref_slice %arg6[%add3A, %dma_start3A_1255] : memref<32x1408xf32, #tpu.memory_space<hbm>> -> memref<1x1408xf32, #tpu.memory_space<hbm>>
      %dma_start3A_1257 = tpu.memref_squeeze %dma_start3A_1256 : memref<1x1408xf32, #tpu.memory_space<hbm>> -> memref<1408xf32, #tpu.memory_space<hbm>>
      tpu.enqueue_dma source(%arg12 : memref<1408xf32, #tpu.memory_space<vmem>>) target(%dma_start3A_1257 : memref<1408xf32, #tpu.memory_space<hbm>>) target_semaphore(%run_scoped3A : memref<!tpu.dma_semaphore, #tpu.memory_space<semaphore_mem>>)
      %dma_wait3A_1258 = arith.constant 0 : i32
      %dma_wait3A_1259 = tpu.memref_slice %arg6[%add3A, %dma_wait3A_1258] : memref<32x1408xf32, #tpu.memory_space<hbm>> -> memref<1x1408xf32, #tpu.memory_space<hbm>>
      %dma_wait3A_1260 = tpu.memref_squeeze %dma_wait3A_1259 : memref<1x1408xf32, #tpu.memory_space<hbm>> -> memref<1408xf32, #tpu.memory_space<hbm>>
      %dma_wait3A_1261 = arith.constant 0 : i32
      %dma_wait3A_1262 = tpu.memref_slice %arg6[%add3A, %dma_wait3A_1261] : memref<32x1408xf32, #tpu.memory_space<hbm>> -> memref<1x1408xf32, #tpu.memory_space<hbm>>
      %dma_wait3A_1263 = tpu.memref_squeeze %dma_wait3A_1262 : memref<1x1408xf32, #tpu.memory_space<hbm>> -> memref<1408xf32, #tpu.memory_space<hbm>>
      tpu.wait_dma2 semaphore(%run_scoped3A : memref<!tpu.dma_semaphore, #tpu.memory_space<semaphore_mem>>) src(%arg12 : memref<1408xf32, #tpu.memory_space<vmem>>) dst(%dma_wait3A_1263 : memref<1408xf32, #tpu.memory_space<hbm>>)
      tpu.yield
    }) : () -> ()
    return
  }
}

module attributes {stable_mosaic.version = 14 : i64} {
  func.func @_tc_score_body(%arg0: memref<4096x1xf32, #tpu.memory_space<vmem>>, %arg1: memref<4096x10xf32, #tpu.memory_space<vmem>>, %arg2: memref<4096x1xf32, #tpu.memory_space<vmem>>) attributes {dimension_semantics = [], scalar_prefetch = 0 : i64, scratch_operands = 0 : i64, tpu.core_type = #tpu.core_type<tc>} {
    %get3A = arith.constant 0 : index
    %get3A_0 = arith.constant 0 : index
    %get3A_1 = vector.load %arg0[%get3A, %get3A_0] : memref<4096x1xf32, #tpu.memory_space<vmem>>, vector<4096x1xf32>
    %get3A_2 = arith.constant 0 : index
    %get3A_3 = arith.constant 0 : index
    %get3A_4 = vector.load %arg1[%get3A_2, %get3A_3] : memref<4096x10xf32, #tpu.memory_space<vmem>>, vector<4096x10xf32>
    %neg3A = arith.constant 0.000000e+00 : f32
    %neg3A_5 = vector.broadcast %neg3A : f32 to vector<4096x1xf32>
    %neg3A_6 = arith.subf %neg3A_5, %get3A_1 : vector<4096x1xf32>
    %exp3A = math.exp %neg3A_6 : vector<4096x1xf32>
    %add3A = arith.constant 1.000000e+00 : f32
    %add3A_7 = vector.broadcast %add3A : f32 to vector<4096x1xf32>
    %add3A_8 = arith.addf %add3A_7, %exp3A : vector<4096x1xf32>
    %div3A = arith.constant 1.000000e+00 : f32
    %div3A_9 = vector.broadcast %div3A : f32 to vector<4096x1xf32>
    %div3A_10 = arith.divf %div3A_9, %add3A_8 : vector<4096x1xf32>
    %neg3A_11 = arith.constant 0.000000e+00 : f32
    %neg3A_12 = vector.broadcast %neg3A_11 : f32 to vector<4096x10xf32>
    %neg3A_13 = arith.subf %neg3A_12, %get3A_4 : vector<4096x10xf32>
    %exp3A_14 = math.exp %neg3A_13 : vector<4096x10xf32>
    %add3A_15 = arith.constant 1.000000e+00 : f32
    %add3A_16 = vector.broadcast %add3A_15 : f32 to vector<4096x10xf32>
    %add3A_17 = arith.addf %add3A_16, %exp3A_14 : vector<4096x10xf32>
    %div3A_18 = arith.constant 1.000000e+00 : f32
    %div3A_19 = vector.broadcast %div3A_18 : f32 to vector<4096x10xf32>
    %div3A_20 = arith.divf %div3A_19, %add3A_17 : vector<4096x10xf32>
    %log3A = math.log %div3A_10 : vector<4096x1xf32>
    %sub3A = arith.constant 1.000000e+00 : f32
    %sub3A_21 = vector.broadcast %sub3A : f32 to vector<4096x10xf32>
    %sub3A_22 = arith.subf %sub3A_21, %div3A_20 : vector<4096x10xf32>
    %add3A_23 = arith.constant 9.999940e-41 : f32
    %add3A_24 = vector.broadcast %add3A_23 : f32 to vector<4096x10xf32>
    %add3A_25 = arith.addf %sub3A_22, %add3A_24 : vector<4096x10xf32>
    %log3A_26 = math.log %add3A_25 : vector<4096x10xf32>
    %reduce_sum3A = arith.constant dense<0.000000e+00> : vector<4096xf32>
    %reduce_sum3A_27 = vector.multi_reduction <add>, %log3A_26, %reduce_sum3A [1] : vector<4096x10xf32> to vector<4096xf32>
    %broadcast_in_dim3A = vector.shape_cast %reduce_sum3A_27 : vector<4096xf32> to vector<4096x1xf32>
    %mul3A = arith.constant 1.000000e+01 : f32
    %mul3A_28 = vector.broadcast %mul3A : f32 to vector<4096x1xf32>
    %mul3A_29 = arith.mulf %mul3A_28, %log3A : vector<4096x1xf32>
    %add3A_30 = arith.addf %mul3A_29, %broadcast_in_dim3A : vector<4096x1xf32>
    %mul3A_31 = arith.constant 5.500000e-01 : f32
    %mul3A_32 = vector.broadcast %mul3A_31 : f32 to vector<4096x1xf32>
    %mul3A_33 = arith.mulf %mul3A_32, %add3A_30 : vector<4096x1xf32>
    %swap3A = arith.constant 0 : index
    %swap3A_34 = arith.constant 0 : index
    %swap3A_35 = vector.load %arg2[%swap3A, %swap3A_34] : memref<4096x1xf32, #tpu.memory_space<vmem>>, vector<4096x1xf32>
    tpu.vector_store %arg2[%swap3A, %swap3A_34], %mul3A_33 {strides = array<i32>} : memref<4096x1xf32, #tpu.memory_space<vmem>>, vector<4096x1xf32>,
    return
  }
}

</mosaic_0001>

<sc_bundles>
// kernel: kernel.4.cloned.1.call-start
scs
__scs_entry_jumppad:
0x0: {  	(pc) =	sbr.rel $0x88, $3  }
0x1: {  	(tag) =	ssettag $0x0;
	lr =	simm.s32 $0x1  }
0x2: {  	[smem:$0x3F9D] =	sst lr;
	_ =	strace $0xD0000000  }
0x3: {  	_ = 	snop  }
0x4: {  	_ = 	snop  }
0x5: {  	_ = 	snop  }
0x6: {  	_ = 	snop  }
0x7: {  	_ = 	snop  }
__scs_overlays_trampoline_lowered:
0x8: {  	[smem:$0x3FAC] =	sst s0  }
0x9: {  	[smem:$0x3FAD] =	sst s1  }
0xa: {  	[smem:$0x3FAE] =	sst s2  }
0xb: {  	[smem:$0x3FAF] =	sst s3  }
0xc: {  	[smem:$0x3FB0] =	sst s4  }
0xd: {  	[smem:$0x3FB1] =	sst s5  }
0xe: {  	[smem:$0x3FB2] =	sst s6  }
0xf: {  	[smem:$0x3FB3] =	sst s7  }
0x10: {  	[smem:$0x3FB4] =	sst s8  }
0x11: {  	[smem:$0x3FB5] =	sst s9;
	s0 =	simm.s32 @!p0 $0x0  }
0x12: {  	s1 =	sld [smem:$0x3F9B];
	s0 =	simm.s32 @p0 $0x1  }
0x13: {  	[smem:$0x3FB6] =	sst s0;
	s0 =	simm.s32 @!p1 $0x0  }
0x14: {  	s2 =	sld [smem:$0x3F9A];
	s0 =	simm.s32 @p1 $0x1  }
0x15: {  	[smem:$0x3FB7] =	sst s0;
	s0 =	simm.s32 @!p2 $0x0  }
0x16: {  	s3 =	sld [smem:$0x3FDB];
	s0 =	simm.s32 @p2 $0x1  }
0x17: {  	s4 =	simm.s32 $0x1BF5;
	[smem:$0x3FB9] =	sst s0  }
0x18: {  	s0 =	sld [smem:$0x3F9C];
	_ =	swait.ge [sflag:s4], $0x0  }
0x19: {  	s7 =	sld [smem:$0x3F9D]  }
0x1a: {  	s8 =	sadd.s32 $0xFFFFE003, lr  }
0x1b: {  	s9 =	sadd.s32 $0xFFFFFEF7, lr;
	s5 =	simm.s32 $0xFFFFFFFF;
	p2 =	slt.u32 s8, $0xFFFFF086  }
0x1c: {  	p1 =	slt.u32 s9, $0xF7A;
	s5 =	simm.s32 @!p2 $0x0  }
0x1d: {  	s5 =	simm.s32 @p1 $0x1;
	p0 =	seq.s32 s7, s2  }
0x1e: {  	s7 =	smul.u32 @!p0 $0xF7A, s2;
	p2 =	seq.s32 @!p0 s5, $0x0  }
0x1f: {  	s9 =	smul.u32 $0xF7A, s1;
	s8 =	simm.s32 @!p0 $0x1BF5;
	p2 =	por !p2, p0  }
0x20: {  	[sflag:s8] =	ssyncset.s32 @!p0 $0xFFFFF086;
	s6 =	sadd.s32 @!p0 s3, s7;
	s7 =	simm.s32 @!p0 $0x108  }
0x21: {  	s3 =	sadd.s32 s3, s9;
	s6 =	sadd.s32 @!p0 $0x88, s6;
	s7 =	simm.s32 @p2 $0x1082  }
0x22: {  	[simem:s7], [sflag:s8] =	dma.local @!p0 [hbm:s6], $0xF7A  }
0x23: {  	s9 =	sor.u32 $0xD0000000, s2;
	s6 =	simm.s32 $0x108;
	_ =	swait.ge @!p0 [sflag:s8], $0x0  }
0x24: {  	s3 =	sadd.s32 $0x88, s3;
	s6 =	simm.s32 @!p1 $0x1082;
	[sflag:s4] =	ssyncset.s32 $0xFFFFF086  }
0x25: {  	[simem:s6], [sflag:s4] =	dma.local [hbm:s3], $0xF7A  }
0x26: {  	[smem:$0x3F9D] =	sst s1;
	(tag) =	ssettag s2;
	_ =	strace s9  }
0x27: {  	s1 =	sld [smem:$0x3FAD]  }
0x28: {  	s2 =	sld [smem:$0x3FAE]  }
0x29: {  	s4 =	sld [smem:$0x3FB0]  }
0x2a: {  	p0 =	seq.s32 s5, $0x0;
	s5 =	sld [smem:$0x3FB1]  }
0x2b: {  	s6 =	sld [smem:$0x3FB2]  }
0x2c: {  	s7 =	sld [smem:$0x3FB3]  }
0x2d: {  	s3 =	simm.s32 $0x108;
	s8 =	sld [smem:$0x3FB4]  }
0x2e: {  	s3 =	simm.s32 @!p0 $0x1082;
	s9 =	sld [smem:$0x3FB5]  }
0x2f: {  	lr =	sadd.s32 s0, s3;
	s0 =	sld [smem:$0x3FAC]  }
0x30: {  	s3 =	sld [smem:$0x3FAF]  }
0x31: {  	[smem:$0x3FB8] =	sst s10  }
0x32: {  	s10 =	sld [smem:$0x3FB6];
	_ =	sdelay $0x3  }
0x33: {  	p0 =	seq.s32 s10, $0x1;
	s10 =	sld [smem:$0x3FB8];
	_ =	sdelay $0x3  }
0x34: {  	[smem:$0x3FB8] =	sst s10  }
0x35: {  	s10 =	sld [smem:$0x3FB7];
	_ =	sdelay $0x3  }
0x36: {  	p1 =	seq.s32 s10, $0x1;
	s10 =	sld [smem:$0x3FB8];
	_ =	sdelay $0x3  }
0x37: {  	[smem:$0x3FB8] =	sst s10  }
0x38: {  	s10 =	sld [smem:$0x3FB9]  }
0x39: {  	_ = 	snop;
	(pc) =	sbr.ind lr, $3  }
0x3a: {  	_ = 	snop  }
0x3b: {  	_ = 	snop  }
0x3c: {  	p2 =	seq.s32 s10, $0x1;
	s10 =	sld [smem:$0x3FB8]  }
0x3d: {  	_ =	shalt  }
0x3e: {  	_ =	shalt  }
0x3f: {  	_ =	shalt  }
0x40: {  	_ =	shalt  }
0x41: {  	_ =	shalt  }
0x42: {  	_ =	shalt  }
0x43: {  	_ =	shalt  }
0x44: {  	_ =	shalt  }
0x45: {  	_ =	shalt  }
0x46: {  	_ =	shalt  }
0x47: {  	_ =	shalt  }
0x48: {  	_ =	shalt  }
0x49: {  	_ =	shalt  }
0x4a: {  	_ =	shalt  }
0x4b: {  	_ =	shalt  }
0x4c: {  	_ =	shalt  }
0x4d: {  	_ =	shalt  }
0x4e: {  	_ =	shalt  }
0x4f: {  	_ =	shalt  }
0x50: {  	_ =	shalt  }
0x51: {  	_ =	shalt  }
0x52: {  	_ =	shalt  }
0x53: {  	_ =	shalt  }
0x54: {  	_ =	shalt  }
0x55: {  	_ =	shalt  }
0x56: {  	_ =	shalt  }
0x57: {  	_ =	shalt  }
0x58: {  	_ =	shalt  }
0x59: {  	_ =	shalt  }
0x5a: {  	_ =	shalt  }
0x5b: {  	_ =	shalt  }
0x5c: {  	_ =	shalt  }
0x5d: {  	_ =	shalt  }
0x5e: {  	_ =	shalt  }
0x5f: {  	_ =	shalt  }
0x60: {  	_ =	shalt  }
0x61: {  	_ =	shalt  }
0x62: {  	_ =	shalt  }
0x63: {  	_ =	shalt  }
0x64: {  	_ =	shalt  }
0x65: {  	_ =	shalt  }
0x66: {  	_ =	shalt  }
0x67: {  	_ =	shalt  }
0x68: {  	_ =	shalt  }
0x69: {  	_ =	shalt  }
0x6a: {  	_ =	shalt  }
0x6b: {  	_ =	shalt  }
0x6c: {  	_ =	shalt  }
0x6d: {  	_ =	shalt  }
0x6e: {  	_ =	shalt  }
0x6f: {  	_ =	shalt  }
0x70: {  	_ =	shalt  }
0x71: {  	_ =	shalt  }
0x72: {  	_ =	shalt  }
0x73: {  	_ =	shalt  }
0x74: {  	_ =	shalt  }
0x75: {  	_ =	shalt  }
0x76: {  	_ =	shalt  }
0x77: {  	_ =	shalt  }
0x78: {  	_ =	shalt  }
0x79: {  	_ =	shalt  }
0x7a: {  	_ =	shalt  }
0x7b: {  	_ =	shalt  }
0x7c: {  	_ =	shalt  }
0x7d: {  	_ =	shalt  }
0x7e: {  	_ =	shalt  }
0x7f: {  	_ =	shalt  }
0x80: {  	_ =	shalt  }
0x81: {  	_ =	shalt  }
0x82: {  	_ =	shalt  }
0x83: {  	_ =	shalt  }
0x84: {  	_ =	shalt  }
0x85: {  	_ =	shalt  }
0x86: {  	_ =	shalt  }
0x87: {  	_ =	shalt  }
.Lfunc_end0:
.L_simem_size_0:
called_computation_lowered:
.L_overlay_start_0:
0x88: {  	s2 =	sld [smem:$0x3FD9]  }
0x89: {  	s3 =	sld [smem:$0x3FFE];
	_ =	sdelay $0x1  }
0x8a: {  	s1 =	srdreg.scid  }
0x8b: {  	s0 =	sand.u32 $0x1, s1  }
0x8c: {  	s16 =	sshll.u32 s0, $0xA;
	s2 =	sadd.s32 s3, s2  }
0x8d: {  	s2 =	sadd.s32 s2, s16  }
0x8e: {  	[smem:$0x3FC4] =	sst s2  }
0x8f: {  	_ = 	snop  }
0x90: {  	(tm) =	ssettm $0x1  }
0x91: {  	s17 =	sld [smem:$0x3FFB];
	_ =	sdelay $0x3  }
0x92: {  	_ =	strace s17  }
0x93: {  	s2 =	sld [smem:$0x3FFC];
	_ =	sdelay $0x3  }
0x94: {  	_ =	strace s2  }
0x95: {  	s2 =	sld [smem:$0x3FFD];
	_ =	sdelay $0x3  }
0x96: {  	_ =	strace s2  }
0x97: {  	_ =	strace $0x8FFFFFFF  }
0x98: {  	s18 =	sld [smem:$0x3FDB];
	_ =	sdelay $0x1  }
0x99: {  	s19 =	simm.s32 $_scs_section_size  }
0x9a: {  	s4 =	simm.s32 $_size__tile_overlayer_lowered;
	s5 =	simm.s32 $_tile_overlayer_lowered  }
0x9b: {  	s22 =	simm.s32 $0x1BFF;
	s21 =	sshll.u32 s5, $0x1;
	s2 =	sadd.s32 s19, s18  }
0x9c: {  	s6 =	simm.s32 $0x0;
	s20 =	sshll.u32 s4, $0x1;
	s4 =	sadd.s32 s21, s2  }
0x9d: {  	[timem:s6], [sflag:s22] =	dma.local [hbm:s4], s20  }
0x9e: {  	_ =	swait.ge [sflag:s22], s20  }
0x9f: {  	s3 =	ssub.s32 $0x0, s20;
	[sflag:s22] =	ssyncset.done $0x0  }
0xa0: {  	[sflag:s22] =	ssyncadd.s32 s3;
	_ =	sdelay $0x1  }
0xa1: {  	s23 =	simm.s32 $0x1B8B  }
0xa2: {  	_ =	swait.ge [sflag:s23], $0x1  }
0xa3: {  	[sflag:s23] =	ssyncset.done $0x0  }
0xa4: {  	s25 =	simm.s32 $0x1B8E;
	s24 =	sld [smem:$0x3FFE];
	[sflag:s23] =	ssyncadd.s32 $0xFFFFFFFF  }
0xa5: {  	s26 =	simm.s32 $execute0_lowered;
	[smem:$0x3FD2] =	sst s25  }
0xa6: {  	s4 =	sshll.u32 s26, $0x1;
	_ =	strace $0x80000046;
	[dreg:$0x1] =	wrdreg $0xFFFFFFFF  }
0xa7: {  	s28 =	simm.s32 $_size_execute0_lowered;
	s2 =	sadd.s32 s2, s4;
	[dreg:$0x0] =	wrdreg $0x0  }
0xa8: {  	s4 =	sshll.u32 s28, $0x1;
	[dreg:$0x2] =	wrdreg s2  }
0xa9: {  	[dreg:$0x3] =	wrdreg s4  }
0xaa: {  	[dreg:$0x4] =	wrdreg $0xC0  }
0xab: {  	_ =	task [dreg:s6], $0x5FFFF  }
0xac: {  	[dreg:$0x1] =	wrdreg $0xFFFFFFFF  }
0xad: {  	[dreg:$0x0] =	wrdreg $0x60  }
0xae: {  	[dreg:$0x2] =	wrdreg s24  }
0xaf: {  	[dreg:$0x3] =	wrdreg $0x9  }
0xb0: {  	_ =	task.clear_ibuf [dreg:s6], $0x4FFFF;
	_ =	strace $0x90000046  }
0xb1: {  	s29 =	simm.s32 $0x9;
	_ =	strace $0x80000048  }
0xb2: {  	_ =	swait.ge [sflag:s29], $0x1  }
0xb3: {  	[sflag:s29] =	ssyncadd.s32 $0xFFFFFFFF  }
0xb4: {  	_ =	strace $0x90000048  }
0xb5: {  	_ =	sfence  }
0xb6: {  	s30 =	sld [smem:$0x0];
	_ =	sdelay $0x2  }
0xb7: {  	s31 =	sshll.u32 s1, $0xD;
	s1 =	sshrl.u32 s1, $0x2  }
0xb8: {  	s3 =	sand.u32 $0x4000, s31;
	s1 =	sadd.s32 s1, s30  }
0xb9: {  	s0 =	sor.u32 s3, s0;
	s1 =	sshll.u32 s1, $0x11  }
0xba: {  	s0 =	sor.u32 s1, s0  }
0xbb: {  	s0 =	sadd.s32 $0x8F2B, s0  }
0xbc: {  	[sflag:s0] =	ssyncadd.remote.s32 $0x1  }
0xbd: {  	_ =	sfence.sel $0xFFFF  }
0xbe: {  	[dreg:$0x0] =	wrdreg $0xFFFFFFFF;
	(pc) =	sbr.abs _section_cstart, $3  }
0xbf: {  	[dreg:$0x1] =	wrdreg $0xFFFFFFFF  }
0xc0: {  	_ =	task.clear_ibuf [dreg:s6], $0x2FFFF;
	_ =	strace $0x9FFFFFFF  }
0xc1: {  	(tm) =	ssettm $0x7FFFFFFF  }
tec
execute0_lowered:
.L_overlay_start_1:
0x0: {  	(tag) =	ssettag $0x1  }
0x1: {  	s0 =	srdreg.scid  }
0x2: {  	s5 =	stileid.u32;
	s1 =	rddreg [dreg:$0x0];
	s25 =	simm.s32 $0x0  }
0x3: {  	s11 =	simm.s32 $0x3000;
	s12 =	simm.s32 $0x7000;
	s0 =	sand.u32 $0x1, s0  }
0x4: {  	s2 =	sshll.u32 s5, $0x1;
	s5 =	sshrl.u32 s5, $0x2;
	[smem:$0x7FF] =	sst s25  }
0x5: {  	s28 =	sadd.s32 $0x1CA00, s1;
	s3 =	sor.u32 s0, s2;
	s5 =	smul.u32 $0x2C00, s5  }
0x6: {  	_ =	strace $0x80000047;
	s0 =	ssub.s32 $0x2, s0;
	[dreg:$0x2] =	wrdreg s28  }
0x7: {  	v1 =	vimm.s32 $0xECA86420;
	v0 =	vlaneseq.u32;
	vm0 =	vcmask $0xB08;
	s4 =	smul.u32 $0x300, s3;
	s6 =	sshll.u32 s3, $0x7;
	s3 =	sshll.u32 s3, $0xB  }
0x8: {  	vm1 =	vcmask $0x1310;
	vm2 =	vcmask $0x1B18;
	vm3 =	vcmask $0x300;
	s7 =	sshrl.u32 s0, $0x1;
	s6 =	sand.u32 $0x380, s6;
	s26 =	sadd.s32 s3, s1  }
0x9: {  	vm4 =	vcmask $0x2320;
	vm5 =	vcmask $0x2B28;
	vm6 =	vcmask $0x3330;
	s0 =	ssub.s32 s0, s7;
	s4 =	sadd.s32 s4, s1;
	s31 =	sadd.s32 $0xA00, s26  }
0xa: {  	vm7 =	vcmask $0x3B38;
	vm8 =	vmmov $0xff;
	vm11 =	vcmask $0x1714;
	s5 =	sor.u32 s5, s6;
	s0 =	smax.u32 s0, $0x1;
	[dreg:$0x5] =	wrdreg s31  }
0xb: {  	vm12 =	vcmask $0x1F1C;
	vm13 =	vcmask $0x2724;
	vm14 =	vcmask $0x2F2C;
	s5 =	sshrl.u32 s5, $0x3;
	s29 =	sadd.s32 $0x16A00, s4;
	[dreg:$0x7] =	wrdreg s0  }
0xc: {  	vm15 =	vcmask $0x3734;
	v2 =	vunpack.c.l.s4.s8 v1;
	v5 =	vmul.u32 $0xFFFFFFFF, v0;
	s30 =	sadd.s32 $0x10A00, s4;
	s1 =	sadd.s32 s5, s1;
	[dreg:$0x3] =	wrdreg s29  }
0xd: {  	s17 =	simm.s32 $0xF000;
	v6 =	vimm.s32 $0x0;
	v1 =	vor.u32 $0xFFFFFF80, v0;
	v3 =	vmul.u32 $0x2, v0;
	[dreg:$0x4] =	wrdreg s30;
	s1 =	sadd.s32 $0xF5EE00, s1  }
0xe: {  	v4 =	vmul.u32 $0x400, v0;
	s2 =	simm.s32 $0x3;
	v2 =	vunpack.c.0.s8.s32 v2;
	v5 =	vadd.s32 $0x80, v5;
	[dreg:$0x6] =	wrdreg s1;
	s1 =	simm.s32 $0x0  }
.LBB2_1:
0xf: {  	[dreg:$0x8] =	wrdreg s1  }
0x10: {  	s1 =	simm.s32 $0x0;
	s0 =	rddreg [dreg:$0x3]  }
0x11: {  	[tilespmem:s1], [sflag:$0x3] =	stream.linear.gather [hbm4b:s0+s1], $0x1700, $0x38;
	[tilespmem:$0x17580] =	vst v63  }
0x12: {  	_ =	swait.ge [sflag:s2], $0x1700  }
0x13: {  	[sflag:s2] =	ssyncset.done $0x0  }
0x14: {  	s3 =	simm.s32 $0x1800;
	s24 =	rddreg [dreg:$0x4];
	[sflag:s2] =	ssyncadd.s32 $0xFFFFE900  }
0x15: {  	[tilespmem:s3], [sflag:$0x3] =	stream.linear.gather [hbm4b:s24+s1], $0x1700, $0x38;
	[tilespmem:$0x17580] =	vst v63  }
0x16: {  	_ =	swait.ge [sflag:s2], $0x1700  }
0x17: {  	[sflag:s2] =	ssyncset.done $0x0  }
0x18: {  	s25 =	rddreg [dreg:$0x5];
	[sflag:s2] =	ssyncadd.s32 $0xFFFFE900  }
0x19: {  	[tilespmem:s11], [sflag:$0x3] =	stream.linear.gather [hbm4b:s25+s1], $0x4000, $0x38;
	[tilespmem:$0x17580] =	vst v63  }
0x1a: {  	_ =	swait.ge [sflag:s2], $0x4000  }
0x1b: {  	[sflag:s2] =	ssyncset.done $0x0  }
0x1c: {  	[sflag:s2] =	ssyncadd.s32 $0xFFFFC000  }
0x1d: {  	v7 =	vld [tilespmem:$0x0];
	_ =	sdelay $0x4  }
0x1e: {  	v7 =	vshll.u32 v7, $0x7  }
0x1f: {  	(v2sf) =	vpush v7, $0x0;
	_ =	sdelay $0x1  }
0x20: {  	(v2sf) =	vpush v7, $0x1;
	_ =	sdelay $0x1  }
0x21: {  	(v2sf) =	vpush v7, $0x2;
	_ =	sdelay $0x2  }
0x22: {  	(v2sf) =	vpush v7, $0x3;
	_ =	sdelay $0x7  }
0x23: {  	s26 =	spop (v2sf);
	(v2sf) =	vpush v7, $0x4;
	_ =	sdelay $0x1  }
0x24: {  	s28 =	spop (v2sf);
	(v2sf) =	vpush v7, $0x5;
	_ =	sdelay $0x1  }
0x25: {  	s30 =	spop (v2sf);
	(v2sf) =	vpush v7, $0x6;
	_ =	sdelay $0x1  }
0x26: {  	s2 =	rddreg [dreg:$0x2];
	s0 =	sand.u32 $0x1FFFFF80, s26  }
0x27: {  	s0 =	sadd.s32 s2, s0;
	s4 =	spop (v2sf);
	(v2sf) =	vpush v7, $0x7  }
0x28: {  	[tilespmem:s12], [sflag:$0x1] =	stream.linear.gather [hbm4b:s0+s1], $0x400, $0x38;
	[tilespmem:$0x17580] =	vst v63  }
0x29: {  	s0 =	sand.u32 $0x1FFFFF80, s28  }
0x2a: {  	s29 =	simm.s32 $0x7400;
	s0 =	sadd.s32 s2, s0  }
0x2b: {  	[tilespmem:s29], [sflag:$0x1] =	stream.linear.gather [hbm4b:s0+s1], $0x400, $0x38;
	[tilespmem:$0x17580] =	vst v63  }
0x2c: {  	s0 =	sand.u32 $0x1FFFFF80, s30  }
0x2d: {  	s31 =	simm.s32 $0x7800;
	s0 =	sadd.s32 s2, s0  }
0x2e: {  	[tilespmem:s31], [sflag:$0x1] =	stream.linear.gather [hbm4b:s0+s1], $0x400, $0x38;
	[tilespmem:$0x17580] =	vst v63  }
0x2f: {  	s6 =	spop (v2sf);
	(v2sf) =	vpush v7, $0x8  }
0x30: {  	s0 =	sand.u32 $0x1FFFFF80, s4  }
0x31: {  	s5 =	simm.s32 $0x7C00;
	s0 =	sadd.s32 s2, s0;
	s8 =	spop (v2sf);
	(v2sf) =	vpush v7, $0x9  }
0x32: {  	[tilespmem:s5], [sflag:$0x1] =	stream.linear.gather [hbm4b:s0+s1], $0x400, $0x38;
	[tilespmem:$0x17580] =	vst v63  }
0x33: {  	s0 =	sand.u32 $0x1FFFFF80, s6;
	s10 =	spop (v2sf);
	(v2sf) =	vpush v7, $0xA  }
0x34: {  	s7 =	simm.s32 $0x8000;
	s0 =	sadd.s32 s2, s0  }
0x35: {  	[tilespmem:s7], [sflag:$0x1] =	stream.linear.gather [hbm4b:s0+s1], $0x400, $0x38;
	[tilespmem:$0x17580] =	vst v63  }
0x36: {  	s14 =	spop (v2sf);
	(v2sf) =	vpush v7, $0xB  }
0x37: {  	s0 =	sand.u32 $0x1FFFFF80, s8  }
0x38: {  	s9 =	simm.s32 $0x8400;
	s0 =	sadd.s32 s2, s0  }
0x39: {  	[tilespmem:s9], [sflag:$0x1] =	stream.linear.gather [hbm4b:s0+s1], $0x400, $0x38;
	[tilespmem:$0x17580] =	vst v63  }
0x3a: {  	s0 =	sand.u32 $0x1FFFFF80, s10  }
0x3b: {  	s13 =	simm.s32 $0x8800;
	s0 =	sadd.s32 s2, s0  }
0x3c: {  	[tilespmem:s13], [sflag:$0x1] =	stream.linear.gather [hbm4b:s0+s1], $0x400, $0x38;
	[tilespmem:$0x17580] =	vst v63  }
0x3d: {  	s0 =	sand.u32 $0x1FFFFF80, s14  }
0x3e: {  	s15 =	simm.s32 $0x8C00;
	s0 =	sadd.s32 s2, s0;
	s16 =	spop (v2sf);
	(v2sf) =	vpush v7, $0xC  }
0x3f: {  	[tilespmem:s15], [sflag:$0x1] =	stream.linear.gather [hbm4b:s0+s1], $0x400, $0x38;
	[tilespmem:$0x17580] =	vst v63  }
0x40: {  	s19 =	spop (v2sf);
	(v2sf) =	vpush v7, $0xD  }
0x41: {  	s0 =	sand.u32 $0x1FFFFF80, s16  }
0x42: {  	s18 =	simm.s32 $0x9000;
	s0 =	sadd.s32 s2, s0;
	s21 =	spop (v2sf)  }
0x43: {  	(v2sf) =	vpush v7, $0xE;
	[tilespmem:s18], [sflag:$0x1] =	stream.linear.gather [hbm4b:s0+s1], $0x400, $0x38;
	[tilespmem:$0x17580] =	vst v63  }
0x44: {  	s0 =	sand.u32 $0x1FFFFF80, s19  }
0x45: {  	s20 =	simm.s32 $0x9400;
	s23 =	spop (v2sf);
	s0 =	sadd.s32 s2, s0  }
0x46: {  	(v2sf) =	vpush v7, $0xF;
	[tilespmem:s20], [sflag:$0x1] =	stream.linear.gather [hbm4b:s0+s1], $0x400, $0x38;
	[tilespmem:$0x17580] =	vst v63  }
0x47: {  	s0 =	sand.u32 $0x1FFFFF80, s21  }
0x48: {  	s22 =	simm.s32 $0x9800;
	s0 =	sadd.s32 s2, s0  }
0x49: {  	[tilespmem:s22], [sflag:$0x1] =	stream.linear.gather [hbm4b:s0+s1], $0x400, $0x38;
	[tilespmem:$0x17580] =	vst v63  }
0x4a: {  	s0 =	sand.u32 $0x1FFFFF80, s23  }
0x4b: {  	s24 =	simm.s32 $0x9C00;
	s0 =	sadd.s32 s2, s0  }
0x4c: {  	[tilespmem:s24], [sflag:$0x1] =	stream.linear.gather [hbm4b:s0+s1], $0x400, $0x38;
	[tilespmem:$0x17580] =	vst v63  }
0x4d: {  	s25 =	spop (v2sf)  }
0x4e: {  	s0 =	sand.u32 $0x1FFFFF80, s25  }
0x4f: {  	s26 =	simm.s32 $0xA000;
	s28 =	spop (v2sf);
	s0 =	sadd.s32 s2, s0  }
0x50: {  	[tilespmem:s26], [sflag:$0x1] =	stream.linear.gather [hbm4b:s0+s1], $0x400, $0x38;
	[tilespmem:$0x17580] =	vst v63  }
0x51: {  	s0 =	sand.u32 $0x1FFFFF80, s28  }
0x52: {  	s29 =	simm.s32 $0xA400;
	s30 =	spop (v2sf);
	s0 =	sadd.s32 s2, s0  }
0x53: {  	[tilespmem:s29], [sflag:$0x1] =	stream.linear.gather [hbm4b:s0+s1], $0x400, $0x38;
	[tilespmem:$0x17580] =	vst v63  }
0x54: {  	s0 =	sand.u32 $0x1FFFFF80, s30  }
0x55: {  	s31 =	simm.s32 $0xA800;
	s4 =	spop (v2sf);
	s0 =	sadd.s32 s2, s0  }
0x56: {  	[tilespmem:s31], [sflag:$0x1] =	stream.linear.gather [hbm4b:s0+s1], $0x400, $0x38;
	[tilespmem:$0x17580] =	vst v63  }
0x57: {  	s0 =	sand.u32 $0x1FFFFF80, s4  }
0x58: {  	s5 =	simm.s32 $0xAC00;
	s0 =	sadd.s32 s2, s0  }
0x59: {  	[tilespmem:s5], [sflag:$0x1] =	stream.linear.gather [hbm4b:s0+s1], $0x400, $0x38;
	[tilespmem:$0x17580] =	vst v63  }
0x5a: {  	v7 =	vld [tilespmem:$0x10];
	_ =	sdelay $0x4  }
0x5b: {  	v7 =	vshll.u32 v7, $0x7  }
0x5c: {  	(v2sf) =	vpush v7, $0x0;
	_ =	sdelay $0x1  }
0x5d: {  	(v2sf) =	vpush v7, $0x1;
	_ =	sdelay $0x1  }
0x5e: {  	(v2sf) =	vpush v7, $0x2;
	_ =	sdelay $0x2  }
0x5f: {  	(v2sf) =	vpush v7, $0x3;
	_ =	sdelay $0x7  }
0x60: {  	s6 =	spop (v2sf);
	(v2sf) =	vpush v7, $0x4;
	_ =	sdelay $0x1  }
0x61: {  	s8 =	spop (v2sf);
	(v2sf) =	vpush v7, $0x5;
	_ =	sdelay $0x1  }
0x62: {  	s10 =	spop (v2sf);
	(v2sf) =	vpush v7, $0x6;
	_ =	sdelay $0x1  }
0x63: {  	s0 =	sand.u32 $0x1FFFFF80, s6  }
0x64: {  	s7 =	simm.s32 $0xB000;
	s0 =	sadd.s32 s2, s0;
	s14 =	spop (v2sf);
	(v2sf) =	vpush v7, $0x7  }
0x65: {  	[tilespmem:s7], [sflag:$0x1] =	stream.linear.gather [hbm4b:s0+s1], $0x400, $0x38;
	[tilespmem:$0x17580] =	vst v63  }
0x66: {  	s0 =	sand.u32 $0x1FFFFF80, s8  }
0x67: {  	s9 =	simm.s32 $0xB400;
	s0 =	sadd.s32 s2, s0  }
0x68: {  	[tilespmem:s9], [sflag:$0x1] =	stream.linear.gather [hbm4b:s0+s1], $0x400, $0x38;
	[tilespmem:$0x17580] =	vst v63  }
0x69: {  	s0 =	sand.u32 $0x1FFFFF80, s10  }
0x6a: {  	s13 =	simm.s32 $0xB800;
	s0 =	sadd.s32 s2, s0  }
0x6b: {  	[tilespmem:s13], [sflag:$0x1] =	stream.linear.gather [hbm4b:s0+s1], $0x400, $0x38;
	[tilespmem:$0x17580] =	vst v63  }
0x6c: {  	s16 =	spop (v2sf);
	(v2sf) =	vpush v7, $0x8  }
0x6d: {  	s0 =	sand.u32 $0x1FFFFF80, s14  }
0x6e: {  	s15 =	simm.s32 $0xBC00;
	s0 =	sadd.s32 s2, s0;
	s19 =	spop (v2sf);
	(v2sf) =	vpush v7, $0x9  }
0x6f: {  	[tilespmem:s15], [sflag:$0x1] =	stream.linear.gather [hbm4b:s0+s1], $0x400, $0x38;
	[tilespmem:$0x17580] =	vst v63  }
0x70: {  	s0 =	sand.u32 $0x1FFFFF80, s16;
	s21 =	spop (v2sf);
	(v2sf) =	vpush v7, $0xA  }
0x71: {  	s18 =	simm.s32 $0xC000;
	s0 =	sadd.s32 s2, s0  }
0x72: {  	[tilespmem:s18], [sflag:$0x1] =	stream.linear.gather [hbm4b:s0+s1], $0x400, $0x38;
	[tilespmem:$0x17580] =	vst v63  }
0x73: {  	s23 =	spop (v2sf);
	(v2sf) =	vpush v7, $0xB  }
0x74: {  	s0 =	sand.u32 $0x1FFFFF80, s19  }
0x75: {  	s20 =	simm.s32 $0xC400;
	s0 =	sadd.s32 s2, s0  }
0x76: {  	[tilespmem:s20], [sflag:$0x1] =	stream.linear.gather [hbm4b:s0+s1], $0x400, $0x38;
	[tilespmem:$0x17580] =	vst v63  }
0x77: {  	s0 =	sand.u32 $0x1FFFFF80, s21  }
0x78: {  	s22 =	simm.s32 $0xC800;
	s0 =	sadd.s32 s2, s0  }
0x79: {  	[tilespmem:s22], [sflag:$0x1] =	stream.linear.gather [hbm4b:s0+s1], $0x400, $0x38;
	[tilespmem:$0x17580] =	vst v63  }
0x7a: {  	s0 =	sand.u32 $0x1FFFFF80, s23  }
0x7b: {  	s24 =	simm.s32 $0xCC00;
	s0 =	sadd.s32 s2, s0;
	s25 =	spop (v2sf);
	(v2sf) =	vpush v7, $0xC  }
0x7c: {  	[tilespmem:s24], [sflag:$0x1] =	stream.linear.gather [hbm4b:s0+s1], $0x400, $0x38;
	[tilespmem:$0x17580] =	vst v63  }
0x7d: {  	s28 =	spop (v2sf);
	(v2sf) =	vpush v7, $0xD  }
0x7e: {  	s0 =	sand.u32 $0x1FFFFF80, s25  }
0x7f: {  	s26 =	simm.s32 $0xD000;
	s0 =	sadd.s32 s2, s0;
	s30 =	spop (v2sf)  }
0x80: {  	(v2sf) =	vpush v7, $0xE;
	[tilespmem:s26], [sflag:$0x1] =	stream.linear.gather [hbm4b:s0+s1], $0x400, $0x38;
	[tilespmem:$0x17580] =	vst v63  }
0x81: {  	s0 =	sand.u32 $0x1FFFFF80, s28  }
0x82: {  	s29 =	simm.s32 $0xD400;
	s3 =	spop (v2sf);
	s0 =	sadd.s32 s2, s0  }
0x83: {  	(v2sf) =	vpush v7, $0xF;
	[tilespmem:s29], [sflag:$0x1] =	stream.linear.gather [hbm4b:s0+s1], $0x400, $0x38;
	[tilespmem:$0x17580] =	vst v63  }
0x84: {  	s0 =	sand.u32 $0x1FFFFF80, s30  }
0x85: {  	s31 =	simm.s32 $0xD800;
	s0 =	sadd.s32 s2, s0  }
0x86: {  	[tilespmem:s31], [sflag:$0x1] =	stream.linear.gather [hbm4b:s0+s1], $0x400, $0x38;
	[tilespmem:$0x17580] =	vst v63  }
0x87: {  	s0 =	sand.u32 $0x1FFFFF80, s3  }
0x88: {  	s4 =	simm.s32 $0xDC00;
	s0 =	sadd.s32 s2, s0  }
0x89: {  	[tilespmem:s4], [sflag:$0x1] =	stream.linear.gather [hbm4b:s0+s1], $0x400, $0x38;
	[tilespmem:$0x17580] =	vst v63  }
0x8a: {  	s5 =	spop (v2sf)  }
0x8b: {  	s0 =	sand.u32 $0x1FFFFF80, s5  }
0x8c: {  	s6 =	simm.s32 $0xE000;
	s7 =	spop (v2sf);
	s0 =	sadd.s32 s2, s0  }
0x8d: {  	[tilespmem:s6], [sflag:$0x1] =	stream.linear.gather [hbm4b:s0+s1], $0x400, $0x38;
	[tilespmem:$0x17580] =	vst v63  }
0x8e: {  	s0 =	sand.u32 $0x1FFFFF80, s7  }
0x8f: {  	s8 =	simm.s32 $0xE400;
	s9 =	spop (v2sf);
	s0 =	sadd.s32 s2, s0  }
0x90: {  	[tilespmem:s8], [sflag:$0x1] =	stream.linear.gather [hbm4b:s0+s1], $0x400, $0x38;
	[tilespmem:$0x17580] =	vst v63  }
0x91: {  	s0 =	sand.u32 $0x1FFFFF80, s9  }
0x92: {  	s10 =	simm.s32 $0xE800;
	s13 =	spop (v2sf);
	s0 =	sadd.s32 s2, s0  }
0x93: {  	[tilespmem:s10], [sflag:$0x1] =	stream.linear.gather [hbm4b:s0+s1], $0x400, $0x38;
	[tilespmem:$0x17580] =	vst v63  }
0x94: {  	s0 =	sand.u32 $0x1FFFFF80, s13  }
0x95: {  	s14 =	simm.s32 $0xEC00;
	s0 =	sadd.s32 s2, s0  }
0x96: {  	[tilespmem:s14], [sflag:$0x1] =	stream.linear.gather [hbm4b:s0+s1], $0x400, $0x38;
	[tilespmem:$0x17580] =	vst v63  }
0x97: {  	v7 =	vld [tilespmem:$0x80];
	_ =	sdelay $0x4  }
0x98: {  	v7 =	vshll.u32 v7, $0x7  }
0x99: {  	(v2sf) =	vpush v7, $0x0;
	_ =	sdelay $0x1  }
0x9a: {  	(v2sf) =	vpush v7, $0x1;
	_ =	sdelay $0x1  }
0x9b: {  	(v2sf) =	vpush v7, $0x2;
	_ =	sdelay $0x2  }
0x9c: {  	(v2sf) =	vpush v7, $0x3;
	_ =	sdelay $0x7  }
0x9d: {  	s15 =	spop (v2sf);
	(v2sf) =	vpush v7, $0x4;
	_ =	sdelay $0x1  }
0x9e: {  	s16 =	spop (v2sf);
	(v2sf) =	vpush v7, $0x5;
	_ =	sdelay $0x1  }
0x9f: {  	s19 =	spop (v2sf);
	(v2sf) =	vpush v7, $0x6;
	_ =	sdelay $0x1  }
0xa0: {  	s0 =	sand.u32 $0x1FFFFF80, s15  }
0xa1: {  	s0 =	sadd.s32 s2, s0;
	s21 =	spop (v2sf);
	(v2sf) =	vpush v7, $0x7  }
0xa2: {  	[tilespmem:s17], [sflag:$0x2] =	stream.linear.gather [hbm4b:s0+s1], $0x400, $0x38;
	[tilespmem:$0x17580] =	vst v63  }
0xa3: {  	s0 =	sand.u32 $0x1FFFFF80, s16  }
0xa4: {  	s18 =	simm.s32 $0xF400;
	s0 =	sadd.s32 s2, s0  }
0xa5: {  	[tilespmem:s18], [sflag:$0x2] =	stream.linear.gather [hbm4b:s0+s1], $0x400, $0x38;
	[tilespmem:$0x17580] =	vst v63  }
0xa6: {  	s0 =	sand.u32 $0x1FFFFF80, s19  }
0xa7: {  	s20 =	simm.s32 $0xF800;
	s0 =	sadd.s32 s2, s0  }
0xa8: {  	[tilespmem:s20], [sflag:$0x2] =	stream.linear.gather [hbm4b:s0+s1], $0x400, $0x38;
	[tilespmem:$0x17580] =	vst v63  }
0xa9: {  	s23 =	spop (v2sf);
	(v2sf) =	vpush v7, $0x8  }
0xaa: {  	s0 =	sand.u32 $0x1FFFFF80, s21  }
0xab: {  	s22 =	simm.s32 $0xFC00;
	s0 =	sadd.s32 s2, s0;
	s25 =	spop (v2sf);
	(v2sf) =	vpush v7, $0x9  }
0xac: {  	[tilespmem:s22], [sflag:$0x2] =	stream.linear.gather [hbm4b:s0+s1], $0x400, $0x38;
	[tilespmem:$0x17580] =	vst v63  }
0xad: {  	s0 =	sand.u32 $0x1FFFFF80, s23;
	s28 =	spop (v2sf);
	(v2sf) =	vpush v7, $0xA  }
0xae: {  	s24 =	simm.s32 $0x10000;
	s0 =	sadd.s32 s2, s0  }
0xaf: {  	[tilespmem:s24], [sflag:$0x2] =	stream.linear.gather [hbm4b:s0+s1], $0x400, $0x38;
	[tilespmem:$0x17580] =	vst v63  }
0xb0: {  	s30 =	spop (v2sf);
	(v2sf) =	vpush v7, $0xB  }
0xb1: {  	s0 =	sand.u32 $0x1FFFFF80, s25  }
0xb2: {  	s26 =	simm.s32 $0x10400;
	s0 =	sadd.s32 s2, s0  }
0xb3: {  	[tilespmem:s26], [sflag:$0x2] =	stream.linear.gather [hbm4b:s0+s1], $0x400, $0x38;
	[tilespmem:$0x17580] =	vst v63  }
0xb4: {  	s0 =	sand.u32 $0x1FFFFF80, s28  }
0xb5: {  	s29 =	simm.s32 $0x10800;
	s0 =	sadd.s32 s2, s0  }
0xb6: {  	[tilespmem:s29], [sflag:$0x2] =	stream.linear.gather [hbm4b:s0+s1], $0x400, $0x38;
	[tilespmem:$0x17580] =	vst v63  }
0xb7: {  	s0 =	sand.u32 $0x1FFFFF80, s30  }
0xb8: {  	s31 =	simm.s32 $0x10C00;
	s0 =	sadd.s32 s2, s0;
	s4 =	spop (v2sf);
	(v2sf) =	vpush v7, $0xC  }
0xb9: {  	[tilespmem:s31], [sflag:$0x2] =	stream.linear.gather [hbm4b:s0+s1], $0x400, $0x38;
	[tilespmem:$0x17580] =	vst v63  }
0xba: {  	s6 =	spop (v2sf);
	(v2sf) =	vpush v7, $0xD  }
0xbb: {  	s0 =	sand.u32 $0x1FFFFF80, s4  }
0xbc: {  	s5 =	simm.s32 $0x11000;
	s0 =	sadd.s32 s2, s0;
	s8 =	spop (v2sf)  }
0xbd: {  	(v2sf) =	vpush v7, $0xE;
	[tilespmem:s5], [sflag:$0x2] =	stream.linear.gather [hbm4b:s0+s1], $0x400, $0x38;
	[tilespmem:$0x17580] =	vst v63  }
0xbe: {  	s0 =	sand.u32 $0x1FFFFF80, s6  }
0xbf: {  	s7 =	simm.s32 $0x11400;
	s10 =	spop (v2sf);
	s0 =	sadd.s32 s2, s0  }
0xc0: {  	(v2sf) =	vpush v7, $0xF;
	[tilespmem:s7], [sflag:$0x2] =	stream.linear.gather [hbm4b:s0+s1], $0x400, $0x38;
	[tilespmem:$0x17580] =	vst v63  }
0xc1: {  	s0 =	sand.u32 $0x1FFFFF80, s8  }
0xc2: {  	s9 =	simm.s32 $0x11800;
	s0 =	sadd.s32 s2, s0  }
0xc3: {  	[tilespmem:s9], [sflag:$0x2] =	stream.linear.gather [hbm4b:s0+s1], $0x400, $0x38;
	[tilespmem:$0x17580] =	vst v63  }
0xc4: {  	s0 =	sand.u32 $0x1FFFFF80, s10  }
0xc5: {  	s13 =	simm.s32 $0x11C00;
	s0 =	sadd.s32 s2, s0  }
0xc6: {  	[tilespmem:s13], [sflag:$0x2] =	stream.linear.gather [hbm4b:s0+s1], $0x400, $0x38;
	[tilespmem:$0x17580] =	vst v63  }
0xc7: {  	s14 =	spop (v2sf)  }
0xc8: {  	s0 =	sand.u32 $0x1FFFFF80, s14  }
0xc9: {  	s15 =	simm.s32 $0x12000;
	s16 =	spop (v2sf);
	s0 =	sadd.s32 s2, s0  }
0xca: {  	[tilespmem:s15], [sflag:$0x2] =	stream.linear.gather [hbm4b:s0+s1], $0x400, $0x38;
	[tilespmem:$0x17580] =	vst v63  }
0xcb: {  	s0 =	sand.u32 $0x1FFFFF80, s16  }
0xcc: {  	s18 =	simm.s32 $0x12400;
	s19 =	spop (v2sf);
	s0 =	sadd.s32 s2, s0  }
0xcd: {  	[tilespmem:s18], [sflag:$0x2] =	stream.linear.gather [hbm4b:s0+s1], $0x400, $0x38;
	[tilespmem:$0x17580] =	vst v63  }
0xce: {  	s0 =	sand.u32 $0x1FFFFF80, s19  }
0xcf: {  	s20 =	simm.s32 $0x12800;
	s21 =	spop (v2sf);
	s0 =	sadd.s32 s2, s0  }
0xd0: {  	[tilespmem:s20], [sflag:$0x2] =	stream.linear.gather [hbm4b:s0+s1], $0x400, $0x38;
	[tilespmem:$0x17580] =	vst v63  }
0xd1: {  	s0 =	sand.u32 $0x1FFFFF80, s21  }
0xd2: {  	s22 =	simm.s32 $0x12C00;
	s0 =	sadd.s32 s2, s0  }
0xd3: {  	[tilespmem:s22], [sflag:$0x2] =	stream.linear.gather [hbm4b:s0+s1], $0x400, $0x38;
	[tilespmem:$0x17580] =	vst v63  }
0xd4: {  	v7 =	vld [tilespmem:$0x90];
	_ =	sdelay $0x4  }
0xd5: {  	v7 =	vshll.u32 v7, $0x7  }
0xd6: {  	(v2sf) =	vpush v7, $0x0;
	_ =	sdelay $0x1  }
0xd7: {  	(v2sf) =	vpush v7, $0x1;
	_ =	sdelay $0x1  }
0xd8: {  	(v2sf) =	vpush v7, $0x2;
	_ =	sdelay $0x2  }
0xd9: {  	(v2sf) =	vpush v7, $0x3;
	_ =	sdelay $0x7  }
0xda: {  	s23 =	spop (v2sf);
	(v2sf) =	vpush v7, $0x4;
	_ =	sdelay $0x1  }
0xdb: {  	s25 =	spop (v2sf);
	(v2sf) =	vpush v7, $0x5;
	_ =	sdelay $0x1  }
0xdc: {  	s28 =	spop (v2sf);
	(v2sf) =	vpush v7, $0x6;
	_ =	sdelay $0x1  }
0xdd: {  	s0 =	sand.u32 $0x1FFFFF80, s23  }
0xde: {  	s24 =	simm.s32 $0x13000;
	s0 =	sadd.s32 s2, s0;
	s30 =	spop (v2sf);
	(v2sf) =	vpush v7, $0x7  }
0xdf: {  	[tilespmem:s24], [sflag:$0x2] =	stream.linear.gather [hbm4b:s0+s1], $0x400, $0x38;
	[tilespmem:$0x17580] =	vst v63  }
0xe0: {  	s0 =	sand.u32 $0x1FFFFF80, s25  }
0xe1: {  	s26 =	simm.s32 $0x13400;
	s0 =	sadd.s32 s2, s0  }
0xe2: {  	[tilespmem:s26], [sflag:$0x2] =	stream.linear.gather [hbm4b:s0+s1], $0x400, $0x38;
	[tilespmem:$0x17580] =	vst v63  }
0xe3: {  	s0 =	sand.u32 $0x1FFFFF80, s28  }
0xe4: {  	s29 =	simm.s32 $0x13800;
	s0 =	sadd.s32 s2, s0  }
0xe5: {  	[tilespmem:s29], [sflag:$0x2] =	stream.linear.gather [hbm4b:s0+s1], $0x400, $0x38;
	[tilespmem:$0x17580] =	vst v63  }
0xe6: {  	s4 =	spop (v2sf);
	(v2sf) =	vpush v7, $0x8  }
0xe7: {  	s0 =	sand.u32 $0x1FFFFF80, s30  }
0xe8: {  	s31 =	simm.s32 $0x13C00;
	s0 =	sadd.s32 s2, s0;
	s6 =	spop (v2sf);
	(v2sf) =	vpush v7, $0x9  }
0xe9: {  	[tilespmem:s31], [sflag:$0x2] =	stream.linear.gather [hbm4b:s0+s1], $0x400, $0x38;
	[tilespmem:$0x17580] =	vst v63  }
0xea: {  	s0 =	sand.u32 $0x1FFFFF80, s4;
	s8 =	spop (v2sf);
	(v2sf) =	vpush v7, $0xA  }
0xeb: {  	s5 =	simm.s32 $0x14000;
	s0 =	sadd.s32 s2, s0  }
0xec: {  	[tilespmem:s5], [sflag:$0x2] =	stream.linear.gather [hbm4b:s0+s1], $0x400, $0x38;
	[tilespmem:$0x17580] =	vst v63  }
0xed: {  	s10 =	spop (v2sf);
	(v2sf) =	vpush v7, $0xB  }
0xee: {  	s0 =	sand.u32 $0x1FFFFF80, s6  }
0xef: {  	s7 =	simm.s32 $0x14400;
	s0 =	sadd.s32 s2, s0  }
0xf0: {  	[tilespmem:s7], [sflag:$0x2] =	stream.linear.gather [hbm4b:s0+s1], $0x400, $0x38;
	[tilespmem:$0x17580] =	vst v63  }
0xf1: {  	s0 =	sand.u32 $0x1FFFFF80, s8  }
0xf2: {  	s9 =	simm.s32 $0x14800;
	s0 =	sadd.s32 s2, s0  }
0xf3: {  	[tilespmem:s9], [sflag:$0x2] =	stream.linear.gather [hbm4b:s0+s1], $0x400, $0x38;
	[tilespmem:$0x17580] =	vst v63  }
0xf4: {  	s0 =	sand.u32 $0x1FFFFF80, s10  }
0xf5: {  	s13 =	simm.s32 $0x14C00;
	s0 =	sadd.s32 s2, s0;
	s14 =	spop (v2sf);
	(v2sf) =	vpush v7, $0xC  }
0xf6: {  	[tilespmem:s13], [sflag:$0x2] =	stream.linear.gather [hbm4b:s0+s1], $0x400, $0x38;
	[tilespmem:$0x17580] =	vst v63  }
0xf7: {  	s16 =	spop (v2sf);
	(v2sf) =	vpush v7, $0xD  }
0xf8: {  	s0 =	sand.u32 $0x1FFFFF80, s14  }
0xf9: {  	s15 =	simm.s32 $0x15000;
	s0 =	sadd.s32 s2, s0;
	s19 =	spop (v2sf)  }
0xfa: {  	(v2sf) =	vpush v7, $0xE;
	[tilespmem:s15], [sflag:$0x2] =	stream.linear.gather [hbm4b:s0+s1], $0x400, $0x38;
	[tilespmem:$0x17580] =	vst v63  }
0xfb: {  	s0 =	sand.u32 $0x1FFFFF80, s16  }
0xfc: {  	s18 =	simm.s32 $0x15400;
	s21 =	spop (v2sf);
	s0 =	sadd.s32 s2, s0  }
0xfd: {  	(v2sf) =	vpush v7, $0xF;
	[tilespmem:s18], [sflag:$0x2] =	stream.linear.gather [hbm4b:s0+s1], $0x400, $0x38;
	[tilespmem:$0x17580] =	vst v63  }
0xfe: {  	s0 =	sand.u32 $0x1FFFFF80, s19  }
0xff: {  	s20 =	simm.s32 $0x15800;
	s0 =	sadd.s32 s2, s0  }
0x100: {  	[tilespmem:s20], [sflag:$0x2] =	stream.linear.gather [hbm4b:s0+s1], $0x400, $0x38;
	[tilespmem:$0x17580] =	vst v63  }
0x101: {  	s0 =	sand.u32 $0x1FFFFF80, s21  }
0x102: {  	s22 =	simm.s32 $0x15C00;
	s0 =	sadd.s32 s2, s0  }
0x103: {  	[tilespmem:s22], [sflag:$0x2] =	stream.linear.gather [hbm4b:s0+s1], $0x400, $0x38;
	[tilespmem:$0x17580] =	vst v63  }
0x104: {  	s23 =	spop (v2sf)  }
0x105: {  	s0 =	sand.u32 $0x1FFFFF80, s23  }
0x106: {  	s24 =	simm.s32 $0x16000;
	s25 =	spop (v2sf);
	s0 =	sadd.s32 s2, s0  }
0x107: {  	[tilespmem:s24], [sflag:$0x2] =	stream.linear.gather [hbm4b:s0+s1], $0x400, $0x38;
	[tilespmem:$0x17580] =	vst v63  }
0x108: {  	s0 =	sand.u32 $0x1FFFFF80, s25  }
0x109: {  	s26 =	simm.s32 $0x16400;
	s28 =	spop (v2sf);
	s0 =	sadd.s32 s2, s0  }
0x10a: {  	[tilespmem:s26], [sflag:$0x2] =	stream.linear.gather [hbm4b:s0+s1], $0x400, $0x38;
	[tilespmem:$0x17580] =	vst v63  }
0x10b: {  	s0 =	sand.u32 $0x1FFFFF80, s28  }
0x10c: {  	s29 =	simm.s32 $0x16800;
	s30 =	spop (v2sf);
	s0 =	sadd.s32 s2, s0  }
0x10d: {  	[tilespmem:s29], [sflag:$0x2] =	stream.linear.gather [hbm4b:s0+s1], $0x400, $0x38;
	[tilespmem:$0x17580] =	vst v63  }
0x10e: {  	s0 =	sand.u32 $0x1FFFFF80, s30  }
0x10f: {  	s31 =	simm.s32 $0x16C00;
	s0 =	sadd.s32 s2, s0;
	s2 =	simm.s32 $0x0  }
0x110: {  	[tilespmem:s31], [sflag:$0x2] =	stream.linear.gather [hbm4b:s0+s1], $0x400, $0x38;
	[tilespmem:$0x17580] =	vst v63  }
.LBB2_2:
0x111: {  	s1 =	simm.s32 $0x1;
	s0 =	sshll.u32 s2, $0xA;
	s30 =	sshll.u32 s2, $0x6  }
0x112: {  	p0 =	slt.u32 s2, $0x2;
	s29 =	simm.s32 $0x0;
	p1 =	por $0x1, $0x1  }
0x113: {  	_ =	swait.ge [sflag:s1], $0x8000;
	s0 =	sshrl.u32 s0, $0x2;
	[dreg:$0xb] =	wrdreg s30  }
0x114: {  	[sflag:s1] =	ssyncset.done $0x0;
	[dreg:$0xa] =	wrdreg s0;
	s0 =	sadd.s32 $0x1800, s0  }
0x115: {  	s31 =	simm.s32 $0x0;
	[dreg:$0x9] =	wrdreg s2;
	[sflag:s1] =	ssyncadd.s32 $0xFFFF8000;
	v7 =	vmov s0  }
.LBB2_3:
0x116: {  	s0 =	rddreg [dreg:$0xb]  }
0x117: {  	s0 =	sor.u32 s0, s31  }
0x118: {  	v8 =	vmov s0  }
0x119: {  	v8 =	vbroadcast v8, $0x0;
	_ =	sdelay $0x1  }
0x11a: {  	v9 =	vadd.s32 v1, v8  }
0x11b: {  	(v2sf) =	vpush v9, $0xD;
	_ =	sdelay $0x1  }
0x11c: {  	(v2sf) =	vpush v9, $0xC;
	_ =	sdelay $0x1  }
0x11d: {  	(v2sf) =	vpush v9, $0xE;
	_ =	sdelay $0x1  }
0x11e: {  	(v2sf) =	vpush v9, $0xF;
	_ =	sdelay $0x1  }
0x11f: {  	(v2sf) =	vpush v9, $0x9;
	_ =	sdelay $0x1  }
0x120: {  	(v2sf) =	vpush v9, $0x8;
	_ =	sdelay $0x1  }
0x121: {  	(v2sf) =	vpush v9, $0xA;
	_ =	sdelay $0x1  }
0x122: {  	(v2sf) =	vpush v9, $0xB  }
0x123: {  	s30 =	spop (v2sf)  }
0x124: {  	[dreg:$0xd] =	wrdreg s0;
	(v2sf) =	vpush v9, $0x0;
	s1 =	smulhi.u32 $0x66666667, s30;
	s0 =	sshra.s32 s30, $0x1F  }
0x125: {  	s4 =	spop (v2sf);
	s0 =	smul.u32 $0x66666667, s0  }
0x126: {  	(v2sf) =	vpush v9, $0x1;
	s5 =	smulhi.u32 $0x66666667, s4;
	s4 =	sshra.s32 s4, $0x1F  }
0x127: {  	s6 =	spop (v2sf);
	s4 =	smul.u32 $0x66666667, s4  }
0x128: {  	(v2sf) =	vpush v9, $0x2;
	s7 =	smulhi.u32 $0x66666667, s6;
	s6 =	sshra.s32 s6, $0x1F  }
0x129: {  	s8 =	spop (v2sf);
	s6 =	smul.u32 $0x66666667, s6  }
0x12a: {  	(v2sf) =	vpush v9, $0x3;
	s9 =	smulhi.u32 $0x66666667, s8;
	s8 =	sshra.s32 s8, $0x1F  }
0x12b: {  	(v2sf) =	vpush v9, $0x4;
	s10 =	spop (v2sf);
	s8 =	smul.u32 $0x66666667, s8  }
0x12c: {  	(v2sf) =	vpush v9, $0x5;
	s14 =	smulhi.u32 $0x66666667, s10;
	s10 =	sshra.s32 s10, $0x1F  }
0x12d: {  	(v2sf) =	vpush v9, $0x6;
	s13 =	spop (v2sf);
	s15 =	smul.u32 $0x66666667, s10  }
0x12e: {  	(v2sf) =	vpush v9, $0x7;
	s18 =	smulhi.u32 $0x66666667, s13;
	s13 =	sshra.s32 s13, $0x1F  }
0x12f: {  	s2 =	spop (v2sf);
	s20 =	smul.u32 $0x66666667, s13  }
0x130: {  	s22 =	smulhi.u32 $0x66666667, s2;
	s10 =	sshra.s32 s2, $0x1F  }
0x131: {  	s16 =	spop (v2sf);
	s24 =	smul.u32 $0x66666667, s10  }
0x132: {  	s5 =	sadd.s32 s4, s5;
	s25 =	smulhi.u32 $0x66666667, s16;
	s3 =	sshra.s32 s16, $0x1F  }
0x133: {  	s7 =	sadd.s32 s6, s7;
	s19 =	spop (v2sf);
	s2 =	smul.u32 $0x66666667, s3  }
0x134: {  	[dreg:$0xf] =	wrdreg s7;
	s28 =	smulhi.u32 $0x66666667, s19;
	s19 =	sshra.s32 s19, $0x1F  }
0x135: {  	s10 =	sadd.s32 s0, s1;
	s21 =	spop (v2sf);
	s19 =	smul.u32 $0x66666667, s19  }
0x136: {  	s1 =	sadd.s32 s8, s9;
	s30 =	smulhi.u32 $0x66666667, s21;
	s4 =	sshra.s32 s21, $0x1F  }
0x137: {  	s8 =	sadd.s32 s15, s14;
	s23 =	spop (v2sf);
	s6 =	smul.u32 $0x66666667, s4  }
0x138: {  	s21 =	sshrl.u32 s10, $0x1F;
	s0 =	smulhi.u32 $0x66666667, s23;
	s9 =	sshra.s32 s23, $0x1F  }
0x139: {  	s23 =	sshrl.u32 s5, $0x1F;
	s4 =	sadd.s32 s2, s25;
	s26 =	spop (v2sf)  }
0x13a: {  	s5 =	sshra.s32 s5, $0x2;
	s14 =	smul.u32 $0x66666667, s9;
	s16 =	spop (v2sf)  }
0x13b: {  	s9 =	sadd.s32 s20, s18;
	s18 =	sshrl.u32 s7, $0x1F;
	s3 =	spop (v2sf)  }
0x13c: {  	s15 =	smulhi.u32 $0x66666667, s26;
	s20 =	sshra.s32 s26, $0x1F;
	s13 =	spop (v2sf)  }
0x13d: {  	s7 =	sadd.s32 s24, s22;
	s20 =	smul.u32 $0x66666667, s20;
	s25 =	spop (v2sf)  }
0x13e: {  	s19 =	sadd.s32 s19, s28;
	s24 =	smulhi.u32 $0x66666667, s25;
	s22 =	sshra.s32 s25, $0x1F  }
0x13f: {  	s0 =	sadd.s32 s14, s0;
	s14 =	sshrl.u32 s4, $0x1F;
	s28 =	smul.u32 $0x66666667, s22  }
0x140: {  	v11 =	vmov s23;
	s23 =	sshrl.u32 s0, $0x1F;
	s2 =	smulhi.u32 $0x66666667, s16;
	s26 =	sshra.s32 s16, $0x1F  }
0x141: {  	s25 =	sadd.s32 s6, s30;
	s30 =	smul.u32 $0x66666667, s26;
	s6 =	sadd.s32 s28, s24  }
0x142: {  	v11 =	vsel vm0, s21, v11;
	s16 =	sshrl.u32 s9, $0x1F;
	s21 =	smulhi.u32 $0x66666667, s3;
	s28 =	sshra.s32 s6, $0x1F  }
0x143: {  	s3 =	sshra.s32 s3, $0x1F;
	s2 =	sadd.s32 s30, s2;
	s30 =	sshra.s32 s19, $0x2;
	v10 =	vmov s28  }
0x144: {  	vm9 =	vcmask $0x704;
	s15 =	sadd.s32 s20, s15;
	s24 =	sshrl.u32 s19, $0x1F;
	s19 =	sshra.s32 s19, $0x1F;
	v10 =	vsel vm3, s30, v10  }
0x145: {  	v13 =	vmov s16;
	s20 =	sshrl.u32 s7, $0x1F;
	s3 =	smul.u32 $0x66666667, s3;
	v12 =	vmov s24;
	s30 =	sshra.s32 s25, $0x2;
	v10 =	vsel vm9, s19, v10  }
0x146: {  	s26 =	sshrl.u32 s8, $0x1F;
	s28 =	sshrl.u32 s25, $0x1F;
	v12 =	vnsel vm3, $0x0, v12;
	s25 =	sshra.s32 s25, $0x1F;
	vm9 =	vcmask $0xF0C;
	v10 =	vsel vm0, s30, v10  }
0x147: {  	v13 =	vsel vm0, s26, v13;
	v12 =	vsel vm0, s28, v12;
	s28 =	smulhi.u32 $0x66666667, s13;
	s13 =	sshra.s32 s13, $0x1F;
	s30 =	sshra.s32 s0, $0x2;
	v10 =	vsel vm9, s25, v10  }
0x148: {  	v11 =	vsel vm1, s18, v11;
	s22 =	sshrl.u32 s1, $0x1F;
	v13 =	vsel vm1, s20, v13;
	s13 =	smul.u32 $0x66666667, s13;
	s0 =	sshra.s32 s0, $0x1F;
	v10 =	vsel vm1, s30, v10  }
0x149: {  	s18 =	sshra.s32 s10, $0x2;
	s9 =	sshra.s32 s9, $0x2;
	v11 =	vsel vm2, s22, v11;
	v13 =	vsel vm2, s14, v13;
	s25 =	sshra.s32 s15, $0x2;
	v10 =	vsel vm11, s0, v10  }
0x14a: {  	v14 =	vmov s9;
	s3 =	sadd.s32 s3, s21;
	v11 =	vcombine.low v13, v11;
	s13 =	sadd.s32 s13, s28;
	s28 =	sshra.s32 s15, $0x1F;
	v10 =	vsel vm2, s25, v10  }
0x14b: {  	s21 =	rddreg [dreg:$0xf];
	v13 =	vmov s5;
	v12 =	vsel vm1, s23, v12;
	s23 =	sshrl.u32 s15, $0x1F;
	s15 =	sshra.s32 s2, $0x2;
	v10 =	vsel vm12, s28, v10  }
0x14c: {  	s16 =	sshra.s32 s2, $0x1F;
	s24 =	sshrl.u32 s2, $0x1F;
	v13 =	vsel vm0, s18, v13;
	s19 =	sshra.s32 s8, $0x2;
	v12 =	vsel vm2, s23, v12;
	v10 =	vsel vm4, s15, v10  }
0x14d: {  	s26 =	sshrl.u32 s3, $0x1F;
	s20 =	sshra.s32 s3, $0x2;
	s22 =	sshra.s32 s7, $0x2;
	v14 =	vsel vm0, s19, v14;
	v12 =	vsel vm4, s24, v12;
	v10 =	vsel vm13, s16, v10  }
0x14e: {  	s23 =	sshra.s32 s3, $0x1F;
	s2 =	sshra.s32 s21, $0x2;
	v14 =	vsel vm1, s22, v14;
	s24 =	sshra.s32 s4, $0x2;
	v12 =	vsel vm5, s26, v12;
	v10 =	vsel vm5, s20, v10  }
0x14f: {  	s1 =	sshra.s32 s1, $0x2;
	s30 =	sshrl.u32 s13, $0x1F;
	v13 =	vsel vm1, s2, v13;
	v14 =	vsel vm2, s24, v14;
	s25 =	sshra.s32 s13, $0x2;
	v10 =	vsel vm14, s23, v10  }
0x150: {  	s26 =	sshrl.u32 s6, $0x1F;
	v12 =	vsel vm6, s30, v12;
	v13 =	vsel vm2, s1, v13;
	s28 =	sshra.s32 s13, $0x1F;
	v10 =	vsel vm6, s25, v10  }
0x151: {  	s30 =	sshra.s32 s6, $0x2;
	v12 =	vsel vm7, s26, v12;
	v13 =	vcombine.low v14, v13;
	v10 =	vsel vm15, s28, v10  }
0x152: {  	v11 =	vperm.xlane v11, v2;
	v12 =	vperm.xlane v12, v3;
	v10 =	vsel vm7, s30, v10  }
0x153: {  	v13 =	vperm.xlane v13, v2;
	v10 =	vperm.xlane v10, v3;
	_ =	sdelay $0x1  }
0x154: {  	v11 =	vsel vm8, v12, v11;
	v10 =	vsel vm8, v10, v13  }
0x155: {  	v10 =	vadd.s32 v11, v10;
	v11 =	vld.idx.msk [tilespmem:v7+s31+$0x0 ss:$0x1], $0xffff  }
0x156: {  	v12 =	vmul.u32 $0xFFFFFFF6, v10  }
0x157: {  	v13 =	vsub.s32 v5, v8  }
0x158: {  	vm9 =	vlt.s32 v9, $0x1;
	vm10 =	vne.s32 v12, v13  }
0x159: {  	v8 =	vor.u32 v0, v8;
	v12 =	vmov s31;
	vm9 =	vmand vm9, vm10  }
0x15a: {  	v12 =	vshll.u32 v12, $0xA;
	v9 =	vsel vm9, $0xFFFFFFFF, v6;
	v11 =	vshll.u32 v11, $0x1  }
0x15b: {  	v9 =	vadd.s32 v9, v10;
	v10 =	vor.u32 v4, v12;
	v11 =	vand.u32 $0xFFFFFF80, v11  }
0x15c: {  	v8 =	vpsel p0, v8, v9;
	v26 =	vadd.s32 v10, v11  }
0x15d: {  	v28 =	vshll.u32 v8, $0x7;
	v8 =	vor.u32 s29, v26  }
0x15e: {  	v23 =	vor.u32 $0x1, v26;
	v9 =	vor.u32 s29, v28  }
0x15f: {  	v20 =	vor.u32 $0x2, v26;
	v12 =	vor.u32 s29, v23  }
0x160: {  	v25 =	vor.u32 $0x1, v28;
	v14 =	vor.u32 s29, v20  }
0x161: {  	v11 =	vor.u32 $0x4, v26;
	v13 =	vor.u32 s29, v25  }
0x162: {  	v18 =	vor.u32 $0x2, v28;
	v30 =	vor.u32 s29, v11;
	v21 =	vld.idx.msk [tilespmem:v8+s12+$0x0], $0xffff  }
0x163: {  	v15 =	vor.u32 $0x3, v28;
	v8 =	vor.u32 s29, v18;
	v22 =	vld.idx.msk [tilespmem:v9+s11+$0x0], $0xffff  }
0x164: {  	v10 =	vor.u32 $0x3, v26;
	v27 =	vor.u32 s29, v15;
	v24 =	vld.idx.msk [tilespmem:v12+s12+$0x0], $0xffff  }
0x165: {  	v17 =	vor.u32 $0x5, v28;
	v9 =	vor.u32 s29, v10;
	v31 =	vld.idx.msk [tilespmem:v14+s12+$0x0], $0xffff  }
0x166: {  	v16 =	vor.u32 $0x4, v28;
	v35 =	vor.u32 s29, v17;
	v29 =	vld.idx.msk [tilespmem:v13+s11+$0x0], $0xffff  }
0x167: {  	v19 =	vor.u32 $0x6, v28;
	v14 =	vor.u32 s29, v16;
	v38 =	vld.idx.msk [tilespmem:v30+s12+$0x0], $0xffff  }
0x168: {  	v39 =	vor.u32 s29, v19;
	v12 =	vor.u32 $0x5, v26;
	v30 =	vor.u32 $0x9, v28;
	v32 =	vld.idx.msk [tilespmem:v8+s11+$0x0], $0xffff  }
0x169: {  	v33 =	vor.u32 s29, v12;
	v13 =	vor.u32 $0x6, v26;
	v36 =	vld.idx.msk [tilespmem:v27+s11+$0x0], $0xffff;
	v21 =	vmul.f32 v22, v21  }
0x16a: {  	v27 =	vimm.f32 $0.0e+00;
	v57 =	vor.u32 s29, v30;
	v37 =	vor.u32 s29, v13;
	v34 =	vld.idx.msk [tilespmem:v9+s12+$0x0], $0xffff  }
0x16b: {  	v35 =	vld.idx.msk [tilespmem:v35+s11+$0x0], $0xffff;
	v9 =	vor.u32 $0x7, v26;
	v24 =	vmul.f32 v29, v24;
	v21 =	vadd.f32 v21, v27  }
0x16c: {  	v8 =	vor.u32 $0x8, v26;
	v22 =	vor.u32 $0x7, v28;
	v40 =	vld.idx.msk [tilespmem:v14+s11+$0x0], $0xffff;
	v41 =	vor.u32 s29, v9  }
0x16d: {  	v39 =	vld.idx.msk [tilespmem:v39+s11+$0x0], $0xffff;
	v29 =	vor.u32 s29, v22;
	v24 =	vadd.f32 v24, v21;
	v31 =	vmul.f32 v32, v31  }
0x16e: {  	v14 =	vor.u32 $0x9, v26;
	v42 =	vor.u32 s29, v8;
	v33 =	vld.idx.msk [tilespmem:v33+s12+$0x0], $0xffff;
	v27 =	vor.u32 $0x8, v28  }
0x16f: {  	v37 =	vld.idx.msk [tilespmem:v37+s12+$0x0], $0xffff;
	v43 =	vor.u32 s29, v27;
	v34 =	vmul.f32 v36, v34;
	v31 =	vadd.f32 v31, v24  }
0x170: {  	v44 =	vor.u32 s29, v14;
	v50 =	vld.idx.msk [tilespmem:v57+s11+$0x0], $0xffff;
	v21 =	vor.u32 $0xA, v26;
	v32 =	vor.u32 $0xA, v28  }
0x171: {  	v46 =	vor.u32 s29, v21;
	v38 =	vmul.f32 v40, v38;
	v41 =	vld.idx.msk [tilespmem:v41+s12+$0x0], $0xffff;
	v31 =	vadd.f32 v34, v31  }
0x172: {  	v58 =	vor.u32 s29, v32;
	v24 =	vor.u32 $0xB, v26;
	v45 =	vld.idx.msk [tilespmem:v29+s11+$0x0], $0xffff;
	v29 =	vor.u32 $0xC, v26  }
0x173: {  	v42 =	vld.idx.msk [tilespmem:v42+s12+$0x0], $0xffff;
	v33 =	vmul.f32 v35, v33;
	v59 =	vor.u32 s29, v24;
	v38 =	vadd.f32 v38, v31  }
0x174: {  	v48 =	vor.u32 s29, v29;
	v37 =	vmul.f32 v39, v37;
	v34 =	vor.u32 $0xB, v28;
	v47 =	vld.idx.msk [tilespmem:v43+s11+$0x0], $0xffff  }
0x175: {  	v49 =	vld.idx.msk [tilespmem:v44+s12+$0x0], $0xffff;
	v60 =	vor.u32 s29, v34;
	v31 =	vor.u32 $0xD, v26;
	v38 =	vadd.f32 v33, v38  }
0x176: {  	v36 =	vor.u32 $0xD, v28;
	v35 =	vor.u32 $0xC, v28;
	v53 =	vld.idx.msk [tilespmem:v46+s12+$0x0], $0xffff;
	v51 =	vor.u32 s29, v31  }
0x177: {  	v61 =	vor.u32 s29, v35;
	v54 =	vld.idx.msk [tilespmem:v58+s11+$0x0], $0xffff;
	v62 =	vmul.f32 v45, v41;
	v37 =	vadd.f32 v37, v38  }
0x178: {  	v63 =	vor.u32 s29, v36;
	v39 =	vor.u32 $0xE, v28;
	v33 =	vor.u32 $0xE, v26;
	v40 =	vld.idx.msk [tilespmem:v59+s12+$0x0], $0xffff  }
0x179: {  	v41 =	vld.idx.msk [tilespmem:v48+s12+$0x0], $0xffff;
	v55 =	vor.u32 s29, v33;
	v42 =	vmul.f32 v47, v42;
	v52 =	vadd.f32 v62, v37  }
0x17a: {  	v50 =	vmul.f32 v50, v49;
	v48 =	vor.u32 s29, v39;
	v43 =	vld.idx.msk [tilespmem:v60+s11+$0x0], $0xffff;
	v37 =	vor.u32 $0xF, v26  }
0x17b: {  	v38 =	vor.u32 $0xF, v28;
	v52 =	vadd.f32 v42, v52;
	v42 =	vld.idx.msk [tilespmem:v51+s12+$0x0], $0xffff;
	v51 =	vor.u32 s29, v37  }
0x17c: {  	s31 =	simm.s32 $0x10;
	v44 =	vld.idx.msk [tilespmem:v61+s11+$0x0], $0xffff;
	v47 =	vor.u32 s29, v38  }
0x17d: {  	v49 =	vor.u32 s31, v26;
	v46 =	vld.idx.msk [tilespmem:v63+s11+$0x0], $0xffff;
	v53 =	vmul.f32 v54, v53;
	v52 =	vadd.f32 v50, v52  }
0x17e: {  	p2 =	por p1, p1;
	s1 =	simm.s32 $0x20;
	v45 =	vld.idx.msk [tilespmem:v55+s12+$0x0], $0xffff;
	v50 =	vor.u32 s31, v28  }
.LBB2_4:
0x17f: {  	p1 =	sne.s32 s1, $0x30;
	v54 =	vor.u32 s31, v23;
	v52 =	vadd.f32 v53, v52;
	v40 =	vmul.f32 v43, v40;
	v43 =	vld.idx.msk [tilespmem:v48+s11+$0x0], $0xffff  }
0x180: {  	v48 =	vor.u32 s31, v25;
	v51 =	vld.idx.msk [tilespmem:v51+s12+$0x0], $0xffff  }
0x181: {  	v53 =	vor.u32 s31, v20;
	v41 =	vmul.f32 v44, v41;
	v40 =	vadd.f32 v40, v52;
	v44 =	vld.idx.msk [tilespmem:v47+s11+$0x0], $0xffff  }
0x182: {  	v47 =	vld.idx.msk [tilespmem:v49+s12+$0x0], $0xffff;
	v49 =	vor.u32 s31, v18  }
0x183: {  	v52 =	vor.u32 s31, v10;
	v50 =	vld.idx.msk [tilespmem:v50+s11+$0x0], $0xffff;
	v40 =	vadd.f32 v41, v40;
	v41 =	vmul.f32 v46, v42  }
0x184: {  	v46 =	vor.u32 s31, v15;
	v42 =	vld.idx.msk [tilespmem:v54+s12+$0x0], $0xffff  }
0x185: {  	v54 =	vor.u32 s31, v11;
	v48 =	vld.idx.msk [tilespmem:v48+s11+$0x0], $0xffff;
	v40 =	vadd.f32 v41, v40;
	v41 =	vmul.f32 v43, v45  }
0x186: {  	v45 =	vor.u32 s31, v16;
	v43 =	vld.idx.msk [tilespmem:v53+s12+$0x0], $0xffff  }
0x187: {  	v53 =	vor.u32 s31, v12;
	v49 =	vld.idx.msk [tilespmem:v49+s11+$0x0], $0xffff;
	v40 =	vadd.f32 v41, v40;
	v41 =	vmul.f32 v44, v51  }
0x188: {  	v51 =	vor.u32 s31, v17;
	v44 =	vld.idx.msk [tilespmem:v52+s12+$0x0], $0xffff  }
0x189: {  	v47 =	vmul.f32 v50, v47;
	v50 =	vor.u32 s31, v13;
	v46 =	vld.idx.msk [tilespmem:v46+s11+$0x0], $0xffff;
	v40 =	vadd.f32 v41, v40  }
0x18a: {  	v52 =	vor.u32 s31, v19;
	v41 =	vld.idx.msk [tilespmem:v54+s12+$0x0], $0xffff  }
0x18b: {  	v42 =	vmul.f32 v48, v42;
	v40 =	vadd.f32 v47, v40;
	v45 =	vld.idx.msk [tilespmem:v45+s11+$0x0], $0xffff;
	v47 =	vor.u32 s31, v9  }
0x18c: {  	v48 =	vld.idx.msk [tilespmem:v53+s12+$0x0], $0xffff;
	v53 =	vor.u32 s31, v22  }
0x18d: {  	v40 =	vadd.f32 v42, v40;
	v42 =	vmul.f32 v49, v43;
	v43 =	vld.idx.msk [tilespmem:v51+s11+$0x0], $0xffff;
	v49 =	vor.u32 s31, v8  }
0x18e: {  	v51 =	vor.u32 s31, v27;
	v50 =	vld.idx.msk [tilespmem:v50+s12+$0x0], $0xffff  }
0x18f: {  	v40 =	vadd.f32 v42, v40;
	v42 =	vmul.f32 v46, v44;
	v44 =	vld.idx.msk [tilespmem:v52+s11+$0x0], $0xffff;
	v46 =	vor.u32 s31, v14  }
0x190: {  	v52 =	vor.u32 s31, v30;
	v47 =	vld.idx.msk [tilespmem:v47+s12+$0x0], $0xffff  }
0x191: {  	v41 =	vmul.f32 v45, v41;
	v45 =	vor.u32 s31, v21;
	v40 =	vadd.f32 v42, v40;
	v42 =	vld.idx.msk [tilespmem:v53+s11+$0x0], $0xffff  }
0x192: {  	v53 =	vor.u32 s31, v32;
	v49 =	vld.idx.msk [tilespmem:v49+s12+$0x0], $0xffff  }
0x193: {  	v40 =	vadd.f32 v41, v40;
	v41 =	vmul.f32 v43, v48;
	v43 =	vld.idx.msk [tilespmem:v51+s11+$0x0], $0xffff;
	v48 =	vor.u32 s31, v24  }
0x194: {  	v51 =	vor.u32 s31, v34;
	v46 =	vld.idx.msk [tilespmem:v46+s12+$0x0], $0xffff  }
0x195: {  	v40 =	vadd.f32 v41, v40;
	v41 =	vmul.f32 v44, v50;
	v44 =	vld.idx.msk [tilespmem:v52+s11+$0x0], $0xffff;
	v50 =	vor.u32 s31, v29  }
0x196: {  	v52 =	vor.u32 s31, v35;
	v45 =	vld.idx.msk [tilespmem:v45+s12+$0x0], $0xffff  }
0x197: {  	v42 =	vmul.f32 v42, v47;
	v47 =	vor.u32 s31, v31;
	v41 =	vadd.f32 v41, v40;
	v53 =	vld.idx.msk [tilespmem:v53+s11+$0x0], $0xffff  }
0x198: {  	v54 =	vor.u32 s31, v36;
	v40 =	vld.idx.msk [tilespmem:v48+s12+$0x0], $0xffff  }
0x199: {  	v55 =	vor.u32 s31, v33;
	v49 =	vmul.f32 v43, v49;
	v42 =	vadd.f32 v42, v41;
	v43 =	vld.idx.msk [tilespmem:v51+s11+$0x0], $0xffff  }
.Ltmp0:
0x19a: {  	v48 =	vor.u32 s31, v39;
	v41 =	vld.idx.msk [tilespmem:v50+s12+$0x0], $0xffff;
	(pc) =	sbr.rel @p1 .LBB2_4-.Ltmp0, $4  }
0x19b: {  	v51 =	vor.u32 s31, v37;
	v46 =	vmul.f32 v44, v46;
	v50 =	vadd.f32 v49, v42;
	v44 =	vld.idx.msk [tilespmem:v52+s11+$0x0], $0xffff  }
0x19c: {  	v42 =	vld.idx.msk [tilespmem:v47+s12+$0x0], $0xffff;
	v47 =	vor.u32 s31, v38;
	s31 =	smov.u32 s1  }
0x19d: {  	v49 =	vor.u32 s1, v26;
	v53 =	vmul.f32 v53, v45;
	v52 =	vadd.f32 v46, v50;
	v46 =	vld.idx.msk [tilespmem:v54+s11+$0x0], $0xffff  }
0x19e: {  	s1 =	sadd.s32 $0x10, s1;
	v50 =	vor.u32 s31, v28;
	v45 =	vld.idx.msk [tilespmem:v55+s12+$0x0], $0xffff  }
0x19f: {  	_ =	sdelay $0x2  }
0x1a0: {  	v26 =	vadd.f32 v53, v52;
	v28 =	vmul.f32 v43, v40  }
0x1a1: {  	v23 =	vor.u32 s31, v23;
	v48 =	vld.idx.msk [tilespmem:v48+s11+$0x0], $0xffff  }
0x1a2: {  	v25 =	vor.u32 s31, v25;
	v52 =	vld.idx.msk [tilespmem:v51+s12+$0x0], $0xffff;
	v53 =	vmul.f32 v44, v41;
	v26 =	vadd.f32 v28, v26  }
0x1a3: {  	v20 =	vor.u32 s31, v20;
	v54 =	vld.idx.msk [tilespmem:v47+s11+$0x0], $0xffff  }
0x1a4: {  	v55 =	vld.idx.msk [tilespmem:v49+s12+$0x0], $0xffff;
	v18 =	vor.u32 s31, v18;
	v56 =	vmul.f32 v46, v42;
	v26 =	vadd.f32 v53, v26  }
0x1a5: {  	v57 =	vld.idx.msk [tilespmem:v50+s11+$0x0], $0xffff;
	v10 =	vor.u32 s31, v10  }
0x1a6: {  	v15 =	vor.u32 s31, v15;
	v23 =	vld.idx.msk [tilespmem:v23+s12+$0x0], $0xffff;
	v58 =	vmul.f32 v48, v45;
	v26 =	vadd.f32 v56, v26  }
0x1a7: {  	v11 =	vor.u32 s31, v11;
	v25 =	vld.idx.msk [tilespmem:v25+s11+$0x0], $0xffff  }
0x1a8: {  	v16 =	vor.u32 s31, v16;
	v20 =	vld.idx.msk [tilespmem:v20+s12+$0x0], $0xffff;
	v59 =	vmul.f32 v54, v52;
	v26 =	vadd.f32 v58, v26  }
0x1a9: {  	v12 =	vor.u32 s31, v12;
	v18 =	vld.idx.msk [tilespmem:v18+s11+$0x0], $0xffff  }
0x1aa: {  	v17 =	vor.u32 s31, v17;
	v10 =	vld.idx.msk [tilespmem:v10+s12+$0x0], $0xffff;
	v60 =	vmul.f32 v57, v55;
	v26 =	vadd.f32 v59, v26  }
0x1ab: {  	v13 =	vor.u32 s31, v13;
	v15 =	vld.idx.msk [tilespmem:v15+s11+$0x0], $0xffff  }
0x1ac: {  	v19 =	vor.u32 s31, v19;
	v11 =	vld.idx.msk [tilespmem:v11+s12+$0x0], $0xffff;
	v23 =	vmul.f32 v25, v23;
	v26 =	vadd.f32 v60, v26  }
0x1ad: {  	v9 =	vor.u32 s31, v9;
	v16 =	vld.idx.msk [tilespmem:v16+s11+$0x0], $0xffff  }
0x1ae: {  	v22 =	vor.u32 s31, v22;
	v12 =	vld.idx.msk [tilespmem:v12+s12+$0x0], $0xffff;
	v18 =	vmul.f32 v18, v20;
	v23 =	vadd.f32 v23, v26  }
0x1af: {  	v8 =	vor.u32 s31, v8;
	v17 =	vld.idx.msk [tilespmem:v17+s11+$0x0], $0xffff  }
0x1b0: {  	v61 =	vor.u32 s31, v27;
	v13 =	vld.idx.msk [tilespmem:v13+s12+$0x0], $0xffff;
	v10 =	vmul.f32 v15, v10;
	v18 =	vadd.f32 v18, v23  }
0x1b1: {  	v14 =	vor.u32 s31, v14;
	v62 =	vld.idx.msk [tilespmem:v19+s11+$0x0], $0xffff  }
0x1b2: {  	v63 =	vor.u32 s31, v30;
	v9 =	vld.idx.msk [tilespmem:v9+s12+$0x0], $0xffff;
	v11 =	vmul.f32 v16, v11;
	v10 =	vadd.f32 v10, v18  }
0x1b3: {  	v27 =	vor.u32 s31, v32;
	v25 =	vld.idx.msk [tilespmem:v22+s11+$0x0], $0xffff  }
0x1b4: {  	v8 =	vld.idx.msk [tilespmem:v8+s12+$0x0], $0xffff;
	v28 =	vmul.f32 v17, v12;
	v26 =	vor.u32 s31, v21;
	v10 =	vadd.f32 v11, v10  }
0x1b5: {  	v40 =	vor.u32 s31, v34;
	v30 =	vld.idx.msk [tilespmem:v61+s11+$0x0], $0xffff  }
0x1b6: {  	v32 =	vor.u32 s31, v24;
	v14 =	vld.idx.msk [tilespmem:v14+s12+$0x0], $0xffff;
	v41 =	vmul.f32 v62, v13;
	v10 =	vadd.f32 v28, v10  }
0x1b7: {  	v44 =	vor.u32 s31, v35;
	v42 =	vld.idx.msk [tilespmem:v63+s11+$0x0], $0xffff  }
0x1b8: {  	v43 =	vor.u32 s31, v29;
	v45 =	vld.idx.msk [tilespmem:v27+s11+$0x0], $0xffff;
	v9 =	vmul.f32 v25, v9;
	v10 =	vadd.f32 v41, v10  }
0x1b9: {  	v47 =	vor.u32 s31, v36;
	v18 =	vld.idx.msk [tilespmem:v26+s12+$0x0], $0xffff  }
0x1ba: {  	v46 =	vor.u32 s31, v31;
	v48 =	vld.idx.msk [tilespmem:v40+s11+$0x0], $0xffff;
	v8 =	vmul.f32 v30, v8;
	v9 =	vadd.f32 v9, v10  }
0x1bb: {  	v50 =	vor.u32 s31, v39;
	v17 =	vld.idx.msk [tilespmem:v32+s12+$0x0], $0xffff  }
0x1bc: {  	v49 =	vor.u32 s31, v33;
	v52 =	vld.idx.msk [tilespmem:v44+s11+$0x0], $0xffff;
	v51 =	vmul.f32 v42, v14;
	v8 =	vadd.f32 v8, v9  }
0x1bd: {  	v53 =	vor.u32 s31, v37;
	v15 =	vld.idx.msk [tilespmem:v43+s12+$0x0], $0xffff  }
0x1be: {  	v54 =	vor.u32 s31, v38;
	v56 =	vld.idx.msk [tilespmem:v47+s11+$0x0], $0xffff;
	v55 =	vmul.f32 v45, v18;
	v8 =	vadd.f32 v51, v8  }
0x1bf: {  	v16 =	vld.idx.msk [tilespmem:v46+s12+$0x0], $0xffff  }
0x1c0: {  	v58 =	vld.idx.msk [tilespmem:v50+s11+$0x0], $0xffff;
	v57 =	vmul.f32 v48, v17;
	v8 =	vadd.f32 v55, v8  }
0x1c1: {  	v12 =	vld.idx.msk [tilespmem:v49+s12+$0x0], $0xffff  }
0x1c2: {  	v14 =	vld.idx.msk [tilespmem:v53+s12+$0x0], $0xffff;
	v59 =	vmul.f32 v52, v15;
	v8 =	vadd.f32 v57, v8  }
0x1c3: {  	v60 =	vld.idx.msk [tilespmem:v54+s11+$0x0], $0xffff  }
0x1c4: {  	v61 =	vmul.f32 v56, v16;
	v8 =	vadd.f32 v59, v8;
	_ =	sdelay $0x1  }
0x1c5: {  	v62 =	vmul.f32 v58, v12;
	v8 =	vadd.f32 v61, v8;
	_ =	sdelay $0x1  }
.Ltmp1:
0x1c6: {  	v63 =	vmul.f32 v60, v14;
	v8 =	vadd.f32 v62, v8;
	(pc) =	sbr.rel @p2 .LBB2_3-.Ltmp1, $4  }
0x1c7: {  	_ = 	snop  }
0x1c8: {  	v8 =	vadd.f32 v63, v8  }
0x1c9: {  	s0 =	rddreg [dreg:$0xd]  }
0x1ca: {  	p1 =	por $0x0, $0x0;
	s31 =	simm.s32 $0x10;
	[tilespmem:s0+$0x17000] =	vst v8  }
0x1cb: {  	s3 =	rddreg [dreg:$0xa]  }
0x1cc: {  	v7 =	vld [tilespmem:s3+$0x100];
	_ =	sdelay $0x4  }
0x1cd: {  	v7 =	vshll.u32 v7, $0x7  }
0x1ce: {  	(v2sf) =	vpush v7, $0x0;
	_ =	sdelay $0x1  }
0x1cf: {  	(v2sf) =	vpush v7, $0x1;
	_ =	sdelay $0x1  }
0x1d0: {  	(v2sf) =	vpush v7, $0x2;
	_ =	sdelay $0x8  }
0x1d1: {  	(v2sf) =	vpush v7, $0x3;
	_ =	sdelay $0x1  }
0x1d2: {  	s0 =	spop (v2sf);
	(v2sf) =	vpush v7, $0x4;
	_ =	sdelay $0x1  }
0x1d3: {  	s1 =	spop (v2sf);
	(v2sf) =	vpush v7, $0x5;
	_ =	sdelay $0x1  }
0x1d4: {  	s4 =	spop (v2sf);
	(v2sf) =	vpush v7, $0x6;
	_ =	sdelay $0x1  }
0x1d5: {  	s2 =	rddreg [dreg:$0x2];
	s0 =	sand.u32 $0x1FFFFF80, s0  }
0x1d6: {  	s28 =	simm.s32 $0x0;
	s0 =	sadd.s32 s2, s0;
	(v2sf) =	vpush v7, $0x7  }
0x1d7: {  	[tilespmem:s12], [sflag:$0x1] =	stream.linear.gather [hbm4b:s0+s28], $0x400, $0x38;
	[tilespmem:$0x17580] =	vst v63  }
0x1d8: {  	s0 =	sand.u32 $0x1FFFFF80, s1  }
0x1d9: {  	s1 =	simm.s32 $0x7400;
	s0 =	sadd.s32 s2, s0  }
0x1da: {  	[tilespmem:s1], [sflag:$0x1] =	stream.linear.gather [hbm4b:s0+s28], $0x400, $0x38;
	[tilespmem:$0x17580] =	vst v63  }
0x1db: {  	s0 =	sand.u32 $0x1FFFFF80, s4  }
0x1dc: {  	s5 =	simm.s32 $0x7800;
	s6 =	spop (v2sf);
	s0 =	sadd.s32 s2, s0  }
0x1dd: {  	[tilespmem:s5], [sflag:$0x1] =	stream.linear.gather [hbm4b:s0+s28], $0x400, $0x38;
	[tilespmem:$0x17580] =	vst v63  }
0x1de: {  	s8 =	spop (v2sf);
	(v2sf) =	vpush v7, $0x8  }
0x1df: {  	s0 =	sand.u32 $0x1FFFFF80, s6  }
0x1e0: {  	s7 =	simm.s32 $0x7C00;
	s0 =	sadd.s32 s2, s0;
	s10 =	spop (v2sf);
	(v2sf) =	vpush v7, $0x9  }
0x1e1: {  	[tilespmem:s7], [sflag:$0x1] =	stream.linear.gather [hbm4b:s0+s28], $0x400, $0x38;
	[tilespmem:$0x17580] =	vst v63  }
0x1e2: {  	s0 =	sand.u32 $0x1FFFFF80, s8;
	s14 =	spop (v2sf);
	(v2sf) =	vpush v7, $0xA  }
0x1e3: {  	s9 =	simm.s32 $0x8000;
	s0 =	sadd.s32 s2, s0  }
0x1e4: {  	[tilespmem:s9], [sflag:$0x1] =	stream.linear.gather [hbm4b:s0+s28], $0x400, $0x38;
	[tilespmem:$0x17580] =	vst v63  }
0x1e5: {  	s16 =	spop (v2sf);
	(v2sf) =	vpush v7, $0xB  }
0x1e6: {  	s0 =	sand.u32 $0x1FFFFF80, s10  }
0x1e7: {  	s13 =	simm.s32 $0x8400;
	s0 =	sadd.s32 s2, s0  }
0x1e8: {  	[tilespmem:s13], [sflag:$0x1] =	stream.linear.gather [hbm4b:s0+s28], $0x400, $0x38;
	[tilespmem:$0x17580] =	vst v63  }
0x1e9: {  	s0 =	sand.u32 $0x1FFFFF80, s14  }
0x1ea: {  	s15 =	simm.s32 $0x8800;
	s0 =	sadd.s32 s2, s0  }
0x1eb: {  	[tilespmem:s15], [sflag:$0x1] =	stream.linear.gather [hbm4b:s0+s28], $0x400, $0x38;
	[tilespmem:$0x17580] =	vst v63  }
0x1ec: {  	s0 =	sand.u32 $0x1FFFFF80, s16  }
0x1ed: {  	s18 =	simm.s32 $0x8C00;
	s0 =	sadd.s32 s2, s0;
	s19 =	spop (v2sf);
	(v2sf) =	vpush v7, $0xC  }
0x1ee: {  	[tilespmem:s18], [sflag:$0x1] =	stream.linear.gather [hbm4b:s0+s28], $0x400, $0x38;
	[tilespmem:$0x17580] =	vst v63  }
0x1ef: {  	s21 =	spop (v2sf);
	(v2sf) =	vpush v7, $0xD  }
0x1f0: {  	s0 =	sand.u32 $0x1FFFFF80, s19  }
0x1f1: {  	s20 =	simm.s32 $0x9000;
	s0 =	sadd.s32 s2, s0;
	s23 =	spop (v2sf)  }
0x1f2: {  	(v2sf) =	vpush v7, $0xE;
	[tilespmem:s20], [sflag:$0x1] =	stream.linear.gather [hbm4b:s0+s28], $0x400, $0x38;
	[tilespmem:$0x17580] =	vst v63  }
0x1f3: {  	s0 =	sand.u32 $0x1FFFFF80, s21  }
0x1f4: {  	s22 =	simm.s32 $0x9400;
	s25 =	spop (v2sf);
	s0 =	sadd.s32 s2, s0  }
0x1f5: {  	(v2sf) =	vpush v7, $0xF;
	[tilespmem:s22], [sflag:$0x1] =	stream.linear.gather [hbm4b:s0+s28], $0x400, $0x38;
	[tilespmem:$0x17580] =	vst v63  }
0x1f6: {  	s0 =	sand.u32 $0x1FFFFF80, s23  }
0x1f7: {  	s24 =	simm.s32 $0x9800;
	s0 =	sadd.s32 s2, s0  }
0x1f8: {  	[tilespmem:s24], [sflag:$0x1] =	stream.linear.gather [hbm4b:s0+s28], $0x400, $0x38;
	[tilespmem:$0x17580] =	vst v63  }
0x1f9: {  	s0 =	sand.u32 $0x1FFFFF80, s25  }
0x1fa: {  	s26 =	simm.s32 $0x9C00;
	s0 =	sadd.s32 s2, s0  }
0x1fb: {  	[tilespmem:s26], [sflag:$0x1] =	stream.linear.gather [hbm4b:s0+s28], $0x400, $0x38;
	[tilespmem:$0x17580] =	vst v63  }
0x1fc: {  	s29 =	spop (v2sf)  }
0x1fd: {  	s0 =	sand.u32 $0x1FFFFF80, s29  }
0x1fe: {  	s30 =	simm.s32 $0xA000;
	s4 =	spop (v2sf);
	s0 =	sadd.s32 s2, s0  }
0x1ff: {  	[tilespmem:s30], [sflag:$0x1] =	stream.linear.gather [hbm4b:s0+s28], $0x400, $0x38;
	[tilespmem:$0x17580] =	vst v63  }
0x200: {  	s0 =	sand.u32 $0x1FFFFF80, s4  }
0x201: {  	s5 =	simm.s32 $0xA400;
	s6 =	spop (v2sf);
	s0 =	sadd.s32 s2, s0  }
0x202: {  	[tilespmem:s5], [sflag:$0x1] =	stream.linear.gather [hbm4b:s0+s28], $0x400, $0x38;
	[tilespmem:$0x17580] =	vst v63  }
0x203: {  	s0 =	sand.u32 $0x1FFFFF80, s6  }
0x204: {  	s7 =	simm.s32 $0xA800;
	s8 =	spop (v2sf);
	s0 =	sadd.s32 s2, s0  }
0x205: {  	[tilespmem:s7], [sflag:$0x1] =	stream.linear.gather [hbm4b:s0+s28], $0x400, $0x38;
	[tilespmem:$0x17580] =	vst v63  }
0x206: {  	s0 =	sand.u32 $0x1FFFFF80, s8  }
0x207: {  	s9 =	simm.s32 $0xAC00;
	s0 =	sadd.s32 s2, s0  }
0x208: {  	[tilespmem:s9], [sflag:$0x1] =	stream.linear.gather [hbm4b:s0+s28], $0x400, $0x38;
	[tilespmem:$0x17580] =	vst v63  }
0x209: {  	v7 =	vld [tilespmem:s3+$0x110];
	_ =	sdelay $0x4  }
0x20a: {  	v7 =	vshll.u32 v7, $0x7  }
0x20b: {  	(v2sf) =	vpush v7, $0x0;
	_ =	sdelay $0x2  }
0x20c: {  	(v2sf) =	vpush v7, $0x1  }
0x20d: {  	(v2sf) =	vpush v7, $0x2;
	_ =	sdelay $0x2  }
0x20e: {  	(v2sf) =	vpush v7, $0x3;
	_ =	sdelay $0x1  }
0x20f: {  	(v2sf) =	vpush v7, $0x4;
	_ =	sdelay $0x5  }
0x210: {  	s10 =	spop (v2sf);
	(v2sf) =	vpush v7, $0x5;
	_ =	sdelay $0x2  }
0x211: {  	s0 =	sand.u32 $0x1FFFFF80, s10;
	s14 =	spop (v2sf)  }
0x212: {  	s13 =	simm.s32 $0xB000;
	s0 =	sadd.s32 s2, s0;
	s16 =	spop (v2sf)  }
0x213: {  	(v2sf) =	vpush v7, $0x6;
	[tilespmem:s13], [sflag:$0x1] =	stream.linear.gather [hbm4b:s0+s28], $0x400, $0x38;
	[tilespmem:$0x17580] =	vst v63  }
0x214: {  	s0 =	sand.u32 $0x1FFFFF80, s14  }
0x215: {  	s15 =	simm.s32 $0xB400;
	s19 =	spop (v2sf);
	(v2sf) =	vpush v7, $0x7;
	s0 =	sadd.s32 s2, s0  }
0x216: {  	[tilespmem:s15], [sflag:$0x1] =	stream.linear.gather [hbm4b:s0+s28], $0x400, $0x38;
	[tilespmem:$0x17580] =	vst v63  }
0x217: {  	s21 =	spop (v2sf);
	(v2sf) =	vpush v7, $0x8;
	s0 =	sand.u32 $0x1FFFFF80, s16  }
0x218: {  	s18 =	simm.s32 $0xB800;
	s0 =	sadd.s32 s2, s0  }
0x219: {  	[tilespmem:s18], [sflag:$0x1] =	stream.linear.gather [hbm4b:s0+s28], $0x400, $0x38;
	[tilespmem:$0x17580] =	vst v63  }
0x21a: {  	s0 =	sand.u32 $0x1FFFFF80, s19  }
0x21b: {  	s20 =	simm.s32 $0xBC00;
	s0 =	sadd.s32 s2, s0  }
0x21c: {  	[tilespmem:s20], [sflag:$0x1] =	stream.linear.gather [hbm4b:s0+s28], $0x400, $0x38;
	[tilespmem:$0x17580] =	vst v63  }
0x21d: {  	s23 =	spop (v2sf);
	(v2sf) =	vpush v7, $0x9  }
0x21e: {  	s0 =	sand.u32 $0x1FFFFF80, s21  }
0x21f: {  	s22 =	simm.s32 $0xC000;
	s0 =	sadd.s32 s2, s0;
	(v2sf) =	vpush v7, $0xA  }
0x220: {  	[tilespmem:s22], [sflag:$0x1] =	stream.linear.gather [hbm4b:s0+s28], $0x400, $0x38;
	[tilespmem:$0x17580] =	vst v63  }
0x221: {  	s0 =	sand.u32 $0x1FFFFF80, s23  }
0x222: {  	s24 =	simm.s32 $0xC400;
	s0 =	sadd.s32 s2, s0;
	s25 =	spop (v2sf)  }
0x223: {  	(v2sf) =	vpush v7, $0xB;
	[tilespmem:s24], [sflag:$0x1] =	stream.linear.gather [hbm4b:s0+s28], $0x400, $0x38;
	[tilespmem:$0x17580] =	vst v63  }
0x224: {  	s29 =	spop (v2sf);
	(v2sf) =	vpush v7, $0xC  }
0x225: {  	s0 =	sand.u32 $0x1FFFFF80, s25  }
0x226: {  	s26 =	simm.s32 $0xC800;
	s0 =	sadd.s32 s2, s0;
	s3 =	spop (v2sf);
	(v2sf) =	vpush v7, $0xD  }
0x227: {  	[tilespmem:s26], [sflag:$0x1] =	stream.linear.gather [hbm4b:s0+s28], $0x400, $0x38;
	[tilespmem:$0x17580] =	vst v63  }
0x228: {  	s0 =	sand.u32 $0x1FFFFF80, s29  }
0x229: {  	s30 =	simm.s32 $0xCC00;
	s0 =	sadd.s32 s2, s0  }
0x22a: {  	[tilespmem:s30], [sflag:$0x1] =	stream.linear.gather [hbm4b:s0+s28], $0x400, $0x38;
	[tilespmem:$0x17580] =	vst v63  }
0x22b: {  	s0 =	sand.u32 $0x1FFFFF80, s3  }
0x22c: {  	s4 =	simm.s32 $0xD000;
	s0 =	sadd.s32 s2, s0;
	s5 =	spop (v2sf);
	(v2sf) =	vpush v7, $0xE  }
0x22d: {  	[tilespmem:s4], [sflag:$0x1] =	stream.linear.gather [hbm4b:s0+s28], $0x400, $0x38;
	[tilespmem:$0x17580] =	vst v63  }
0x22e: {  	s7 =	spop (v2sf);
	(v2sf) =	vpush v7, $0xF  }
0x22f: {  	s0 =	sand.u32 $0x1FFFFF80, s5  }
0x230: {  	s6 =	simm.s32 $0xD400;
	s9 =	simm.s32 $0xD800;
	s0 =	sadd.s32 s2, s0  }
0x231: {  	[tilespmem:s6], [sflag:$0x1] =	stream.linear.gather [hbm4b:s0+s28], $0x400, $0x38;
	[tilespmem:$0x17580] =	vst v63  }
0x232: {  	s14 =	simm.s32 $0xDC00;
	s8 =	spop (v2sf);
	s0 =	sand.u32 $0x1FFFFF80, s7  }
0x233: {  	s10 =	sand.u32 $0x1FFFFF80, s8;
	s13 =	spop (v2sf);
	s0 =	sadd.s32 s2, s0  }
0x234: {  	[tilespmem:s9], [sflag:$0x1] =	stream.linear.gather [hbm4b:s0+s28], $0x400, $0x38;
	[tilespmem:$0x17580] =	vst v63  }
0x235: {  	s15 =	sand.u32 $0x1FFFFF80, s13;
	s16 =	spop (v2sf);
	s0 =	sadd.s32 s2, s10  }
0x236: {  	[tilespmem:s14], [sflag:$0x1] =	stream.linear.gather [hbm4b:s0+s28], $0x400, $0x38;
	[tilespmem:$0x17580] =	vst v63  }
0x237: {  	s18 =	simm.s32 $0xE000;
	s19 =	sand.u32 $0x1FFFFF80, s16;
	s0 =	sadd.s32 s2, s15  }
0x238: {  	[tilespmem:s18], [sflag:$0x1] =	stream.linear.gather [hbm4b:s0+s28], $0x400, $0x38;
	[tilespmem:$0x17580] =	vst v63  }
0x239: {  	s21 =	simm.s32 $0xE400;
	s0 =	sadd.s32 s2, s19  }
0x23a: {  	[tilespmem:s21], [sflag:$0x1] =	stream.linear.gather [hbm4b:s0+s28], $0x400, $0x38;
	[tilespmem:$0x17580] =	vst v63  }
0x23b: {  	s20 =	spop (v2sf)  }
0x23c: {  	s22 =	sand.u32 $0x1FFFFF80, s20  }
0x23d: {  	s23 =	simm.s32 $0xE800;
	s24 =	spop (v2sf);
	s0 =	sadd.s32 s2, s22  }
0x23e: {  	[tilespmem:s23], [sflag:$0x1] =	stream.linear.gather [hbm4b:s0+s28], $0x400, $0x38;
	[tilespmem:$0x17580] =	vst v63  }
0x23f: {  	s0 =	sand.u32 $0x1FFFFF80, s24  }
0x240: {  	s25 =	simm.s32 $0xEC00;
	s26 =	rddreg [dreg:$0x9];
	s0 =	sadd.s32 s2, s0  }
0x241: {  	[tilespmem:s25], [sflag:$0x1] =	stream.linear.gather [hbm4b:s0+s28], $0x400, $0x38;
	[tilespmem:$0x17580] =	vst v63  }
0x242: {  	s0 =	sshllo.u32 s26, $0x1  }
0x243: {  	s29 =	simm.s32 $0x2;
	s30 =	sshll.u32 s0, $0x7  }
0x244: {  	p1 =	por $0x1, $0x1;
	_ =	swait.ge [sflag:s29], $0x8000;
	s1 =	sand.u32 $0x3FFFFF80, s30  }
0x245: {  	s0 =	sshll.u32 s0, $0x5;
	[sflag:s29] =	ssyncset.done $0x0;
	s1 =	sadd.s32 $0x1800, s1  }
0x246: {  	s31 =	simm.s32 $0x0;
	[dreg:$0xc] =	wrdreg s0;
	[sflag:s29] =	ssyncadd.s32 $0xFFFF8000;
	v7 =	vmov s1  }
.LBB2_7:
0x247: {  	s0 =	rddreg [dreg:$0xc]  }
0x248: {  	s0 =	sor.u32 s0, s31  }
0x249: {  	v8 =	vmov s0  }
0x24a: {  	v8 =	vbroadcast v8, $0x0;
	_ =	sdelay $0x1  }
0x24b: {  	v9 =	vadd.s32 v1, v8  }
0x24c: {  	(v2sf) =	vpush v9, $0xD;
	_ =	sdelay $0x1  }
0x24d: {  	(v2sf) =	vpush v9, $0xC;
	_ =	sdelay $0x1  }
0x24e: {  	(v2sf) =	vpush v9, $0xE;
	_ =	sdelay $0x1  }
0x24f: {  	(v2sf) =	vpush v9, $0xF;
	_ =	sdelay $0x1  }
0x250: {  	(v2sf) =	vpush v9, $0x9;
	_ =	sdelay $0x1  }
0x251: {  	(v2sf) =	vpush v9, $0x8;
	_ =	sdelay $0x1  }
0x252: {  	(v2sf) =	vpush v9, $0xA;
	_ =	sdelay $0x1  }
0x253: {  	(v2sf) =	vpush v9, $0xB  }
0x254: {  	s29 =	spop (v2sf)  }
0x255: {  	[dreg:$0xe] =	wrdreg s0;
	(v2sf) =	vpush v9, $0x0;
	s1 =	smulhi.u32 $0x66666667, s29;
	s0 =	sshra.s32 s29, $0x1F  }
0x256: {  	s2 =	spop (v2sf);
	s0 =	smul.u32 $0x66666667, s0  }
0x257: {  	(v2sf) =	vpush v9, $0x1;
	s3 =	smulhi.u32 $0x66666667, s2;
	s2 =	sshra.s32 s2, $0x1F  }
0x258: {  	s4 =	spop (v2sf);
	s2 =	smul.u32 $0x66666667, s2  }
0x259: {  	(v2sf) =	vpush v9, $0x2;
	s6 =	smulhi.u32 $0x66666667, s4;
	s4 =	sshra.s32 s4, $0x1F  }
0x25a: {  	s5 =	spop (v2sf);
	s4 =	smul.u32 $0x66666667, s4  }
0x25b: {  	(v2sf) =	vpush v9, $0x3;
	s7 =	smulhi.u32 $0x66666667, s5;
	s5 =	sshra.s32 s5, $0x1F  }
0x25c: {  	(v2sf) =	vpush v9, $0x4;
	s8 =	spop (v2sf);
	s9 =	smul.u32 $0x66666667, s5  }
0x25d: {  	(v2sf) =	vpush v9, $0x5;
	s14 =	smulhi.u32 $0x66666667, s8;
	s8 =	sshra.s32 s8, $0x1F  }
0x25e: {  	(v2sf) =	vpush v9, $0x6;
	s30 =	spop (v2sf);
	s8 =	smul.u32 $0x66666667, s8  }
0x25f: {  	(v2sf) =	vpush v9, $0x7;
	s15 =	smulhi.u32 $0x66666667, s30;
	s5 =	sshra.s32 s30, $0x1F  }
0x260: {  	s10 =	spop (v2sf);
	s18 =	smul.u32 $0x66666667, s5  }
0x261: {  	s20 =	smulhi.u32 $0x66666667, s10;
	s10 =	sshra.s32 s10, $0x1F  }
0x262: {  	s13 =	spop (v2sf);
	s22 =	smul.u32 $0x66666667, s10  }
0x263: {  	s5 =	sadd.s32 s2, s3;
	s24 =	smulhi.u32 $0x66666667, s13;
	s13 =	sshra.s32 s13, $0x1F  }
0x264: {  	s16 =	spop (v2sf);
	s10 =	sadd.s32 s0, s1;
	s26 =	smul.u32 $0x66666667, s13  }
0x265: {  	s0 =	sadd.s32 s4, s6;
	s30 =	smulhi.u32 $0x66666667, s16;
	s16 =	sshra.s32 s16, $0x1F  }
0x266: {  	s1 =	sadd.s32 s9, s7;
	s19 =	spop (v2sf);
	s16 =	smul.u32 $0x66666667, s16  }
0x267: {  	s8 =	sadd.s32 s8, s14;
	s2 =	smulhi.u32 $0x66666667, s19;
	s19 =	sshra.s32 s19, $0x1F  }
0x268: {  	s3 =	sshrl.u32 s10, $0x1F;
	s21 =	spop (v2sf);
	s6 =	smul.u32 $0x66666667, s19  }
0x269: {  	s10 =	sshra.s32 s10, $0x2;
	s7 =	sadd.s32 s22, s20;
	s19 =	smulhi.u32 $0x66666667, s21  }
0x26a: {  	s9 =	sshra.s32 s21, $0x1F;
	s21 =	sshrl.u32 s5, $0x1F;
	s23 =	spop (v2sf)  }
0x26b: {  	s14 =	smul.u32 $0x66666667, s9;
	s9 =	sadd.s32 s18, s15;
	s25 =	spop (v2sf)  }
0x26c: {  	s15 =	smulhi.u32 $0x66666667, s23;
	s23 =	sshra.s32 s23, $0x1F;
	s29 =	spop (v2sf)  }
0x26d: {  	s4 =	sadd.s32 s26, s24;
	s20 =	smul.u32 $0x66666667, s23;
	s13 =	spop (v2sf)  }
0x26e: {  	s5 =	sshra.s32 s5, $0x2;
	s22 =	smulhi.u32 $0x66666667, s25;
	s26 =	spop (v2sf)  }
0x26f: {  	s18 =	sshrl.u32 s0, $0x1F;
	s24 =	smulhi.u32 $0x66666667, s26;
	s23 =	sshra.s32 s26, $0x1F  }
0x270: {  	s16 =	sadd.s32 s16, s30;
	v11 =	vmov s21;
	s2 =	sadd.s32 s6, s2;
	s23 =	smul.u32 $0x66666667, s23  }
0x271: {  	v11 =	vsel vm0, s3, v11;
	s14 =	sadd.s32 s14, s19;
	s3 =	smulhi.u32 $0x66666667, s29;
	s26 =	sshra.s32 s25, $0x1F  }
0x272: {  	v11 =	vsel vm1, s18, v11;
	s18 =	sshrl.u32 s14, $0x1F;
	s30 =	smul.u32 $0x66666667, s26;
	s6 =	sadd.s32 s23, s24  }
0x273: {  	s29 =	sshra.s32 s29, $0x1F;
	s15 =	sadd.s32 s20, s15;
	s24 =	sshra.s32 s6, $0x1F  }
0x274: {  	s20 =	sshrl.u32 s4, $0x1F;
	s19 =	sadd.s32 s30, s22;
	s30 =	sshra.s32 s16, $0x2;
	v10 =	vmov s24  }
0x275: {  	vm9 =	vcmask $0x704;
	s21 =	smul.u32 $0x66666667, s29;
	v10 =	vsel vm3, s30, v10;
	s30 =	sshrl.u32 s16, $0x1F;
	s16 =	sshra.s32 s16, $0x1F  }
0x276: {  	s25 =	sshrl.u32 s1, $0x1F;
	s23 =	sshrl.u32 s9, $0x1F;
	v12 =	vmov s30;
	v10 =	vsel vm9, s16, v10;
	s30 =	sshra.s32 s2, $0x2  }
0x277: {  	s26 =	sshrl.u32 s8, $0x1F;
	v13 =	vmov s23;
	s24 =	sshrl.u32 s2, $0x1F;
	s2 =	sshra.s32 s2, $0x1F;
	vm9 =	vcmask $0xF0C;
	v10 =	vsel vm0, s30, v10  }
0x278: {  	v11 =	vsel vm2, s25, v11;
	s22 =	sshrl.u32 s7, $0x1F;
	s9 =	sshra.s32 s9, $0x2;
	v13 =	vsel vm0, s26, v13;
	s30 =	sshra.s32 s14, $0x2;
	v10 =	vsel vm9, s2, v10  }
0x279: {  	s29 =	smulhi.u32 $0x66666667, s13;
	s13 =	sshra.s32 s13, $0x1F;
	v14 =	vmov s9;
	v13 =	vsel vm1, s22, v13;
	s14 =	sshra.s32 s14, $0x1F;
	v10 =	vsel vm1, s30, v10  }
0x27a: {  	s0 =	sshra.s32 s0, $0x2;
	s13 =	smul.u32 $0x66666667, s13;
	s26 =	sshra.s32 s15, $0x2;
	v13 =	vsel vm2, s20, v13;
	v12 =	vnsel vm3, $0x0, v12;
	v10 =	vsel vm11, s14, v10  }
0x27b: {  	s23 =	sshrl.u32 s15, $0x1F;
	s25 =	sshrl.u32 s19, $0x1F;
	s15 =	sshra.s32 s15, $0x1F;
	v11 =	vcombine.low v13, v11;
	v12 =	vsel vm0, s24, v12;
	v10 =	vsel vm2, s26, v10  }
0x27c: {  	s20 =	sshra.s32 s8, $0x2;
	v13 =	vmov s5;
	s24 =	sadd.s32 s21, s3;
	v12 =	vsel vm1, s18, v12;
	s18 =	sshra.s32 s19, $0x2;
	v10 =	vsel vm12, s15, v10  }
0x27d: {  	s22 =	sshra.s32 s7, $0x2;
	v14 =	vsel vm0, s20, v14;
	v13 =	vsel vm0, s10, v13;
	s30 =	sshrl.u32 s24, $0x1F;
	s19 =	sshra.s32 s19, $0x1F;
	v10 =	vsel vm4, s18, v10  }
0x27e: {  	v14 =	vsel vm1, s22, v14;
	s21 =	sshra.s32 s24, $0x2;
	s2 =	sshra.s32 s24, $0x1F;
	v13 =	vsel vm1, s0, v13;
	s24 =	sshra.s32 s4, $0x2;
	v10 =	vsel vm13, s19, v10  }
0x27f: {  	s29 =	sadd.s32 s13, s29;
	v12 =	vsel vm2, s23, v12;
	s23 =	sshra.s32 s1, $0x2;
	v14 =	vsel vm2, s24, v14;
	v10 =	vsel vm5, s21, v10  }
0x280: {  	v12 =	vsel vm4, s25, v12;
	s25 =	sshra.s32 s29, $0x2;
	v13 =	vsel vm2, s23, v13;
	v10 =	vsel vm14, s2, v10  }
0x281: {  	s16 =	sshrl.u32 s29, $0x1F;
	s29 =	sshra.s32 s29, $0x1F;
	v12 =	vsel vm5, s30, v12;
	v13 =	vcombine.low v14, v13;
	v10 =	vsel vm6, s25, v10  }
0x282: {  	v11 =	vperm.xlane v11, v2;
	s26 =	sshrl.u32 s6, $0x1F;
	s30 =	sshra.s32 s6, $0x2;
	v12 =	vsel vm6, s16, v12;
	v10 =	vsel vm15, s29, v10  }
0x283: {  	v12 =	vsel vm7, s26, v12;
	v13 =	vperm.xlane v13, v2;
	v10 =	vsel vm7, s30, v10  }
0x284: {  	v12 =	vperm.xlane v12, v3;
	v10 =	vperm.xlane v10, v3;
	_ =	sdelay $0x1  }
0x285: {  	v11 =	vsel vm8, v12, v11;
	v10 =	vsel vm8, v10, v13  }
0x286: {  	v10 =	vadd.s32 v11, v10;
	v11 =	vld.idx.msk [tilespmem:v7+s31+$0x0 ss:$0x1], $0xffff  }
0x287: {  	v12 =	vmul.u32 $0xFFFFFFF6, v10  }
0x288: {  	v13 =	vsub.s32 v5, v8  }
0x289: {  	vm9 =	vlt.s32 v9, $0x1;
	vm10 =	vne.s32 v12, v13  }
0x28a: {  	v8 =	vor.u32 v0, v8;
	v12 =	vmov s31;
	vm9 =	vmand vm9, vm10  }
0x28b: {  	v12 =	vshll.u32 v12, $0xA;
	v9 =	vsel vm9, $0xFFFFFFFF, v6;
	v11 =	vshll.u32 v11, $0x1  }
0x28c: {  	v9 =	vadd.s32 v9, v10;
	v10 =	vor.u32 v4, v12;
	v11 =	vand.u32 $0xFFFFFF80, v11  }
0x28d: {  	v8 =	vpsel p0, v8, v9;
	v26 =	vadd.s32 v10, v11  }
0x28e: {  	v28 =	vshll.u32 v8, $0x7;
	v8 =	vor.u32 s28, v26  }
0x28f: {  	v23 =	vor.u32 $0x1, v26;
	v9 =	vor.u32 s28, v28  }
0x290: {  	v20 =	vor.u32 $0x2, v26;
	v12 =	vor.u32 s28, v23  }
0x291: {  	v25 =	vor.u32 $0x1, v28;
	v14 =	vor.u32 s28, v20  }
0x292: {  	v11 =	vor.u32 $0x4, v26;
	v13 =	vor.u32 s28, v25  }
0x293: {  	v18 =	vor.u32 $0x2, v28;
	v30 =	vor.u32 s28, v11;
	v21 =	vld.idx.msk [tilespmem:v8+s17+$0x0], $0xffff  }
0x294: {  	v15 =	vor.u32 $0x3, v28;
	v8 =	vor.u32 s28, v18;
	v22 =	vld.idx.msk [tilespmem:v9+s11+$0x0], $0xffff  }
0x295: {  	v10 =	vor.u32 $0x3, v26;
	v27 =	vor.u32 s28, v15;
	v24 =	vld.idx.msk [tilespmem:v12+s17+$0x0], $0xffff  }
0x296: {  	v17 =	vor.u32 $0x5, v28;
	v9 =	vor.u32 s28, v10;
	v31 =	vld.idx.msk [tilespmem:v14+s17+$0x0], $0xffff  }
0x297: {  	v16 =	vor.u32 $0x4, v28;
	v35 =	vor.u32 s28, v17;
	v29 =	vld.idx.msk [tilespmem:v13+s11+$0x0], $0xffff  }
0x298: {  	v19 =	vor.u32 $0x6, v28;
	v14 =	vor.u32 s28, v16;
	v38 =	vld.idx.msk [tilespmem:v30+s17+$0x0], $0xffff  }
0x299: {  	v39 =	vor.u32 s28, v19;
	v12 =	vor.u32 $0x5, v26;
	v30 =	vor.u32 $0x9, v28;
	v32 =	vld.idx.msk [tilespmem:v8+s11+$0x0], $0xffff  }
0x29a: {  	v33 =	vor.u32 s28, v12;
	v13 =	vor.u32 $0x6, v26;
	v36 =	vld.idx.msk [tilespmem:v27+s11+$0x0], $0xffff;
	v21 =	vmul.f32 v22, v21  }
0x29b: {  	v27 =	vimm.f32 $0.0e+00;
	v57 =	vor.u32 s28, v30;
	v37 =	vor.u32 s28, v13;
	v34 =	vld.idx.msk [tilespmem:v9+s17+$0x0], $0xffff  }
0x29c: {  	v35 =	vld.idx.msk [tilespmem:v35+s11+$0x0], $0xffff;
	v9 =	vor.u32 $0x7, v26;
	v24 =	vmul.f32 v29, v24;
	v21 =	vadd.f32 v21, v27  }
0x29d: {  	v8 =	vor.u32 $0x8, v26;
	v22 =	vor.u32 $0x7, v28;
	v40 =	vld.idx.msk [tilespmem:v14+s11+$0x0], $0xffff;
	v41 =	vor.u32 s28, v9  }
0x29e: {  	v39 =	vld.idx.msk [tilespmem:v39+s11+$0x0], $0xffff;
	v29 =	vor.u32 s28, v22;
	v24 =	vadd.f32 v24, v21;
	v31 =	vmul.f32 v32, v31  }
0x29f: {  	v14 =	vor.u32 $0x9, v26;
	v42 =	vor.u32 s28, v8;
	v33 =	vld.idx.msk [tilespmem:v33+s17+$0x0], $0xffff;
	v27 =	vor.u32 $0x8, v28  }
0x2a0: {  	v37 =	vld.idx.msk [tilespmem:v37+s17+$0x0], $0xffff;
	v43 =	vor.u32 s28, v27;
	v34 =	vmul.f32 v36, v34;
	v31 =	vadd.f32 v31, v24  }
0x2a1: {  	v44 =	vor.u32 s28, v14;
	v50 =	vld.idx.msk [tilespmem:v57+s11+$0x0], $0xffff;
	v21 =	vor.u32 $0xA, v26;
	v32 =	vor.u32 $0xA, v28  }
0x2a2: {  	v46 =	vor.u32 s28, v21;
	v38 =	vmul.f32 v40, v38;
	v41 =	vld.idx.msk [tilespmem:v41+s17+$0x0], $0xffff;
	v31 =	vadd.f32 v34, v31  }
0x2a3: {  	v58 =	vor.u32 s28, v32;
	v24 =	vor.u32 $0xB, v26;
	v45 =	vld.idx.msk [tilespmem:v29+s11+$0x0], $0xffff;
	v29 =	vor.u32 $0xC, v26  }
0x2a4: {  	v42 =	vld.idx.msk [tilespmem:v42+s17+$0x0], $0xffff;
	v33 =	vmul.f32 v35, v33;
	v59 =	vor.u32 s28, v24;
	v38 =	vadd.f32 v38, v31  }
0x2a5: {  	v48 =	vor.u32 s28, v29;
	v37 =	vmul.f32 v39, v37;
	v34 =	vor.u32 $0xB, v28;
	v47 =	vld.idx.msk [tilespmem:v43+s11+$0x0], $0xffff  }
0x2a6: {  	v49 =	vld.idx.msk [tilespmem:v44+s17+$0x0], $0xffff;
	v60 =	vor.u32 s28, v34;
	v31 =	vor.u32 $0xD, v26;
	v38 =	vadd.f32 v33, v38  }
0x2a7: {  	v36 =	vor.u32 $0xD, v28;
	v35 =	vor.u32 $0xC, v28;
	v53 =	vld.idx.msk [tilespmem:v46+s17+$0x0], $0xffff;
	v51 =	vor.u32 s28, v31  }
0x2a8: {  	v61 =	vor.u32 s28, v35;
	v54 =	vld.idx.msk [tilespmem:v58+s11+$0x0], $0xffff;
	v62 =	vmul.f32 v45, v41;
	v37 =	vadd.f32 v37, v38  }
0x2a9: {  	v63 =	vor.u32 s28, v36;
	v39 =	vor.u32 $0xE, v28;
	v33 =	vor.u32 $0xE, v26;
	v40 =	vld.idx.msk [tilespmem:v59+s17+$0x0], $0xffff  }
0x2aa: {  	v41 =	vld.idx.msk [tilespmem:v48+s17+$0x0], $0xffff;
	v55 =	vor.u32 s28, v33;
	v42 =	vmul.f32 v47, v42;
	v52 =	vadd.f32 v62, v37  }
0x2ab: {  	v50 =	vmul.f32 v50, v49;
	v48 =	vor.u32 s28, v39;
	v43 =	vld.idx.msk [tilespmem:v60+s11+$0x0], $0xffff;
	v37 =	vor.u32 $0xF, v26  }
0x2ac: {  	v38 =	vor.u32 $0xF, v28;
	v52 =	vadd.f32 v42, v52;
	v42 =	vld.idx.msk [tilespmem:v51+s17+$0x0], $0xffff;
	v51 =	vor.u32 s28, v37  }
0x2ad: {  	s31 =	simm.s32 $0x10;
	v44 =	vld.idx.msk [tilespmem:v61+s11+$0x0], $0xffff;
	v47 =	vor.u32 s28, v38  }
0x2ae: {  	v49 =	vor.u32 s31, v26;
	v46 =	vld.idx.msk [tilespmem:v63+s11+$0x0], $0xffff;
	v53 =	vmul.f32 v54, v53;
	v52 =	vadd.f32 v50, v52  }
0x2af: {  	p2 =	por p1, p1;
	s1 =	simm.s32 $0x20;
	v45 =	vld.idx.msk [tilespmem:v55+s17+$0x0], $0xffff;
	v50 =	vor.u32 s31, v28  }
.LBB2_8:
0x2b0: {  	p1 =	sne.s32 s1, $0x30;
	v54 =	vor.u32 s31, v23;
	v52 =	vadd.f32 v53, v52;
	v40 =	vmul.f32 v43, v40;
	v43 =	vld.idx.msk [tilespmem:v48+s11+$0x0], $0xffff  }
0x2b1: {  	v48 =	vor.u32 s31, v25;
	v51 =	vld.idx.msk [tilespmem:v51+s17+$0x0], $0xffff  }
0x2b2: {  	v53 =	vor.u32 s31, v20;
	v41 =	vmul.f32 v44, v41;
	v40 =	vadd.f32 v40, v52;
	v44 =	vld.idx.msk [tilespmem:v47+s11+$0x0], $0xffff  }
0x2b3: {  	v47 =	vld.idx.msk [tilespmem:v49+s17+$0x0], $0xffff;
	v49 =	vor.u32 s31, v18  }
0x2b4: {  	v52 =	vor.u32 s31, v10;
	v50 =	vld.idx.msk [tilespmem:v50+s11+$0x0], $0xffff;
	v40 =	vadd.f32 v41, v40;
	v41 =	vmul.f32 v46, v42  }
0x2b5: {  	v46 =	vor.u32 s31, v15;
	v42 =	vld.idx.msk [tilespmem:v54+s17+$0x0], $0xffff  }
0x2b6: {  	v54 =	vor.u32 s31, v11;
	v48 =	vld.idx.msk [tilespmem:v48+s11+$0x0], $0xffff;
	v40 =	vadd.f32 v41, v40;
	v41 =	vmul.f32 v43, v45  }
0x2b7: {  	v45 =	vor.u32 s31, v16;
	v43 =	vld.idx.msk [tilespmem:v53+s17+$0x0], $0xffff  }
0x2b8: {  	v53 =	vor.u32 s31, v12;
	v49 =	vld.idx.msk [tilespmem:v49+s11+$0x0], $0xffff;
	v40 =	vadd.f32 v41, v40;
	v41 =	vmul.f32 v44, v51  }
0x2b9: {  	v51 =	vor.u32 s31, v17;
	v44 =	vld.idx.msk [tilespmem:v52+s17+$0x0], $0xffff  }
0x2ba: {  	v47 =	vmul.f32 v50, v47;
	v50 =	vor.u32 s31, v13;
	v46 =	vld.idx.msk [tilespmem:v46+s11+$0x0], $0xffff;
	v40 =	vadd.f32 v41, v40  }
0x2bb: {  	v52 =	vor.u32 s31, v19;
	v41 =	vld.idx.msk [tilespmem:v54+s17+$0x0], $0xffff  }
0x2bc: {  	v42 =	vmul.f32 v48, v42;
	v40 =	vadd.f32 v47, v40;
	v45 =	vld.idx.msk [tilespmem:v45+s11+$0x0], $0xffff;
	v47 =	vor.u32 s31, v9  }
0x2bd: {  	v48 =	vld.idx.msk [tilespmem:v53+s17+$0x0], $0xffff;
	v53 =	vor.u32 s31, v22  }
0x2be: {  	v40 =	vadd.f32 v42, v40;
	v42 =	vmul.f32 v49, v43;
	v43 =	vld.idx.msk [tilespmem:v51+s11+$0x0], $0xffff;
	v49 =	vor.u32 s31, v8  }
0x2bf: {  	v51 =	vor.u32 s31, v27;
	v50 =	vld.idx.msk [tilespmem:v50+s17+$0x0], $0xffff  }
0x2c0: {  	v40 =	vadd.f32 v42, v40;
	v42 =	vmul.f32 v46, v44;
	v44 =	vld.idx.msk [tilespmem:v52+s11+$0x0], $0xffff;
	v46 =	vor.u32 s31, v14  }
0x2c1: {  	v52 =	vor.u32 s31, v30;
	v47 =	vld.idx.msk [tilespmem:v47+s17+$0x0], $0xffff  }
0x2c2: {  	v41 =	vmul.f32 v45, v41;
	v45 =	vor.u32 s31, v21;
	v40 =	vadd.f32 v42, v40;
	v42 =	vld.idx.msk [tilespmem:v53+s11+$0x0], $0xffff  }
0x2c3: {  	v53 =	vor.u32 s31, v32;
	v49 =	vld.idx.msk [tilespmem:v49+s17+$0x0], $0xffff  }
0x2c4: {  	v40 =	vadd.f32 v41, v40;
	v41 =	vmul.f32 v43, v48;
	v43 =	vld.idx.msk [tilespmem:v51+s11+$0x0], $0xffff;
	v48 =	vor.u32 s31, v24  }
0x2c5: {  	v51 =	vor.u32 s31, v34;
	v46 =	vld.idx.msk [tilespmem:v46+s17+$0x0], $0xffff  }
0x2c6: {  	v40 =	vadd.f32 v41, v40;
	v41 =	vmul.f32 v44, v50;
	v44 =	vld.idx.msk [tilespmem:v52+s11+$0x0], $0xffff;
	v50 =	vor.u32 s31, v29  }
0x2c7: {  	v52 =	vor.u32 s31, v35;
	v45 =	vld.idx.msk [tilespmem:v45+s17+$0x0], $0xffff  }
0x2c8: {  	v42 =	vmul.f32 v42, v47;
	v47 =	vor.u32 s31, v31;
	v41 =	vadd.f32 v41, v40;
	v53 =	vld.idx.msk [tilespmem:v53+s11+$0x0], $0xffff  }
0x2c9: {  	v54 =	vor.u32 s31, v36;
	v40 =	vld.idx.msk [tilespmem:v48+s17+$0x0], $0xffff  }
0x2ca: {  	v55 =	vor.u32 s31, v33;
	v49 =	vmul.f32 v43, v49;
	v42 =	vadd.f32 v42, v41;
	v43 =	vld.idx.msk [tilespmem:v51+s11+$0x0], $0xffff  }
.Ltmp2:
0x2cb: {  	v48 =	vor.u32 s31, v39;
	v41 =	vld.idx.msk [tilespmem:v50+s17+$0x0], $0xffff;
	(pc) =	sbr.rel @p1 .LBB2_8-.Ltmp2, $4  }
0x2cc: {  	v51 =	vor.u32 s31, v37;
	v46 =	vmul.f32 v44, v46;
	v50 =	vadd.f32 v49, v42;
	v44 =	vld.idx.msk [tilespmem:v52+s11+$0x0], $0xffff  }
0x2cd: {  	v42 =	vld.idx.msk [tilespmem:v47+s17+$0x0], $0xffff;
	v47 =	vor.u32 s31, v38;
	s31 =	smov.u32 s1  }
0x2ce: {  	v49 =	vor.u32 s1, v26;
	v53 =	vmul.f32 v53, v45;
	v52 =	vadd.f32 v46, v50;
	v46 =	vld.idx.msk [tilespmem:v54+s11+$0x0], $0xffff  }
0x2cf: {  	s1 =	sadd.s32 $0x10, s1;
	v50 =	vor.u32 s31, v28;
	v45 =	vld.idx.msk [tilespmem:v55+s17+$0x0], $0xffff  }
0x2d0: {  	_ =	sdelay $0x2  }
0x2d1: {  	v26 =	vadd.f32 v53, v52;
	v28 =	vmul.f32 v43, v40  }
0x2d2: {  	v23 =	vor.u32 s31, v23;
	v48 =	vld.idx.msk [tilespmem:v48+s11+$0x0], $0xffff  }
0x2d3: {  	v25 =	vor.u32 s31, v25;
	v52 =	vld.idx.msk [tilespmem:v51+s17+$0x0], $0xffff;
	v53 =	vmul.f32 v44, v41;
	v26 =	vadd.f32 v28, v26  }
0x2d4: {  	v20 =	vor.u32 s31, v20;
	v54 =	vld.idx.msk [tilespmem:v47+s11+$0x0], $0xffff  }
0x2d5: {  	v55 =	vld.idx.msk [tilespmem:v49+s17+$0x0], $0xffff;
	v18 =	vor.u32 s31, v18;
	v56 =	vmul.f32 v46, v42;
	v26 =	vadd.f32 v53, v26  }
0x2d6: {  	v57 =	vld.idx.msk [tilespmem:v50+s11+$0x0], $0xffff;
	v10 =	vor.u32 s31, v10  }
0x2d7: {  	v15 =	vor.u32 s31, v15;
	v23 =	vld.idx.msk [tilespmem:v23+s17+$0x0], $0xffff;
	v58 =	vmul.f32 v48, v45;
	v26 =	vadd.f32 v56, v26  }
0x2d8: {  	v11 =	vor.u32 s31, v11;
	v25 =	vld.idx.msk [tilespmem:v25+s11+$0x0], $0xffff  }
0x2d9: {  	v16 =	vor.u32 s31, v16;
	v20 =	vld.idx.msk [tilespmem:v20+s17+$0x0], $0xffff;
	v59 =	vmul.f32 v54, v52;
	v26 =	vadd.f32 v58, v26  }
0x2da: {  	v12 =	vor.u32 s31, v12;
	v18 =	vld.idx.msk [tilespmem:v18+s11+$0x0], $0xffff  }
0x2db: {  	v17 =	vor.u32 s31, v17;
	v10 =	vld.idx.msk [tilespmem:v10+s17+$0x0], $0xffff;
	v60 =	vmul.f32 v57, v55;
	v26 =	vadd.f32 v59, v26  }
0x2dc: {  	v13 =	vor.u32 s31, v13;
	v15 =	vld.idx.msk [tilespmem:v15+s11+$0x0], $0xffff  }
0x2dd: {  	v19 =	vor.u32 s31, v19;
	v11 =	vld.idx.msk [tilespmem:v11+s17+$0x0], $0xffff;
	v23 =	vmul.f32 v25, v23;
	v26 =	vadd.f32 v60, v26  }
0x2de: {  	v9 =	vor.u32 s31, v9;
	v16 =	vld.idx.msk [tilespmem:v16+s11+$0x0], $0xffff  }
0x2df: {  	v22 =	vor.u32 s31, v22;
	v12 =	vld.idx.msk [tilespmem:v12+s17+$0x0], $0xffff;
	v18 =	vmul.f32 v18, v20;
	v23 =	vadd.f32 v23, v26  }
0x2e0: {  	v8 =	vor.u32 s31, v8;
	v17 =	vld.idx.msk [tilespmem:v17+s11+$0x0], $0xffff  }
0x2e1: {  	v61 =	vor.u32 s31, v27;
	v13 =	vld.idx.msk [tilespmem:v13+s17+$0x0], $0xffff;
	v10 =	vmul.f32 v15, v10;
	v18 =	vadd.f32 v18, v23  }
0x2e2: {  	v14 =	vor.u32 s31, v14;
	v62 =	vld.idx.msk [tilespmem:v19+s11+$0x0], $0xffff  }
0x2e3: {  	v63 =	vor.u32 s31, v30;
	v9 =	vld.idx.msk [tilespmem:v9+s17+$0x0], $0xffff;
	v11 =	vmul.f32 v16, v11;
	v10 =	vadd.f32 v10, v18  }
0x2e4: {  	v27 =	vor.u32 s31, v32;
	v25 =	vld.idx.msk [tilespmem:v22+s11+$0x0], $0xffff  }
0x2e5: {  	v8 =	vld.idx.msk [tilespmem:v8+s17+$0x0], $0xffff;
	v28 =	vmul.f32 v17, v12;
	v26 =	vor.u32 s31, v21;
	v10 =	vadd.f32 v11, v10  }
0x2e6: {  	v40 =	vor.u32 s31, v34;
	v30 =	vld.idx.msk [tilespmem:v61+s11+$0x0], $0xffff  }
0x2e7: {  	v32 =	vor.u32 s31, v24;
	v14 =	vld.idx.msk [tilespmem:v14+s17+$0x0], $0xffff;
	v41 =	vmul.f32 v62, v13;
	v10 =	vadd.f32 v28, v10  }
0x2e8: {  	v44 =	vor.u32 s31, v35;
	v42 =	vld.idx.msk [tilespmem:v63+s11+$0x0], $0xffff  }
0x2e9: {  	v43 =	vor.u32 s31, v29;
	v45 =	vld.idx.msk [tilespmem:v27+s11+$0x0], $0xffff;
	v9 =	vmul.f32 v25, v9;
	v10 =	vadd.f32 v41, v10  }
0x2ea: {  	v47 =	vor.u32 s31, v36;
	v18 =	vld.idx.msk [tilespmem:v26+s17+$0x0], $0xffff  }
0x2eb: {  	v46 =	vor.u32 s31, v31;
	v48 =	vld.idx.msk [tilespmem:v40+s11+$0x0], $0xffff;
	v8 =	vmul.f32 v30, v8;
	v9 =	vadd.f32 v9, v10  }
0x2ec: {  	v50 =	vor.u32 s31, v39;
	v17 =	vld.idx.msk [tilespmem:v32+s17+$0x0], $0xffff  }
0x2ed: {  	v49 =	vor.u32 s31, v33;
	v52 =	vld.idx.msk [tilespmem:v44+s11+$0x0], $0xffff;
	v51 =	vmul.f32 v42, v14;
	v8 =	vadd.f32 v8, v9  }
0x2ee: {  	v53 =	vor.u32 s31, v37;
	v15 =	vld.idx.msk [tilespmem:v43+s17+$0x0], $0xffff  }
0x2ef: {  	v54 =	vor.u32 s31, v38;
	v56 =	vld.idx.msk [tilespmem:v47+s11+$0x0], $0xffff;
	v55 =	vmul.f32 v45, v18;
	v8 =	vadd.f32 v51, v8  }
0x2f0: {  	v16 =	vld.idx.msk [tilespmem:v46+s17+$0x0], $0xffff  }
0x2f1: {  	v58 =	vld.idx.msk [tilespmem:v50+s11+$0x0], $0xffff;
	v57 =	vmul.f32 v48, v17;
	v8 =	vadd.f32 v55, v8  }
0x2f2: {  	v12 =	vld.idx.msk [tilespmem:v49+s17+$0x0], $0xffff  }
0x2f3: {  	v14 =	vld.idx.msk [tilespmem:v53+s17+$0x0], $0xffff;
	v59 =	vmul.f32 v52, v15;
	v8 =	vadd.f32 v57, v8  }
0x2f4: {  	v60 =	vld.idx.msk [tilespmem:v54+s11+$0x0], $0xffff  }
0x2f5: {  	v61 =	vmul.f32 v56, v16;
	v8 =	vadd.f32 v59, v8;
	_ =	sdelay $0x1  }
0x2f6: {  	v62 =	vmul.f32 v58, v12;
	v8 =	vadd.f32 v61, v8;
	_ =	sdelay $0x1  }
.Ltmp3:
0x2f7: {  	v63 =	vmul.f32 v60, v14;
	v8 =	vadd.f32 v62, v8;
	(pc) =	sbr.rel @p2 .LBB2_7-.Ltmp3, $4  }
0x2f8: {  	_ = 	snop  }
0x2f9: {  	v8 =	vadd.f32 v63, v8  }
0x2fa: {  	s0 =	rddreg [dreg:$0xe]  }
0x2fb: {  	p1 =	por $0x0, $0x0;
	s31 =	simm.s32 $0x10;
	[tilespmem:s0+$0x17000] =	vst v8  }
0x2fc: {  	s4 =	rddreg [dreg:$0xa]  }
0x2fd: {  	v7 =	vld [tilespmem:s4+$0x180];
	_ =	sdelay $0x4  }
0x2fe: {  	v7 =	vshll.u32 v7, $0x7  }
0x2ff: {  	(v2sf) =	vpush v7, $0x0;
	_ =	sdelay $0x1  }
0x300: {  	(v2sf) =	vpush v7, $0x1;
	_ =	sdelay $0x1  }
0x301: {  	(v2sf) =	vpush v7, $0x2;
	_ =	sdelay $0x2  }
0x302: {  	(v2sf) =	vpush v7, $0x3;
	_ =	sdelay $0x7  }
0x303: {  	s0 =	spop (v2sf);
	(v2sf) =	vpush v7, $0x4;
	_ =	sdelay $0x1  }
0x304: {  	s18 =	spop (v2sf);
	(v2sf) =	vpush v7, $0x5;
	_ =	sdelay $0x1  }
0x305: {  	s19 =	spop (v2sf);
	(v2sf) =	vpush v7, $0x6;
	_ =	sdelay $0x1  }
0x306: {  	s2 =	rddreg [dreg:$0x2];
	s0 =	sand.u32 $0x1FFFFF80, s0  }
0x307: {  	s1 =	simm.s32 $0x0;
	s0 =	sadd.s32 s2, s0;
	s21 =	spop (v2sf);
	(v2sf) =	vpush v7, $0x7  }
0x308: {  	[tilespmem:s17], [sflag:$0x2] =	stream.linear.gather [hbm4b:s0+s1], $0x400, $0x38;
	[tilespmem:$0x17580] =	vst v63  }
0x309: {  	s0 =	sand.u32 $0x1FFFFF80, s18  }
0x30a: {  	s3 =	simm.s32 $0xF400;
	s0 =	sadd.s32 s2, s0  }
0x30b: {  	[tilespmem:s3], [sflag:$0x2] =	stream.linear.gather [hbm4b:s0+s1], $0x400, $0x38;
	[tilespmem:$0x17580] =	vst v63  }
0x30c: {  	s0 =	sand.u32 $0x1FFFFF80, s19  }
0x30d: {  	s20 =	simm.s32 $0xF800;
	s0 =	sadd.s32 s2, s0  }
0x30e: {  	[tilespmem:s20], [sflag:$0x2] =	stream.linear.gather [hbm4b:s0+s1], $0x400, $0x38;
	[tilespmem:$0x17580] =	vst v63  }
0x30f: {  	s23 =	spop (v2sf);
	(v2sf) =	vpush v7, $0x8  }
0x310: {  	s0 =	sand.u32 $0x1FFFFF80, s21  }
0x311: {  	s22 =	simm.s32 $0xFC00;
	s0 =	sadd.s32 s2, s0;
	s25 =	spop (v2sf);
	(v2sf) =	vpush v7, $0x9  }
0x312: {  	[tilespmem:s22], [sflag:$0x2] =	stream.linear.gather [hbm4b:s0+s1], $0x400, $0x38;
	[tilespmem:$0x17580] =	vst v63  }
0x313: {  	s0 =	sand.u32 $0x1FFFFF80, s23;
	s28 =	spop (v2sf);
	(v2sf) =	vpush v7, $0xA  }
0x314: {  	s24 =	simm.s32 $0x10000;
	s0 =	sadd.s32 s2, s0  }
0x315: {  	[tilespmem:s24], [sflag:$0x2] =	stream.linear.gather [hbm4b:s0+s1], $0x400, $0x38;
	[tilespmem:$0x17580] =	vst v63  }
0x316: {  	s30 =	spop (v2sf);
	(v2sf) =	vpush v7, $0xB  }
0x317: {  	s0 =	sand.u32 $0x1FFFFF80, s25  }
0x318: {  	s26 =	simm.s32 $0x10400;
	s0 =	sadd.s32 s2, s0  }
0x319: {  	[tilespmem:s26], [sflag:$0x2] =	stream.linear.gather [hbm4b:s0+s1], $0x400, $0x38;
	[tilespmem:$0x17580] =	vst v63  }
0x31a: {  	s0 =	sand.u32 $0x1FFFFF80, s28  }
0x31b: {  	s29 =	simm.s32 $0x10800;
	s0 =	sadd.s32 s2, s0  }
0x31c: {  	[tilespmem:s29], [sflag:$0x2] =	stream.linear.gather [hbm4b:s0+s1], $0x400, $0x38;
	[tilespmem:$0x17580] =	vst v63  }
0x31d: {  	s0 =	sand.u32 $0x1FFFFF80, s30  }
0x31e: {  	s31 =	simm.s32 $0x10C00;
	s0 =	sadd.s32 s2, s0;
	s3 =	spop (v2sf);
	(v2sf) =	vpush v7, $0xC  }
0x31f: {  	[tilespmem:s31], [sflag:$0x2] =	stream.linear.gather [hbm4b:s0+s1], $0x400, $0x38;
	[tilespmem:$0x17580] =	vst v63  }
0x320: {  	s6 =	spop (v2sf);
	(v2sf) =	vpush v7, $0xD  }
0x321: {  	s0 =	sand.u32 $0x1FFFFF80, s3  }
0x322: {  	s5 =	simm.s32 $0x11000;
	s0 =	sadd.s32 s2, s0;
	s8 =	spop (v2sf)  }
0x323: {  	(v2sf) =	vpush v7, $0xE;
	[tilespmem:s5], [sflag:$0x2] =	stream.linear.gather [hbm4b:s0+s1], $0x400, $0x38;
	[tilespmem:$0x17580] =	vst v63  }
0x324: {  	s0 =	sand.u32 $0x1FFFFF80, s6  }
0x325: {  	s7 =	simm.s32 $0x11400;
	s10 =	spop (v2sf);
	s0 =	sadd.s32 s2, s0  }
0x326: {  	(v2sf) =	vpush v7, $0xF;
	[tilespmem:s7], [sflag:$0x2] =	stream.linear.gather [hbm4b:s0+s1], $0x400, $0x38;
	[tilespmem:$0x17580] =	vst v63  }
0x327: {  	s0 =	sand.u32 $0x1FFFFF80, s8  }
0x328: {  	s9 =	simm.s32 $0x11800;
	s0 =	sadd.s32 s2, s0  }
0x329: {  	[tilespmem:s9], [sflag:$0x2] =	stream.linear.gather [hbm4b:s0+s1], $0x400, $0x38;
	[tilespmem:$0x17580] =	vst v63  }
0x32a: {  	s0 =	sand.u32 $0x1FFFFF80, s10  }
0x32b: {  	s13 =	simm.s32 $0x11C00;
	s0 =	sadd.s32 s2, s0  }
0x32c: {  	[tilespmem:s13], [sflag:$0x2] =	stream.linear.gather [hbm4b:s0+s1], $0x400, $0x38;
	[tilespmem:$0x17580] =	vst v63  }
0x32d: {  	s14 =	spop (v2sf)  }
0x32e: {  	s0 =	sand.u32 $0x1FFFFF80, s14  }
0x32f: {  	s15 =	simm.s32 $0x12000;
	s16 =	spop (v2sf);
	s0 =	sadd.s32 s2, s0  }
0x330: {  	[tilespmem:s15], [sflag:$0x2] =	stream.linear.gather [hbm4b:s0+s1], $0x400, $0x38;
	[tilespmem:$0x17580] =	vst v63  }
0x331: {  	s0 =	sand.u32 $0x1FFFFF80, s16  }
0x332: {  	s18 =	simm.s32 $0x12400;
	s19 =	spop (v2sf);
	s0 =	sadd.s32 s2, s0  }
0x333: {  	[tilespmem:s18], [sflag:$0x2] =	stream.linear.gather [hbm4b:s0+s1], $0x400, $0x38;
	[tilespmem:$0x17580] =	vst v63  }
0x334: {  	s0 =	sand.u32 $0x1FFFFF80, s19  }
0x335: {  	s20 =	simm.s32 $0x12800;
	s21 =	spop (v2sf);
	s0 =	sadd.s32 s2, s0  }
0x336: {  	[tilespmem:s20], [sflag:$0x2] =	stream.linear.gather [hbm4b:s0+s1], $0x400, $0x38;
	[tilespmem:$0x17580] =	vst v63  }
0x337: {  	s0 =	sand.u32 $0x1FFFFF80, s21  }
0x338: {  	s22 =	simm.s32 $0x12C00;
	s0 =	sadd.s32 s2, s0  }
0x339: {  	[tilespmem:s22], [sflag:$0x2] =	stream.linear.gather [hbm4b:s0+s1], $0x400, $0x38;
	[tilespmem:$0x17580] =	vst v63  }
0x33a: {  	v7 =	vld [tilespmem:s4+$0x190];
	_ =	sdelay $0x4  }
0x33b: {  	v7 =	vshll.u32 v7, $0x7  }
0x33c: {  	(v2sf) =	vpush v7, $0x0;
	_ =	sdelay $0x1  }
0x33d: {  	(v2sf) =	vpush v7, $0x1;
	_ =	sdelay $0x1  }
0x33e: {  	(v2sf) =	vpush v7, $0x2;
	_ =	sdelay $0x2  }
0x33f: {  	(v2sf) =	vpush v7, $0x3;
	_ =	sdelay $0x7  }
0x340: {  	s23 =	spop (v2sf);
	(v2sf) =	vpush v7, $0x4;
	_ =	sdelay $0x1  }
0x341: {  	s25 =	spop (v2sf);
	(v2sf) =	vpush v7, $0x5;
	_ =	sdelay $0x1  }
0x342: {  	s28 =	spop (v2sf);
	(v2sf) =	vpush v7, $0x6;
	_ =	sdelay $0x1  }
0x343: {  	s0 =	sand.u32 $0x1FFFFF80, s23  }
0x344: {  	s24 =	simm.s32 $0x13000;
	s0 =	sadd.s32 s2, s0;
	s30 =	spop (v2sf);
	(v2sf) =	vpush v7, $0x7  }
0x345: {  	[tilespmem:s24], [sflag:$0x2] =	stream.linear.gather [hbm4b:s0+s1], $0x400, $0x38;
	[tilespmem:$0x17580] =	vst v63  }
0x346: {  	s0 =	sand.u32 $0x1FFFFF80, s25  }
0x347: {  	s26 =	simm.s32 $0x13400;
	s0 =	sadd.s32 s2, s0  }
0x348: {  	[tilespmem:s26], [sflag:$0x2] =	stream.linear.gather [hbm4b:s0+s1], $0x400, $0x38;
	[tilespmem:$0x17580] =	vst v63  }
0x349: {  	s0 =	sand.u32 $0x1FFFFF80, s28  }
0x34a: {  	s29 =	simm.s32 $0x13800;
	s0 =	sadd.s32 s2, s0  }
0x34b: {  	[tilespmem:s29], [sflag:$0x2] =	stream.linear.gather [hbm4b:s0+s1], $0x400, $0x38;
	[tilespmem:$0x17580] =	vst v63  }
0x34c: {  	s3 =	spop (v2sf);
	(v2sf) =	vpush v7, $0x8  }
0x34d: {  	s0 =	sand.u32 $0x1FFFFF80, s30  }
0x34e: {  	s31 =	simm.s32 $0x13C00;
	s0 =	sadd.s32 s2, s0;
	s5 =	spop (v2sf);
	(v2sf) =	vpush v7, $0x9  }
0x34f: {  	[tilespmem:s31], [sflag:$0x2] =	stream.linear.gather [hbm4b:s0+s1], $0x400, $0x38;
	[tilespmem:$0x17580] =	vst v63  }
0x350: {  	s0 =	sand.u32 $0x1FFFFF80, s3;
	s7 =	spop (v2sf);
	(v2sf) =	vpush v7, $0xA  }
0x351: {  	s4 =	simm.s32 $0x14000;
	s0 =	sadd.s32 s2, s0  }
0x352: {  	[tilespmem:s4], [sflag:$0x2] =	stream.linear.gather [hbm4b:s0+s1], $0x400, $0x38;
	[tilespmem:$0x17580] =	vst v63  }
0x353: {  	s9 =	spop (v2sf);
	(v2sf) =	vpush v7, $0xB  }
0x354: {  	s0 =	sand.u32 $0x1FFFFF80, s5  }
0x355: {  	s6 =	simm.s32 $0x14400;
	s0 =	sadd.s32 s2, s0  }
0x356: {  	[tilespmem:s6], [sflag:$0x2] =	stream.linear.gather [hbm4b:s0+s1], $0x400, $0x38;
	[tilespmem:$0x17580] =	vst v63  }
0x357: {  	s0 =	sand.u32 $0x1FFFFF80, s7  }
0x358: {  	s8 =	simm.s32 $0x14800;
	s0 =	sadd.s32 s2, s0  }
0x359: {  	[tilespmem:s8], [sflag:$0x2] =	stream.linear.gather [hbm4b:s0+s1], $0x400, $0x38;
	[tilespmem:$0x17580] =	vst v63  }
0x35a: {  	s0 =	sand.u32 $0x1FFFFF80, s9  }
0x35b: {  	s10 =	simm.s32 $0x14C00;
	s0 =	sadd.s32 s2, s0;
	s13 =	spop (v2sf);
	(v2sf) =	vpush v7, $0xC  }
0x35c: {  	[tilespmem:s10], [sflag:$0x2] =	stream.linear.gather [hbm4b:s0+s1], $0x400, $0x38;
	[tilespmem:$0x17580] =	vst v63  }
0x35d: {  	s15 =	spop (v2sf);
	(v2sf) =	vpush v7, $0xD  }
0x35e: {  	s0 =	sand.u32 $0x1FFFFF80, s13  }
0x35f: {  	s14 =	simm.s32 $0x15000;
	s0 =	sadd.s32 s2, s0;
	s18 =	spop (v2sf)  }
0x360: {  	(v2sf) =	vpush v7, $0xE;
	[tilespmem:s14], [sflag:$0x2] =	stream.linear.gather [hbm4b:s0+s1], $0x400, $0x38;
	[tilespmem:$0x17580] =	vst v63  }
0x361: {  	s0 =	sand.u32 $0x1FFFFF80, s15  }
0x362: {  	s16 =	simm.s32 $0x15400;
	s20 =	spop (v2sf);
	s0 =	sadd.s32 s2, s0  }
0x363: {  	(v2sf) =	vpush v7, $0xF;
	[tilespmem:s16], [sflag:$0x2] =	stream.linear.gather [hbm4b:s0+s1], $0x400, $0x38;
	[tilespmem:$0x17580] =	vst v63  }
0x364: {  	s0 =	sand.u32 $0x1FFFFF80, s18  }
0x365: {  	s19 =	simm.s32 $0x15800;
	s0 =	sadd.s32 s2, s0  }
0x366: {  	[tilespmem:s19], [sflag:$0x2] =	stream.linear.gather [hbm4b:s0+s1], $0x400, $0x38;
	[tilespmem:$0x17580] =	vst v63  }
0x367: {  	s0 =	sand.u32 $0x1FFFFF80, s20  }
0x368: {  	s21 =	simm.s32 $0x15C00;
	s0 =	sadd.s32 s2, s0  }
0x369: {  	[tilespmem:s21], [sflag:$0x2] =	stream.linear.gather [hbm4b:s0+s1], $0x400, $0x38;
	[tilespmem:$0x17580] =	vst v63  }
0x36a: {  	s22 =	spop (v2sf)  }
0x36b: {  	s0 =	sand.u32 $0x1FFFFF80, s22  }
0x36c: {  	s23 =	simm.s32 $0x16000;
	s24 =	spop (v2sf);
	s0 =	sadd.s32 s2, s0  }
0x36d: {  	[tilespmem:s23], [sflag:$0x2] =	stream.linear.gather [hbm4b:s0+s1], $0x400, $0x38;
	[tilespmem:$0x17580] =	vst v63  }
0x36e: {  	s0 =	sand.u32 $0x1FFFFF80, s24  }
0x36f: {  	s25 =	simm.s32 $0x16400;
	s26 =	spop (v2sf);
	s0 =	sadd.s32 s2, s0  }
0x370: {  	[tilespmem:s25], [sflag:$0x2] =	stream.linear.gather [hbm4b:s0+s1], $0x400, $0x38;
	[tilespmem:$0x17580] =	vst v63  }
0x371: {  	s0 =	sand.u32 $0x1FFFFF80, s26  }
0x372: {  	s28 =	simm.s32 $0x16800;
	s29 =	spop (v2sf);
	s0 =	sadd.s32 s2, s0  }
0x373: {  	[tilespmem:s28], [sflag:$0x2] =	stream.linear.gather [hbm4b:s0+s1], $0x400, $0x38;
	[tilespmem:$0x17580] =	vst v63  }
0x374: {  	s31 =	rddreg [dreg:$0x9];
	s0 =	sand.u32 $0x1FFFFF80, s29  }
0x375: {  	s0 =	sadd.s32 s2, s0;
	s2 =	sadd.s32 $0x1, s31  }
0x376: {  	p0 =	sne.s32 s2, $0x16  }
.Ltmp4:
0x377: {  	_ = 	snop;
	(pc) =	sbr.rel @p0 .LBB2_2-.Ltmp4, $3  }
0x378: {  	_ =	sdelay $0x1  }
0x379: {  	s30 =	simm.s32 $0x16C00  }
0x37a: {  	[tilespmem:s30], [sflag:$0x2] =	stream.linear.gather [hbm4b:s0+s1], $0x400, $0x38;
	[tilespmem:$0x17580] =	vst v63  }
0x37b: {  	s0 =	simm.s32 $0x1  }
0x37c: {  	_ =	swait.ge [sflag:s0], $0x8000  }
0x37d: {  	[sflag:s0] =	ssyncset.done $0x0  }
0x37e: {  	s28 =	simm.s32 $0x2;
	[sflag:s0] =	ssyncadd.s32 $0xFFFF8000  }
0x37f: {  	_ =	swait.ge [sflag:s28], $0x8000  }
0x380: {  	s1 =	simm.s32 $0x80;
	s2 =	simm.s32 $0x400;
	[sflag:s28] =	ssyncset.done $0x0  }
0x381: {  	s3 =	simm.s32 $0x17000;
	s29 =	rddreg [dreg:$0x6];
	[sflag:s28] =	ssyncadd.s32 $0xFFFF8000  }
0x382: {  	[hbm4b:s29+s1] =	stream.strided.scatter [tilespmem:s3], [sflag:$0x3], $0x580, s2, s1, $0x38;
	[tilespmem:$0x17580] =	vst v63  }
0x383: {  	s2 =	simm.s32 $0x3  }
0x384: {  	_ =	swait.ge [sflag:s2], $0x580  }
0x385: {  	s30 =	rddreg [dreg:$0x8]  }
0x386: {  	s31 =	rddreg [dreg:$0x7];
	s1 =	sadd.s32 $0x1, s30  }
0x387: {  	p0 =	sne.s32 s1, s31  }
.Ltmp5:
0x388: {  	_ = 	snop;
	(pc) =	sbr.rel @p0 .LBB2_1-.Ltmp5, $3  }
0x389: {  	_ =	sdelay $0x1  }
0x38a: {  	[sflag:s2] =	ssyncset.done $0x0  }
0x38b: {  	[sflag:s2] =	ssyncadd.s32 $0xFFFFFA80  }
0x38c: {  	_ =	sfence.sel $0x180000  }
0x38d: {  	[bflag:$0x0] =	sbarrier.arrive $0xFFFF  }
0x38e: {  	_ =	strace $0x90000047  }
0x38f: {  	s0 =	stileid.u32;
	[bflag:$0x2] =	sbarrier.arrive $0xFFFF  }
0x390: {  	p0 =	sne.s32 s0, $0x0;
	s0 =	rddreg [dreg:$0x1]  }
0x391: {  	s0 =	sadd.s32 @!p0 $0x100000, s0  }
0x392: {  	[sflag:s0] =	ssyncadd.tile.s32 @!p0 $0x1;
	_ =	shalt  }
.Lfunc_end2:
_tile_overlayer_lowered:
.L_overlay_start_2:
0x393: {  	(tag) =	ssettag $0x2  }
0x394: {  	s0 =	rddreg [dreg:$0x0];
	s2 =	stileid.u32  }
0x395: {  	s1 =	rddreg [dreg:$0x1];
	p0 =	sne.s32 s2, $0x0  }
0x396: {  	s3 =	rddreg [dreg:$0x2];
	[bflag:$0x3] =	sbarrier.arrive $0xFFFF;
	s2 =	simm.s32 @!p0 $0x1C03  }
0x397: {  	[timem:s3], [sflag:s2] =	dma.local @!p0 [hbm:s0], s1  }
0x398: {  	s0 =	simm.s32 @!p0 $0x3  }
0x399: {  	_ =	swait.ge @!p0 [sflag:s0], s1  }
0x39a: {  	s1 =	ssub.s32 @!p0 $0x0, s1;
	[sflag:s0] =	ssyncset.done @!p0 $0x0  }
0x39b: {  	[sflag:s0] =	ssyncadd.s32 @!p0 s1  }
0x39c: {  	[bflag:$0x3] =	sbarrier.arrive $0xFFFF  }
0x39d: {  	_ =	shalt  }

</sc_bundles>
